<compile_context>
chip_gen: v7x
topology: tpu7x:2x2x1
jax: 0.10.2.dev20260603
libtpu: 0.0.44.dev20260713+nightly
codegen_flags: <defaults>
</compile_context>

<pallas_src>
import functools

import jax
import jax.numpy as jnp
from jax import lax
from jax.experimental import pallas as pl
from jax.experimental.pallas import tpu as pltpu
from jax.experimental.pallas import tpu_sc as plsc

N_NODES = 10000
N_EDGES = 320000
D_FEAT = 128
N_HIDDEN = 128
N_CLASSES = 40
C_PAD = 64

NC = 2
NS = 16
NW = NC * NS

E2 = 2 * N_EDGES
BLK = 128
NBLK_F = 255
NBLK_S = 60
FAST_CID = 0
NBLKMAX = NBLK_F
NPAD = 10240
RPT = NPAD // NS

_MESH = plsc.VectorSubcoreMesh(core_axis_name="c", subcore_axis_name="s")
_SC_PARAMS = pltpu.CompilerParams(use_tc_tiling_on_sc=False)

NSLOT = 3
PF = 2
DSLOT = NSLOT



@functools.partial(
    pl.kernel,
    mesh=_MESH,
    out_type=jax.ShapeDtypeStruct((NC, NPAD, 16), jnp.float32),
    scratch_types=[
        pltpu.VMEM((NBLKMAX, BLK), jnp.int32),
        pltpu.VMEM((BLK, 16), jnp.float32),
        pltpu.VMEM_SHARED((NPAD, 16), jnp.float32),
        pltpu.SemaphoreType.DMA((DSLOT,)),
    ],
    compiler_params=_SC_PARAMS,
)
def _deg_kernel(gd_hbm, ones_hbm, zeros_hbm, out_hbm, gd_v, ones_v, acc, ssem):
    cid = lax.axis_index("c")
    sid = lax.axis_index("s")
    wid = cid * NS + sid
    nblk = jnp.where(cid == FAST_CID, NBLK_F, NBLK_S)
    pltpu.sync_copy(gd_hbm.at[wid], gd_v)
    pltpu.sync_copy(ones_hbm, ones_v)
    pltpu.sync_copy(zeros_hbm.at[pl.ds(sid * RPT, RPT)], acc.at[pl.ds(sid * RPT, RPT)])
    plsc.subcore_barrier()

    def s_start(j, b):
        pltpu.async_copy(ones_v, acc.at[gd_v.at[j]], ssem.at[b], add=True)

    def s_wait(j, b):
        pltpu.make_async_copy(ones_v, acc.at[gd_v.at[j]], ssem.at[b]).wait()

    for k in range(DSLOT):
        s_start(k, k)

    @pl.loop(0, nblk - DSLOT, step=DSLOT)
    def _(g):
        for k in range(DSLOT):
            s_wait(g + k, k)
            s_start(g + k + DSLOT, k)

    for k in range(DSLOT):
        s_wait(nblk - DSLOT + k, k)

    plsc.subcore_barrier()
    pltpu.sync_copy(acc.at[pl.ds(sid * RPT, RPT)],
                    out_hbm.at[cid, pl.ds(sid * RPT, RPT)])


def _make_agg_kernel(width):

    @functools.partial(
        pl.kernel,
        mesh=_MESH,
        out_type=jax.ShapeDtypeStruct((NC, NPAD, width), jnp.float32),
        scratch_types=(
            [pltpu.VMEM((NBLKMAX, BLK), jnp.int32),
             pltpu.VMEM((NBLKMAX, BLK), jnp.int32)]
            + [pltpu.VMEM((BLK, width), jnp.float32) for _ in range(NSLOT)]
            + [pltpu.VMEM_SHARED((NPAD, width), jnp.float32),
               pltpu.SemaphoreType.DMA((NSLOT,)),
               pltpu.SemaphoreType.DMA((NSLOT,))]
        ),
        compiler_params=_SC_PARAMS,
    )
    def agg(gs_hbm, gd_hbm, h_hbm, zeros_hbm, out_hbm, gs_v, gd_v, *rest):
        rows = rest[:NSLOT]
        acc, gsem, ssem = rest[NSLOT:]
        cid = lax.axis_index("c")
        sid = lax.axis_index("s")
        wid = cid * NS + sid
        nblk = jnp.where(cid == FAST_CID, NBLK_F, NBLK_S)
        pltpu.sync_copy(gs_hbm.at[wid], gs_v)
        pltpu.sync_copy(gd_hbm.at[wid], gd_v)
        pltpu.sync_copy(zeros_hbm.at[pl.ds(sid * RPT, RPT)],
                        acc.at[pl.ds(sid * RPT, RPT)])
        plsc.subcore_barrier()

        def g_start(j, b):
            pltpu.async_copy(h_hbm.at[gs_v.at[j]], rows[b], gsem.at[b])

        def g_wait(j, b):
            pltpu.make_async_copy(h_hbm.at[gs_v.at[j]], rows[b],
                                  gsem.at[b]).wait()

        def s_start(j, b):
            pltpu.async_copy(rows[b], acc.at[gd_v.at[j]], ssem.at[b],
                             add=True)

        def s_wait(j, b):
            pltpu.make_async_copy(rows[b], acc.at[gd_v.at[j]],
                                  ssem.at[b]).wait()

        j0 = NSLOT - PF
        for j in range(PF):
            g_start(j, j % NSLOT)
        for j in range(j0):
            g_wait(j, j % NSLOT)
            s_start(j, j % NSLOT)
            g_start(j + PF, (j + PF) % NSLOT)

        @pl.loop(j0, nblk - PF, step=NSLOT)
        def _(g):
            for k in range(NSLOT):
                bj = (j0 + k) % NSLOT
                bw = k % NSLOT
                j = g + k
                s_wait(j - j0, bw)
                g_wait(j, bj)
                s_start(j, bj)
                g_start(j + PF, bw)

        for i in range(PF):
            j = nblk - PF + i
            s_wait(j - j0, i % NSLOT)
            g_wait(j, (j0 + i) % NSLOT)
            s_start(j, (j0 + i) % NSLOT)
        for i in range(j0):
            s_wait(nblk - j0 + i, (PF + i) % NSLOT)

        plsc.subcore_barrier()
        pltpu.sync_copy(acc.at[pl.ds(sid * RPT, RPT)],
                        out_hbm.at[cid, pl.ds(sid * RPT, RPT)])

    return agg


HALF = D_FEAT // 2
_agg64 = _make_agg_kernel(HALF)



_RB = 200


def _normscale_body(x_ref, d0_ref, d1_ref, ha_ref, hb_ref, nb_ref):
    deg = d0_ref[:, 0:1] + d1_ref[:, 0:1] + 1.0
    norm = lax.rsqrt(deg)
    nb = jnp.broadcast_to(norm, (_RB, D_FEAT))
    nb_ref[...] = nb
    h0 = x_ref[...] * nb
    ha_ref[...] = h0[:, :HALF]
    hb_ref[...] = h0[:, HALF:]


def _layer1_body(a0a_ref, a1a_ref, a0b_ref, a1b_ref, ha_ref, hb_ref, nb_ref,
                 w1a_ref, w1b_ref, b1_ref, w2_ref, h2_ref):
    nb = nb_ref[...]
    agg_a = a0a_ref[...] + a1a_ref[...] + ha_ref[...]
    agg_b = a0b_ref[...] + a1b_ref[...] + hb_ref[...]
    z = (jnp.dot(agg_a, w1a_ref[...], preferred_element_type=jnp.float32)
         + jnp.dot(agg_b, w1b_ref[...], preferred_element_type=jnp.float32))
    h1 = jnp.maximum(z * nb + b1_ref[...], 0.0)
    h2_ref[...] = jnp.dot(h1 * nb, w2_ref[...], preferred_element_type=jnp.float32)


def _out_body(e0_ref, e1_ref, h2_ref, n64_ref, b2_ref, o_ref):
    v = (e0_ref[...] + e1_ref[...] + h2_ref[...]) * n64_ref[...] + b2_ref[...]
    mask = lax.broadcasted_iota(jnp.int32, (_RB, C_PAD), 1) < N_CLASSES
    vm = jnp.where(mask, v, -jnp.inf)
    m = jnp.max(vm, axis=1, keepdims=True)
    ex = jnp.where(mask, jnp.exp(v - m), 0.0)
    s = jnp.sum(ex, axis=1, keepdims=True)
    o_ref[...] = v - m - jnp.log(s)


def _row_spec(width):
    return pl.BlockSpec((_RB, width), lambda i: (i, 0))


def _full_spec(r, c):
    return pl.BlockSpec((r, c), lambda i: (0, 0))



def kernel(x, edge_index, W1, b1, W2, b2):
    src = edge_index[0]
    dst = edge_index[1]
    gs_flat = jnp.concatenate([src, dst])
    gd_flat = jnp.concatenate([dst, src])
    cap_f = NS * NBLK_F * BLK
    cap_s = NS * NBLK_S * BLK
    pad_s = cap_s - (E2 - cap_f)
    gs_f = gs_flat[:cap_f].reshape(NS, NBLK_F, BLK)
    gd_f = gd_flat[:cap_f].reshape(NS, NBLK_F, BLK)
    gs_s = jnp.concatenate(
        [gs_flat[cap_f:], jnp.zeros((pad_s,), jnp.int32)]).reshape(NS, NBLK_S, BLK)
    gd_s = jnp.concatenate(
        [gd_flat[cap_f:], jnp.full((pad_s,), N_NODES, jnp.int32)]).reshape(NS, NBLK_S, BLK)
    gs_s = jnp.pad(gs_s, ((0, 0), (0, NBLKMAX - NBLK_S), (0, 0)))
    gd_s = jnp.pad(gd_s, ((0, 0), (0, NBLKMAX - NBLK_S), (0, 0)),
                   constant_values=N_NODES)
    if FAST_CID == 0:
        gs = jnp.concatenate([gs_f, gs_s])
        gd = jnp.concatenate([gd_f, gd_s])
    else:
        gs = jnp.concatenate([gs_s, gs_f])
        gd = jnp.concatenate([gd_s, gd_f])

    ones16 = jnp.ones((BLK, 16), jnp.float32)
    zeros16 = jnp.zeros((NPAD, 16), jnp.float32)
    zeros64 = jnp.zeros((NPAD, HALF), jnp.float32)

    degp = _deg_kernel(gd, ones16, zeros16)

    grid = N_NODES // _RB
    ha, hb, nb = pl.pallas_call(
        _normscale_body,
        grid=(grid,),
        in_specs=[_row_spec(D_FEAT), _row_spec(16), _row_spec(16)],
        out_specs=[_row_spec(HALF), _row_spec(HALF), _row_spec(D_FEAT)],
        out_shape=[
            jax.ShapeDtypeStruct((N_NODES, HALF), jnp.float32),
            jax.ShapeDtypeStruct((N_NODES, HALF), jnp.float32),
            jax.ShapeDtypeStruct((N_NODES, D_FEAT), jnp.float32),
        ],
    )(x, degp[0, :N_NODES], degp[1, :N_NODES])

    aggpa = _agg64(gs, gd, ha, zeros64)
    aggpb = _agg64(gs, gd, hb, zeros64)

    w2p = jnp.concatenate(
        [W2, jnp.zeros((N_HIDDEN, C_PAD - N_CLASSES), jnp.float32)], axis=1)
    h2 = pl.pallas_call(
        _layer1_body,
        grid=(grid,),
        in_specs=[
            _row_spec(HALF), _row_spec(HALF), _row_spec(HALF), _row_spec(HALF),
            _row_spec(HALF), _row_spec(HALF), _row_spec(D_FEAT),
            _full_spec(HALF, N_HIDDEN), _full_spec(HALF, N_HIDDEN),
            _full_spec(1, N_HIDDEN), _full_spec(N_HIDDEN, C_PAD),
        ],
        out_specs=_row_spec(C_PAD),
        out_shape=jax.ShapeDtypeStruct((N_NODES, C_PAD), jnp.float32),
    )(aggpa[0, :N_NODES], aggpa[1, :N_NODES],
      aggpb[0, :N_NODES], aggpb[1, :N_NODES], ha, hb, nb,
      W1[:HALF], W1[HALF:], b1.reshape(1, N_HIDDEN), w2p)

    agg2p = _agg64(gs, gd, h2, zeros64)

    b2p = jnp.concatenate(
        [b2, jnp.zeros((C_PAD - N_CLASSES,), jnp.float32)]).reshape(1, C_PAD)
    out48 = pl.pallas_call(
        _out_body,
        grid=(grid,),
        in_specs=[
            _row_spec(C_PAD), _row_spec(C_PAD), _row_spec(C_PAD),
            _row_spec(C_PAD), _full_spec(1, C_PAD),
        ],
        out_specs=_row_spec(C_PAD),
        out_shape=jax.ShapeDtypeStruct((N_NODES, C_PAD), jnp.float32),
    )(agg2p[0, :N_NODES], agg2p[1, :N_NODES], h2, nb[:, :C_PAD], b2p)

    return out48[:, :N_CLASSES]

# --- scband reference (transcript-rebuilt; emitter-appended) ---
"""Pipeline reference for scband-gcn-framework-67070209294552 (READ-ONLY COPY).

The authoritative reference and input builder live on the scoring server;
editing this copy changes nothing except your own understanding.
"""

import jax, jax.numpy as jnp
import numpy as np

N_NODES = 10000
N_EDGES = 320000
D_FEAT = 128
N_HIDDEN = 128
N_CLASSES = 40


def setup_inputs(seed: int = 0) -> dict:
    key = jax.random.key(seed)
    k1, k2, k3, k4 = jax.random.split(key, 4)
    x = jax.random.normal(k1, (N_NODES, D_FEAT), dtype=jnp.float32)
    edge_index = jax.random.randint(k2, (2, N_EDGES), 0, N_NODES, dtype=jnp.int32)
    # GraphConv weights (glorot-ish init) and biases
    W1 = jax.random.normal(k3, (D_FEAT, N_HIDDEN), dtype=jnp.float32) * (1.0 / np.sqrt(D_FEAT))
    b1 = jnp.zeros((N_HIDDEN,), dtype=jnp.float32)
    W2 = jax.random.normal(k4, (N_HIDDEN, N_CLASSES), dtype=jnp.float32) * (1.0 / np.sqrt(N_HIDDEN))
    b2 = jnp.zeros((N_CLASSES,), dtype=jnp.float32)
    return {"x": x, "edge_index": edge_index, "W1": W1, "b1": b1, "W2": W2, "b2": b2}


def _preprocess(edge_index, n):
    # edge_weights = ones(E); mode='no aug' -> skip augmentation ops
    src, dst = edge_index[0], edge_index[1]
    # to_undirected: append reversed edges (coalescing skipped; weights all ones)
    src_u = jnp.concatenate([src, dst])
    dst_u = jnp.concatenate([dst, src])
    ew = jnp.ones((src_u.shape[0],), dtype=jnp.float32)
    # add_self_loops_mean: self-loop weight = per-node mean of incoming edge weights
    deg_w = jax.ops.segment_sum(ew, dst_u, num_segments=n)
    deg_c = jax.ops.segment_sum(jnp.ones_like(ew), dst_u, num_segments=n)
    loop_w = deg_w / jnp.maximum(deg_c, 1.0)
    loops = jnp.arange(n, dtype=src_u.dtype)
    src_f = jnp.concatenate([src_u, loops])
    dst_f = jnp.concatenate([dst_u, loops])
    ew_f = jnp.concatenate([ew, loop_w])
    # edge_weights[edge_weights == 0.0] = 1.0
    ew_f = jnp.where(ew_f == 0.0, 1.0, ew_f)
    return src_f, dst_f, ew_f


def _graph_conv(x, src, dst, ew, W, b, n, activation):
    # DGL GraphConv, norm='both', with edge_weight (degrees are unweighted, clamped to 1)
    in_f, out_f = W.shape
    ones_e = jnp.ones_like(ew)
    deg_out = jnp.clip(jax.ops.segment_sum(ones_e, src, num_segments=n), 1.0, None)
    deg_in = jnp.clip(jax.ops.segment_sum(ones_e, dst, num_segments=n), 1.0, None)
    norm_src = deg_out ** -0.5
    norm_dst = deg_in ** -0.5
    h = x * norm_src[:, None]
    if in_f > out_f:
        h = h @ W
        rst = jax.ops.segment_sum(h[src] * ew[:, None], dst, num_segments=n)
    else:
        agg = jax.ops.segment_sum(h[src] * ew[:, None], dst, num_segments=n)
        rst = agg @ W
    rst = rst * norm_dst[:, None] + b
    if activation:
        rst = jax.nn.relu(rst)
    return rst


def reference(x, edge_index, W1, b1, W2, b2):
    n = x.shape[0]
    src, dst, ew = _preprocess(edge_index, n)
    # x.shape[1] == 128 -> row-normalization branch is skipped
    h = _graph_conv(x, src, dst, ew, W1, b1, n, activation=True)
    # dropout p=0.0 -> identity
    h = _graph_conv(h, src, dst, ew, W2, b2, n, activation=False)
    out = jax.nn.log_softmax(h, axis=1)
    # aug_p=[] so alphas_list is empty; return forward logits
    return out

if __name__ == "__main__":
    import jax
    _d = setup_inputs()
    print(jax.jit(kernel)(*tuple(_d.values())))

</pallas_src>

<mosaic_0001>
#map = affine_map<(d0, d1) -> (0, 0, 0)>
#map1 = affine_map<(d0, d1) -> (0, 0)>
module attributes {stable_mosaic.version = 14 : i64} {
  func.func @agg(%arg0: i32, %arg1: i32, %arg2: memref<32x255x128xi32, #tpu.memory_space<hbm>>, %arg3: memref<32x255x128xi32, #tpu.memory_space<hbm>>, %arg4: memref<10000x64xf32, #tpu.memory_space<hbm>>, %arg5: memref<10240x64xf32, #tpu.memory_space<hbm>>, %arg6: memref<2x10240x64xf32, #tpu.memory_space<hbm>>, %arg7: memref<255x128xi32, #tpu.memory_space<vmem>>, %arg8: memref<255x128xi32, #tpu.memory_space<vmem>>, %arg9: memref<128x64xf32, #tpu.memory_space<vmem>>, %arg10: memref<128x64xf32, #tpu.memory_space<vmem>>, %arg11: memref<128x64xf32, #tpu.memory_space<vmem>>, %arg12: memref<10240x64xf32, #tpu.memory_space<vmem_shared>>, %arg13: memref<3x!tpu.dma_semaphore, #tpu.memory_space<semaphore_mem>>, %arg14: memref<3x!tpu.dma_semaphore, #tpu.memory_space<semaphore_mem>>) attributes {dimension_semantics = [#tpu.dimension_semantics<core_parallel>, #tpu.dimension_semantics<subcore_parallel>], iteration_bounds = array<i64: 2, 16>, scalar_prefetch = 0 : i64, scratch_operands = 8 : i64, tpu.core_type = #tpu.core_type<sc_vector_subcore>, window_params = [{transform_indices = #map}, {transform_indices = #map}, {transform_indices = #map1}, {transform_indices = #map1}, {transform_indices = #map}]} {
    %mul3A = arith.constant 16 : i32
    %mul3A_0 = arith.muli %arg0, %mul3A : i32
    %add3A = arith.addi %mul3A_0, %arg1 : i32
    %eq3A = arith.constant 0 : i32
    %eq3A_1 = arith.cmpi eq, %arg0, %eq3A : i32
    %jit3A = arith.constant 255 : i32
    %jit3A_2 = arith.constant 60 : i32
    %select_n3A = arith.select %eq3A_1, %jit3A, %jit3A_2 : i32
    "tpu.region"() ({
      %run_scoped3A = tpu.sem_alloc : memref<!tpu.dma_semaphore, #tpu.memory_space<semaphore_mem>>
      %dma_start3A_157 = arith.constant 0 : i32
      %dma_start3A_158 = arith.constant 0 : i32
      %dma_start3A_159 = tpu.memref_slice %arg2[%add3A, %dma_start3A_157, %dma_start3A_158] : memref<32x255x128xi32, #tpu.memory_space<hbm>> -> memref<1x255x128xi32, #tpu.memory_space<hbm>>
      %dma_start3A_160 = tpu.memref_squeeze %dma_start3A_159 : memref<1x255x128xi32, #tpu.memory_space<hbm>> -> memref<255x128xi32, #tpu.memory_space<hbm>>
      %dma_start3A_161 = arith.constant 0 : i32
      %dma_start3A_162 = arith.constant 0 : i32
      %dma_start3A_163 = tpu.memref_slice %arg2[%add3A, %dma_start3A_161, %dma_start3A_162] : memref<32x255x128xi32, #tpu.memory_space<hbm>> -> memref<1x255x128xi32, #tpu.memory_space<hbm>>
      %dma_start3A_164 = tpu.memref_squeeze %dma_start3A_163 : memref<1x255x128xi32, #tpu.memory_space<hbm>> -> memref<255x128xi32, #tpu.memory_space<hbm>>
      tpu.enqueue_dma source(%dma_start3A_164 : memref<255x128xi32, #tpu.memory_space<hbm>>) target(%arg7 : memref<255x128xi32, #tpu.memory_space<vmem>>) target_semaphore(%run_scoped3A : memref<!tpu.dma_semaphore, #tpu.memory_space<semaphore_mem>>)
      %dma_wait3A_165 = arith.constant 0 : i32
      %dma_wait3A_166 = arith.constant 0 : i32
      %dma_wait3A_167 = tpu.memref_slice %arg2[%add3A, %dma_wait3A_165, %dma_wait3A_166] : memref<32x255x128xi32, #tpu.memory_space<hbm>> -> memref<1x255x128xi32, #tpu.memory_space<hbm>>
      %dma_wait3A_168 = tpu.memref_squeeze %dma_wait3A_167 : memref<1x255x128xi32, #tpu.memory_space<hbm>> -> memref<255x128xi32, #tpu.memory_space<hbm>>
      %dma_wait3A_169 = arith.constant 0 : i32
      %dma_wait3A_170 = arith.constant 0 : i32
      %dma_wait3A_171 = tpu.memref_slice %arg2[%add3A, %dma_wait3A_169, %dma_wait3A_170] : memref<32x255x128xi32, #tpu.memory_space<hbm>> -> memref<1x255x128xi32, #tpu.memory_space<hbm>>
      %dma_wait3A_172 = tpu.memref_squeeze %dma_wait3A_171 : memref<1x255x128xi32, #tpu.memory_space<hbm>> -> memref<255x128xi32, #tpu.memory_space<hbm>>
      tpu.wait_dma2 semaphore(%run_scoped3A : memref<!tpu.dma_semaphore, #tpu.memory_space<semaphore_mem>>) src(%dma_wait3A_172 : memref<255x128xi32, #tpu.memory_space<hbm>>) dst(%arg7 : memref<255x128xi32, #tpu.memory_space<vmem>>)
      tpu.yield
    }) : () -> ()
    "tpu.region"() ({
      %run_scoped3A = tpu.sem_alloc : memref<!tpu.dma_semaphore, #tpu.memory_space<semaphore_mem>>
      %dma_start3A_157 = arith.constant 0 : i32
      %dma_start3A_158 = arith.constant 0 : i32
      %dma_start3A_159 = tpu.memref_slice %arg3[%add3A, %dma_start3A_157, %dma_start3A_158] : memref<32x255x128xi32, #tpu.memory_space<hbm>> -> memref<1x255x128xi32, #tpu.memory_space<hbm>>
      %dma_start3A_160 = tpu.memref_squeeze %dma_start3A_159 : memref<1x255x128xi32, #tpu.memory_space<hbm>> -> memref<255x128xi32, #tpu.memory_space<hbm>>
      %dma_start3A_161 = arith.constant 0 : i32
      %dma_start3A_162 = arith.constant 0 : i32
      %dma_start3A_163 = tpu.memref_slice %arg3[%add3A, %dma_start3A_161, %dma_start3A_162] : memref<32x255x128xi32, #tpu.memory_space<hbm>> -> memref<1x255x128xi32, #tpu.memory_space<hbm>>
      %dma_start3A_164 = tpu.memref_squeeze %dma_start3A_163 : memref<1x255x128xi32, #tpu.memory_space<hbm>> -> memref<255x128xi32, #tpu.memory_space<hbm>>
      tpu.enqueue_dma source(%dma_start3A_164 : memref<255x128xi32, #tpu.memory_space<hbm>>) target(%arg8 : memref<255x128xi32, #tpu.memory_space<vmem>>) target_semaphore(%run_scoped3A : memref<!tpu.dma_semaphore, #tpu.memory_space<semaphore_mem>>)
      %dma_wait3A_165 = arith.constant 0 : i32
      %dma_wait3A_166 = arith.constant 0 : i32
      %dma_wait3A_167 = tpu.memref_slice %arg3[%add3A, %dma_wait3A_165, %dma_wait3A_166] : memref<32x255x128xi32, #tpu.memory_space<hbm>> -> memref<1x255x128xi32, #tpu.memory_space<hbm>>
      %dma_wait3A_168 = tpu.memref_squeeze %dma_wait3A_167 : memref<1x255x128xi32, #tpu.memory_space<hbm>> -> memref<255x128xi32, #tpu.memory_space<hbm>>
      %dma_wait3A_169 = arith.constant 0 : i32
      %dma_wait3A_170 = arith.constant 0 : i32
      %dma_wait3A_171 = tpu.memref_slice %arg3[%add3A, %dma_wait3A_169, %dma_wait3A_170] : memref<32x255x128xi32, #tpu.memory_space<hbm>> -> memref<1x255x128xi32, #tpu.memory_space<hbm>>
      %dma_wait3A_172 = tpu.memref_squeeze %dma_wait3A_171 : memref<1x255x128xi32, #tpu.memory_space<hbm>> -> memref<255x128xi32, #tpu.memory_space<hbm>>
      tpu.wait_dma2 semaphore(%run_scoped3A : memref<!tpu.dma_semaphore, #tpu.memory_space<semaphore_mem>>) src(%dma_wait3A_172 : memref<255x128xi32, #tpu.memory_space<hbm>>) dst(%arg8 : memref<255x128xi32, #tpu.memory_space<vmem>>)
      tpu.yield
    }) : () -> ()
    %mul3A_3 = arith.constant 640 : i32
    %mul3A_4 = arith.muli %arg1, %mul3A_3 : i32
    %mul3A_5 = arith.constant 640 : i32
    %mul3A_6 = arith.muli %arg1, %mul3A_5 : i32
    "tpu.region"() ({
      %run_scoped3A = tpu.sem_alloc : memref<!tpu.dma_semaphore, #tpu.memory_space<semaphore_mem>>
      %dma_start3A_157 = arith.constant 0 : i32
      %dma_start3A_158 = tpu.memref_slice %arg12[%mul3A_6, %dma_start3A_157] : memref<10240x64xf32, #tpu.memory_space<vmem_shared>> -> memref<640x64xf32, #tpu.memory_space<vmem_shared>>
      %dma_start3A_159 = arith.constant 0 : i32
      %dma_start3A_160 = tpu.memref_slice %arg5[%mul3A_4, %dma_start3A_159] : memref<10240x64xf32, #tpu.memory_space<hbm>> -> memref<640x64xf32, #tpu.memory_space<hbm>>
      tpu.enqueue_dma source(%dma_start3A_160 : memref<640x64xf32, #tpu.memory_space<hbm>>) target(%dma_start3A_158 : memref<640x64xf32, #tpu.memory_space<vmem_shared>>) target_semaphore(%run_scoped3A : memref<!tpu.dma_semaphore, #tpu.memory_space<semaphore_mem>>)
      %dma_wait3A_161 = arith.constant 0 : i32
      %dma_wait3A_162 = tpu.memref_slice %arg12[%mul3A_6, %dma_wait3A_161] : memref<10240x64xf32, #tpu.memory_space<vmem_shared>> -> memref<640x64xf32, #tpu.memory_space<vmem_shared>>
      %dma_wait3A_163 = arith.constant 0 : i32
      %dma_wait3A_164 = tpu.memref_slice %arg5[%mul3A_4, %dma_wait3A_163] : memref<10240x64xf32, #tpu.memory_space<hbm>> -> memref<640x64xf32, #tpu.memory_space<hbm>>
      tpu.wait_dma2 semaphore(%run_scoped3A : memref<!tpu.dma_semaphore, #tpu.memory_space<semaphore_mem>>) src(%dma_wait3A_164 : memref<640x64xf32, #tpu.memory_space<hbm>>) dst(%dma_wait3A_162 : memref<640x64xf32, #tpu.memory_space<vmem_shared>>)
      tpu.yield
    }) : () -> ()
    %barrier3A = arith.constant 0 : index
    tpu.barrier barrier_id(%barrier3A)
    %dma_start3A = arith.constant 0 : i32
    %dma_start3A_7 = arith.constant 0 : i32
    %dma_start3A_8 = arith.constant 0 : i32
    %dma_start3A_9 = tpu.memref_slice %arg7[%dma_start3A, %dma_start3A_8] : memref<255x128xi32, #tpu.memory_space<vmem>> -> memref<1x128xi32, #tpu.memory_space<vmem>>
    %dma_start3A_10 = tpu.memref_squeeze %dma_start3A_9 : memref<1x128xi32, #tpu.memory_space<vmem>> -> memref<128xi32, #tpu.memory_space<vmem>>
    %dma_start3A_11 = arith.constant 0 : i32
    %dma_start3A_12 = arith.constant 0 : i32
    %dma_start3A_13 = tpu.memref_slice %arg4[%dma_start3A_11, %dma_start3A_12] : memref<10000x64xf32, #tpu.memory_space<hbm>> -> memref<10000x64xf32, #tpu.memory_space<hbm>>
    %dma_start3A_14 = tpu.memref_slice %arg13[%dma_start3A_7] : memref<3x!tpu.dma_semaphore, #tpu.memory_space<semaphore_mem>> -> memref<1x!tpu.dma_semaphore, #tpu.memory_space<semaphore_mem>>
    %dma_start3A_15 = tpu.memref_squeeze %dma_start3A_14 : memref<1x!tpu.dma_semaphore, #tpu.memory_space<semaphore_mem>> -> memref<!tpu.dma_semaphore, #tpu.memory_space<semaphore_mem>>
    tpu.enqueue_indirect_dma source(%dma_start3A_13 : memref<10000x64xf32, #tpu.memory_space<hbm>>) target(%arg9 : memref<128x64xf32, #tpu.memory_space<vmem>>) offsets(%dma_start3A_10 : memref<128xi32, #tpu.memory_space<vmem>>) semaphore(%dma_start3A_15 : memref<!tpu.dma_semaphore, #tpu.memory_space<semaphore_mem>>)
    %dma_start3A_16 = arith.constant 1 : i32
    %dma_start3A_17 = arith.constant 1 : i32
    %dma_start3A_18 = arith.constant 0 : i32
    %dma_start3A_19 = tpu.memref_slice %arg7[%dma_start3A_16, %dma_start3A_18] : memref<255x128xi32, #tpu.memory_space<vmem>> -> memref<1x128xi32, #tpu.memory_space<vmem>>
    %dma_start3A_20 = tpu.memref_squeeze %dma_start3A_19 : memref<1x128xi32, #tpu.memory_space<vmem>> -> memref<128xi32, #tpu.memory_space<vmem>>
    %dma_start3A_21 = arith.constant 0 : i32
    %dma_start3A_22 = arith.constant 0 : i32
    %dma_start3A_23 = tpu.memref_slice %arg4[%dma_start3A_21, %dma_start3A_22] : memref<10000x64xf32, #tpu.memory_space<hbm>> -> memref<10000x64xf32, #tpu.memory_space<hbm>>
    %dma_start3A_24 = tpu.memref_slice %arg13[%dma_start3A_17] : memref<3x!tpu.dma_semaphore, #tpu.memory_space<semaphore_mem>> -> memref<1x!tpu.dma_semaphore, #tpu.memory_space<semaphore_mem>>
    %dma_start3A_25 = tpu.memref_squeeze %dma_start3A_24 : memref<1x!tpu.dma_semaphore, #tpu.memory_space<semaphore_mem>> -> memref<!tpu.dma_semaphore, #tpu.memory_space<semaphore_mem>>
    tpu.enqueue_indirect_dma source(%dma_start3A_23 : memref<10000x64xf32, #tpu.memory_space<hbm>>) target(%arg10 : memref<128x64xf32, #tpu.memory_space<vmem>>) offsets(%dma_start3A_20 : memref<128xi32, #tpu.memory_space<vmem>>) semaphore(%dma_start3A_25 : memref<!tpu.dma_semaphore, #tpu.memory_space<semaphore_mem>>)
    %dma_wait3A = arith.constant 0 : i32
    %dma_wait3A_26 = arith.constant 0 : i32
    %dma_wait3A_27 = arith.constant 0 : i32
    %dma_wait3A_28 = tpu.memref_slice %arg7[%dma_wait3A, %dma_wait3A_27] : memref<255x128xi32, #tpu.memory_space<vmem>> -> memref<1x128xi32, #tpu.memory_space<vmem>>
    %dma_wait3A_29 = tpu.memref_squeeze %dma_wait3A_28 : memref<1x128xi32, #tpu.memory_space<vmem>> -> memref<128xi32, #tpu.memory_space<vmem>>
    %dma_wait3A_30 = arith.constant 0 : i32
    %dma_wait3A_31 = arith.constant 0 : i32
    %dma_wait3A_32 = tpu.memref_slice %arg4[%dma_wait3A_30, %dma_wait3A_31] : memref<10000x64xf32, #tpu.memory_space<hbm>> -> memref<10000x64xf32, #tpu.memory_space<hbm>>
    %dma_wait3A_33 = tpu.memref_slice %arg13[%dma_wait3A_26] : memref<3x!tpu.dma_semaphore, #tpu.memory_space<semaphore_mem>> -> memref<1x!tpu.dma_semaphore, #tpu.memory_space<semaphore_mem>>
    %dma_wait3A_34 = tpu.memref_squeeze %dma_wait3A_33 : memref<1x!tpu.dma_semaphore, #tpu.memory_space<semaphore_mem>> -> memref<!tpu.dma_semaphore, #tpu.memory_space<semaphore_mem>>
    tpu.wait_indirect_dma semaphore(%dma_wait3A_34 : memref<!tpu.dma_semaphore, #tpu.memory_space<semaphore_mem>>) src(%dma_wait3A_32 : memref<10000x64xf32, #tpu.memory_space<hbm>>) dst(%arg9 : memref<128x64xf32, #tpu.memory_space<vmem>>)
    %dma_start3A_35 = arith.constant 0 : i32
    %dma_start3A_36 = arith.constant 0 : i32
    %dma_start3A_37 = arith.constant 0 : i32
    %dma_start3A_38 = tpu.memref_slice %arg8[%dma_start3A_35, %dma_start3A_37] : memref<255x128xi32, #tpu.memory_space<vmem>> -> memref<1x128xi32, #tpu.memory_space<vmem>>
    %dma_start3A_39 = tpu.memref_squeeze %dma_start3A_38 : memref<1x128xi32, #tpu.memory_space<vmem>> -> memref<128xi32, #tpu.memory_space<vmem>>
    %dma_start3A_40 = arith.constant 0 : i32
    %dma_start3A_41 = arith.constant 0 : i32
    %dma_start3A_42 = tpu.memref_slice %arg12[%dma_start3A_40, %dma_start3A_41] : memref<10240x64xf32, #tpu.memory_space<vmem_shared>> -> memref<10240x64xf32, #tpu.memory_space<vmem_shared>>
    %dma_start3A_43 = tpu.memref_slice %arg14[%dma_start3A_36] : memref<3x!tpu.dma_semaphore, #tpu.memory_space<semaphore_mem>> -> memref<1x!tpu.dma_semaphore, #tpu.memory_space<semaphore_mem>>
    %dma_start3A_44 = tpu.memref_squeeze %dma_start3A_43 : memref<1x!tpu.dma_semaphore, #tpu.memory_space<semaphore_mem>> -> memref<!tpu.dma_semaphore, #tpu.memory_space<semaphore_mem>>
    tpu.enqueue_indirect_dma source(%arg9 : memref<128x64xf32, #tpu.memory_space<vmem>>) target(%dma_start3A_42 : memref<10240x64xf32, #tpu.memory_space<vmem_shared>>) offsets(%dma_start3A_39 : memref<128xi32, #tpu.memory_space<vmem>>) semaphore(%dma_start3A_44 : memref<!tpu.dma_semaphore, #tpu.memory_space<semaphore_mem>>) {add = true}
    %dma_start3A_45 = arith.constant 2 : i32
    %dma_start3A_46 = arith.constant 2 : i32
    %dma_start3A_47 = arith.constant 0 : i32
    %dma_start3A_48 = tpu.memref_slice %arg7[%dma_start3A_45, %dma_start3A_47] : memref<255x128xi32, #tpu.memory_space<vmem>> -> memref<1x128xi32, #tpu.memory_space<vmem>>
    %dma_start3A_49 = tpu.memref_squeeze %dma_start3A_48 : memref<1x128xi32, #tpu.memory_space<vmem>> -> memref<128xi32, #tpu.memory_space<vmem>>
    %dma_start3A_50 = arith.constant 0 : i32
    %dma_start3A_51 = arith.constant 0 : i32
    %dma_start3A_52 = tpu.memref_slice %arg4[%dma_start3A_50, %dma_start3A_51] : memref<10000x64xf32, #tpu.memory_space<hbm>> -> memref<10000x64xf32, #tpu.memory_space<hbm>>
    %dma_start3A_53 = tpu.memref_slice %arg13[%dma_start3A_46] : memref<3x!tpu.dma_semaphore, #tpu.memory_space<semaphore_mem>> -> memref<1x!tpu.dma_semaphore, #tpu.memory_space<semaphore_mem>>
    %dma_start3A_54 = tpu.memref_squeeze %dma_start3A_53 : memref<1x!tpu.dma_semaphore, #tpu.memory_space<semaphore_mem>> -> memref<!tpu.dma_semaphore, #tpu.memory_space<semaphore_mem>>
    tpu.enqueue_indirect_dma source(%dma_start3A_52 : memref<10000x64xf32, #tpu.memory_space<hbm>>) target(%arg11 : memref<128x64xf32, #tpu.memory_space<vmem>>) offsets(%dma_start3A_49 : memref<128xi32, #tpu.memory_space<vmem>>) semaphore(%dma_start3A_54 : memref<!tpu.dma_semaphore, #tpu.memory_space<semaphore_mem>>)
    %sub3A = arith.constant 2 : i32
    %sub3A_55 = arith.subi %select_n3A, %sub3A : i32
    %sub3A_56 = arith.constant 1 : i32
    %sub3A_57 = arith.subi %sub3A_55, %sub3A_56 : i32
    %sub3A_58 = arith.constant 3 : i32
    %sub3A_59 = arith.constant 1 : i32
    %sub3A_60 = arith.subi %sub3A_58, %sub3A_59 : i32
    %add3A_61 = arith.addi %sub3A_57, %sub3A_60 : i32
    %div3A = arith.constant 3 : i32
    %div3A_62 = arith.divsi %add3A_61, %div3A : i32
    %while3A = arith.constant 3 : i32
    %while3A_63 = arith.constant 1 : i32
    %while3A_64 = arith.constant 0 : i32
    %while3A_65 = arith.subi %div3A_62, %while3A_64 : i32
    %while3A_66 = arith.addi %while3A_64, %while3A_65 : i32
    %while3A_67 = arith.constant 1 : i32
    %while3A_68 = arith.divsi %while3A_65, %while3A_67 : i32
    %while3A_69 = arith.muli %while3A_68, %while3A_67 : i32
    %while3A_70 = arith.addi %while3A_64, %while3A_69 : i32
    %while3A_71 = arith.constant 1 : i32
    scf.for %while3A_157 = %while3A_64 to %while3A_70 step %while3A_71  : i32 {
      %mul3A_158 = arith.muli %while3A_157, %while3A : i32
      %add3A_159 = arith.addi %while3A_63, %mul3A_158 : i32
      %add3A_160 = arith.constant 0 : i32
      %add3A_161 = arith.addi %add3A_159, %add3A_160 : i32
      %sub3A_162 = arith.constant 1 : i32
      %sub3A_163 = arith.subi %add3A_161, %sub3A_162 : i32
      %dma_wait3A_164 = arith.constant 0 : i32
      %dma_wait3A_165 = arith.constant 0 : i32
      %dma_wait3A_166 = tpu.memref_slice %arg8[%sub3A_163, %dma_wait3A_165] : memref<255x128xi32, #tpu.memory_space<vmem>> -> memref<1x128xi32, #tpu.memory_space<vmem>>
      %dma_wait3A_167 = tpu.memref_squeeze %dma_wait3A_166 : memref<1x128xi32, #tpu.memory_space<vmem>> -> memref<128xi32, #tpu.memory_space<vmem>>
      %dma_wait3A_168 = arith.constant 0 : i32
      %dma_wait3A_169 = arith.constant 0 : i32
      %dma_wait3A_170 = tpu.memref_slice %arg12[%dma_wait3A_168, %dma_wait3A_169] : memref<10240x64xf32, #tpu.memory_space<vmem_shared>> -> memref<10240x64xf32, #tpu.memory_space<vmem_shared>>
      %dma_wait3A_171 = tpu.memref_slice %arg14[%dma_wait3A_164] : memref<3x!tpu.dma_semaphore, #tpu.memory_space<semaphore_mem>> -> memref<1x!tpu.dma_semaphore, #tpu.memory_space<semaphore_mem>>
      %dma_wait3A_172 = tpu.memref_squeeze %dma_wait3A_171 : memref<1x!tpu.dma_semaphore, #tpu.memory_space<semaphore_mem>> -> memref<!tpu.dma_semaphore, #tpu.memory_space<semaphore_mem>>
      tpu.wait_indirect_dma semaphore(%dma_wait3A_172 : memref<!tpu.dma_semaphore, #tpu.memory_space<semaphore_mem>>) src(%arg9 : memref<128x64xf32, #tpu.memory_space<vmem>>) dst(%dma_wait3A_170 : memref<10240x64xf32, #tpu.memory_space<vmem_shared>>)
      %dma_wait3A_173 = arith.constant 1 : i32
      %dma_wait3A_174 = arith.constant 0 : i32
      %dma_wait3A_175 = tpu.memref_slice %arg7[%add3A_161, %dma_wait3A_174] : memref<255x128xi32, #tpu.memory_space<vmem>> -> memref<1x128xi32, #tpu.memory_space<vmem>>
      %dma_wait3A_176 = tpu.memref_squeeze %dma_wait3A_175 : memref<1x128xi32, #tpu.memory_space<vmem>> -> memref<128xi32, #tpu.memory_space<vmem>>
      %dma_wait3A_177 = arith.constant 0 : i32
      %dma_wait3A_178 = arith.constant 0 : i32
      %dma_wait3A_179 = tpu.memref_slice %arg4[%dma_wait3A_177, %dma_wait3A_178] : memref<10000x64xf32, #tpu.memory_space<hbm>> -> memref<10000x64xf32, #tpu.memory_space<hbm>>
      %dma_wait3A_180 = tpu.memref_slice %arg13[%dma_wait3A_173] : memref<3x!tpu.dma_semaphore, #tpu.memory_space<semaphore_mem>> -> memref<1x!tpu.dma_semaphore, #tpu.memory_space<semaphore_mem>>
      %dma_wait3A_181 = tpu.memref_squeeze %dma_wait3A_180 : memref<1x!tpu.dma_semaphore, #tpu.memory_space<semaphore_mem>> -> memref<!tpu.dma_semaphore, #tpu.memory_space<semaphore_mem>>
      tpu.wait_indirect_dma semaphore(%dma_wait3A_181 : memref<!tpu.dma_semaphore, #tpu.memory_space<semaphore_mem>>) src(%dma_wait3A_179 : memref<10000x64xf32, #tpu.memory_space<hbm>>) dst(%arg10 : memref<128x64xf32, #tpu.memory_space<vmem>>)
      %dma_start3A_182 = arith.constant 1 : i32
      %dma_start3A_183 = arith.constant 0 : i32
      %dma_start3A_184 = tpu.memref_slice %arg8[%add3A_161, %dma_start3A_183] : memref<255x128xi32, #tpu.memory_space<vmem>> -> memref<1x128xi32, #tpu.memory_space<vmem>>
      %dma_start3A_185 = tpu.memref_squeeze %dma_start3A_184 : memref<1x128xi32, #tpu.memory_space<vmem>> -> memref<128xi32, #tpu.memory_space<vmem>>
      %dma_start3A_186 = arith.constant 0 : i32
      %dma_start3A_187 = arith.constant 0 : i32
      %dma_start3A_188 = tpu.memref_slice %arg12[%dma_start3A_186, %dma_start3A_187] : memref<10240x64xf32, #tpu.memory_space<vmem_shared>> -> memref<10240x64xf32, #tpu.memory_space<vmem_shared>>
      %dma_start3A_189 = tpu.memref_slice %arg14[%dma_start3A_182] : memref<3x!tpu.dma_semaphore, #tpu.memory_space<semaphore_mem>> -> memref<1x!tpu.dma_semaphore, #tpu.memory_space<semaphore_mem>>
      %dma_start3A_190 = tpu.memref_squeeze %dma_start3A_189 : memref<1x!tpu.dma_semaphore, #tpu.memory_space<semaphore_mem>> -> memref<!tpu.dma_semaphore, #tpu.memory_space<semaphore_mem>>
      tpu.enqueue_indirect_dma source(%arg10 : memref<128x64xf32, #tpu.memory_space<vmem>>) target(%dma_start3A_188 : memref<10240x64xf32, #tpu.memory_space<vmem_shared>>) offsets(%dma_start3A_185 : memref<128xi32, #tpu.memory_space<vmem>>) semaphore(%dma_start3A_190 : memref<!tpu.dma_semaphore, #tpu.memory_space<semaphore_mem>>) {add = true}
      %add3A_191 = arith.constant 2 : i32
      %add3A_192 = arith.addi %add3A_161, %add3A_191 : i32
      %dma_start3A_193 = arith.constant 0 : i32
      %dma_start3A_194 = arith.constant 0 : i32
      %dma_start3A_195 = tpu.memref_slice %arg7[%add3A_192, %dma_start3A_194] : memref<255x128xi32, #tpu.memory_space<vmem>> -> memref<1x128xi32, #tpu.memory_space<vmem>>
      %dma_start3A_196 = tpu.memref_squeeze %dma_start3A_195 : memref<1x128xi32, #tpu.memory_space<vmem>> -> memref<128xi32, #tpu.memory_space<vmem>>
      %dma_start3A_197 = arith.constant 0 : i32
      %dma_start3A_198 = arith.constant 0 : i32
      %dma_start3A_199 = tpu.memref_slice %arg4[%dma_start3A_197, %dma_start3A_198] : memref<10000x64xf32, #tpu.memory_space<hbm>> -> memref<10000x64xf32, #tpu.memory_space<hbm>>
      %dma_start3A_200 = tpu.memref_slice %arg13[%dma_start3A_193] : memref<3x!tpu.dma_semaphore, #tpu.memory_space<semaphore_mem>> -> memref<1x!tpu.dma_semaphore, #tpu.memory_space<semaphore_mem>>
      %dma_start3A_201 = tpu.memref_squeeze %dma_start3A_200 : memref<1x!tpu.dma_semaphore, #tpu.memory_space<semaphore_mem>> -> memref<!tpu.dma_semaphore, #tpu.memory_space<semaphore_mem>>
      tpu.enqueue_indirect_dma source(%dma_start3A_199 : memref<10000x64xf32, #tpu.memory_space<hbm>>) target(%arg9 : memref<128x64xf32, #tpu.memory_space<vmem>>) offsets(%dma_start3A_196 : memref<128xi32, #tpu.memory_space<vmem>>) semaphore(%dma_start3A_201 : memref<!tpu.dma_semaphore, #tpu.memory_space<semaphore_mem>>)
      %add3A_202 = arith.constant 1 : i32
      %add3A_203 = arith.addi %add3A_159, %add3A_202 : i32
      %sub3A_204 = arith.constant 1 : i32
      %sub3A_205 = arith.subi %add3A_203, %sub3A_204 : i32
      %dma_wait3A_206 = arith.constant 1 : i32
      %dma_wait3A_207 = arith.constant 0 : i32
      %dma_wait3A_208 = tpu.memref_slice %arg8[%sub3A_205, %dma_wait3A_207] : memref<255x128xi32, #tpu.memory_space<vmem>> -> memref<1x128xi32, #tpu.memory_space<vmem>>
      %dma_wait3A_209 = tpu.memref_squeeze %dma_wait3A_208 : memref<1x128xi32, #tpu.memory_space<vmem>> -> memref<128xi32, #tpu.memory_space<vmem>>
      %dma_wait3A_210 = arith.constant 0 : i32
      %dma_wait3A_211 = arith.constant 0 : i32
      %dma_wait3A_212 = tpu.memref_slice %arg12[%dma_wait3A_210, %dma_wait3A_211] : memref<10240x64xf32, #tpu.memory_space<vmem_shared>> -> memref<10240x64xf32, #tpu.memory_space<vmem_shared>>
      %dma_wait3A_213 = tpu.memref_slice %arg14[%dma_wait3A_206] : memref<3x!tpu.dma_semaphore, #tpu.memory_space<semaphore_mem>> -> memref<1x!tpu.dma_semaphore, #tpu.memory_space<semaphore_mem>>
      %dma_wait3A_214 = tpu.memref_squeeze %dma_wait3A_213 : memref<1x!tpu.dma_semaphore, #tpu.memory_space<semaphore_mem>> -> memref<!tpu.dma_semaphore, #tpu.memory_space<semaphore_mem>>
      tpu.wait_indirect_dma semaphore(%dma_wait3A_214 : memref<!tpu.dma_semaphore, #tpu.memory_space<semaphore_mem>>) src(%arg10 : memref<128x64xf32, #tpu.memory_space<vmem>>) dst(%dma_wait3A_212 : memref<10240x64xf32, #tpu.memory_space<vmem_shared>>)
      %dma_wait3A_215 = arith.constant 2 : i32
      %dma_wait3A_216 = arith.constant 0 : i32
      %dma_wait3A_217 = tpu.memref_slice %arg7[%add3A_203, %dma_wait3A_216] : memref<255x128xi32, #tpu.memory_space<vmem>> -> memref<1x128xi32, #tpu.memory_space<vmem>>
      %dma_wait3A_218 = tpu.memref_squeeze %dma_wait3A_217 : memref<1x128xi32, #tpu.memory_space<vmem>> -> memref<128xi32, #tpu.memory_space<vmem>>
      %dma_wait3A_219 = arith.constant 0 : i32
      %dma_wait3A_220 = arith.constant 0 : i32
      %dma_wait3A_221 = tpu.memref_slice %arg4[%dma_wait3A_219, %dma_wait3A_220] : memref<10000x64xf32, #tpu.memory_space<hbm>> -> memref<10000x64xf32, #tpu.memory_space<hbm>>
      %dma_wait3A_222 = tpu.memref_slice %arg13[%dma_wait3A_215] : memref<3x!tpu.dma_semaphore, #tpu.memory_space<semaphore_mem>> -> memref<1x!tpu.dma_semaphore, #tpu.memory_space<semaphore_mem>>
      %dma_wait3A_223 = tpu.memref_squeeze %dma_wait3A_222 : memref<1x!tpu.dma_semaphore, #tpu.memory_space<semaphore_mem>> -> memref<!tpu.dma_semaphore, #tpu.memory_space<semaphore_mem>>
      tpu.wait_indirect_dma semaphore(%dma_wait3A_223 : memref<!tpu.dma_semaphore, #tpu.memory_space<semaphore_mem>>) src(%dma_wait3A_221 : memref<10000x64xf32, #tpu.memory_space<hbm>>) dst(%arg11 : memref<128x64xf32, #tpu.memory_space<vmem>>)
      %dma_start3A_224 = arith.constant 2 : i32
      %dma_start3A_225 = arith.constant 0 : i32
      %dma_start3A_226 = tpu.memref_slice %arg8[%add3A_203, %dma_start3A_225] : memref<255x128xi32, #tpu.memory_space<vmem>> -> memref<1x128xi32, #tpu.memory_space<vmem>>
      %dma_start3A_227 = tpu.memref_squeeze %dma_start3A_226 : memref<1x128xi32, #tpu.memory_space<vmem>> -> memref<128xi32, #tpu.memory_space<vmem>>
      %dma_start3A_228 = arith.constant 0 : i32
      %dma_start3A_229 = arith.constant 0 : i32
      %dma_start3A_230 = tpu.memref_slice %arg12[%dma_start3A_228, %dma_start3A_229] : memref<10240x64xf32, #tpu.memory_space<vmem_shared>> -> memref<10240x64xf32, #tpu.memory_space<vmem_shared>>
      %dma_start3A_231 = tpu.memref_slice %arg14[%dma_start3A_224] : memref<3x!tpu.dma_semaphore, #tpu.memory_space<semaphore_mem>> -> memref<1x!tpu.dma_semaphore, #tpu.memory_space<semaphore_mem>>
      %dma_start3A_232 = tpu.memref_squeeze %dma_start3A_231 : memref<1x!tpu.dma_semaphore, #tpu.memory_space<semaphore_mem>> -> memref<!tpu.dma_semaphore, #tpu.memory_space<semaphore_mem>>
      tpu.enqueue_indirect_dma source(%arg11 : memref<128x64xf32, #tpu.memory_space<vmem>>) target(%dma_start3A_230 : memref<10240x64xf32, #tpu.memory_space<vmem_shared>>) offsets(%dma_start3A_227 : memref<128xi32, #tpu.memory_space<vmem>>) semaphore(%dma_start3A_232 : memref<!tpu.dma_semaphore, #tpu.memory_space<semaphore_mem>>) {add = true}
      %add3A_233 = arith.constant 2 : i32
      %add3A_234 = arith.addi %add3A_203, %add3A_233 : i32
      %dma_start3A_235 = arith.constant 1 : i32
      %dma_start3A_236 = arith.constant 0 : i32
      %dma_start3A_237 = tpu.memref_slice %arg7[%add3A_234, %dma_start3A_236] : memref<255x128xi32, #tpu.memory_space<vmem>> -> memref<1x128xi32, #tpu.memory_space<vmem>>
      %dma_start3A_238 = tpu.memref_squeeze %dma_start3A_237 : memref<1x128xi32, #tpu.memory_space<vmem>> -> memref<128xi32, #tpu.memory_space<vmem>>
      %dma_start3A_239 = arith.constant 0 : i32
      %dma_start3A_240 = arith.constant 0 : i32
      %dma_start3A_241 = tpu.memref_slice %arg4[%dma_start3A_239, %dma_start3A_240] : memref<10000x64xf32, #tpu.memory_space<hbm>> -> memref<10000x64xf32, #tpu.memory_space<hbm>>
      %dma_start3A_242 = tpu.memref_slice %arg13[%dma_start3A_235] : memref<3x!tpu.dma_semaphore, #tpu.memory_space<semaphore_mem>> -> memref<1x!tpu.dma_semaphore, #tpu.memory_space<semaphore_mem>>
      %dma_start3A_243 = tpu.memref_squeeze %dma_start3A_242 : memref<1x!tpu.dma_semaphore, #tpu.memory_space<semaphore_mem>> -> memref<!tpu.dma_semaphore, #tpu.memory_space<semaphore_mem>>
      tpu.enqueue_indirect_dma source(%dma_start3A_241 : memref<10000x64xf32, #tpu.memory_space<hbm>>) target(%arg10 : memref<128x64xf32, #tpu.memory_space<vmem>>) offsets(%dma_start3A_238 : memref<128xi32, #tpu.memory_space<vmem>>) semaphore(%dma_start3A_243 : memref<!tpu.dma_semaphore, #tpu.memory_space<semaphore_mem>>)
      %add3A_244 = arith.constant 2 : i32
      %add3A_245 = arith.addi %add3A_159, %add3A_244 : i32
      %sub3A_246 = arith.constant 1 : i32
      %sub3A_247 = arith.subi %add3A_245, %sub3A_246 : i32
      %dma_wait3A_248 = arith.constant 2 : i32
      %dma_wait3A_249 = arith.constant 0 : i32
      %dma_wait3A_250 = tpu.memref_slice %arg8[%sub3A_247, %dma_wait3A_249] : memref<255x128xi32, #tpu.memory_space<vmem>> -> memref<1x128xi32, #tpu.memory_space<vmem>>
      %dma_wait3A_251 = tpu.memref_squeeze %dma_wait3A_250 : memref<1x128xi32, #tpu.memory_space<vmem>> -> memref<128xi32, #tpu.memory_space<vmem>>
      %dma_wait3A_252 = arith.constant 0 : i32
      %dma_wait3A_253 = arith.constant 0 : i32
      %dma_wait3A_254 = tpu.memref_slice %arg12[%dma_wait3A_252, %dma_wait3A_253] : memref<10240x64xf32, #tpu.memory_space<vmem_shared>> -> memref<10240x64xf32, #tpu.memory_space<vmem_shared>>
      %dma_wait3A_255 = tpu.memref_slice %arg14[%dma_wait3A_248] : memref<3x!tpu.dma_semaphore, #tpu.memory_space<semaphore_mem>> -> memref<1x!tpu.dma_semaphore, #tpu.memory_space<semaphore_mem>>
      %dma_wait3A_256 = tpu.memref_squeeze %dma_wait3A_255 : memref<1x!tpu.dma_semaphore, #tpu.memory_space<semaphore_mem>> -> memref<!tpu.dma_semaphore, #tpu.memory_space<semaphore_mem>>
      tpu.wait_indirect_dma semaphore(%dma_wait3A_256 : memref<!tpu.dma_semaphore, #tpu.memory_space<semaphore_mem>>) src(%arg11 : memref<128x64xf32, #tpu.memory_space<vmem>>) dst(%dma_wait3A_254 : memref<10240x64xf32, #tpu.memory_space<vmem_shared>>)
      %dma_wait3A_257 = arith.constant 0 : i32
      %dma_wait3A_258 = arith.constant 0 : i32
      %dma_wait3A_259 = tpu.memref_slice %arg7[%add3A_245, %dma_wait3A_258] : memref<255x128xi32, #tpu.memory_space<vmem>> -> memref<1x128xi32, #tpu.memory_space<vmem>>
      %dma_wait3A_260 = tpu.memref_squeeze %dma_wait3A_259 : memref<1x128xi32, #tpu.memory_space<vmem>> -> memref<128xi32, #tpu.memory_space<vmem>>
      %dma_wait3A_261 = arith.constant 0 : i32
      %dma_wait3A_262 = arith.constant 0 : i32
      %dma_wait3A_263 = tpu.memref_slice %arg4[%dma_wait3A_261, %dma_wait3A_262] : memref<10000x64xf32, #tpu.memory_space<hbm>> -> memref<10000x64xf32, #tpu.memory_space<hbm>>
      %dma_wait3A_264 = tpu.memref_slice %arg13[%dma_wait3A_257] : memref<3x!tpu.dma_semaphore, #tpu.memory_space<semaphore_mem>> -> memref<1x!tpu.dma_semaphore, #tpu.memory_space<semaphore_mem>>
      %dma_wait3A_265 = tpu.memref_squeeze %dma_wait3A_264 : memref<1x!tpu.dma_semaphore, #tpu.memory_space<semaphore_mem>> -> memref<!tpu.dma_semaphore, #tpu.memory_space<semaphore_mem>>
      tpu.wait_indirect_dma semaphore(%dma_wait3A_265 : memref<!tpu.dma_semaphore, #tpu.memory_space<semaphore_mem>>) src(%dma_wait3A_263 : memref<10000x64xf32, #tpu.memory_space<hbm>>) dst(%arg9 : memref<128x64xf32, #tpu.memory_space<vmem>>)
      %dma_start3A_266 = arith.constant 0 : i32
      %dma_start3A_267 = arith.constant 0 : i32
      %dma_start3A_268 = tpu.memref_slice %arg8[%add3A_245, %dma_start3A_267] : memref<255x128xi32, #tpu.memory_space<vmem>> -> memref<1x128xi32, #tpu.memory_space<vmem>>
      %dma_start3A_269 = tpu.memref_squeeze %dma_start3A_268 : memref<1x128xi32, #tpu.memory_space<vmem>> -> memref<128xi32, #tpu.memory_space<vmem>>
      %dma_start3A_270 = arith.constant 0 : i32
      %dma_start3A_271 = arith.constant 0 : i32
      %dma_start3A_272 = tpu.memref_slice %arg12[%dma_start3A_270, %dma_start3A_271] : memref<10240x64xf32, #tpu.memory_space<vmem_shared>> -> memref<10240x64xf32, #tpu.memory_space<vmem_shared>>
      %dma_start3A_273 = tpu.memref_slice %arg14[%dma_start3A_266] : memref<3x!tpu.dma_semaphore, #tpu.memory_space<semaphore_mem>> -> memref<1x!tpu.dma_semaphore, #tpu.memory_space<semaphore_mem>>
      %dma_start3A_274 = tpu.memref_squeeze %dma_start3A_273 : memref<1x!tpu.dma_semaphore, #tpu.memory_space<semaphore_mem>> -> memref<!tpu.dma_semaphore, #tpu.memory_space<semaphore_mem>>
      tpu.enqueue_indirect_dma source(%arg9 : memref<128x64xf32, #tpu.memory_space<vmem>>) target(%dma_start3A_272 : memref<10240x64xf32, #tpu.memory_space<vmem_shared>>) offsets(%dma_start3A_269 : memref<128xi32, #tpu.memory_space<vmem>>) semaphore(%dma_start3A_274 : memref<!tpu.dma_semaphore, #tpu.memory_space<semaphore_mem>>) {add = true}
      %add3A_275 = arith.constant 2 : i32
      %add3A_276 = arith.addi %add3A_245, %add3A_275 : i32
      %dma_start3A_277 = arith.constant 2 : i32
      %dma_start3A_278 = arith.constant 0 : i32
      %dma_start3A_279 = tpu.memref_slice %arg7[%add3A_276, %dma_start3A_278] : memref<255x128xi32, #tpu.memory_space<vmem>> -> memref<1x128xi32, #tpu.memory_space<vmem>>
      %dma_start3A_280 = tpu.memref_squeeze %dma_start3A_279 : memref<1x128xi32, #tpu.memory_space<vmem>> -> memref<128xi32, #tpu.memory_space<vmem>>
      %dma_start3A_281 = arith.constant 0 : i32
      %dma_start3A_282 = arith.constant 0 : i32
      %dma_start3A_283 = tpu.memref_slice %arg4[%dma_start3A_281, %dma_start3A_282] : memref<10000x64xf32, #tpu.memory_space<hbm>> -> memref<10000x64xf32, #tpu.memory_space<hbm>>
      %dma_start3A_284 = tpu.memref_slice %arg13[%dma_start3A_277] : memref<3x!tpu.dma_semaphore, #tpu.memory_space<semaphore_mem>> -> memref<1x!tpu.dma_semaphore, #tpu.memory_space<semaphore_mem>>
      %dma_start3A_285 = tpu.memref_squeeze %dma_start3A_284 : memref<1x!tpu.dma_semaphore, #tpu.memory_space<semaphore_mem>> -> memref<!tpu.dma_semaphore, #tpu.memory_space<semaphore_mem>>
      tpu.enqueue_indirect_dma source(%dma_start3A_283 : memref<10000x64xf32, #tpu.memory_space<hbm>>) target(%arg11 : memref<128x64xf32, #tpu.memory_space<vmem>>) offsets(%dma_start3A_280 : memref<128xi32, #tpu.memory_space<vmem>>) semaphore(%dma_start3A_285 : memref<!tpu.dma_semaphore, #tpu.memory_space<semaphore_mem>>)
    }
    %while3A_72 = arith.constant 1 : i32
    scf.for %while3A_157 = %while3A_70 to %while3A_66 step %while3A_72  : i32 {
      %mul3A_158 = arith.muli %while3A_157, %while3A : i32
      %add3A_159 = arith.addi %while3A_63, %mul3A_158 : i32
      %add3A_160 = arith.constant 0 : i32
      %add3A_161 = arith.addi %add3A_159, %add3A_160 : i32
      %sub3A_162 = arith.constant 1 : i32
      %sub3A_163 = arith.subi %add3A_161, %sub3A_162 : i32
      %dma_wait3A_164 = arith.constant 0 : i32
      %dma_wait3A_165 = arith.constant 0 : i32
      %dma_wait3A_166 = tpu.memref_slice %arg8[%sub3A_163, %dma_wait3A_165] : memref<255x128xi32, #tpu.memory_space<vmem>> -> memref<1x128xi32, #tpu.memory_space<vmem>>
      %dma_wait3A_167 = tpu.memref_squeeze %dma_wait3A_166 : memref<1x128xi32, #tpu.memory_space<vmem>> -> memref<128xi32, #tpu.memory_space<vmem>>
      %dma_wait3A_168 = arith.constant 0 : i32
      %dma_wait3A_169 = arith.constant 0 : i32
      %dma_wait3A_170 = tpu.memref_slice %arg12[%dma_wait3A_168, %dma_wait3A_169] : memref<10240x64xf32, #tpu.memory_space<vmem_shared>> -> memref<10240x64xf32, #tpu.memory_space<vmem_shared>>
      %dma_wait3A_171 = tpu.memref_slice %arg14[%dma_wait3A_164] : memref<3x!tpu.dma_semaphore, #tpu.memory_space<semaphore_mem>> -> memref<1x!tpu.dma_semaphore, #tpu.memory_space<semaphore_mem>>
      %dma_wait3A_172 = tpu.memref_squeeze %dma_wait3A_171 : memref<1x!tpu.dma_semaphore, #tpu.memory_space<semaphore_mem>> -> memref<!tpu.dma_semaphore, #tpu.memory_space<semaphore_mem>>
      tpu.wait_indirect_dma semaphore(%dma_wait3A_172 : memref<!tpu.dma_semaphore, #tpu.memory_space<semaphore_mem>>) src(%arg9 : memref<128x64xf32, #tpu.memory_space<vmem>>) dst(%dma_wait3A_170 : memref<10240x64xf32, #tpu.memory_space<vmem_shared>>)
      %dma_wait3A_173 = arith.constant 1 : i32
      %dma_wait3A_174 = arith.constant 0 : i32
      %dma_wait3A_175 = tpu.memref_slice %arg7[%add3A_161, %dma_wait3A_174] : memref<255x128xi32, #tpu.memory_space<vmem>> -> memref<1x128xi32, #tpu.memory_space<vmem>>
      %dma_wait3A_176 = tpu.memref_squeeze %dma_wait3A_175 : memref<1x128xi32, #tpu.memory_space<vmem>> -> memref<128xi32, #tpu.memory_space<vmem>>
      %dma_wait3A_177 = arith.constant 0 : i32
      %dma_wait3A_178 = arith.constant 0 : i32
      %dma_wait3A_179 = tpu.memref_slice %arg4[%dma_wait3A_177, %dma_wait3A_178] : memref<10000x64xf32, #tpu.memory_space<hbm>> -> memref<10000x64xf32, #tpu.memory_space<hbm>>
      %dma_wait3A_180 = tpu.memref_slice %arg13[%dma_wait3A_173] : memref<3x!tpu.dma_semaphore, #tpu.memory_space<semaphore_mem>> -> memref<1x!tpu.dma_semaphore, #tpu.memory_space<semaphore_mem>>
      %dma_wait3A_181 = tpu.memref_squeeze %dma_wait3A_180 : memref<1x!tpu.dma_semaphore, #tpu.memory_space<semaphore_mem>> -> memref<!tpu.dma_semaphore, #tpu.memory_space<semaphore_mem>>
      tpu.wait_indirect_dma semaphore(%dma_wait3A_181 : memref<!tpu.dma_semaphore, #tpu.memory_space<semaphore_mem>>) src(%dma_wait3A_179 : memref<10000x64xf32, #tpu.memory_space<hbm>>) dst(%arg10 : memref<128x64xf32, #tpu.memory_space<vmem>>)
      %dma_start3A_182 = arith.constant 1 : i32
      %dma_start3A_183 = arith.constant 0 : i32
      %dma_start3A_184 = tpu.memref_slice %arg8[%add3A_161, %dma_start3A_183] : memref<255x128xi32, #tpu.memory_space<vmem>> -> memref<1x128xi32, #tpu.memory_space<vmem>>
      %dma_start3A_185 = tpu.memref_squeeze %dma_start3A_184 : memref<1x128xi32, #tpu.memory_space<vmem>> -> memref<128xi32, #tpu.memory_space<vmem>>
      %dma_start3A_186 = arith.constant 0 : i32
      %dma_start3A_187 = arith.constant 0 : i32
      %dma_start3A_188 = tpu.memref_slice %arg12[%dma_start3A_186, %dma_start3A_187] : memref<10240x64xf32, #tpu.memory_space<vmem_shared>> -> memref<10240x64xf32, #tpu.memory_space<vmem_shared>>
      %dma_start3A_189 = tpu.memref_slice %arg14[%dma_start3A_182] : memref<3x!tpu.dma_semaphore, #tpu.memory_space<semaphore_mem>> -> memref<1x!tpu.dma_semaphore, #tpu.memory_space<semaphore_mem>>
      %dma_start3A_190 = tpu.memref_squeeze %dma_start3A_189 : memref<1x!tpu.dma_semaphore, #tpu.memory_space<semaphore_mem>> -> memref<!tpu.dma_semaphore, #tpu.memory_space<semaphore_mem>>
      tpu.enqueue_indirect_dma source(%arg10 : memref<128x64xf32, #tpu.memory_space<vmem>>) target(%dma_start3A_188 : memref<10240x64xf32, #tpu.memory_space<vmem_shared>>) offsets(%dma_start3A_185 : memref<128xi32, #tpu.memory_space<vmem>>) semaphore(%dma_start3A_190 : memref<!tpu.dma_semaphore, #tpu.memory_space<semaphore_mem>>) {add = true}
      %add3A_191 = arith.constant 2 : i32
      %add3A_192 = arith.addi %add3A_161, %add3A_191 : i32
      %dma_start3A_193 = arith.constant 0 : i32
      %dma_start3A_194 = arith.constant 0 : i32
      %dma_start3A_195 = tpu.memref_slice %arg7[%add3A_192, %dma_start3A_194] : memref<255x128xi32, #tpu.memory_space<vmem>> -> memref<1x128xi32, #tpu.memory_space<vmem>>
      %dma_start3A_196 = tpu.memref_squeeze %dma_start3A_195 : memref<1x128xi32, #tpu.memory_space<vmem>> -> memref<128xi32, #tpu.memory_space<vmem>>
      %dma_start3A_197 = arith.constant 0 : i32
      %dma_start3A_198 = arith.constant 0 : i32
      %dma_start3A_199 = tpu.memref_slice %arg4[%dma_start3A_197, %dma_start3A_198] : memref<10000x64xf32, #tpu.memory_space<hbm>> -> memref<10000x64xf32, #tpu.memory_space<hbm>>
      %dma_start3A_200 = tpu.memref_slice %arg13[%dma_start3A_193] : memref<3x!tpu.dma_semaphore, #tpu.memory_space<semaphore_mem>> -> memref<1x!tpu.dma_semaphore, #tpu.memory_space<semaphore_mem>>
      %dma_start3A_201 = tpu.memref_squeeze %dma_start3A_200 : memref<1x!tpu.dma_semaphore, #tpu.memory_space<semaphore_mem>> -> memref<!tpu.dma_semaphore, #tpu.memory_space<semaphore_mem>>
      tpu.enqueue_indirect_dma source(%dma_start3A_199 : memref<10000x64xf32, #tpu.memory_space<hbm>>) target(%arg9 : memref<128x64xf32, #tpu.memory_space<vmem>>) offsets(%dma_start3A_196 : memref<128xi32, #tpu.memory_space<vmem>>) semaphore(%dma_start3A_201 : memref<!tpu.dma_semaphore, #tpu.memory_space<semaphore_mem>>)
      %add3A_202 = arith.constant 1 : i32
      %add3A_203 = arith.addi %add3A_159, %add3A_202 : i32
      %sub3A_204 = arith.constant 1 : i32
      %sub3A_205 = arith.subi %add3A_203, %sub3A_204 : i32
      %dma_wait3A_206 = arith.constant 1 : i32
      %dma_wait3A_207 = arith.constant 0 : i32
      %dma_wait3A_208 = tpu.memref_slice %arg8[%sub3A_205, %dma_wait3A_207] : memref<255x128xi32, #tpu.memory_space<vmem>> -> memref<1x128xi32, #tpu.memory_space<vmem>>
      %dma_wait3A_209 = tpu.memref_squeeze %dma_wait3A_208 : memref<1x128xi32, #tpu.memory_space<vmem>> -> memref<128xi32, #tpu.memory_space<vmem>>
      %dma_wait3A_210 = arith.constant 0 : i32
      %dma_wait3A_211 = arith.constant 0 : i32
      %dma_wait3A_212 = tpu.memref_slice %arg12[%dma_wait3A_210, %dma_wait3A_211] : memref<10240x64xf32, #tpu.memory_space<vmem_shared>> -> memref<10240x64xf32, #tpu.memory_space<vmem_shared>>
      %dma_wait3A_213 = tpu.memref_slice %arg14[%dma_wait3A_206] : memref<3x!tpu.dma_semaphore, #tpu.memory_space<semaphore_mem>> -> memref<1x!tpu.dma_semaphore, #tpu.memory_space<semaphore_mem>>
      %dma_wait3A_214 = tpu.memref_squeeze %dma_wait3A_213 : memref<1x!tpu.dma_semaphore, #tpu.memory_space<semaphore_mem>> -> memref<!tpu.dma_semaphore, #tpu.memory_space<semaphore_mem>>
      tpu.wait_indirect_dma semaphore(%dma_wait3A_214 : memref<!tpu.dma_semaphore, #tpu.memory_space<semaphore_mem>>) src(%arg10 : memref<128x64xf32, #tpu.memory_space<vmem>>) dst(%dma_wait3A_212 : memref<10240x64xf32, #tpu.memory_space<vmem_shared>>)
      %dma_wait3A_215 = arith.constant 2 : i32
      %dma_wait3A_216 = arith.constant 0 : i32
      %dma_wait3A_217 = tpu.memref_slice %arg7[%add3A_203, %dma_wait3A_216] : memref<255x128xi32, #tpu.memory_space<vmem>> -> memref<1x128xi32, #tpu.memory_space<vmem>>
      %dma_wait3A_218 = tpu.memref_squeeze %dma_wait3A_217 : memref<1x128xi32, #tpu.memory_space<vmem>> -> memref<128xi32, #tpu.memory_space<vmem>>
      %dma_wait3A_219 = arith.constant 0 : i32
      %dma_wait3A_220 = arith.constant 0 : i32
      %dma_wait3A_221 = tpu.memref_slice %arg4[%dma_wait3A_219, %dma_wait3A_220] : memref<10000x64xf32, #tpu.memory_space<hbm>> -> memref<10000x64xf32, #tpu.memory_space<hbm>>
      %dma_wait3A_222 = tpu.memref_slice %arg13[%dma_wait3A_215] : memref<3x!tpu.dma_semaphore, #tpu.memory_space<semaphore_mem>> -> memref<1x!tpu.dma_semaphore, #tpu.memory_space<semaphore_mem>>
      %dma_wait3A_223 = tpu.memref_squeeze %dma_wait3A_222 : memref<1x!tpu.dma_semaphore, #tpu.memory_space<semaphore_mem>> -> memref<!tpu.dma_semaphore, #tpu.memory_space<semaphore_mem>>
      tpu.wait_indirect_dma semaphore(%dma_wait3A_223 : memref<!tpu.dma_semaphore, #tpu.memory_space<semaphore_mem>>) src(%dma_wait3A_221 : memref<10000x64xf32, #tpu.memory_space<hbm>>) dst(%arg11 : memref<128x64xf32, #tpu.memory_space<vmem>>)
      %dma_start3A_224 = arith.constant 2 : i32
      %dma_start3A_225 = arith.constant 0 : i32
      %dma_start3A_226 = tpu.memref_slice %arg8[%add3A_203, %dma_start3A_225] : memref<255x128xi32, #tpu.memory_space<vmem>> -> memref<1x128xi32, #tpu.memory_space<vmem>>
      %dma_start3A_227 = tpu.memref_squeeze %dma_start3A_226 : memref<1x128xi32, #tpu.memory_space<vmem>> -> memref<128xi32, #tpu.memory_space<vmem>>
      %dma_start3A_228 = arith.constant 0 : i32
      %dma_start3A_229 = arith.constant 0 : i32
      %dma_start3A_230 = tpu.memref_slice %arg12[%dma_start3A_228, %dma_start3A_229] : memref<10240x64xf32, #tpu.memory_space<vmem_shared>> -> memref<10240x64xf32, #tpu.memory_space<vmem_shared>>
      %dma_start3A_231 = tpu.memref_slice %arg14[%dma_start3A_224] : memref<3x!tpu.dma_semaphore, #tpu.memory_space<semaphore_mem>> -> memref<1x!tpu.dma_semaphore, #tpu.memory_space<semaphore_mem>>
      %dma_start3A_232 = tpu.memref_squeeze %dma_start3A_231 : memref<1x!tpu.dma_semaphore, #tpu.memory_space<semaphore_mem>> -> memref<!tpu.dma_semaphore, #tpu.memory_space<semaphore_mem>>
      tpu.enqueue_indirect_dma source(%arg11 : memref<128x64xf32, #tpu.memory_space<vmem>>) target(%dma_start3A_230 : memref<10240x64xf32, #tpu.memory_space<vmem_shared>>) offsets(%dma_start3A_227 : memref<128xi32, #tpu.memory_space<vmem>>) semaphore(%dma_start3A_232 : memref<!tpu.dma_semaphore, #tpu.memory_space<semaphore_mem>>) {add = true}
      %add3A_233 = arith.constant 2 : i32
      %add3A_234 = arith.addi %add3A_203, %add3A_233 : i32
      %dma_start3A_235 = arith.constant 1 : i32
      %dma_start3A_236 = arith.constant 0 : i32
      %dma_start3A_237 = tpu.memref_slice %arg7[%add3A_234, %dma_start3A_236] : memref<255x128xi32, #tpu.memory_space<vmem>> -> memref<1x128xi32, #tpu.memory_space<vmem>>
      %dma_start3A_238 = tpu.memref_squeeze %dma_start3A_237 : memref<1x128xi32, #tpu.memory_space<vmem>> -> memref<128xi32, #tpu.memory_space<vmem>>
      %dma_start3A_239 = arith.constant 0 : i32
      %dma_start3A_240 = arith.constant 0 : i32
      %dma_start3A_241 = tpu.memref_slice %arg4[%dma_start3A_239, %dma_start3A_240] : memref<10000x64xf32, #tpu.memory_space<hbm>> -> memref<10000x64xf32, #tpu.memory_space<hbm>>
      %dma_start3A_242 = tpu.memref_slice %arg13[%dma_start3A_235] : memref<3x!tpu.dma_semaphore, #tpu.memory_space<semaphore_mem>> -> memref<1x!tpu.dma_semaphore, #tpu.memory_space<semaphore_mem>>
      %dma_start3A_243 = tpu.memref_squeeze %dma_start3A_242 : memref<1x!tpu.dma_semaphore, #tpu.memory_space<semaphore_mem>> -> memref<!tpu.dma_semaphore, #tpu.memory_space<semaphore_mem>>
      tpu.enqueue_indirect_dma source(%dma_start3A_241 : memref<10000x64xf32, #tpu.memory_space<hbm>>) target(%arg10 : memref<128x64xf32, #tpu.memory_space<vmem>>) offsets(%dma_start3A_238 : memref<128xi32, #tpu.memory_space<vmem>>) semaphore(%dma_start3A_243 : memref<!tpu.dma_semaphore, #tpu.memory_space<semaphore_mem>>)
      %add3A_244 = arith.constant 2 : i32
      %add3A_245 = arith.addi %add3A_159, %add3A_244 : i32
      %sub3A_246 = arith.constant 1 : i32
      %sub3A_247 = arith.subi %add3A_245, %sub3A_246 : i32
      %dma_wait3A_248 = arith.constant 2 : i32
      %dma_wait3A_249 = arith.constant 0 : i32
      %dma_wait3A_250 = tpu.memref_slice %arg8[%sub3A_247, %dma_wait3A_249] : memref<255x128xi32, #tpu.memory_space<vmem>> -> memref<1x128xi32, #tpu.memory_space<vmem>>
      %dma_wait3A_251 = tpu.memref_squeeze %dma_wait3A_250 : memref<1x128xi32, #tpu.memory_space<vmem>> -> memref<128xi32, #tpu.memory_space<vmem>>
      %dma_wait3A_252 = arith.constant 0 : i32
      %dma_wait3A_253 = arith.constant 0 : i32
      %dma_wait3A_254 = tpu.memref_slice %arg12[%dma_wait3A_252, %dma_wait3A_253] : memref<10240x64xf32, #tpu.memory_space<vmem_shared>> -> memref<10240x64xf32, #tpu.memory_space<vmem_shared>>
      %dma_wait3A_255 = tpu.memref_slice %arg14[%dma_wait3A_248] : memref<3x!tpu.dma_semaphore, #tpu.memory_space<semaphore_mem>> -> memref<1x!tpu.dma_semaphore, #tpu.memory_space<semaphore_mem>>
      %dma_wait3A_256 = tpu.memref_squeeze %dma_wait3A_255 : memref<1x!tpu.dma_semaphore, #tpu.memory_space<semaphore_mem>> -> memref<!tpu.dma_semaphore, #tpu.memory_space<semaphore_mem>>
      tpu.wait_indirect_dma semaphore(%dma_wait3A_256 : memref<!tpu.dma_semaphore, #tpu.memory_space<semaphore_mem>>) src(%arg11 : memref<128x64xf32, #tpu.memory_space<vmem>>) dst(%dma_wait3A_254 : memref<10240x64xf32, #tpu.memory_space<vmem_shared>>)
      %dma_wait3A_257 = arith.constant 0 : i32
      %dma_wait3A_258 = arith.constant 0 : i32
      %dma_wait3A_259 = tpu.memref_slice %arg7[%add3A_245, %dma_wait3A_258] : memref<255x128xi32, #tpu.memory_space<vmem>> -> memref<1x128xi32, #tpu.memory_space<vmem>>
      %dma_wait3A_260 = tpu.memref_squeeze %dma_wait3A_259 : memref<1x128xi32, #tpu.memory_space<vmem>> -> memref<128xi32, #tpu.memory_space<vmem>>
      %dma_wait3A_261 = arith.constant 0 : i32
      %dma_wait3A_262 = arith.constant 0 : i32
      %dma_wait3A_263 = tpu.memref_slice %arg4[%dma_wait3A_261, %dma_wait3A_262] : memref<10000x64xf32, #tpu.memory_space<hbm>> -> memref<10000x64xf32, #tpu.memory_space<hbm>>
      %dma_wait3A_264 = tpu.memref_slice %arg13[%dma_wait3A_257] : memref<3x!tpu.dma_semaphore, #tpu.memory_space<semaphore_mem>> -> memref<1x!tpu.dma_semaphore, #tpu.memory_space<semaphore_mem>>
      %dma_wait3A_265 = tpu.memref_squeeze %dma_wait3A_264 : memref<1x!tpu.dma_semaphore, #tpu.memory_space<semaphore_mem>> -> memref<!tpu.dma_semaphore, #tpu.memory_space<semaphore_mem>>
      tpu.wait_indirect_dma semaphore(%dma_wait3A_265 : memref<!tpu.dma_semaphore, #tpu.memory_space<semaphore_mem>>) src(%dma_wait3A_263 : memref<10000x64xf32, #tpu.memory_space<hbm>>) dst(%arg9 : memref<128x64xf32, #tpu.memory_space<vmem>>)
      %dma_start3A_266 = arith.constant 0 : i32
      %dma_start3A_267 = arith.constant 0 : i32
      %dma_start3A_268 = tpu.memref_slice %arg8[%add3A_245, %dma_start3A_267] : memref<255x128xi32, #tpu.memory_space<vmem>> -> memref<1x128xi32, #tpu.memory_space<vmem>>
      %dma_start3A_269 = tpu.memref_squeeze %dma_start3A_268 : memref<1x128xi32, #tpu.memory_space<vmem>> -> memref<128xi32, #tpu.memory_space<vmem>>
      %dma_start3A_270 = arith.constant 0 : i32
      %dma_start3A_271 = arith.constant 0 : i32
      %dma_start3A_272 = tpu.memref_slice %arg12[%dma_start3A_270, %dma_start3A_271] : memref<10240x64xf32, #tpu.memory_space<vmem_shared>> -> memref<10240x64xf32, #tpu.memory_space<vmem_shared>>
      %dma_start3A_273 = tpu.memref_slice %arg14[%dma_start3A_266] : memref<3x!tpu.dma_semaphore, #tpu.memory_space<semaphore_mem>> -> memref<1x!tpu.dma_semaphore, #tpu.memory_space<semaphore_mem>>
      %dma_start3A_274 = tpu.memref_squeeze %dma_start3A_273 : memref<1x!tpu.dma_semaphore, #tpu.memory_space<semaphore_mem>> -> memref<!tpu.dma_semaphore, #tpu.memory_space<semaphore_mem>>
      tpu.enqueue_indirect_dma source(%arg9 : memref<128x64xf32, #tpu.memory_space<vmem>>) target(%dma_start3A_272 : memref<10240x64xf32, #tpu.memory_space<vmem_shared>>) offsets(%dma_start3A_269 : memref<128xi32, #tpu.memory_space<vmem>>) semaphore(%dma_start3A_274 : memref<!tpu.dma_semaphore, #tpu.memory_space<semaphore_mem>>) {add = true}
      %add3A_275 = arith.constant 2 : i32
      %add3A_276 = arith.addi %add3A_245, %add3A_275 : i32
      %dma_start3A_277 = arith.constant 2 : i32
      %dma_start3A_278 = arith.constant 0 : i32
      %dma_start3A_279 = tpu.memref_slice %arg7[%add3A_276, %dma_start3A_278] : memref<255x128xi32, #tpu.memory_space<vmem>> -> memref<1x128xi32, #tpu.memory_space<vmem>>
      %dma_start3A_280 = tpu.memref_squeeze %dma_start3A_279 : memref<1x128xi32, #tpu.memory_space<vmem>> -> memref<128xi32, #tpu.memory_space<vmem>>
      %dma_start3A_281 = arith.constant 0 : i32
      %dma_start3A_282 = arith.constant 0 : i32
      %dma_start3A_283 = tpu.memref_slice %arg4[%dma_start3A_281, %dma_start3A_282] : memref<10000x64xf32, #tpu.memory_space<hbm>> -> memref<10000x64xf32, #tpu.memory_space<hbm>>
      %dma_start3A_284 = tpu.memref_slice %arg13[%dma_start3A_277] : memref<3x!tpu.dma_semaphore, #tpu.memory_space<semaphore_mem>> -> memref<1x!tpu.dma_semaphore, #tpu.memory_space<semaphore_mem>>
      %dma_start3A_285 = tpu.memref_squeeze %dma_start3A_284 : memref<1x!tpu.dma_semaphore, #tpu.memory_space<semaphore_mem>> -> memref<!tpu.dma_semaphore, #tpu.memory_space<semaphore_mem>>
      tpu.enqueue_indirect_dma source(%dma_start3A_283 : memref<10000x64xf32, #tpu.memory_space<hbm>>) target(%arg11 : memref<128x64xf32, #tpu.memory_space<vmem>>) offsets(%dma_start3A_280 : memref<128xi32, #tpu.memory_space<vmem>>) semaphore(%dma_start3A_285 : memref<!tpu.dma_semaphore, #tpu.memory_space<semaphore_mem>>)
    }
    %sub3A_73 = arith.constant 2 : i32
    %sub3A_74 = arith.subi %select_n3A, %sub3A_73 : i32
    %add3A_75 = arith.constant 0 : i32
    %add3A_76 = arith.addi %sub3A_74, %add3A_75 : i32
    %sub3A_77 = arith.constant 1 : i32
    %sub3A_78 = arith.subi %add3A_76, %sub3A_77 : i32
    %dma_wait3A_79 = arith.constant 0 : i32
    %dma_wait3A_80 = arith.constant 0 : i32
    %dma_wait3A_81 = tpu.memref_slice %arg8[%sub3A_78, %dma_wait3A_80] : memref<255x128xi32, #tpu.memory_space<vmem>> -> memref<1x128xi32, #tpu.memory_space<vmem>>
    %dma_wait3A_82 = tpu.memref_squeeze %dma_wait3A_81 : memref<1x128xi32, #tpu.memory_space<vmem>> -> memref<128xi32, #tpu.memory_space<vmem>>
    %dma_wait3A_83 = arith.constant 0 : i32
    %dma_wait3A_84 = arith.constant 0 : i32
    %dma_wait3A_85 = tpu.memref_slice %arg12[%dma_wait3A_83, %dma_wait3A_84] : memref<10240x64xf32, #tpu.memory_space<vmem_shared>> -> memref<10240x64xf32, #tpu.memory_space<vmem_shared>>
    %dma_wait3A_86 = tpu.memref_slice %arg14[%dma_wait3A_79] : memref<3x!tpu.dma_semaphore, #tpu.memory_space<semaphore_mem>> -> memref<1x!tpu.dma_semaphore, #tpu.memory_space<semaphore_mem>>
    %dma_wait3A_87 = tpu.memref_squeeze %dma_wait3A_86 : memref<1x!tpu.dma_semaphore, #tpu.memory_space<semaphore_mem>> -> memref<!tpu.dma_semaphore, #tpu.memory_space<semaphore_mem>>
    tpu.wait_indirect_dma semaphore(%dma_wait3A_87 : memref<!tpu.dma_semaphore, #tpu.memory_space<semaphore_mem>>) src(%arg9 : memref<128x64xf32, #tpu.memory_space<vmem>>) dst(%dma_wait3A_85 : memref<10240x64xf32, #tpu.memory_space<vmem_shared>>)
    %dma_wait3A_88 = arith.constant 1 : i32
    %dma_wait3A_89 = arith.constant 0 : i32
    %dma_wait3A_90 = tpu.memref_slice %arg7[%add3A_76, %dma_wait3A_89] : memref<255x128xi32, #tpu.memory_space<vmem>> -> memref<1x128xi32, #tpu.memory_space<vmem>>
    %dma_wait3A_91 = tpu.memref_squeeze %dma_wait3A_90 : memref<1x128xi32, #tpu.memory_space<vmem>> -> memref<128xi32, #tpu.memory_space<vmem>>
    %dma_wait3A_92 = arith.constant 0 : i32
    %dma_wait3A_93 = arith.constant 0 : i32
    %dma_wait3A_94 = tpu.memref_slice %arg4[%dma_wait3A_92, %dma_wait3A_93] : memref<10000x64xf32, #tpu.memory_space<hbm>> -> memref<10000x64xf32, #tpu.memory_space<hbm>>
    %dma_wait3A_95 = tpu.memref_slice %arg13[%dma_wait3A_88] : memref<3x!tpu.dma_semaphore, #tpu.memory_space<semaphore_mem>> -> memref<1x!tpu.dma_semaphore, #tpu.memory_space<semaphore_mem>>
    %dma_wait3A_96 = tpu.memref_squeeze %dma_wait3A_95 : memref<1x!tpu.dma_semaphore, #tpu.memory_space<semaphore_mem>> -> memref<!tpu.dma_semaphore, #tpu.memory_space<semaphore_mem>>
    tpu.wait_indirect_dma semaphore(%dma_wait3A_96 : memref<!tpu.dma_semaphore, #tpu.memory_space<semaphore_mem>>) src(%dma_wait3A_94 : memref<10000x64xf32, #tpu.memory_space<hbm>>) dst(%arg10 : memref<128x64xf32, #tpu.memory_space<vmem>>)
    %dma_start3A_97 = arith.constant 1 : i32
    %dma_start3A_98 = arith.constant 0 : i32
    %dma_start3A_99 = tpu.memref_slice %arg8[%add3A_76, %dma_start3A_98] : memref<255x128xi32, #tpu.memory_space<vmem>> -> memref<1x128xi32, #tpu.memory_space<vmem>>
    %dma_start3A_100 = tpu.memref_squeeze %dma_start3A_99 : memref<1x128xi32, #tpu.memory_space<vmem>> -> memref<128xi32, #tpu.memory_space<vmem>>
    %dma_start3A_101 = arith.constant 0 : i32
    %dma_start3A_102 = arith.constant 0 : i32
    %dma_start3A_103 = tpu.memref_slice %arg12[%dma_start3A_101, %dma_start3A_102] : memref<10240x64xf32, #tpu.memory_space<vmem_shared>> -> memref<10240x64xf32, #tpu.memory_space<vmem_shared>>
    %dma_start3A_104 = tpu.memref_slice %arg14[%dma_start3A_97] : memref<3x!tpu.dma_semaphore, #tpu.memory_space<semaphore_mem>> -> memref<1x!tpu.dma_semaphore, #tpu.memory_space<semaphore_mem>>
    %dma_start3A_105 = tpu.memref_squeeze %dma_start3A_104 : memref<1x!tpu.dma_semaphore, #tpu.memory_space<semaphore_mem>> -> memref<!tpu.dma_semaphore, #tpu.memory_space<semaphore_mem>>
    tpu.enqueue_indirect_dma source(%arg10 : memref<128x64xf32, #tpu.memory_space<vmem>>) target(%dma_start3A_103 : memref<10240x64xf32, #tpu.memory_space<vmem_shared>>) offsets(%dma_start3A_100 : memref<128xi32, #tpu.memory_space<vmem>>) semaphore(%dma_start3A_105 : memref<!tpu.dma_semaphore, #tpu.memory_space<semaphore_mem>>) {add = true}
    %sub3A_106 = arith.constant 2 : i32
    %sub3A_107 = arith.subi %select_n3A, %sub3A_106 : i32
    %add3A_108 = arith.constant 1 : i32
    %add3A_109 = arith.addi %sub3A_107, %add3A_108 : i32
    %sub3A_110 = arith.constant 1 : i32
    %sub3A_111 = arith.subi %add3A_109, %sub3A_110 : i32
    %dma_wait3A_112 = arith.constant 1 : i32
    %dma_wait3A_113 = arith.constant 0 : i32
    %dma_wait3A_114 = tpu.memref_slice %arg8[%sub3A_111, %dma_wait3A_113] : memref<255x128xi32, #tpu.memory_space<vmem>> -> memref<1x128xi32, #tpu.memory_space<vmem>>
    %dma_wait3A_115 = tpu.memref_squeeze %dma_wait3A_114 : memref<1x128xi32, #tpu.memory_space<vmem>> -> memref<128xi32, #tpu.memory_space<vmem>>
    %dma_wait3A_116 = arith.constant 0 : i32
    %dma_wait3A_117 = arith.constant 0 : i32
    %dma_wait3A_118 = tpu.memref_slice %arg12[%dma_wait3A_116, %dma_wait3A_117] : memref<10240x64xf32, #tpu.memory_space<vmem_shared>> -> memref<10240x64xf32, #tpu.memory_space<vmem_shared>>
    %dma_wait3A_119 = tpu.memref_slice %arg14[%dma_wait3A_112] : memref<3x!tpu.dma_semaphore, #tpu.memory_space<semaphore_mem>> -> memref<1x!tpu.dma_semaphore, #tpu.memory_space<semaphore_mem>>
    %dma_wait3A_120 = tpu.memref_squeeze %dma_wait3A_119 : memref<1x!tpu.dma_semaphore, #tpu.memory_space<semaphore_mem>> -> memref<!tpu.dma_semaphore, #tpu.memory_space<semaphore_mem>>
    tpu.wait_indirect_dma semaphore(%dma_wait3A_120 : memref<!tpu.dma_semaphore, #tpu.memory_space<semaphore_mem>>) src(%arg10 : memref<128x64xf32, #tpu.memory_space<vmem>>) dst(%dma_wait3A_118 : memref<10240x64xf32, #tpu.memory_space<vmem_shared>>)
    %dma_wait3A_121 = arith.constant 2 : i32
    %dma_wait3A_122 = arith.constant 0 : i32
    %dma_wait3A_123 = tpu.memref_slice %arg7[%add3A_109, %dma_wait3A_122] : memref<255x128xi32, #tpu.memory_space<vmem>> -> memref<1x128xi32, #tpu.memory_space<vmem>>
    %dma_wait3A_124 = tpu.memref_squeeze %dma_wait3A_123 : memref<1x128xi32, #tpu.memory_space<vmem>> -> memref<128xi32, #tpu.memory_space<vmem>>
    %dma_wait3A_125 = arith.constant 0 : i32
    %dma_wait3A_126 = arith.constant 0 : i32
    %dma_wait3A_127 = tpu.memref_slice %arg4[%dma_wait3A_125, %dma_wait3A_126] : memref<10000x64xf32, #tpu.memory_space<hbm>> -> memref<10000x64xf32, #tpu.memory_space<hbm>>
    %dma_wait3A_128 = tpu.memref_slice %arg13[%dma_wait3A_121] : memref<3x!tpu.dma_semaphore, #tpu.memory_space<semaphore_mem>> -> memref<1x!tpu.dma_semaphore, #tpu.memory_space<semaphore_mem>>
    %dma_wait3A_129 = tpu.memref_squeeze %dma_wait3A_128 : memref<1x!tpu.dma_semaphore, #tpu.memory_space<semaphore_mem>> -> memref<!tpu.dma_semaphore, #tpu.memory_space<semaphore_mem>>
    tpu.wait_indirect_dma semaphore(%dma_wait3A_129 : memref<!tpu.dma_semaphore, #tpu.memory_space<semaphore_mem>>) src(%dma_wait3A_127 : memref<10000x64xf32, #tpu.memory_space<hbm>>) dst(%arg11 : memref<128x64xf32, #tpu.memory_space<vmem>>)
    %dma_start3A_130 = arith.constant 2 : i32
    %dma_start3A_131 = arith.constant 0 : i32
    %dma_start3A_132 = tpu.memref_slice %arg8[%add3A_109, %dma_start3A_131] : memref<255x128xi32, #tpu.memory_space<vmem>> -> memref<1x128xi32, #tpu.memory_space<vmem>>
    %dma_start3A_133 = tpu.memref_squeeze %dma_start3A_132 : memref<1x128xi32, #tpu.memory_space<vmem>> -> memref<128xi32, #tpu.memory_space<vmem>>
    %dma_start3A_134 = arith.constant 0 : i32
    %dma_start3A_135 = arith.constant 0 : i32
    %dma_start3A_136 = tpu.memref_slice %arg12[%dma_start3A_134, %dma_start3A_135] : memref<10240x64xf32, #tpu.memory_space<vmem_shared>> -> memref<10240x64xf32, #tpu.memory_space<vmem_shared>>
    %dma_start3A_137 = tpu.memref_slice %arg14[%dma_start3A_130] : memref<3x!tpu.dma_semaphore, #tpu.memory_space<semaphore_mem>> -> memref<1x!tpu.dma_semaphore, #tpu.memory_space<semaphore_mem>>
    %dma_start3A_138 = tpu.memref_squeeze %dma_start3A_137 : memref<1x!tpu.dma_semaphore, #tpu.memory_space<semaphore_mem>> -> memref<!tpu.dma_semaphore, #tpu.memory_space<semaphore_mem>>
    tpu.enqueue_indirect_dma source(%arg11 : memref<128x64xf32, #tpu.memory_space<vmem>>) target(%dma_start3A_136 : memref<10240x64xf32, #tpu.memory_space<vmem_shared>>) offsets(%dma_start3A_133 : memref<128xi32, #tpu.memory_space<vmem>>) semaphore(%dma_start3A_138 : memref<!tpu.dma_semaphore, #tpu.memory_space<semaphore_mem>>) {add = true}
    %sub3A_139 = arith.constant 1 : i32
    %sub3A_140 = arith.subi %select_n3A, %sub3A_139 : i32
    %add3A_141 = arith.constant 0 : i32
    %add3A_142 = arith.addi %sub3A_140, %add3A_141 : i32
    %dma_wait3A_143 = arith.constant 2 : i32
    %dma_wait3A_144 = arith.constant 0 : i32
    %dma_wait3A_145 = tpu.memref_slice %arg8[%add3A_142, %dma_wait3A_144] : memref<255x128xi32, #tpu.memory_space<vmem>> -> memref<1x128xi32, #tpu.memory_space<vmem>>
    %dma_wait3A_146 = tpu.memref_squeeze %dma_wait3A_145 : memref<1x128xi32, #tpu.memory_space<vmem>> -> memref<128xi32, #tpu.memory_space<vmem>>
    %dma_wait3A_147 = arith.constant 0 : i32
    %dma_wait3A_148 = arith.constant 0 : i32
    %dma_wait3A_149 = tpu.memref_slice %arg12[%dma_wait3A_147, %dma_wait3A_148] : memref<10240x64xf32, #tpu.memory_space<vmem_shared>> -> memref<10240x64xf32, #tpu.memory_space<vmem_shared>>
    %dma_wait3A_150 = tpu.memref_slice %arg14[%dma_wait3A_143] : memref<3x!tpu.dma_semaphore, #tpu.memory_space<semaphore_mem>> -> memref<1x!tpu.dma_semaphore, #tpu.memory_space<semaphore_mem>>
    %dma_wait3A_151 = tpu.memref_squeeze %dma_wait3A_150 : memref<1x!tpu.dma_semaphore, #tpu.memory_space<semaphore_mem>> -> memref<!tpu.dma_semaphore, #tpu.memory_space<semaphore_mem>>
    tpu.wait_indirect_dma semaphore(%dma_wait3A_151 : memref<!tpu.dma_semaphore, #tpu.memory_space<semaphore_mem>>) src(%arg11 : memref<128x64xf32, #tpu.memory_space<vmem>>) dst(%dma_wait3A_149 : memref<10240x64xf32, #tpu.memory_space<vmem_shared>>)
    %barrier3A_152 = arith.constant 0 : index
    tpu.barrier barrier_id(%barrier3A_152)
    %mul3A_153 = arith.constant 640 : i32
    %mul3A_154 = arith.muli %arg1, %mul3A_153 : i32
    %mul3A_155 = arith.constant 640 : i32
    %mul3A_156 = arith.muli %arg1, %mul3A_155 : i32
    "tpu.region"() ({
      %run_scoped3A = tpu.sem_alloc : memref<!tpu.dma_semaphore, #tpu.memory_space<semaphore_mem>>
      %dma_start3A_157 = arith.constant 0 : i32
      %dma_start3A_158 = tpu.memref_slice %arg6[%arg0, %mul3A_156, %dma_start3A_157] : memref<2x10240x64xf32, #tpu.memory_space<hbm>> -> memref<1x640x64xf32, #tpu.memory_space<hbm>>
      %dma_start3A_159 = tpu.memref_squeeze %dma_start3A_158 : memref<1x640x64xf32, #tpu.memory_space<hbm>> -> memref<640x64xf32, #tpu.memory_space<hbm>>
      %dma_start3A_160 = arith.constant 0 : i32
      %dma_start3A_161 = tpu.memref_slice %arg12[%mul3A_154, %dma_start3A_160] : memref<10240x64xf32, #tpu.memory_space<vmem_shared>> -> memref<640x64xf32, #tpu.memory_space<vmem_shared>>
      tpu.enqueue_dma source(%dma_start3A_161 : memref<640x64xf32, #tpu.memory_space<vmem_shared>>) target(%dma_start3A_159 : memref<640x64xf32, #tpu.memory_space<hbm>>) target_semaphore(%run_scoped3A : memref<!tpu.dma_semaphore, #tpu.memory_space<semaphore_mem>>)
      %dma_wait3A_162 = arith.constant 0 : i32
      %dma_wait3A_163 = tpu.memref_slice %arg6[%arg0, %mul3A_156, %dma_wait3A_162] : memref<2x10240x64xf32, #tpu.memory_space<hbm>> -> memref<1x640x64xf32, #tpu.memory_space<hbm>>
      %dma_wait3A_164 = tpu.memref_squeeze %dma_wait3A_163 : memref<1x640x64xf32, #tpu.memory_space<hbm>> -> memref<640x64xf32, #tpu.memory_space<hbm>>
      %dma_wait3A_165 = arith.constant 0 : i32
      %dma_wait3A_166 = tpu.memref_slice %arg12[%mul3A_154, %dma_wait3A_165] : memref<10240x64xf32, #tpu.memory_space<vmem_shared>> -> memref<640x64xf32, #tpu.memory_space<vmem_shared>>
      tpu.wait_dma2 semaphore(%run_scoped3A : memref<!tpu.dma_semaphore, #tpu.memory_space<semaphore_mem>>) src(%dma_wait3A_166 : memref<640x64xf32, #tpu.memory_space<vmem_shared>>) dst(%dma_wait3A_164 : memref<640x64xf32, #tpu.memory_space<hbm>>)
      tpu.yield
    }) : () -> ()
    return
  }
}

#map = affine_map<(d0, d1) -> (0, 0, 0)>
#map1 = affine_map<(d0, d1) -> (0, 0)>
module attributes {stable_mosaic.version = 14 : i64} {
  func.func @_deg_kernel(%arg0: i32, %arg1: i32, %arg2: memref<32x255x128xi32, #tpu.memory_space<hbm>>, %arg3: memref<128x16xf32, #tpu.memory_space<hbm>>, %arg4: memref<10240x16xf32, #tpu.memory_space<hbm>>, %arg5: memref<2x10240x16xf32, #tpu.memory_space<hbm>>, %arg6: memref<255x128xi32, #tpu.memory_space<vmem>>, %arg7: memref<128x16xf32, #tpu.memory_space<vmem>>, %arg8: memref<10240x16xf32, #tpu.memory_space<vmem_shared>>, %arg9: memref<3x!tpu.dma_semaphore, #tpu.memory_space<semaphore_mem>>) attributes {dimension_semantics = [#tpu.dimension_semantics<core_parallel>, #tpu.dimension_semantics<subcore_parallel>], iteration_bounds = array<i64: 2, 16>, scalar_prefetch = 0 : i64, scratch_operands = 4 : i64, tpu.core_type = #tpu.core_type<sc_vector_subcore>, window_params = [{transform_indices = #map}, {transform_indices = #map1}, {transform_indices = #map1}, {transform_indices = #map}]} {
    %mul3A = arith.constant 16 : i32
    %mul3A_0 = arith.muli %arg0, %mul3A : i32
    %add3A = arith.addi %mul3A_0, %arg1 : i32
    %eq3A = arith.constant 0 : i32
    %eq3A_1 = arith.cmpi eq, %arg0, %eq3A : i32
    %jit3A = arith.constant 255 : i32
    %jit3A_2 = arith.constant 60 : i32
    %select_n3A = arith.select %eq3A_1, %jit3A, %jit3A_2 : i32
    "tpu.region"() ({
      %run_scoped3A = tpu.sem_alloc : memref<!tpu.dma_semaphore, #tpu.memory_space<semaphore_mem>>
      %dma_start3A_97 = arith.constant 0 : i32
      %dma_start3A_98 = arith.constant 0 : i32
      %dma_start3A_99 = tpu.memref_slice %arg2[%add3A, %dma_start3A_97, %dma_start3A_98] : memref<32x255x128xi32, #tpu.memory_space<hbm>> -> memref<1x255x128xi32, #tpu.memory_space<hbm>>
      %dma_start3A_100 = tpu.memref_squeeze %dma_start3A_99 : memref<1x255x128xi32, #tpu.memory_space<hbm>> -> memref<255x128xi32, #tpu.memory_space<hbm>>
      %dma_start3A_101 = arith.constant 0 : i32
      %dma_start3A_102 = arith.constant 0 : i32
      %dma_start3A_103 = tpu.memref_slice %arg2[%add3A, %dma_start3A_101, %dma_start3A_102] : memref<32x255x128xi32, #tpu.memory_space<hbm>> -> memref<1x255x128xi32, #tpu.memory_space<hbm>>
      %dma_start3A_104 = tpu.memref_squeeze %dma_start3A_103 : memref<1x255x128xi32, #tpu.memory_space<hbm>> -> memref<255x128xi32, #tpu.memory_space<hbm>>
      tpu.enqueue_dma source(%dma_start3A_104 : memref<255x128xi32, #tpu.memory_space<hbm>>) target(%arg6 : memref<255x128xi32, #tpu.memory_space<vmem>>) target_semaphore(%run_scoped3A : memref<!tpu.dma_semaphore, #tpu.memory_space<semaphore_mem>>)
      %dma_wait3A_105 = arith.constant 0 : i32
      %dma_wait3A_106 = arith.constant 0 : i32
      %dma_wait3A_107 = tpu.memref_slice %arg2[%add3A, %dma_wait3A_105, %dma_wait3A_106] : memref<32x255x128xi32, #tpu.memory_space<hbm>> -> memref<1x255x128xi32, #tpu.memory_space<hbm>>
      %dma_wait3A_108 = tpu.memref_squeeze %dma_wait3A_107 : memref<1x255x128xi32, #tpu.memory_space<hbm>> -> memref<255x128xi32, #tpu.memory_space<hbm>>
      %dma_wait3A_109 = arith.constant 0 : i32
      %dma_wait3A_110 = arith.constant 0 : i32
      %dma_wait3A_111 = tpu.memref_slice %arg2[%add3A, %dma_wait3A_109, %dma_wait3A_110] : memref<32x255x128xi32, #tpu.memory_space<hbm>> -> memref<1x255x128xi32, #tpu.memory_space<hbm>>
      %dma_wait3A_112 = tpu.memref_squeeze %dma_wait3A_111 : memref<1x255x128xi32, #tpu.memory_space<hbm>> -> memref<255x128xi32, #tpu.memory_space<hbm>>
      tpu.wait_dma2 semaphore(%run_scoped3A : memref<!tpu.dma_semaphore, #tpu.memory_space<semaphore_mem>>) src(%dma_wait3A_112 : memref<255x128xi32, #tpu.memory_space<hbm>>) dst(%arg6 : memref<255x128xi32, #tpu.memory_space<vmem>>)
      tpu.yield
    }) : () -> ()
    "tpu.region"() ({
      %run_scoped3A = tpu.sem_alloc : memref<!tpu.dma_semaphore, #tpu.memory_space<semaphore_mem>>
      tpu.enqueue_dma source(%arg3 : memref<128x16xf32, #tpu.memory_space<hbm>>) target(%arg7 : memref<128x16xf32, #tpu.memory_space<vmem>>) target_semaphore(%run_scoped3A : memref<!tpu.dma_semaphore, #tpu.memory_space<semaphore_mem>>)
      tpu.wait_dma2 semaphore(%run_scoped3A : memref<!tpu.dma_semaphore, #tpu.memory_space<semaphore_mem>>) src(%arg3 : memref<128x16xf32, #tpu.memory_space<hbm>>) dst(%arg7 : memref<128x16xf32, #tpu.memory_space<vmem>>)
      tpu.yield
    }) : () -> ()
    %mul3A_3 = arith.constant 640 : i32
    %mul3A_4 = arith.muli %arg1, %mul3A_3 : i32
    %mul3A_5 = arith.constant 640 : i32
    %mul3A_6 = arith.muli %arg1, %mul3A_5 : i32
    "tpu.region"() ({
      %run_scoped3A = tpu.sem_alloc : memref<!tpu.dma_semaphore, #tpu.memory_space<semaphore_mem>>
      %dma_start3A_97 = arith.constant 0 : i32
      %dma_start3A_98 = tpu.memref_slice %arg8[%mul3A_6, %dma_start3A_97] : memref<10240x16xf32, #tpu.memory_space<vmem_shared>> -> memref<640x16xf32, #tpu.memory_space<vmem_shared>>
      %dma_start3A_99 = arith.constant 0 : i32
      %dma_start3A_100 = tpu.memref_slice %arg4[%mul3A_4, %dma_start3A_99] : memref<10240x16xf32, #tpu.memory_space<hbm>> -> memref<640x16xf32, #tpu.memory_space<hbm>>
      tpu.enqueue_dma source(%dma_start3A_100 : memref<640x16xf32, #tpu.memory_space<hbm>>) target(%dma_start3A_98 : memref<640x16xf32, #tpu.memory_space<vmem_shared>>) target_semaphore(%run_scoped3A : memref<!tpu.dma_semaphore, #tpu.memory_space<semaphore_mem>>)
      %dma_wait3A_101 = arith.constant 0 : i32
      %dma_wait3A_102 = tpu.memref_slice %arg8[%mul3A_6, %dma_wait3A_101] : memref<10240x16xf32, #tpu.memory_space<vmem_shared>> -> memref<640x16xf32, #tpu.memory_space<vmem_shared>>
      %dma_wait3A_103 = arith.constant 0 : i32
      %dma_wait3A_104 = tpu.memref_slice %arg4[%mul3A_4, %dma_wait3A_103] : memref<10240x16xf32, #tpu.memory_space<hbm>> -> memref<640x16xf32, #tpu.memory_space<hbm>>
      tpu.wait_dma2 semaphore(%run_scoped3A : memref<!tpu.dma_semaphore, #tpu.memory_space<semaphore_mem>>) src(%dma_wait3A_104 : memref<640x16xf32, #tpu.memory_space<hbm>>) dst(%dma_wait3A_102 : memref<640x16xf32, #tpu.memory_space<vmem_shared>>)
      tpu.yield
    }) : () -> ()
    %barrier3A = arith.constant 0 : index
    tpu.barrier barrier_id(%barrier3A)
    %dma_start3A = arith.constant 0 : i32
    %dma_start3A_7 = arith.constant 0 : i32
    %dma_start3A_8 = arith.constant 0 : i32
    %dma_start3A_9 = tpu.memref_slice %arg6[%dma_start3A, %dma_start3A_8] : memref<255x128xi32, #tpu.memory_space<vmem>> -> memref<1x128xi32, #tpu.memory_space<vmem>>
    %dma_start3A_10 = tpu.memref_squeeze %dma_start3A_9 : memref<1x128xi32, #tpu.memory_space<vmem>> -> memref<128xi32, #tpu.memory_space<vmem>>
    %dma_start3A_11 = arith.constant 0 : i32
    %dma_start3A_12 = arith.constant 0 : i32
    %dma_start3A_13 = tpu.memref_slice %arg8[%dma_start3A_11, %dma_start3A_12] : memref<10240x16xf32, #tpu.memory_space<vmem_shared>> -> memref<10240x16xf32, #tpu.memory_space<vmem_shared>>
    %dma_start3A_14 = tpu.memref_slice %arg9[%dma_start3A_7] : memref<3x!tpu.dma_semaphore, #tpu.memory_space<semaphore_mem>> -> memref<1x!tpu.dma_semaphore, #tpu.memory_space<semaphore_mem>>
    %dma_start3A_15 = tpu.memref_squeeze %dma_start3A_14 : memref<1x!tpu.dma_semaphore, #tpu.memory_space<semaphore_mem>> -> memref<!tpu.dma_semaphore, #tpu.memory_space<semaphore_mem>>
    tpu.enqueue_indirect_dma source(%arg7 : memref<128x16xf32, #tpu.memory_space<vmem>>) target(%dma_start3A_13 : memref<10240x16xf32, #tpu.memory_space<vmem_shared>>) offsets(%dma_start3A_10 : memref<128xi32, #tpu.memory_space<vmem>>) semaphore(%dma_start3A_15 : memref<!tpu.dma_semaphore, #tpu.memory_space<semaphore_mem>>) {add = true}
    %dma_start3A_16 = arith.constant 1 : i32
    %dma_start3A_17 = arith.constant 1 : i32
    %dma_start3A_18 = arith.constant 0 : i32
    %dma_start3A_19 = tpu.memref_slice %arg6[%dma_start3A_16, %dma_start3A_18] : memref<255x128xi32, #tpu.memory_space<vmem>> -> memref<1x128xi32, #tpu.memory_space<vmem>>
    %dma_start3A_20 = tpu.memref_squeeze %dma_start3A_19 : memref<1x128xi32, #tpu.memory_space<vmem>> -> memref<128xi32, #tpu.memory_space<vmem>>
    %dma_start3A_21 = arith.constant 0 : i32
    %dma_start3A_22 = arith.constant 0 : i32
    %dma_start3A_23 = tpu.memref_slice %arg8[%dma_start3A_21, %dma_start3A_22] : memref<10240x16xf32, #tpu.memory_space<vmem_shared>> -> memref<10240x16xf32, #tpu.memory_space<vmem_shared>>
    %dma_start3A_24 = tpu.memref_slice %arg9[%dma_start3A_17] : memref<3x!tpu.dma_semaphore, #tpu.memory_space<semaphore_mem>> -> memref<1x!tpu.dma_semaphore, #tpu.memory_space<semaphore_mem>>
    %dma_start3A_25 = tpu.memref_squeeze %dma_start3A_24 : memref<1x!tpu.dma_semaphore, #tpu.memory_space<semaphore_mem>> -> memref<!tpu.dma_semaphore, #tpu.memory_space<semaphore_mem>>
    tpu.enqueue_indirect_dma source(%arg7 : memref<128x16xf32, #tpu.memory_space<vmem>>) target(%dma_start3A_23 : memref<10240x16xf32, #tpu.memory_space<vmem_shared>>) offsets(%dma_start3A_20 : memref<128xi32, #tpu.memory_space<vmem>>) semaphore(%dma_start3A_25 : memref<!tpu.dma_semaphore, #tpu.memory_space<semaphore_mem>>) {add = true}
    %dma_start3A_26 = arith.constant 2 : i32
    %dma_start3A_27 = arith.constant 2 : i32
    %dma_start3A_28 = arith.constant 0 : i32
    %dma_start3A_29 = tpu.memref_slice %arg6[%dma_start3A_26, %dma_start3A_28] : memref<255x128xi32, #tpu.memory_space<vmem>> -> memref<1x128xi32, #tpu.memory_space<vmem>>
    %dma_start3A_30 = tpu.memref_squeeze %dma_start3A_29 : memref<1x128xi32, #tpu.memory_space<vmem>> -> memref<128xi32, #tpu.memory_space<vmem>>
    %dma_start3A_31 = arith.constant 0 : i32
    %dma_start3A_32 = arith.constant 0 : i32
    %dma_start3A_33 = tpu.memref_slice %arg8[%dma_start3A_31, %dma_start3A_32] : memref<10240x16xf32, #tpu.memory_space<vmem_shared>> -> memref<10240x16xf32, #tpu.memory_space<vmem_shared>>
    %dma_start3A_34 = tpu.memref_slice %arg9[%dma_start3A_27] : memref<3x!tpu.dma_semaphore, #tpu.memory_space<semaphore_mem>> -> memref<1x!tpu.dma_semaphore, #tpu.memory_space<semaphore_mem>>
    %dma_start3A_35 = tpu.memref_squeeze %dma_start3A_34 : memref<1x!tpu.dma_semaphore, #tpu.memory_space<semaphore_mem>> -> memref<!tpu.dma_semaphore, #tpu.memory_space<semaphore_mem>>
    tpu.enqueue_indirect_dma source(%arg7 : memref<128x16xf32, #tpu.memory_space<vmem>>) target(%dma_start3A_33 : memref<10240x16xf32, #tpu.memory_space<vmem_shared>>) offsets(%dma_start3A_30 : memref<128xi32, #tpu.memory_space<vmem>>) semaphore(%dma_start3A_35 : memref<!tpu.dma_semaphore, #tpu.memory_space<semaphore_mem>>) {add = true}
    %sub3A = arith.constant 3 : i32
    %sub3A_36 = arith.subi %select_n3A, %sub3A : i32
    %sub3A_37 = arith.constant 0 : i32
    %sub3A_38 = arith.subi %sub3A_36, %sub3A_37 : i32
    %sub3A_39 = arith.constant 3 : i32
    %sub3A_40 = arith.constant 1 : i32
    %sub3A_41 = arith.subi %sub3A_39, %sub3A_40 : i32
    %add3A_42 = arith.addi %sub3A_38, %sub3A_41 : i32
    %div3A = arith.constant 3 : i32
    %div3A_43 = arith.divsi %add3A_42, %div3A : i32
    %while3A = arith.constant 3 : i32
    %while3A_44 = arith.constant 0 : i32
    %while3A_45 = arith.constant 0 : i32
    %while3A_46 = arith.subi %div3A_43, %while3A_45 : i32
    %while3A_47 = arith.addi %while3A_45, %while3A_46 : i32
    %while3A_48 = arith.constant 1 : i32
    %while3A_49 = arith.divsi %while3A_46, %while3A_48 : i32
    %while3A_50 = arith.muli %while3A_49, %while3A_48 : i32
    %while3A_51 = arith.addi %while3A_45, %while3A_50 : i32
    %while3A_52 = arith.constant 1 : i32
    scf.for %while3A_97 = %while3A_45 to %while3A_51 step %while3A_52  : i32 {
      %mul3A_98 = arith.muli %while3A_97, %while3A : i32
      %add3A_99 = arith.addi %while3A_44, %mul3A_98 : i32
      %add3A_100 = arith.constant 0 : i32
      %add3A_101 = arith.addi %add3A_99, %add3A_100 : i32
      %dma_wait3A_102 = arith.constant 0 : i32
      %dma_wait3A_103 = arith.constant 0 : i32
      %dma_wait3A_104 = tpu.memref_slice %arg6[%add3A_101, %dma_wait3A_103] : memref<255x128xi32, #tpu.memory_space<vmem>> -> memref<1x128xi32, #tpu.memory_space<vmem>>
      %dma_wait3A_105 = tpu.memref_squeeze %dma_wait3A_104 : memref<1x128xi32, #tpu.memory_space<vmem>> -> memref<128xi32, #tpu.memory_space<vmem>>
      %dma_wait3A_106 = arith.constant 0 : i32
      %dma_wait3A_107 = arith.constant 0 : i32
      %dma_wait3A_108 = tpu.memref_slice %arg8[%dma_wait3A_106, %dma_wait3A_107] : memref<10240x16xf32, #tpu.memory_space<vmem_shared>> -> memref<10240x16xf32, #tpu.memory_space<vmem_shared>>
      %dma_wait3A_109 = tpu.memref_slice %arg9[%dma_wait3A_102] : memref<3x!tpu.dma_semaphore, #tpu.memory_space<semaphore_mem>> -> memref<1x!tpu.dma_semaphore, #tpu.memory_space<semaphore_mem>>
      %dma_wait3A_110 = tpu.memref_squeeze %dma_wait3A_109 : memref<1x!tpu.dma_semaphore, #tpu.memory_space<semaphore_mem>> -> memref<!tpu.dma_semaphore, #tpu.memory_space<semaphore_mem>>
      tpu.wait_indirect_dma semaphore(%dma_wait3A_110 : memref<!tpu.dma_semaphore, #tpu.memory_space<semaphore_mem>>) src(%arg7 : memref<128x16xf32, #tpu.memory_space<vmem>>) dst(%dma_wait3A_108 : memref<10240x16xf32, #tpu.memory_space<vmem_shared>>)
      %add3A_111 = arith.constant 0 : i32
      %add3A_112 = arith.addi %add3A_99, %add3A_111 : i32
      %add3A_113 = arith.constant 3 : i32
      %add3A_114 = arith.addi %add3A_112, %add3A_113 : i32
      %dma_start3A_115 = arith.constant 0 : i32
      %dma_start3A_116 = arith.constant 0 : i32
      %dma_start3A_117 = tpu.memref_slice %arg6[%add3A_114, %dma_start3A_116] : memref<255x128xi32, #tpu.memory_space<vmem>> -> memref<1x128xi32, #tpu.memory_space<vmem>>
      %dma_start3A_118 = tpu.memref_squeeze %dma_start3A_117 : memref<1x128xi32, #tpu.memory_space<vmem>> -> memref<128xi32, #tpu.memory_space<vmem>>
      %dma_start3A_119 = arith.constant 0 : i32
      %dma_start3A_120 = arith.constant 0 : i32
      %dma_start3A_121 = tpu.memref_slice %arg8[%dma_start3A_119, %dma_start3A_120] : memref<10240x16xf32, #tpu.memory_space<vmem_shared>> -> memref<10240x16xf32, #tpu.memory_space<vmem_shared>>
      %dma_start3A_122 = tpu.memref_slice %arg9[%dma_start3A_115] : memref<3x!tpu.dma_semaphore, #tpu.memory_space<semaphore_mem>> -> memref<1x!tpu.dma_semaphore, #tpu.memory_space<semaphore_mem>>
      %dma_start3A_123 = tpu.memref_squeeze %dma_start3A_122 : memref<1x!tpu.dma_semaphore, #tpu.memory_space<semaphore_mem>> -> memref<!tpu.dma_semaphore, #tpu.memory_space<semaphore_mem>>
      tpu.enqueue_indirect_dma source(%arg7 : memref<128x16xf32, #tpu.memory_space<vmem>>) target(%dma_start3A_121 : memref<10240x16xf32, #tpu.memory_space<vmem_shared>>) offsets(%dma_start3A_118 : memref<128xi32, #tpu.memory_space<vmem>>) semaphore(%dma_start3A_123 : memref<!tpu.dma_semaphore, #tpu.memory_space<semaphore_mem>>) {add = true}
      %add3A_124 = arith.constant 1 : i32
      %add3A_125 = arith.addi %add3A_99, %add3A_124 : i32
      %dma_wait3A_126 = arith.constant 1 : i32
      %dma_wait3A_127 = arith.constant 0 : i32
      %dma_wait3A_128 = tpu.memref_slice %arg6[%add3A_125, %dma_wait3A_127] : memref<255x128xi32, #tpu.memory_space<vmem>> -> memref<1x128xi32, #tpu.memory_space<vmem>>
      %dma_wait3A_129 = tpu.memref_squeeze %dma_wait3A_128 : memref<1x128xi32, #tpu.memory_space<vmem>> -> memref<128xi32, #tpu.memory_space<vmem>>
      %dma_wait3A_130 = arith.constant 0 : i32
      %dma_wait3A_131 = arith.constant 0 : i32
      %dma_wait3A_132 = tpu.memref_slice %arg8[%dma_wait3A_130, %dma_wait3A_131] : memref<10240x16xf32, #tpu.memory_space<vmem_shared>> -> memref<10240x16xf32, #tpu.memory_space<vmem_shared>>
      %dma_wait3A_133 = tpu.memref_slice %arg9[%dma_wait3A_126] : memref<3x!tpu.dma_semaphore, #tpu.memory_space<semaphore_mem>> -> memref<1x!tpu.dma_semaphore, #tpu.memory_space<semaphore_mem>>
      %dma_wait3A_134 = tpu.memref_squeeze %dma_wait3A_133 : memref<1x!tpu.dma_semaphore, #tpu.memory_space<semaphore_mem>> -> memref<!tpu.dma_semaphore, #tpu.memory_space<semaphore_mem>>
      tpu.wait_indirect_dma semaphore(%dma_wait3A_134 : memref<!tpu.dma_semaphore, #tpu.memory_space<semaphore_mem>>) src(%arg7 : memref<128x16xf32, #tpu.memory_space<vmem>>) dst(%dma_wait3A_132 : memref<10240x16xf32, #tpu.memory_space<vmem_shared>>)
      %add3A_135 = arith.constant 1 : i32
      %add3A_136 = arith.addi %add3A_99, %add3A_135 : i32
      %add3A_137 = arith.constant 3 : i32
      %add3A_138 = arith.addi %add3A_136, %add3A_137 : i32
      %dma_start3A_139 = arith.constant 1 : i32
      %dma_start3A_140 = arith.constant 0 : i32
      %dma_start3A_141 = tpu.memref_slice %arg6[%add3A_138, %dma_start3A_140] : memref<255x128xi32, #tpu.memory_space<vmem>> -> memref<1x128xi32, #tpu.memory_space<vmem>>
      %dma_start3A_142 = tpu.memref_squeeze %dma_start3A_141 : memref<1x128xi32, #tpu.memory_space<vmem>> -> memref<128xi32, #tpu.memory_space<vmem>>
      %dma_start3A_143 = arith.constant 0 : i32
      %dma_start3A_144 = arith.constant 0 : i32
      %dma_start3A_145 = tpu.memref_slice %arg8[%dma_start3A_143, %dma_start3A_144] : memref<10240x16xf32, #tpu.memory_space<vmem_shared>> -> memref<10240x16xf32, #tpu.memory_space<vmem_shared>>
      %dma_start3A_146 = tpu.memref_slice %arg9[%dma_start3A_139] : memref<3x!tpu.dma_semaphore, #tpu.memory_space<semaphore_mem>> -> memref<1x!tpu.dma_semaphore, #tpu.memory_space<semaphore_mem>>
      %dma_start3A_147 = tpu.memref_squeeze %dma_start3A_146 : memref<1x!tpu.dma_semaphore, #tpu.memory_space<semaphore_mem>> -> memref<!tpu.dma_semaphore, #tpu.memory_space<semaphore_mem>>
      tpu.enqueue_indirect_dma source(%arg7 : memref<128x16xf32, #tpu.memory_space<vmem>>) target(%dma_start3A_145 : memref<10240x16xf32, #tpu.memory_space<vmem_shared>>) offsets(%dma_start3A_142 : memref<128xi32, #tpu.memory_space<vmem>>) semaphore(%dma_start3A_147 : memref<!tpu.dma_semaphore, #tpu.memory_space<semaphore_mem>>) {add = true}
      %add3A_148 = arith.constant 2 : i32
      %add3A_149 = arith.addi %add3A_99, %add3A_148 : i32
      %dma_wait3A_150 = arith.constant 2 : i32
      %dma_wait3A_151 = arith.constant 0 : i32
      %dma_wait3A_152 = tpu.memref_slice %arg6[%add3A_149, %dma_wait3A_151] : memref<255x128xi32, #tpu.memory_space<vmem>> -> memref<1x128xi32, #tpu.memory_space<vmem>>
      %dma_wait3A_153 = tpu.memref_squeeze %dma_wait3A_152 : memref<1x128xi32, #tpu.memory_space<vmem>> -> memref<128xi32, #tpu.memory_space<vmem>>
      %dma_wait3A_154 = arith.constant 0 : i32
      %dma_wait3A_155 = arith.constant 0 : i32
      %dma_wait3A_156 = tpu.memref_slice %arg8[%dma_wait3A_154, %dma_wait3A_155] : memref<10240x16xf32, #tpu.memory_space<vmem_shared>> -> memref<10240x16xf32, #tpu.memory_space<vmem_shared>>
      %dma_wait3A_157 = tpu.memref_slice %arg9[%dma_wait3A_150] : memref<3x!tpu.dma_semaphore, #tpu.memory_space<semaphore_mem>> -> memref<1x!tpu.dma_semaphore, #tpu.memory_space<semaphore_mem>>
      %dma_wait3A_158 = tpu.memref_squeeze %dma_wait3A_157 : memref<1x!tpu.dma_semaphore, #tpu.memory_space<semaphore_mem>> -> memref<!tpu.dma_semaphore, #tpu.memory_space<semaphore_mem>>
      tpu.wait_indirect_dma semaphore(%dma_wait3A_158 : memref<!tpu.dma_semaphore, #tpu.memory_space<semaphore_mem>>) src(%arg7 : memref<128x16xf32, #tpu.memory_space<vmem>>) dst(%dma_wait3A_156 : memref<10240x16xf32, #tpu.memory_space<vmem_shared>>)
      %add3A_159 = arith.constant 2 : i32
      %add3A_160 = arith.addi %add3A_99, %add3A_159 : i32
      %add3A_161 = arith.constant 3 : i32
      %add3A_162 = arith.addi %add3A_160, %add3A_161 : i32
      %dma_start3A_163 = arith.constant 2 : i32
      %dma_start3A_164 = arith.constant 0 : i32
      %dma_start3A_165 = tpu.memref_slice %arg6[%add3A_162, %dma_start3A_164] : memref<255x128xi32, #tpu.memory_space<vmem>> -> memref<1x128xi32, #tpu.memory_space<vmem>>
      %dma_start3A_166 = tpu.memref_squeeze %dma_start3A_165 : memref<1x128xi32, #tpu.memory_space<vmem>> -> memref<128xi32, #tpu.memory_space<vmem>>
      %dma_start3A_167 = arith.constant 0 : i32
      %dma_start3A_168 = arith.constant 0 : i32
      %dma_start3A_169 = tpu.memref_slice %arg8[%dma_start3A_167, %dma_start3A_168] : memref<10240x16xf32, #tpu.memory_space<vmem_shared>> -> memref<10240x16xf32, #tpu.memory_space<vmem_shared>>
      %dma_start3A_170 = tpu.memref_slice %arg9[%dma_start3A_163] : memref<3x!tpu.dma_semaphore, #tpu.memory_space<semaphore_mem>> -> memref<1x!tpu.dma_semaphore, #tpu.memory_space<semaphore_mem>>
      %dma_start3A_171 = tpu.memref_squeeze %dma_start3A_170 : memref<1x!tpu.dma_semaphore, #tpu.memory_space<semaphore_mem>> -> memref<!tpu.dma_semaphore, #tpu.memory_space<semaphore_mem>>
      tpu.enqueue_indirect_dma source(%arg7 : memref<128x16xf32, #tpu.memory_space<vmem>>) target(%dma_start3A_169 : memref<10240x16xf32, #tpu.memory_space<vmem_shared>>) offsets(%dma_start3A_166 : memref<128xi32, #tpu.memory_space<vmem>>) semaphore(%dma_start3A_171 : memref<!tpu.dma_semaphore, #tpu.memory_space<semaphore_mem>>) {add = true}
    }
    %while3A_53 = arith.constant 1 : i32
    scf.for %while3A_97 = %while3A_51 to %while3A_47 step %while3A_53  : i32 {
      %mul3A_98 = arith.muli %while3A_97, %while3A : i32
      %add3A_99 = arith.addi %while3A_44, %mul3A_98 : i32
      %add3A_100 = arith.constant 0 : i32
      %add3A_101 = arith.addi %add3A_99, %add3A_100 : i32
      %dma_wait3A_102 = arith.constant 0 : i32
      %dma_wait3A_103 = arith.constant 0 : i32
      %dma_wait3A_104 = tpu.memref_slice %arg6[%add3A_101, %dma_wait3A_103] : memref<255x128xi32, #tpu.memory_space<vmem>> -> memref<1x128xi32, #tpu.memory_space<vmem>>
      %dma_wait3A_105 = tpu.memref_squeeze %dma_wait3A_104 : memref<1x128xi32, #tpu.memory_space<vmem>> -> memref<128xi32, #tpu.memory_space<vmem>>
      %dma_wait3A_106 = arith.constant 0 : i32
      %dma_wait3A_107 = arith.constant 0 : i32
      %dma_wait3A_108 = tpu.memref_slice %arg8[%dma_wait3A_106, %dma_wait3A_107] : memref<10240x16xf32, #tpu.memory_space<vmem_shared>> -> memref<10240x16xf32, #tpu.memory_space<vmem_shared>>
      %dma_wait3A_109 = tpu.memref_slice %arg9[%dma_wait3A_102] : memref<3x!tpu.dma_semaphore, #tpu.memory_space<semaphore_mem>> -> memref<1x!tpu.dma_semaphore, #tpu.memory_space<semaphore_mem>>
      %dma_wait3A_110 = tpu.memref_squeeze %dma_wait3A_109 : memref<1x!tpu.dma_semaphore, #tpu.memory_space<semaphore_mem>> -> memref<!tpu.dma_semaphore, #tpu.memory_space<semaphore_mem>>
      tpu.wait_indirect_dma semaphore(%dma_wait3A_110 : memref<!tpu.dma_semaphore, #tpu.memory_space<semaphore_mem>>) src(%arg7 : memref<128x16xf32, #tpu.memory_space<vmem>>) dst(%dma_wait3A_108 : memref<10240x16xf32, #tpu.memory_space<vmem_shared>>)
      %add3A_111 = arith.constant 0 : i32
      %add3A_112 = arith.addi %add3A_99, %add3A_111 : i32
      %add3A_113 = arith.constant 3 : i32
      %add3A_114 = arith.addi %add3A_112, %add3A_113 : i32
      %dma_start3A_115 = arith.constant 0 : i32
      %dma_start3A_116 = arith.constant 0 : i32
      %dma_start3A_117 = tpu.memref_slice %arg6[%add3A_114, %dma_start3A_116] : memref<255x128xi32, #tpu.memory_space<vmem>> -> memref<1x128xi32, #tpu.memory_space<vmem>>
      %dma_start3A_118 = tpu.memref_squeeze %dma_start3A_117 : memref<1x128xi32, #tpu.memory_space<vmem>> -> memref<128xi32, #tpu.memory_space<vmem>>
      %dma_start3A_119 = arith.constant 0 : i32
      %dma_start3A_120 = arith.constant 0 : i32
      %dma_start3A_121 = tpu.memref_slice %arg8[%dma_start3A_119, %dma_start3A_120] : memref<10240x16xf32, #tpu.memory_space<vmem_shared>> -> memref<10240x16xf32, #tpu.memory_space<vmem_shared>>
      %dma_start3A_122 = tpu.memref_slice %arg9[%dma_start3A_115] : memref<3x!tpu.dma_semaphore, #tpu.memory_space<semaphore_mem>> -> memref<1x!tpu.dma_semaphore, #tpu.memory_space<semaphore_mem>>
      %dma_start3A_123 = tpu.memref_squeeze %dma_start3A_122 : memref<1x!tpu.dma_semaphore, #tpu.memory_space<semaphore_mem>> -> memref<!tpu.dma_semaphore, #tpu.memory_space<semaphore_mem>>
      tpu.enqueue_indirect_dma source(%arg7 : memref<128x16xf32, #tpu.memory_space<vmem>>) target(%dma_start3A_121 : memref<10240x16xf32, #tpu.memory_space<vmem_shared>>) offsets(%dma_start3A_118 : memref<128xi32, #tpu.memory_space<vmem>>) semaphore(%dma_start3A_123 : memref<!tpu.dma_semaphore, #tpu.memory_space<semaphore_mem>>) {add = true}
      %add3A_124 = arith.constant 1 : i32
      %add3A_125 = arith.addi %add3A_99, %add3A_124 : i32
      %dma_wait3A_126 = arith.constant 1 : i32
      %dma_wait3A_127 = arith.constant 0 : i32
      %dma_wait3A_128 = tpu.memref_slice %arg6[%add3A_125, %dma_wait3A_127] : memref<255x128xi32, #tpu.memory_space<vmem>> -> memref<1x128xi32, #tpu.memory_space<vmem>>
      %dma_wait3A_129 = tpu.memref_squeeze %dma_wait3A_128 : memref<1x128xi32, #tpu.memory_space<vmem>> -> memref<128xi32, #tpu.memory_space<vmem>>
      %dma_wait3A_130 = arith.constant 0 : i32
      %dma_wait3A_131 = arith.constant 0 : i32
      %dma_wait3A_132 = tpu.memref_slice %arg8[%dma_wait3A_130, %dma_wait3A_131] : memref<10240x16xf32, #tpu.memory_space<vmem_shared>> -> memref<10240x16xf32, #tpu.memory_space<vmem_shared>>
      %dma_wait3A_133 = tpu.memref_slice %arg9[%dma_wait3A_126] : memref<3x!tpu.dma_semaphore, #tpu.memory_space<semaphore_mem>> -> memref<1x!tpu.dma_semaphore, #tpu.memory_space<semaphore_mem>>
      %dma_wait3A_134 = tpu.memref_squeeze %dma_wait3A_133 : memref<1x!tpu.dma_semaphore, #tpu.memory_space<semaphore_mem>> -> memref<!tpu.dma_semaphore, #tpu.memory_space<semaphore_mem>>
      tpu.wait_indirect_dma semaphore(%dma_wait3A_134 : memref<!tpu.dma_semaphore, #tpu.memory_space<semaphore_mem>>) src(%arg7 : memref<128x16xf32, #tpu.memory_space<vmem>>) dst(%dma_wait3A_132 : memref<10240x16xf32, #tpu.memory_space<vmem_shared>>)
      %add3A_135 = arith.constant 1 : i32
      %add3A_136 = arith.addi %add3A_99, %add3A_135 : i32
      %add3A_137 = arith.constant 3 : i32
      %add3A_138 = arith.addi %add3A_136, %add3A_137 : i32
      %dma_start3A_139 = arith.constant 1 : i32
      %dma_start3A_140 = arith.constant 0 : i32
      %dma_start3A_141 = tpu.memref_slice %arg6[%add3A_138, %dma_start3A_140] : memref<255x128xi32, #tpu.memory_space<vmem>> -> memref<1x128xi32, #tpu.memory_space<vmem>>
      %dma_start3A_142 = tpu.memref_squeeze %dma_start3A_141 : memref<1x128xi32, #tpu.memory_space<vmem>> -> memref<128xi32, #tpu.memory_space<vmem>>
      %dma_start3A_143 = arith.constant 0 : i32
      %dma_start3A_144 = arith.constant 0 : i32
      %dma_start3A_145 = tpu.memref_slice %arg8[%dma_start3A_143, %dma_start3A_144] : memref<10240x16xf32, #tpu.memory_space<vmem_shared>> -> memref<10240x16xf32, #tpu.memory_space<vmem_shared>>
      %dma_start3A_146 = tpu.memref_slice %arg9[%dma_start3A_139] : memref<3x!tpu.dma_semaphore, #tpu.memory_space<semaphore_mem>> -> memref<1x!tpu.dma_semaphore, #tpu.memory_space<semaphore_mem>>
      %dma_start3A_147 = tpu.memref_squeeze %dma_start3A_146 : memref<1x!tpu.dma_semaphore, #tpu.memory_space<semaphore_mem>> -> memref<!tpu.dma_semaphore, #tpu.memory_space<semaphore_mem>>
      tpu.enqueue_indirect_dma source(%arg7 : memref<128x16xf32, #tpu.memory_space<vmem>>) target(%dma_start3A_145 : memref<10240x16xf32, #tpu.memory_space<vmem_shared>>) offsets(%dma_start3A_142 : memref<128xi32, #tpu.memory_space<vmem>>) semaphore(%dma_start3A_147 : memref<!tpu.dma_semaphore, #tpu.memory_space<semaphore_mem>>) {add = true}
      %add3A_148 = arith.constant 2 : i32
      %add3A_149 = arith.addi %add3A_99, %add3A_148 : i32
      %dma_wait3A_150 = arith.constant 2 : i32
      %dma_wait3A_151 = arith.constant 0 : i32
      %dma_wait3A_152 = tpu.memref_slice %arg6[%add3A_149, %dma_wait3A_151] : memref<255x128xi32, #tpu.memory_space<vmem>> -> memref<1x128xi32, #tpu.memory_space<vmem>>
      %dma_wait3A_153 = tpu.memref_squeeze %dma_wait3A_152 : memref<1x128xi32, #tpu.memory_space<vmem>> -> memref<128xi32, #tpu.memory_space<vmem>>
      %dma_wait3A_154 = arith.constant 0 : i32
      %dma_wait3A_155 = arith.constant 0 : i32
      %dma_wait3A_156 = tpu.memref_slice %arg8[%dma_wait3A_154, %dma_wait3A_155] : memref<10240x16xf32, #tpu.memory_space<vmem_shared>> -> memref<10240x16xf32, #tpu.memory_space<vmem_shared>>
      %dma_wait3A_157 = tpu.memref_slice %arg9[%dma_wait3A_150] : memref<3x!tpu.dma_semaphore, #tpu.memory_space<semaphore_mem>> -> memref<1x!tpu.dma_semaphore, #tpu.memory_space<semaphore_mem>>
      %dma_wait3A_158 = tpu.memref_squeeze %dma_wait3A_157 : memref<1x!tpu.dma_semaphore, #tpu.memory_space<semaphore_mem>> -> memref<!tpu.dma_semaphore, #tpu.memory_space<semaphore_mem>>
      tpu.wait_indirect_dma semaphore(%dma_wait3A_158 : memref<!tpu.dma_semaphore, #tpu.memory_space<semaphore_mem>>) src(%arg7 : memref<128x16xf32, #tpu.memory_space<vmem>>) dst(%dma_wait3A_156 : memref<10240x16xf32, #tpu.memory_space<vmem_shared>>)
      %add3A_159 = arith.constant 2 : i32
      %add3A_160 = arith.addi %add3A_99, %add3A_159 : i32
      %add3A_161 = arith.constant 3 : i32
      %add3A_162 = arith.addi %add3A_160, %add3A_161 : i32
      %dma_start3A_163 = arith.constant 2 : i32
      %dma_start3A_164 = arith.constant 0 : i32
      %dma_start3A_165 = tpu.memref_slice %arg6[%add3A_162, %dma_start3A_164] : memref<255x128xi32, #tpu.memory_space<vmem>> -> memref<1x128xi32, #tpu.memory_space<vmem>>
      %dma_start3A_166 = tpu.memref_squeeze %dma_start3A_165 : memref<1x128xi32, #tpu.memory_space<vmem>> -> memref<128xi32, #tpu.memory_space<vmem>>
      %dma_start3A_167 = arith.constant 0 : i32
      %dma_start3A_168 = arith.constant 0 : i32
      %dma_start3A_169 = tpu.memref_slice %arg8[%dma_start3A_167, %dma_start3A_168] : memref<10240x16xf32, #tpu.memory_space<vmem_shared>> -> memref<10240x16xf32, #tpu.memory_space<vmem_shared>>
      %dma_start3A_170 = tpu.memref_slice %arg9[%dma_start3A_163] : memref<3x!tpu.dma_semaphore, #tpu.memory_space<semaphore_mem>> -> memref<1x!tpu.dma_semaphore, #tpu.memory_space<semaphore_mem>>
      %dma_start3A_171 = tpu.memref_squeeze %dma_start3A_170 : memref<1x!tpu.dma_semaphore, #tpu.memory_space<semaphore_mem>> -> memref<!tpu.dma_semaphore, #tpu.memory_space<semaphore_mem>>
      tpu.enqueue_indirect_dma source(%arg7 : memref<128x16xf32, #tpu.memory_space<vmem>>) target(%dma_start3A_169 : memref<10240x16xf32, #tpu.memory_space<vmem_shared>>) offsets(%dma_start3A_166 : memref<128xi32, #tpu.memory_space<vmem>>) semaphore(%dma_start3A_171 : memref<!tpu.dma_semaphore, #tpu.memory_space<semaphore_mem>>) {add = true}
    }
    %sub3A_54 = arith.constant 3 : i32
    %sub3A_55 = arith.subi %select_n3A, %sub3A_54 : i32
    %add3A_56 = arith.constant 0 : i32
    %add3A_57 = arith.addi %sub3A_55, %add3A_56 : i32
    %dma_wait3A = arith.constant 0 : i32
    %dma_wait3A_58 = arith.constant 0 : i32
    %dma_wait3A_59 = tpu.memref_slice %arg6[%add3A_57, %dma_wait3A_58] : memref<255x128xi32, #tpu.memory_space<vmem>> -> memref<1x128xi32, #tpu.memory_space<vmem>>
    %dma_wait3A_60 = tpu.memref_squeeze %dma_wait3A_59 : memref<1x128xi32, #tpu.memory_space<vmem>> -> memref<128xi32, #tpu.memory_space<vmem>>
    %dma_wait3A_61 = arith.constant 0 : i32
    %dma_wait3A_62 = arith.constant 0 : i32
    %dma_wait3A_63 = tpu.memref_slice %arg8[%dma_wait3A_61, %dma_wait3A_62] : memref<10240x16xf32, #tpu.memory_space<vmem_shared>> -> memref<10240x16xf32, #tpu.memory_space<vmem_shared>>
    %dma_wait3A_64 = tpu.memref_slice %arg9[%dma_wait3A] : memref<3x!tpu.dma_semaphore, #tpu.memory_space<semaphore_mem>> -> memref<1x!tpu.dma_semaphore, #tpu.memory_space<semaphore_mem>>
    %dma_wait3A_65 = tpu.memref_squeeze %dma_wait3A_64 : memref<1x!tpu.dma_semaphore, #tpu.memory_space<semaphore_mem>> -> memref<!tpu.dma_semaphore, #tpu.memory_space<semaphore_mem>>
    tpu.wait_indirect_dma semaphore(%dma_wait3A_65 : memref<!tpu.dma_semaphore, #tpu.memory_space<semaphore_mem>>) src(%arg7 : memref<128x16xf32, #tpu.memory_space<vmem>>) dst(%dma_wait3A_63 : memref<10240x16xf32, #tpu.memory_space<vmem_shared>>)
    %sub3A_66 = arith.constant 3 : i32
    %sub3A_67 = arith.subi %select_n3A, %sub3A_66 : i32
    %add3A_68 = arith.constant 1 : i32
    %add3A_69 = arith.addi %sub3A_67, %add3A_68 : i32
    %dma_wait3A_70 = arith.constant 1 : i32
    %dma_wait3A_71 = arith.constant 0 : i32
    %dma_wait3A_72 = tpu.memref_slice %arg6[%add3A_69, %dma_wait3A_71] : memref<255x128xi32, #tpu.memory_space<vmem>> -> memref<1x128xi32, #tpu.memory_space<vmem>>
    %dma_wait3A_73 = tpu.memref_squeeze %dma_wait3A_72 : memref<1x128xi32, #tpu.memory_space<vmem>> -> memref<128xi32, #tpu.memory_space<vmem>>
    %dma_wait3A_74 = arith.constant 0 : i32
    %dma_wait3A_75 = arith.constant 0 : i32
    %dma_wait3A_76 = tpu.memref_slice %arg8[%dma_wait3A_74, %dma_wait3A_75] : memref<10240x16xf32, #tpu.memory_space<vmem_shared>> -> memref<10240x16xf32, #tpu.memory_space<vmem_shared>>
    %dma_wait3A_77 = tpu.memref_slice %arg9[%dma_wait3A_70] : memref<3x!tpu.dma_semaphore, #tpu.memory_space<semaphore_mem>> -> memref<1x!tpu.dma_semaphore, #tpu.memory_space<semaphore_mem>>
    %dma_wait3A_78 = tpu.memref_squeeze %dma_wait3A_77 : memref<1x!tpu.dma_semaphore, #tpu.memory_space<semaphore_mem>> -> memref<!tpu.dma_semaphore, #tpu.memory_space<semaphore_mem>>
    tpu.wait_indirect_dma semaphore(%dma_wait3A_78 : memref<!tpu.dma_semaphore, #tpu.memory_space<semaphore_mem>>) src(%arg7 : memref<128x16xf32, #tpu.memory_space<vmem>>) dst(%dma_wait3A_76 : memref<10240x16xf32, #tpu.memory_space<vmem_shared>>)
    %sub3A_79 = arith.constant 3 : i32
    %sub3A_80 = arith.subi %select_n3A, %sub3A_79 : i32
    %add3A_81 = arith.constant 2 : i32
    %add3A_82 = arith.addi %sub3A_80, %add3A_81 : i32
    %dma_wait3A_83 = arith.constant 2 : i32
    %dma_wait3A_84 = arith.constant 0 : i32
    %dma_wait3A_85 = tpu.memref_slice %arg6[%add3A_82, %dma_wait3A_84] : memref<255x128xi32, #tpu.memory_space<vmem>> -> memref<1x128xi32, #tpu.memory_space<vmem>>
    %dma_wait3A_86 = tpu.memref_squeeze %dma_wait3A_85 : memref<1x128xi32, #tpu.memory_space<vmem>> -> memref<128xi32, #tpu.memory_space<vmem>>
    %dma_wait3A_87 = arith.constant 0 : i32
    %dma_wait3A_88 = arith.constant 0 : i32
    %dma_wait3A_89 = tpu.memref_slice %arg8[%dma_wait3A_87, %dma_wait3A_88] : memref<10240x16xf32, #tpu.memory_space<vmem_shared>> -> memref<10240x16xf32, #tpu.memory_space<vmem_shared>>
    %dma_wait3A_90 = tpu.memref_slice %arg9[%dma_wait3A_83] : memref<3x!tpu.dma_semaphore, #tpu.memory_space<semaphore_mem>> -> memref<1x!tpu.dma_semaphore, #tpu.memory_space<semaphore_mem>>
    %dma_wait3A_91 = tpu.memref_squeeze %dma_wait3A_90 : memref<1x!tpu.dma_semaphore, #tpu.memory_space<semaphore_mem>> -> memref<!tpu.dma_semaphore, #tpu.memory_space<semaphore_mem>>
    tpu.wait_indirect_dma semaphore(%dma_wait3A_91 : memref<!tpu.dma_semaphore, #tpu.memory_space<semaphore_mem>>) src(%arg7 : memref<128x16xf32, #tpu.memory_space<vmem>>) dst(%dma_wait3A_89 : memref<10240x16xf32, #tpu.memory_space<vmem_shared>>)
    %barrier3A_92 = arith.constant 0 : index
    tpu.barrier barrier_id(%barrier3A_92)
    %mul3A_93 = arith.constant 640 : i32
    %mul3A_94 = arith.muli %arg1, %mul3A_93 : i32
    %mul3A_95 = arith.constant 640 : i32
    %mul3A_96 = arith.muli %arg1, %mul3A_95 : i32
    "tpu.region"() ({
      %run_scoped3A = tpu.sem_alloc : memref<!tpu.dma_semaphore, #tpu.memory_space<semaphore_mem>>
      %dma_start3A_97 = arith.constant 0 : i32
      %dma_start3A_98 = tpu.memref_slice %arg5[%arg0, %mul3A_96, %dma_start3A_97] : memref<2x10240x16xf32, #tpu.memory_space<hbm>> -> memref<1x640x16xf32, #tpu.memory_space<hbm>>
      %dma_start3A_99 = tpu.memref_squeeze %dma_start3A_98 : memref<1x640x16xf32, #tpu.memory_space<hbm>> -> memref<640x16xf32, #tpu.memory_space<hbm>>
      %dma_start3A_100 = arith.constant 0 : i32
      %dma_start3A_101 = tpu.memref_slice %arg8[%mul3A_94, %dma_start3A_100] : memref<10240x16xf32, #tpu.memory_space<vmem_shared>> -> memref<640x16xf32, #tpu.memory_space<vmem_shared>>
      tpu.enqueue_dma source(%dma_start3A_101 : memref<640x16xf32, #tpu.memory_space<vmem_shared>>) target(%dma_start3A_99 : memref<640x16xf32, #tpu.memory_space<hbm>>) target_semaphore(%run_scoped3A : memref<!tpu.dma_semaphore, #tpu.memory_space<semaphore_mem>>)
      %dma_wait3A_102 = arith.constant 0 : i32
      %dma_wait3A_103 = tpu.memref_slice %arg5[%arg0, %mul3A_96, %dma_wait3A_102] : memref<2x10240x16xf32, #tpu.memory_space<hbm>> -> memref<1x640x16xf32, #tpu.memory_space<hbm>>
      %dma_wait3A_104 = tpu.memref_squeeze %dma_wait3A_103 : memref<1x640x16xf32, #tpu.memory_space<hbm>> -> memref<640x16xf32, #tpu.memory_space<hbm>>
      %dma_wait3A_105 = arith.constant 0 : i32
      %dma_wait3A_106 = tpu.memref_slice %arg8[%mul3A_94, %dma_wait3A_105] : memref<10240x16xf32, #tpu.memory_space<vmem_shared>> -> memref<640x16xf32, #tpu.memory_space<vmem_shared>>
      tpu.wait_dma2 semaphore(%run_scoped3A : memref<!tpu.dma_semaphore, #tpu.memory_space<semaphore_mem>>) src(%dma_wait3A_106 : memref<640x16xf32, #tpu.memory_space<vmem_shared>>) dst(%dma_wait3A_104 : memref<640x16xf32, #tpu.memory_space<hbm>>)
      tpu.yield
    }) : () -> ()
    return
  }
}

#map = affine_map<(d0, d1) -> (0, 0, 0)>
#map1 = affine_map<(d0, d1) -> (0, 0)>
module attributes {stable_mosaic.version = 14 : i64} {
  func.func @agg(%arg0: i32, %arg1: i32, %arg2: memref<32x255x128xi32, #tpu.memory_space<hbm>>, %arg3: memref<32x255x128xi32, #tpu.memory_space<hbm>>, %arg4: memref<10000x64xf32, #tpu.memory_space<hbm>>, %arg5: memref<10240x64xf32, #tpu.memory_space<hbm>>, %arg6: memref<2x10240x64xf32, #tpu.memory_space<hbm>>, %arg7: memref<255x128xi32, #tpu.memory_space<vmem>>, %arg8: memref<255x128xi32, #tpu.memory_space<vmem>>, %arg9: memref<128x64xf32, #tpu.memory_space<vmem>>, %arg10: memref<128x64xf32, #tpu.memory_space<vmem>>, %arg11: memref<128x64xf32, #tpu.memory_space<vmem>>, %arg12: memref<10240x64xf32, #tpu.memory_space<vmem_shared>>, %arg13: memref<3x!tpu.dma_semaphore, #tpu.memory_space<semaphore_mem>>, %arg14: memref<3x!tpu.dma_semaphore, #tpu.memory_space<semaphore_mem>>) attributes {dimension_semantics = [#tpu.dimension_semantics<core_parallel>, #tpu.dimension_semantics<subcore_parallel>], iteration_bounds = array<i64: 2, 16>, scalar_prefetch = 0 : i64, scratch_operands = 8 : i64, tpu.core_type = #tpu.core_type<sc_vector_subcore>, window_params = [{transform_indices = #map}, {transform_indices = #map}, {transform_indices = #map1}, {transform_indices = #map1}, {transform_indices = #map}]} {
    %mul3A = arith.constant 16 : i32
    %mul3A_0 = arith.muli %arg0, %mul3A : i32
    %add3A = arith.addi %mul3A_0, %arg1 : i32
    %eq3A = arith.constant 0 : i32
    %eq3A_1 = arith.cmpi eq, %arg0, %eq3A : i32
    %jit3A = arith.constant 255 : i32
    %jit3A_2 = arith.constant 60 : i32
    %select_n3A = arith.select %eq3A_1, %jit3A, %jit3A_2 : i32
    "tpu.region"() ({
      %run_scoped3A = tpu.sem_alloc : memref<!tpu.dma_semaphore, #tpu.memory_space<semaphore_mem>>
      %dma_start3A_157 = arith.constant 0 : i32
      %dma_start3A_158 = arith.constant 0 : i32
      %dma_start3A_159 = tpu.memref_slice %arg2[%add3A, %dma_start3A_157, %dma_start3A_158] : memref<32x255x128xi32, #tpu.memory_space<hbm>> -> memref<1x255x128xi32, #tpu.memory_space<hbm>>
      %dma_start3A_160 = tpu.memref_squeeze %dma_start3A_159 : memref<1x255x128xi32, #tpu.memory_space<hbm>> -> memref<255x128xi32, #tpu.memory_space<hbm>>
      %dma_start3A_161 = arith.constant 0 : i32
      %dma_start3A_162 = arith.constant 0 : i32
      %dma_start3A_163 = tpu.memref_slice %arg2[%add3A, %dma_start3A_161, %dma_start3A_162] : memref<32x255x128xi32, #tpu.memory_space<hbm>> -> memref<1x255x128xi32, #tpu.memory_space<hbm>>
      %dma_start3A_164 = tpu.memref_squeeze %dma_start3A_163 : memref<1x255x128xi32, #tpu.memory_space<hbm>> -> memref<255x128xi32, #tpu.memory_space<hbm>>
      tpu.enqueue_dma source(%dma_start3A_164 : memref<255x128xi32, #tpu.memory_space<hbm>>) target(%arg7 : memref<255x128xi32, #tpu.memory_space<vmem>>) target_semaphore(%run_scoped3A : memref<!tpu.dma_semaphore, #tpu.memory_space<semaphore_mem>>)
      %dma_wait3A_165 = arith.constant 0 : i32
      %dma_wait3A_166 = arith.constant 0 : i32
      %dma_wait3A_167 = tpu.memref_slice %arg2[%add3A, %dma_wait3A_165, %dma_wait3A_166] : memref<32x255x128xi32, #tpu.memory_space<hbm>> -> memref<1x255x128xi32, #tpu.memory_space<hbm>>
      %dma_wait3A_168 = tpu.memref_squeeze %dma_wait3A_167 : memref<1x255x128xi32, #tpu.memory_space<hbm>> -> memref<255x128xi32, #tpu.memory_space<hbm>>
      %dma_wait3A_169 = arith.constant 0 : i32
      %dma_wait3A_170 = arith.constant 0 : i32
      %dma_wait3A_171 = tpu.memref_slice %arg2[%add3A, %dma_wait3A_169, %dma_wait3A_170] : memref<32x255x128xi32, #tpu.memory_space<hbm>> -> memref<1x255x128xi32, #tpu.memory_space<hbm>>
      %dma_wait3A_172 = tpu.memref_squeeze %dma_wait3A_171 : memref<1x255x128xi32, #tpu.memory_space<hbm>> -> memref<255x128xi32, #tpu.memory_space<hbm>>
      tpu.wait_dma2 semaphore(%run_scoped3A : memref<!tpu.dma_semaphore, #tpu.memory_space<semaphore_mem>>) src(%dma_wait3A_172 : memref<255x128xi32, #tpu.memory_space<hbm>>) dst(%arg7 : memref<255x128xi32, #tpu.memory_space<vmem>>)
      tpu.yield
    }) : () -> ()
    "tpu.region"() ({
      %run_scoped3A = tpu.sem_alloc : memref<!tpu.dma_semaphore, #tpu.memory_space<semaphore_mem>>
      %dma_start3A_157 = arith.constant 0 : i32
      %dma_start3A_158 = arith.constant 0 : i32
      %dma_start3A_159 = tpu.memref_slice %arg3[%add3A, %dma_start3A_157, %dma_start3A_158] : memref<32x255x128xi32, #tpu.memory_space<hbm>> -> memref<1x255x128xi32, #tpu.memory_space<hbm>>
      %dma_start3A_160 = tpu.memref_squeeze %dma_start3A_159 : memref<1x255x128xi32, #tpu.memory_space<hbm>> -> memref<255x128xi32, #tpu.memory_space<hbm>>
      %dma_start3A_161 = arith.constant 0 : i32
      %dma_start3A_162 = arith.constant 0 : i32
      %dma_start3A_163 = tpu.memref_slice %arg3[%add3A, %dma_start3A_161, %dma_start3A_162] : memref<32x255x128xi32, #tpu.memory_space<hbm>> -> memref<1x255x128xi32, #tpu.memory_space<hbm>>
      %dma_start3A_164 = tpu.memref_squeeze %dma_start3A_163 : memref<1x255x128xi32, #tpu.memory_space<hbm>> -> memref<255x128xi32, #tpu.memory_space<hbm>>
      tpu.enqueue_dma source(%dma_start3A_164 : memref<255x128xi32, #tpu.memory_space<hbm>>) target(%arg8 : memref<255x128xi32, #tpu.memory_space<vmem>>) target_semaphore(%run_scoped3A : memref<!tpu.dma_semaphore, #tpu.memory_space<semaphore_mem>>)
      %dma_wait3A_165 = arith.constant 0 : i32
      %dma_wait3A_166 = arith.constant 0 : i32
      %dma_wait3A_167 = tpu.memref_slice %arg3[%add3A, %dma_wait3A_165, %dma_wait3A_166] : memref<32x255x128xi32, #tpu.memory_space<hbm>> -> memref<1x255x128xi32, #tpu.memory_space<hbm>>
      %dma_wait3A_168 = tpu.memref_squeeze %dma_wait3A_167 : memref<1x255x128xi32, #tpu.memory_space<hbm>> -> memref<255x128xi32, #tpu.memory_space<hbm>>
      %dma_wait3A_169 = arith.constant 0 : i32
      %dma_wait3A_170 = arith.constant 0 : i32
      %dma_wait3A_171 = tpu.memref_slice %arg3[%add3A, %dma_wait3A_169, %dma_wait3A_170] : memref<32x255x128xi32, #tpu.memory_space<hbm>> -> memref<1x255x128xi32, #tpu.memory_space<hbm>>
      %dma_wait3A_172 = tpu.memref_squeeze %dma_wait3A_171 : memref<1x255x128xi32, #tpu.memory_space<hbm>> -> memref<255x128xi32, #tpu.memory_space<hbm>>
      tpu.wait_dma2 semaphore(%run_scoped3A : memref<!tpu.dma_semaphore, #tpu.memory_space<semaphore_mem>>) src(%dma_wait3A_172 : memref<255x128xi32, #tpu.memory_space<hbm>>) dst(%arg8 : memref<255x128xi32, #tpu.memory_space<vmem>>)
      tpu.yield
    }) : () -> ()
    %mul3A_3 = arith.constant 640 : i32
    %mul3A_4 = arith.muli %arg1, %mul3A_3 : i32
    %mul3A_5 = arith.constant 640 : i32
    %mul3A_6 = arith.muli %arg1, %mul3A_5 : i32
    "tpu.region"() ({
      %run_scoped3A = tpu.sem_alloc : memref<!tpu.dma_semaphore, #tpu.memory_space<semaphore_mem>>
      %dma_start3A_157 = arith.constant 0 : i32
      %dma_start3A_158 = tpu.memref_slice %arg12[%mul3A_6, %dma_start3A_157] : memref<10240x64xf32, #tpu.memory_space<vmem_shared>> -> memref<640x64xf32, #tpu.memory_space<vmem_shared>>
      %dma_start3A_159 = arith.constant 0 : i32
      %dma_start3A_160 = tpu.memref_slice %arg5[%mul3A_4, %dma_start3A_159] : memref<10240x64xf32, #tpu.memory_space<hbm>> -> memref<640x64xf32, #tpu.memory_space<hbm>>
      tpu.enqueue_dma source(%dma_start3A_160 : memref<640x64xf32, #tpu.memory_space<hbm>>) target(%dma_start3A_158 : memref<640x64xf32, #tpu.memory_space<vmem_shared>>) target_semaphore(%run_scoped3A : memref<!tpu.dma_semaphore, #tpu.memory_space<semaphore_mem>>)
      %dma_wait3A_161 = arith.constant 0 : i32
      %dma_wait3A_162 = tpu.memref_slice %arg12[%mul3A_6, %dma_wait3A_161] : memref<10240x64xf32, #tpu.memory_space<vmem_shared>> -> memref<640x64xf32, #tpu.memory_space<vmem_shared>>
      %dma_wait3A_163 = arith.constant 0 : i32
      %dma_wait3A_164 = tpu.memref_slice %arg5[%mul3A_4, %dma_wait3A_163] : memref<10240x64xf32, #tpu.memory_space<hbm>> -> memref<640x64xf32, #tpu.memory_space<hbm>>
      tpu.wait_dma2 semaphore(%run_scoped3A : memref<!tpu.dma_semaphore, #tpu.memory_space<semaphore_mem>>) src(%dma_wait3A_164 : memref<640x64xf32, #tpu.memory_space<hbm>>) dst(%dma_wait3A_162 : memref<640x64xf32, #tpu.memory_space<vmem_shared>>)
      tpu.yield
    }) : () -> ()
    %barrier3A = arith.constant 0 : index
    tpu.barrier barrier_id(%barrier3A)
    %dma_start3A = arith.constant 0 : i32
    %dma_start3A_7 = arith.constant 0 : i32
    %dma_start3A_8 = arith.constant 0 : i32
    %dma_start3A_9 = tpu.memref_slice %arg7[%dma_start3A, %dma_start3A_8] : memref<255x128xi32, #tpu.memory_space<vmem>> -> memref<1x128xi32, #tpu.memory_space<vmem>>
    %dma_start3A_10 = tpu.memref_squeeze %dma_start3A_9 : memref<1x128xi32, #tpu.memory_space<vmem>> -> memref<128xi32, #tpu.memory_space<vmem>>
    %dma_start3A_11 = arith.constant 0 : i32
    %dma_start3A_12 = arith.constant 0 : i32
    %dma_start3A_13 = tpu.memref_slice %arg4[%dma_start3A_11, %dma_start3A_12] : memref<10000x64xf32, #tpu.memory_space<hbm>> -> memref<10000x64xf32, #tpu.memory_space<hbm>>
    %dma_start3A_14 = tpu.memref_slice %arg13[%dma_start3A_7] : memref<3x!tpu.dma_semaphore, #tpu.memory_space<semaphore_mem>> -> memref<1x!tpu.dma_semaphore, #tpu.memory_space<semaphore_mem>>
    %dma_start3A_15 = tpu.memref_squeeze %dma_start3A_14 : memref<1x!tpu.dma_semaphore, #tpu.memory_space<semaphore_mem>> -> memref<!tpu.dma_semaphore, #tpu.memory_space<semaphore_mem>>
    tpu.enqueue_indirect_dma source(%dma_start3A_13 : memref<10000x64xf32, #tpu.memory_space<hbm>>) target(%arg9 : memref<128x64xf32, #tpu.memory_space<vmem>>) offsets(%dma_start3A_10 : memref<128xi32, #tpu.memory_space<vmem>>) semaphore(%dma_start3A_15 : memref<!tpu.dma_semaphore, #tpu.memory_space<semaphore_mem>>)
    %dma_start3A_16 = arith.constant 1 : i32
    %dma_start3A_17 = arith.constant 1 : i32
    %dma_start3A_18 = arith.constant 0 : i32
    %dma_start3A_19 = tpu.memref_slice %arg7[%dma_start3A_16, %dma_start3A_18] : memref<255x128xi32, #tpu.memory_space<vmem>> -> memref<1x128xi32, #tpu.memory_space<vmem>>
    %dma_start3A_20 = tpu.memref_squeeze %dma_start3A_19 : memref<1x128xi32, #tpu.memory_space<vmem>> -> memref<128xi32, #tpu.memory_space<vmem>>
    %dma_start3A_21 = arith.constant 0 : i32
    %dma_start3A_22 = arith.constant 0 : i32
    %dma_start3A_23 = tpu.memref_slice %arg4[%dma_start3A_21, %dma_start3A_22] : memref<10000x64xf32, #tpu.memory_space<hbm>> -> memref<10000x64xf32, #tpu.memory_space<hbm>>
    %dma_start3A_24 = tpu.memref_slice %arg13[%dma_start3A_17] : memref<3x!tpu.dma_semaphore, #tpu.memory_space<semaphore_mem>> -> memref<1x!tpu.dma_semaphore, #tpu.memory_space<semaphore_mem>>
    %dma_start3A_25 = tpu.memref_squeeze %dma_start3A_24 : memref<1x!tpu.dma_semaphore, #tpu.memory_space<semaphore_mem>> -> memref<!tpu.dma_semaphore, #tpu.memory_space<semaphore_mem>>
    tpu.enqueue_indirect_dma source(%dma_start3A_23 : memref<10000x64xf32, #tpu.memory_space<hbm>>) target(%arg10 : memref<128x64xf32, #tpu.memory_space<vmem>>) offsets(%dma_start3A_20 : memref<128xi32, #tpu.memory_space<vmem>>) semaphore(%dma_start3A_25 : memref<!tpu.dma_semaphore, #tpu.memory_space<semaphore_mem>>)
    %dma_wait3A = arith.constant 0 : i32
    %dma_wait3A_26 = arith.constant 0 : i32
    %dma_wait3A_27 = arith.constant 0 : i32
    %dma_wait3A_28 = tpu.memref_slice %arg7[%dma_wait3A, %dma_wait3A_27] : memref<255x128xi32, #tpu.memory_space<vmem>> -> memref<1x128xi32, #tpu.memory_space<vmem>>
    %dma_wait3A_29 = tpu.memref_squeeze %dma_wait3A_28 : memref<1x128xi32, #tpu.memory_space<vmem>> -> memref<128xi32, #tpu.memory_space<vmem>>
    %dma_wait3A_30 = arith.constant 0 : i32
    %dma_wait3A_31 = arith.constant 0 : i32
    %dma_wait3A_32 = tpu.memref_slice %arg4[%dma_wait3A_30, %dma_wait3A_31] : memref<10000x64xf32, #tpu.memory_space<hbm>> -> memref<10000x64xf32, #tpu.memory_space<hbm>>
    %dma_wait3A_33 = tpu.memref_slice %arg13[%dma_wait3A_26] : memref<3x!tpu.dma_semaphore, #tpu.memory_space<semaphore_mem>> -> memref<1x!tpu.dma_semaphore, #tpu.memory_space<semaphore_mem>>
    %dma_wait3A_34 = tpu.memref_squeeze %dma_wait3A_33 : memref<1x!tpu.dma_semaphore, #tpu.memory_space<semaphore_mem>> -> memref<!tpu.dma_semaphore, #tpu.memory_space<semaphore_mem>>
    tpu.wait_indirect_dma semaphore(%dma_wait3A_34 : memref<!tpu.dma_semaphore, #tpu.memory_space<semaphore_mem>>) src(%dma_wait3A_32 : memref<10000x64xf32, #tpu.memory_space<hbm>>) dst(%arg9 : memref<128x64xf32, #tpu.memory_space<vmem>>)
    %dma_start3A_35 = arith.constant 0 : i32
    %dma_start3A_36 = arith.constant 0 : i32
    %dma_start3A_37 = arith.constant 0 : i32
    %dma_start3A_38 = tpu.memref_slice %arg8[%dma_start3A_35, %dma_start3A_37] : memref<255x128xi32, #tpu.memory_space<vmem>> -> memref<1x128xi32, #tpu.memory_space<vmem>>
    %dma_start3A_39 = tpu.memref_squeeze %dma_start3A_38 : memref<1x128xi32, #tpu.memory_space<vmem>> -> memref<128xi32, #tpu.memory_space<vmem>>
    %dma_start3A_40 = arith.constant 0 : i32
    %dma_start3A_41 = arith.constant 0 : i32
    %dma_start3A_42 = tpu.memref_slice %arg12[%dma_start3A_40, %dma_start3A_41] : memref<10240x64xf32, #tpu.memory_space<vmem_shared>> -> memref<10240x64xf32, #tpu.memory_space<vmem_shared>>
    %dma_start3A_43 = tpu.memref_slice %arg14[%dma_start3A_36] : memref<3x!tpu.dma_semaphore, #tpu.memory_space<semaphore_mem>> -> memref<1x!tpu.dma_semaphore, #tpu.memory_space<semaphore_mem>>
    %dma_start3A_44 = tpu.memref_squeeze %dma_start3A_43 : memref<1x!tpu.dma_semaphore, #tpu.memory_space<semaphore_mem>> -> memref<!tpu.dma_semaphore, #tpu.memory_space<semaphore_mem>>
    tpu.enqueue_indirect_dma source(%arg9 : memref<128x64xf32, #tpu.memory_space<vmem>>) target(%dma_start3A_42 : memref<10240x64xf32, #tpu.memory_space<vmem_shared>>) offsets(%dma_start3A_39 : memref<128xi32, #tpu.memory_space<vmem>>) semaphore(%dma_start3A_44 : memref<!tpu.dma_semaphore, #tpu.memory_space<semaphore_mem>>) {add = true}
    %dma_start3A_45 = arith.constant 2 : i32
    %dma_start3A_46 = arith.constant 2 : i32
    %dma_start3A_47 = arith.constant 0 : i32
    %dma_start3A_48 = tpu.memref_slice %arg7[%dma_start3A_45, %dma_start3A_47] : memref<255x128xi32, #tpu.memory_space<vmem>> -> memref<1x128xi32, #tpu.memory_space<vmem>>
    %dma_start3A_49 = tpu.memref_squeeze %dma_start3A_48 : memref<1x128xi32, #tpu.memory_space<vmem>> -> memref<128xi32, #tpu.memory_space<vmem>>
    %dma_start3A_50 = arith.constant 0 : i32
    %dma_start3A_51 = arith.constant 0 : i32
    %dma_start3A_52 = tpu.memref_slice %arg4[%dma_start3A_50, %dma_start3A_51] : memref<10000x64xf32, #tpu.memory_space<hbm>> -> memref<10000x64xf32, #tpu.memory_space<hbm>>
    %dma_start3A_53 = tpu.memref_slice %arg13[%dma_start3A_46] : memref<3x!tpu.dma_semaphore, #tpu.memory_space<semaphore_mem>> -> memref<1x!tpu.dma_semaphore, #tpu.memory_space<semaphore_mem>>
    %dma_start3A_54 = tpu.memref_squeeze %dma_start3A_53 : memref<1x!tpu.dma_semaphore, #tpu.memory_space<semaphore_mem>> -> memref<!tpu.dma_semaphore, #tpu.memory_space<semaphore_mem>>
    tpu.enqueue_indirect_dma source(%dma_start3A_52 : memref<10000x64xf32, #tpu.memory_space<hbm>>) target(%arg11 : memref<128x64xf32, #tpu.memory_space<vmem>>) offsets(%dma_start3A_49 : memref<128xi32, #tpu.memory_space<vmem>>) semaphore(%dma_start3A_54 : memref<!tpu.dma_semaphore, #tpu.memory_space<semaphore_mem>>)
    %sub3A = arith.constant 2 : i32
    %sub3A_55 = arith.subi %select_n3A, %sub3A : i32
    %sub3A_56 = arith.constant 1 : i32
    %sub3A_57 = arith.subi %sub3A_55, %sub3A_56 : i32
    %sub3A_58 = arith.constant 3 : i32
    %sub3A_59 = arith.constant 1 : i32
    %sub3A_60 = arith.subi %sub3A_58, %sub3A_59 : i32
    %add3A_61 = arith.addi %sub3A_57, %sub3A_60 : i32
    %div3A = arith.constant 3 : i32
    %div3A_62 = arith.divsi %add3A_61, %div3A : i32
    %while3A = arith.constant 3 : i32
    %while3A_63 = arith.constant 1 : i32
    %while3A_64 = arith.constant 0 : i32
    %while3A_65 = arith.subi %div3A_62, %while3A_64 : i32
    %while3A_66 = arith.addi %while3A_64, %while3A_65 : i32
    %while3A_67 = arith.constant 1 : i32
    %while3A_68 = arith.divsi %while3A_65, %while3A_67 : i32
    %while3A_69 = arith.muli %while3A_68, %while3A_67 : i32
    %while3A_70 = arith.addi %while3A_64, %while3A_69 : i32
    %while3A_71 = arith.constant 1 : i32
    scf.for %while3A_157 = %while3A_64 to %while3A_70 step %while3A_71  : i32 {
      %mul3A_158 = arith.muli %while3A_157, %while3A : i32
      %add3A_159 = arith.addi %while3A_63, %mul3A_158 : i32
      %add3A_160 = arith.constant 0 : i32
      %add3A_161 = arith.addi %add3A_159, %add3A_160 : i32
      %sub3A_162 = arith.constant 1 : i32
      %sub3A_163 = arith.subi %add3A_161, %sub3A_162 : i32
      %dma_wait3A_164 = arith.constant 0 : i32
      %dma_wait3A_165 = arith.constant 0 : i32
      %dma_wait3A_166 = tpu.memref_slice %arg8[%sub3A_163, %dma_wait3A_165] : memref<255x128xi32, #tpu.memory_space<vmem>> -> memref<1x128xi32, #tpu.memory_space<vmem>>
      %dma_wait3A_167 = tpu.memref_squeeze %dma_wait3A_166 : memref<1x128xi32, #tpu.memory_space<vmem>> -> memref<128xi32, #tpu.memory_space<vmem>>
      %dma_wait3A_168 = arith.constant 0 : i32
      %dma_wait3A_169 = arith.constant 0 : i32
      %dma_wait3A_170 = tpu.memref_slice %arg12[%dma_wait3A_168, %dma_wait3A_169] : memref<10240x64xf32, #tpu.memory_space<vmem_shared>> -> memref<10240x64xf32, #tpu.memory_space<vmem_shared>>
      %dma_wait3A_171 = tpu.memref_slice %arg14[%dma_wait3A_164] : memref<3x!tpu.dma_semaphore, #tpu.memory_space<semaphore_mem>> -> memref<1x!tpu.dma_semaphore, #tpu.memory_space<semaphore_mem>>
      %dma_wait3A_172 = tpu.memref_squeeze %dma_wait3A_171 : memref<1x!tpu.dma_semaphore, #tpu.memory_space<semaphore_mem>> -> memref<!tpu.dma_semaphore, #tpu.memory_space<semaphore_mem>>
      tpu.wait_indirect_dma semaphore(%dma_wait3A_172 : memref<!tpu.dma_semaphore, #tpu.memory_space<semaphore_mem>>) src(%arg9 : memref<128x64xf32, #tpu.memory_space<vmem>>) dst(%dma_wait3A_170 : memref<10240x64xf32, #tpu.memory_space<vmem_shared>>)
      %dma_wait3A_173 = arith.constant 1 : i32
      %dma_wait3A_174 = arith.constant 0 : i32
      %dma_wait3A_175 = tpu.memref_slice %arg7[%add3A_161, %dma_wait3A_174] : memref<255x128xi32, #tpu.memory_space<vmem>> -> memref<1x128xi32, #tpu.memory_space<vmem>>
      %dma_wait3A_176 = tpu.memref_squeeze %dma_wait3A_175 : memref<1x128xi32, #tpu.memory_space<vmem>> -> memref<128xi32, #tpu.memory_space<vmem>>
      %dma_wait3A_177 = arith.constant 0 : i32
      %dma_wait3A_178 = arith.constant 0 : i32
      %dma_wait3A_179 = tpu.memref_slice %arg4[%dma_wait3A_177, %dma_wait3A_178] : memref<10000x64xf32, #tpu.memory_space<hbm>> -> memref<10000x64xf32, #tpu.memory_space<hbm>>
      %dma_wait3A_180 = tpu.memref_slice %arg13[%dma_wait3A_173] : memref<3x!tpu.dma_semaphore, #tpu.memory_space<semaphore_mem>> -> memref<1x!tpu.dma_semaphore, #tpu.memory_space<semaphore_mem>>
      %dma_wait3A_181 = tpu.memref_squeeze %dma_wait3A_180 : memref<1x!tpu.dma_semaphore, #tpu.memory_space<semaphore_mem>> -> memref<!tpu.dma_semaphore, #tpu.memory_space<semaphore_mem>>
      tpu.wait_indirect_dma semaphore(%dma_wait3A_181 : memref<!tpu.dma_semaphore, #tpu.memory_space<semaphore_mem>>) src(%dma_wait3A_179 : memref<10000x64xf32, #tpu.memory_space<hbm>>) dst(%arg10 : memref<128x64xf32, #tpu.memory_space<vmem>>)
      %dma_start3A_182 = arith.constant 1 : i32
      %dma_start3A_183 = arith.constant 0 : i32
      %dma_start3A_184 = tpu.memref_slice %arg8[%add3A_161, %dma_start3A_183] : memref<255x128xi32, #tpu.memory_space<vmem>> -> memref<1x128xi32, #tpu.memory_space<vmem>>
      %dma_start3A_185 = tpu.memref_squeeze %dma_start3A_184 : memref<1x128xi32, #tpu.memory_space<vmem>> -> memref<128xi32, #tpu.memory_space<vmem>>
      %dma_start3A_186 = arith.constant 0 : i32
      %dma_start3A_187 = arith.constant 0 : i32
      %dma_start3A_188 = tpu.memref_slice %arg12[%dma_start3A_186, %dma_start3A_187] : memref<10240x64xf32, #tpu.memory_space<vmem_shared>> -> memref<10240x64xf32, #tpu.memory_space<vmem_shared>>
      %dma_start3A_189 = tpu.memref_slice %arg14[%dma_start3A_182] : memref<3x!tpu.dma_semaphore, #tpu.memory_space<semaphore_mem>> -> memref<1x!tpu.dma_semaphore, #tpu.memory_space<semaphore_mem>>
      %dma_start3A_190 = tpu.memref_squeeze %dma_start3A_189 : memref<1x!tpu.dma_semaphore, #tpu.memory_space<semaphore_mem>> -> memref<!tpu.dma_semaphore, #tpu.memory_space<semaphore_mem>>
      tpu.enqueue_indirect_dma source(%arg10 : memref<128x64xf32, #tpu.memory_space<vmem>>) target(%dma_start3A_188 : memref<10240x64xf32, #tpu.memory_space<vmem_shared>>) offsets(%dma_start3A_185 : memref<128xi32, #tpu.memory_space<vmem>>) semaphore(%dma_start3A_190 : memref<!tpu.dma_semaphore, #tpu.memory_space<semaphore_mem>>) {add = true}
      %add3A_191 = arith.constant 2 : i32
      %add3A_192 = arith.addi %add3A_161, %add3A_191 : i32
      %dma_start3A_193 = arith.constant 0 : i32
      %dma_start3A_194 = arith.constant 0 : i32
      %dma_start3A_195 = tpu.memref_slice %arg7[%add3A_192, %dma_start3A_194] : memref<255x128xi32, #tpu.memory_space<vmem>> -> memref<1x128xi32, #tpu.memory_space<vmem>>
      %dma_start3A_196 = tpu.memref_squeeze %dma_start3A_195 : memref<1x128xi32, #tpu.memory_space<vmem>> -> memref<128xi32, #tpu.memory_space<vmem>>
      %dma_start3A_197 = arith.constant 0 : i32
      %dma_start3A_198 = arith.constant 0 : i32
      %dma_start3A_199 = tpu.memref_slice %arg4[%dma_start3A_197, %dma_start3A_198] : memref<10000x64xf32, #tpu.memory_space<hbm>> -> memref<10000x64xf32, #tpu.memory_space<hbm>>
      %dma_start3A_200 = tpu.memref_slice %arg13[%dma_start3A_193] : memref<3x!tpu.dma_semaphore, #tpu.memory_space<semaphore_mem>> -> memref<1x!tpu.dma_semaphore, #tpu.memory_space<semaphore_mem>>
      %dma_start3A_201 = tpu.memref_squeeze %dma_start3A_200 : memref<1x!tpu.dma_semaphore, #tpu.memory_space<semaphore_mem>> -> memref<!tpu.dma_semaphore, #tpu.memory_space<semaphore_mem>>
      tpu.enqueue_indirect_dma source(%dma_start3A_199 : memref<10000x64xf32, #tpu.memory_space<hbm>>) target(%arg9 : memref<128x64xf32, #tpu.memory_space<vmem>>) offsets(%dma_start3A_196 : memref<128xi32, #tpu.memory_space<vmem>>) semaphore(%dma_start3A_201 : memref<!tpu.dma_semaphore, #tpu.memory_space<semaphore_mem>>)
      %add3A_202 = arith.constant 1 : i32
      %add3A_203 = arith.addi %add3A_159, %add3A_202 : i32
      %sub3A_204 = arith.constant 1 : i32
      %sub3A_205 = arith.subi %add3A_203, %sub3A_204 : i32
      %dma_wait3A_206 = arith.constant 1 : i32
      %dma_wait3A_207 = arith.constant 0 : i32
      %dma_wait3A_208 = tpu.memref_slice %arg8[%sub3A_205, %dma_wait3A_207] : memref<255x128xi32, #tpu.memory_space<vmem>> -> memref<1x128xi32, #tpu.memory_space<vmem>>
      %dma_wait3A_209 = tpu.memref_squeeze %dma_wait3A_208 : memref<1x128xi32, #tpu.memory_space<vmem>> -> memref<128xi32, #tpu.memory_space<vmem>>
      %dma_wait3A_210 = arith.constant 0 : i32
      %dma_wait3A_211 = arith.constant 0 : i32
      %dma_wait3A_212 = tpu.memref_slice %arg12[%dma_wait3A_210, %dma_wait3A_211] : memref<10240x64xf32, #tpu.memory_space<vmem_shared>> -> memref<10240x64xf32, #tpu.memory_space<vmem_shared>>
      %dma_wait3A_213 = tpu.memref_slice %arg14[%dma_wait3A_206] : memref<3x!tpu.dma_semaphore, #tpu.memory_space<semaphore_mem>> -> memref<1x!tpu.dma_semaphore, #tpu.memory_space<semaphore_mem>>
      %dma_wait3A_214 = tpu.memref_squeeze %dma_wait3A_213 : memref<1x!tpu.dma_semaphore, #tpu.memory_space<semaphore_mem>> -> memref<!tpu.dma_semaphore, #tpu.memory_space<semaphore_mem>>
      tpu.wait_indirect_dma semaphore(%dma_wait3A_214 : memref<!tpu.dma_semaphore, #tpu.memory_space<semaphore_mem>>) src(%arg10 : memref<128x64xf32, #tpu.memory_space<vmem>>) dst(%dma_wait3A_212 : memref<10240x64xf32, #tpu.memory_space<vmem_shared>>)
      %dma_wait3A_215 = arith.constant 2 : i32
      %dma_wait3A_216 = arith.constant 0 : i32
      %dma_wait3A_217 = tpu.memref_slice %arg7[%add3A_203, %dma_wait3A_216] : memref<255x128xi32, #tpu.memory_space<vmem>> -> memref<1x128xi32, #tpu.memory_space<vmem>>
      %dma_wait3A_218 = tpu.memref_squeeze %dma_wait3A_217 : memref<1x128xi32, #tpu.memory_space<vmem>> -> memref<128xi32, #tpu.memory_space<vmem>>
      %dma_wait3A_219 = arith.constant 0 : i32
      %dma_wait3A_220 = arith.constant 0 : i32
      %dma_wait3A_221 = tpu.memref_slice %arg4[%dma_wait3A_219, %dma_wait3A_220] : memref<10000x64xf32, #tpu.memory_space<hbm>> -> memref<10000x64xf32, #tpu.memory_space<hbm>>
      %dma_wait3A_222 = tpu.memref_slice %arg13[%dma_wait3A_215] : memref<3x!tpu.dma_semaphore, #tpu.memory_space<semaphore_mem>> -> memref<1x!tpu.dma_semaphore, #tpu.memory_space<semaphore_mem>>
      %dma_wait3A_223 = tpu.memref_squeeze %dma_wait3A_222 : memref<1x!tpu.dma_semaphore, #tpu.memory_space<semaphore_mem>> -> memref<!tpu.dma_semaphore, #tpu.memory_space<semaphore_mem>>
      tpu.wait_indirect_dma semaphore(%dma_wait3A_223 : memref<!tpu.dma_semaphore, #tpu.memory_space<semaphore_mem>>) src(%dma_wait3A_221 : memref<10000x64xf32, #tpu.memory_space<hbm>>) dst(%arg11 : memref<128x64xf32, #tpu.memory_space<vmem>>)
      %dma_start3A_224 = arith.constant 2 : i32
      %dma_start3A_225 = arith.constant 0 : i32
      %dma_start3A_226 = tpu.memref_slice %arg8[%add3A_203, %dma_start3A_225] : memref<255x128xi32, #tpu.memory_space<vmem>> -> memref<1x128xi32, #tpu.memory_space<vmem>>
      %dma_start3A_227 = tpu.memref_squeeze %dma_start3A_226 : memref<1x128xi32, #tpu.memory_space<vmem>> -> memref<128xi32, #tpu.memory_space<vmem>>
      %dma_start3A_228 = arith.constant 0 : i32
      %dma_start3A_229 = arith.constant 0 : i32
      %dma_start3A_230 = tpu.memref_slice %arg12[%dma_start3A_228, %dma_start3A_229] : memref<10240x64xf32, #tpu.memory_space<vmem_shared>> -> memref<10240x64xf32, #tpu.memory_space<vmem_shared>>
      %dma_start3A_231 = tpu.memref_slice %arg14[%dma_start3A_224] : memref<3x!tpu.dma_semaphore, #tpu.memory_space<semaphore_mem>> -> memref<1x!tpu.dma_semaphore, #tpu.memory_space<semaphore_mem>>
      %dma_start3A_232 = tpu.memref_squeeze %dma_start3A_231 : memref<1x!tpu.dma_semaphore, #tpu.memory_space<semaphore_mem>> -> memref<!tpu.dma_semaphore, #tpu.memory_space<semaphore_mem>>
      tpu.enqueue_indirect_dma source(%arg11 : memref<128x64xf32, #tpu.memory_space<vmem>>) target(%dma_start3A_230 : memref<10240x64xf32, #tpu.memory_space<vmem_shared>>) offsets(%dma_start3A_227 : memref<128xi32, #tpu.memory_space<vmem>>) semaphore(%dma_start3A_232 : memref<!tpu.dma_semaphore, #tpu.memory_space<semaphore_mem>>) {add = true}
      %add3A_233 = arith.constant 2 : i32
      %add3A_234 = arith.addi %add3A_203, %add3A_233 : i32
      %dma_start3A_235 = arith.constant 1 : i32
      %dma_start3A_236 = arith.constant 0 : i32
      %dma_start3A_237 = tpu.memref_slice %arg7[%add3A_234, %dma_start3A_236] : memref<255x128xi32, #tpu.memory_space<vmem>> -> memref<1x128xi32, #tpu.memory_space<vmem>>
      %dma_start3A_238 = tpu.memref_squeeze %dma_start3A_237 : memref<1x128xi32, #tpu.memory_space<vmem>> -> memref<128xi32, #tpu.memory_space<vmem>>
      %dma_start3A_239 = arith.constant 0 : i32
      %dma_start3A_240 = arith.constant 0 : i32
      %dma_start3A_241 = tpu.memref_slice %arg4[%dma_start3A_239, %dma_start3A_240] : memref<10000x64xf32, #tpu.memory_space<hbm>> -> memref<10000x64xf32, #tpu.memory_space<hbm>>
      %dma_start3A_242 = tpu.memref_slice %arg13[%dma_start3A_235] : memref<3x!tpu.dma_semaphore, #tpu.memory_space<semaphore_mem>> -> memref<1x!tpu.dma_semaphore, #tpu.memory_space<semaphore_mem>>
      %dma_start3A_243 = tpu.memref_squeeze %dma_start3A_242 : memref<1x!tpu.dma_semaphore, #tpu.memory_space<semaphore_mem>> -> memref<!tpu.dma_semaphore, #tpu.memory_space<semaphore_mem>>
      tpu.enqueue_indirect_dma source(%dma_start3A_241 : memref<10000x64xf32, #tpu.memory_space<hbm>>) target(%arg10 : memref<128x64xf32, #tpu.memory_space<vmem>>) offsets(%dma_start3A_238 : memref<128xi32, #tpu.memory_space<vmem>>) semaphore(%dma_start3A_243 : memref<!tpu.dma_semaphore, #tpu.memory_space<semaphore_mem>>)
      %add3A_244 = arith.constant 2 : i32
      %add3A_245 = arith.addi %add3A_159, %add3A_244 : i32
      %sub3A_246 = arith.constant 1 : i32
      %sub3A_247 = arith.subi %add3A_245, %sub3A_246 : i32
      %dma_wait3A_248 = arith.constant 2 : i32
      %dma_wait3A_249 = arith.constant 0 : i32
      %dma_wait3A_250 = tpu.memref_slice %arg8[%sub3A_247, %dma_wait3A_249] : memref<255x128xi32, #tpu.memory_space<vmem>> -> memref<1x128xi32, #tpu.memory_space<vmem>>
      %dma_wait3A_251 = tpu.memref_squeeze %dma_wait3A_250 : memref<1x128xi32, #tpu.memory_space<vmem>> -> memref<128xi32, #tpu.memory_space<vmem>>
      %dma_wait3A_252 = arith.constant 0 : i32
      %dma_wait3A_253 = arith.constant 0 : i32
      %dma_wait3A_254 = tpu.memref_slice %arg12[%dma_wait3A_252, %dma_wait3A_253] : memref<10240x64xf32, #tpu.memory_space<vmem_shared>> -> memref<10240x64xf32, #tpu.memory_space<vmem_shared>>
      %dma_wait3A_255 = tpu.memref_slice %arg14[%dma_wait3A_248] : memref<3x!tpu.dma_semaphore, #tpu.memory_space<semaphore_mem>> -> memref<1x!tpu.dma_semaphore, #tpu.memory_space<semaphore_mem>>
      %dma_wait3A_256 = tpu.memref_squeeze %dma_wait3A_255 : memref<1x!tpu.dma_semaphore, #tpu.memory_space<semaphore_mem>> -> memref<!tpu.dma_semaphore, #tpu.memory_space<semaphore_mem>>
      tpu.wait_indirect_dma semaphore(%dma_wait3A_256 : memref<!tpu.dma_semaphore, #tpu.memory_space<semaphore_mem>>) src(%arg11 : memref<128x64xf32, #tpu.memory_space<vmem>>) dst(%dma_wait3A_254 : memref<10240x64xf32, #tpu.memory_space<vmem_shared>>)
      %dma_wait3A_257 = arith.constant 0 : i32
      %dma_wait3A_258 = arith.constant 0 : i32
      %dma_wait3A_259 = tpu.memref_slice %arg7[%add3A_245, %dma_wait3A_258] : memref<255x128xi32, #tpu.memory_space<vmem>> -> memref<1x128xi32, #tpu.memory_space<vmem>>
      %dma_wait3A_260 = tpu.memref_squeeze %dma_wait3A_259 : memref<1x128xi32, #tpu.memory_space<vmem>> -> memref<128xi32, #tpu.memory_space<vmem>>
      %dma_wait3A_261 = arith.constant 0 : i32
      %dma_wait3A_262 = arith.constant 0 : i32
      %dma_wait3A_263 = tpu.memref_slice %arg4[%dma_wait3A_261, %dma_wait3A_262] : memref<10000x64xf32, #tpu.memory_space<hbm>> -> memref<10000x64xf32, #tpu.memory_space<hbm>>
      %dma_wait3A_264 = tpu.memref_slice %arg13[%dma_wait3A_257] : memref<3x!tpu.dma_semaphore, #tpu.memory_space<semaphore_mem>> -> memref<1x!tpu.dma_semaphore, #tpu.memory_space<semaphore_mem>>
      %dma_wait3A_265 = tpu.memref_squeeze %dma_wait3A_264 : memref<1x!tpu.dma_semaphore, #tpu.memory_space<semaphore_mem>> -> memref<!tpu.dma_semaphore, #tpu.memory_space<semaphore_mem>>
      tpu.wait_indirect_dma semaphore(%dma_wait3A_265 : memref<!tpu.dma_semaphore, #tpu.memory_space<semaphore_mem>>) src(%dma_wait3A_263 : memref<10000x64xf32, #tpu.memory_space<hbm>>) dst(%arg9 : memref<128x64xf32, #tpu.memory_space<vmem>>)
      %dma_start3A_266 = arith.constant 0 : i32
      %dma_start3A_267 = arith.constant 0 : i32
      %dma_start3A_268 = tpu.memref_slice %arg8[%add3A_245, %dma_start3A_267] : memref<255x128xi32, #tpu.memory_space<vmem>> -> memref<1x128xi32, #tpu.memory_space<vmem>>
      %dma_start3A_269 = tpu.memref_squeeze %dma_start3A_268 : memref<1x128xi32, #tpu.memory_space<vmem>> -> memref<128xi32, #tpu.memory_space<vmem>>
      %dma_start3A_270 = arith.constant 0 : i32
      %dma_start3A_271 = arith.constant 0 : i32
      %dma_start3A_272 = tpu.memref_slice %arg12[%dma_start3A_270, %dma_start3A_271] : memref<10240x64xf32, #tpu.memory_space<vmem_shared>> -> memref<10240x64xf32, #tpu.memory_space<vmem_shared>>
      %dma_start3A_273 = tpu.memref_slice %arg14[%dma_start3A_266] : memref<3x!tpu.dma_semaphore, #tpu.memory_space<semaphore_mem>> -> memref<1x!tpu.dma_semaphore, #tpu.memory_space<semaphore_mem>>
      %dma_start3A_274 = tpu.memref_squeeze %dma_start3A_273 : memref<1x!tpu.dma_semaphore, #tpu.memory_space<semaphore_mem>> -> memref<!tpu.dma_semaphore, #tpu.memory_space<semaphore_mem>>
      tpu.enqueue_indirect_dma source(%arg9 : memref<128x64xf32, #tpu.memory_space<vmem>>) target(%dma_start3A_272 : memref<10240x64xf32, #tpu.memory_space<vmem_shared>>) offsets(%dma_start3A_269 : memref<128xi32, #tpu.memory_space<vmem>>) semaphore(%dma_start3A_274 : memref<!tpu.dma_semaphore, #tpu.memory_space<semaphore_mem>>) {add = true}
      %add3A_275 = arith.constant 2 : i32
      %add3A_276 = arith.addi %add3A_245, %add3A_275 : i32
      %dma_start3A_277 = arith.constant 2 : i32
      %dma_start3A_278 = arith.constant 0 : i32
      %dma_start3A_279 = tpu.memref_slice %arg7[%add3A_276, %dma_start3A_278] : memref<255x128xi32, #tpu.memory_space<vmem>> -> memref<1x128xi32, #tpu.memory_space<vmem>>
      %dma_start3A_280 = tpu.memref_squeeze %dma_start3A_279 : memref<1x128xi32, #tpu.memory_space<vmem>> -> memref<128xi32, #tpu.memory_space<vmem>>
      %dma_start3A_281 = arith.constant 0 : i32
      %dma_start3A_282 = arith.constant 0 : i32
      %dma_start3A_283 = tpu.memref_slice %arg4[%dma_start3A_281, %dma_start3A_282] : memref<10000x64xf32, #tpu.memory_space<hbm>> -> memref<10000x64xf32, #tpu.memory_space<hbm>>
      %dma_start3A_284 = tpu.memref_slice %arg13[%dma_start3A_277] : memref<3x!tpu.dma_semaphore, #tpu.memory_space<semaphore_mem>> -> memref<1x!tpu.dma_semaphore, #tpu.memory_space<semaphore_mem>>
      %dma_start3A_285 = tpu.memref_squeeze %dma_start3A_284 : memref<1x!tpu.dma_semaphore, #tpu.memory_space<semaphore_mem>> -> memref<!tpu.dma_semaphore, #tpu.memory_space<semaphore_mem>>
      tpu.enqueue_indirect_dma source(%dma_start3A_283 : memref<10000x64xf32, #tpu.memory_space<hbm>>) target(%arg11 : memref<128x64xf32, #tpu.memory_space<vmem>>) offsets(%dma_start3A_280 : memref<128xi32, #tpu.memory_space<vmem>>) semaphore(%dma_start3A_285 : memref<!tpu.dma_semaphore, #tpu.memory_space<semaphore_mem>>)
    }
    %while3A_72 = arith.constant 1 : i32
    scf.for %while3A_157 = %while3A_70 to %while3A_66 step %while3A_72  : i32 {
      %mul3A_158 = arith.muli %while3A_157, %while3A : i32
      %add3A_159 = arith.addi %while3A_63, %mul3A_158 : i32
      %add3A_160 = arith.constant 0 : i32
      %add3A_161 = arith.addi %add3A_159, %add3A_160 : i32
      %sub3A_162 = arith.constant 1 : i32
      %sub3A_163 = arith.subi %add3A_161, %sub3A_162 : i32
      %dma_wait3A_164 = arith.constant 0 : i32
      %dma_wait3A_165 = arith.constant 0 : i32
      %dma_wait3A_166 = tpu.memref_slice %arg8[%sub3A_163, %dma_wait3A_165] : memref<255x128xi32, #tpu.memory_space<vmem>> -> memref<1x128xi32, #tpu.memory_space<vmem>>
      %dma_wait3A_167 = tpu.memref_squeeze %dma_wait3A_166 : memref<1x128xi32, #tpu.memory_space<vmem>> -> memref<128xi32, #tpu.memory_space<vmem>>
      %dma_wait3A_168 = arith.constant 0 : i32
      %dma_wait3A_169 = arith.constant 0 : i32
      %dma_wait3A_170 = tpu.memref_slice %arg12[%dma_wait3A_168, %dma_wait3A_169] : memref<10240x64xf32, #tpu.memory_space<vmem_shared>> -> memref<10240x64xf32, #tpu.memory_space<vmem_shared>>
      %dma_wait3A_171 = tpu.memref_slice %arg14[%dma_wait3A_164] : memref<3x!tpu.dma_semaphore, #tpu.memory_space<semaphore_mem>> -> memref<1x!tpu.dma_semaphore, #tpu.memory_space<semaphore_mem>>
      %dma_wait3A_172 = tpu.memref_squeeze %dma_wait3A_171 : memref<1x!tpu.dma_semaphore, #tpu.memory_space<semaphore_mem>> -> memref<!tpu.dma_semaphore, #tpu.memory_space<semaphore_mem>>
      tpu.wait_indirect_dma semaphore(%dma_wait3A_172 : memref<!tpu.dma_semaphore, #tpu.memory_space<semaphore_mem>>) src(%arg9 : memref<128x64xf32, #tpu.memory_space<vmem>>) dst(%dma_wait3A_170 : memref<10240x64xf32, #tpu.memory_space<vmem_shared>>)
      %dma_wait3A_173 = arith.constant 1 : i32
      %dma_wait3A_174 = arith.constant 0 : i32
      %dma_wait3A_175 = tpu.memref_slice %arg7[%add3A_161, %dma_wait3A_174] : memref<255x128xi32, #tpu.memory_space<vmem>> -> memref<1x128xi32, #tpu.memory_space<vmem>>
      %dma_wait3A_176 = tpu.memref_squeeze %dma_wait3A_175 : memref<1x128xi32, #tpu.memory_space<vmem>> -> memref<128xi32, #tpu.memory_space<vmem>>
      %dma_wait3A_177 = arith.constant 0 : i32
      %dma_wait3A_178 = arith.constant 0 : i32
      %dma_wait3A_179 = tpu.memref_slice %arg4[%dma_wait3A_177, %dma_wait3A_178] : memref<10000x64xf32, #tpu.memory_space<hbm>> -> memref<10000x64xf32, #tpu.memory_space<hbm>>
      %dma_wait3A_180 = tpu.memref_slice %arg13[%dma_wait3A_173] : memref<3x!tpu.dma_semaphore, #tpu.memory_space<semaphore_mem>> -> memref<1x!tpu.dma_semaphore, #tpu.memory_space<semaphore_mem>>
      %dma_wait3A_181 = tpu.memref_squeeze %dma_wait3A_180 : memref<1x!tpu.dma_semaphore, #tpu.memory_space<semaphore_mem>> -> memref<!tpu.dma_semaphore, #tpu.memory_space<semaphore_mem>>
      tpu.wait_indirect_dma semaphore(%dma_wait3A_181 : memref<!tpu.dma_semaphore, #tpu.memory_space<semaphore_mem>>) src(%dma_wait3A_179 : memref<10000x64xf32, #tpu.memory_space<hbm>>) dst(%arg10 : memref<128x64xf32, #tpu.memory_space<vmem>>)
      %dma_start3A_182 = arith.constant 1 : i32
      %dma_start3A_183 = arith.constant 0 : i32
      %dma_start3A_184 = tpu.memref_slice %arg8[%add3A_161, %dma_start3A_183] : memref<255x128xi32, #tpu.memory_space<vmem>> -> memref<1x128xi32, #tpu.memory_space<vmem>>
      %dma_start3A_185 = tpu.memref_squeeze %dma_start3A_184 : memref<1x128xi32, #tpu.memory_space<vmem>> -> memref<128xi32, #tpu.memory_space<vmem>>
      %dma_start3A_186 = arith.constant 0 : i32
      %dma_start3A_187 = arith.constant 0 : i32
      %dma_start3A_188 = tpu.memref_slice %arg12[%dma_start3A_186, %dma_start3A_187] : memref<10240x64xf32, #tpu.memory_space<vmem_shared>> -> memref<10240x64xf32, #tpu.memory_space<vmem_shared>>
      %dma_start3A_189 = tpu.memref_slice %arg14[%dma_start3A_182] : memref<3x!tpu.dma_semaphore, #tpu.memory_space<semaphore_mem>> -> memref<1x!tpu.dma_semaphore, #tpu.memory_space<semaphore_mem>>
      %dma_start3A_190 = tpu.memref_squeeze %dma_start3A_189 : memref<1x!tpu.dma_semaphore, #tpu.memory_space<semaphore_mem>> -> memref<!tpu.dma_semaphore, #tpu.memory_space<semaphore_mem>>
      tpu.enqueue_indirect_dma source(%arg10 : memref<128x64xf32, #tpu.memory_space<vmem>>) target(%dma_start3A_188 : memref<10240x64xf32, #tpu.memory_space<vmem_shared>>) offsets(%dma_start3A_185 : memref<128xi32, #tpu.memory_space<vmem>>) semaphore(%dma_start3A_190 : memref<!tpu.dma_semaphore, #tpu.memory_space<semaphore_mem>>) {add = true}
      %add3A_191 = arith.constant 2 : i32
      %add3A_192 = arith.addi %add3A_161, %add3A_191 : i32
      %dma_start3A_193 = arith.constant 0 : i32
      %dma_start3A_194 = arith.constant 0 : i32
      %dma_start3A_195 = tpu.memref_slice %arg7[%add3A_192, %dma_start3A_194] : memref<255x128xi32, #tpu.memory_space<vmem>> -> memref<1x128xi32, #tpu.memory_space<vmem>>
      %dma_start3A_196 = tpu.memref_squeeze %dma_start3A_195 : memref<1x128xi32, #tpu.memory_space<vmem>> -> memref<128xi32, #tpu.memory_space<vmem>>
      %dma_start3A_197 = arith.constant 0 : i32
      %dma_start3A_198 = arith.constant 0 : i32
      %dma_start3A_199 = tpu.memref_slice %arg4[%dma_start3A_197, %dma_start3A_198] : memref<10000x64xf32, #tpu.memory_space<hbm>> -> memref<10000x64xf32, #tpu.memory_space<hbm>>
      %dma_start3A_200 = tpu.memref_slice %arg13[%dma_start3A_193] : memref<3x!tpu.dma_semaphore, #tpu.memory_space<semaphore_mem>> -> memref<1x!tpu.dma_semaphore, #tpu.memory_space<semaphore_mem>>
      %dma_start3A_201 = tpu.memref_squeeze %dma_start3A_200 : memref<1x!tpu.dma_semaphore, #tpu.memory_space<semaphore_mem>> -> memref<!tpu.dma_semaphore, #tpu.memory_space<semaphore_mem>>
      tpu.enqueue_indirect_dma source(%dma_start3A_199 : memref<10000x64xf32, #tpu.memory_space<hbm>>) target(%arg9 : memref<128x64xf32, #tpu.memory_space<vmem>>) offsets(%dma_start3A_196 : memref<128xi32, #tpu.memory_space<vmem>>) semaphore(%dma_start3A_201 : memref<!tpu.dma_semaphore, #tpu.memory_space<semaphore_mem>>)
      %add3A_202 = arith.constant 1 : i32
      %add3A_203 = arith.addi %add3A_159, %add3A_202 : i32
      %sub3A_204 = arith.constant 1 : i32
      %sub3A_205 = arith.subi %add3A_203, %sub3A_204 : i32
      %dma_wait3A_206 = arith.constant 1 : i32
      %dma_wait3A_207 = arith.constant 0 : i32
      %dma_wait3A_208 = tpu.memref_slice %arg8[%sub3A_205, %dma_wait3A_207] : memref<255x128xi32, #tpu.memory_space<vmem>> -> memref<1x128xi32, #tpu.memory_space<vmem>>
      %dma_wait3A_209 = tpu.memref_squeeze %dma_wait3A_208 : memref<1x128xi32, #tpu.memory_space<vmem>> -> memref<128xi32, #tpu.memory_space<vmem>>
      %dma_wait3A_210 = arith.constant 0 : i32
      %dma_wait3A_211 = arith.constant 0 : i32
      %dma_wait3A_212 = tpu.memref_slice %arg12[%dma_wait3A_210, %dma_wait3A_211] : memref<10240x64xf32, #tpu.memory_space<vmem_shared>> -> memref<10240x64xf32, #tpu.memory_space<vmem_shared>>
      %dma_wait3A_213 = tpu.memref_slice %arg14[%dma_wait3A_206] : memref<3x!tpu.dma_semaphore, #tpu.memory_space<semaphore_mem>> -> memref<1x!tpu.dma_semaphore, #tpu.memory_space<semaphore_mem>>
      %dma_wait3A_214 = tpu.memref_squeeze %dma_wait3A_213 : memref<1x!tpu.dma_semaphore, #tpu.memory_space<semaphore_mem>> -> memref<!tpu.dma_semaphore, #tpu.memory_space<semaphore_mem>>
      tpu.wait_indirect_dma semaphore(%dma_wait3A_214 : memref<!tpu.dma_semaphore, #tpu.memory_space<semaphore_mem>>) src(%arg10 : memref<128x64xf32, #tpu.memory_space<vmem>>) dst(%dma_wait3A_212 : memref<10240x64xf32, #tpu.memory_space<vmem_shared>>)
      %dma_wait3A_215 = arith.constant 2 : i32
      %dma_wait3A_216 = arith.constant 0 : i32
      %dma_wait3A_217 = tpu.memref_slice %arg7[%add3A_203, %dma_wait3A_216] : memref<255x128xi32, #tpu.memory_space<vmem>> -> memref<1x128xi32, #tpu.memory_space<vmem>>
      %dma_wait3A_218 = tpu.memref_squeeze %dma_wait3A_217 : memref<1x128xi32, #tpu.memory_space<vmem>> -> memref<128xi32, #tpu.memory_space<vmem>>
      %dma_wait3A_219 = arith.constant 0 : i32
      %dma_wait3A_220 = arith.constant 0 : i32
      %dma_wait3A_221 = tpu.memref_slice %arg4[%dma_wait3A_219, %dma_wait3A_220] : memref<10000x64xf32, #tpu.memory_space<hbm>> -> memref<10000x64xf32, #tpu.memory_space<hbm>>
      %dma_wait3A_222 = tpu.memref_slice %arg13[%dma_wait3A_215] : memref<3x!tpu.dma_semaphore, #tpu.memory_space<semaphore_mem>> -> memref<1x!tpu.dma_semaphore, #tpu.memory_space<semaphore_mem>>
      %dma_wait3A_223 = tpu.memref_squeeze %dma_wait3A_222 : memref<1x!tpu.dma_semaphore, #tpu.memory_space<semaphore_mem>> -> memref<!tpu.dma_semaphore, #tpu.memory_space<semaphore_mem>>
      tpu.wait_indirect_dma semaphore(%dma_wait3A_223 : memref<!tpu.dma_semaphore, #tpu.memory_space<semaphore_mem>>) src(%dma_wait3A_221 : memref<10000x64xf32, #tpu.memory_space<hbm>>) dst(%arg11 : memref<128x64xf32, #tpu.memory_space<vmem>>)
      %dma_start3A_224 = arith.constant 2 : i32
      %dma_start3A_225 = arith.constant 0 : i32
      %dma_start3A_226 = tpu.memref_slice %arg8[%add3A_203, %dma_start3A_225] : memref<255x128xi32, #tpu.memory_space<vmem>> -> memref<1x128xi32, #tpu.memory_space<vmem>>
      %dma_start3A_227 = tpu.memref_squeeze %dma_start3A_226 : memref<1x128xi32, #tpu.memory_space<vmem>> -> memref<128xi32, #tpu.memory_space<vmem>>
      %dma_start3A_228 = arith.constant 0 : i32
      %dma_start3A_229 = arith.constant 0 : i32
      %dma_start3A_230 = tpu.memref_slice %arg12[%dma_start3A_228, %dma_start3A_229] : memref<10240x64xf32, #tpu.memory_space<vmem_shared>> -> memref<10240x64xf32, #tpu.memory_space<vmem_shared>>
      %dma_start3A_231 = tpu.memref_slice %arg14[%dma_start3A_224] : memref<3x!tpu.dma_semaphore, #tpu.memory_space<semaphore_mem>> -> memref<1x!tpu.dma_semaphore, #tpu.memory_space<semaphore_mem>>
      %dma_start3A_232 = tpu.memref_squeeze %dma_start3A_231 : memref<1x!tpu.dma_semaphore, #tpu.memory_space<semaphore_mem>> -> memref<!tpu.dma_semaphore, #tpu.memory_space<semaphore_mem>>
      tpu.enqueue_indirect_dma source(%arg11 : memref<128x64xf32, #tpu.memory_space<vmem>>) target(%dma_start3A_230 : memref<10240x64xf32, #tpu.memory_space<vmem_shared>>) offsets(%dma_start3A_227 : memref<128xi32, #tpu.memory_space<vmem>>) semaphore(%dma_start3A_232 : memref<!tpu.dma_semaphore, #tpu.memory_space<semaphore_mem>>) {add = true}
      %add3A_233 = arith.constant 2 : i32
      %add3A_234 = arith.addi %add3A_203, %add3A_233 : i32
      %dma_start3A_235 = arith.constant 1 : i32
      %dma_start3A_236 = arith.constant 0 : i32
      %dma_start3A_237 = tpu.memref_slice %arg7[%add3A_234, %dma_start3A_236] : memref<255x128xi32, #tpu.memory_space<vmem>> -> memref<1x128xi32, #tpu.memory_space<vmem>>
      %dma_start3A_238 = tpu.memref_squeeze %dma_start3A_237 : memref<1x128xi32, #tpu.memory_space<vmem>> -> memref<128xi32, #tpu.memory_space<vmem>>
      %dma_start3A_239 = arith.constant 0 : i32
      %dma_start3A_240 = arith.constant 0 : i32
      %dma_start3A_241 = tpu.memref_slice %arg4[%dma_start3A_239, %dma_start3A_240] : memref<10000x64xf32, #tpu.memory_space<hbm>> -> memref<10000x64xf32, #tpu.memory_space<hbm>>
      %dma_start3A_242 = tpu.memref_slice %arg13[%dma_start3A_235] : memref<3x!tpu.dma_semaphore, #tpu.memory_space<semaphore_mem>> -> memref<1x!tpu.dma_semaphore, #tpu.memory_space<semaphore_mem>>
      %dma_start3A_243 = tpu.memref_squeeze %dma_start3A_242 : memref<1x!tpu.dma_semaphore, #tpu.memory_space<semaphore_mem>> -> memref<!tpu.dma_semaphore, #tpu.memory_space<semaphore_mem>>
      tpu.enqueue_indirect_dma source(%dma_start3A_241 : memref<10000x64xf32, #tpu.memory_space<hbm>>) target(%arg10 : memref<128x64xf32, #tpu.memory_space<vmem>>) offsets(%dma_start3A_238 : memref<128xi32, #tpu.memory_space<vmem>>) semaphore(%dma_start3A_243 : memref<!tpu.dma_semaphore, #tpu.memory_space<semaphore_mem>>)
      %add3A_244 = arith.constant 2 : i32
      %add3A_245 = arith.addi %add3A_159, %add3A_244 : i32
      %sub3A_246 = arith.constant 1 : i32
      %sub3A_247 = arith.subi %add3A_245, %sub3A_246 : i32
      %dma_wait3A_248 = arith.constant 2 : i32
      %dma_wait3A_249 = arith.constant 0 : i32
      %dma_wait3A_250 = tpu.memref_slice %arg8[%sub3A_247, %dma_wait3A_249] : memref<255x128xi32, #tpu.memory_space<vmem>> -> memref<1x128xi32, #tpu.memory_space<vmem>>
      %dma_wait3A_251 = tpu.memref_squeeze %dma_wait3A_250 : memref<1x128xi32, #tpu.memory_space<vmem>> -> memref<128xi32, #tpu.memory_space<vmem>>
      %dma_wait3A_252 = arith.constant 0 : i32
      %dma_wait3A_253 = arith.constant 0 : i32
      %dma_wait3A_254 = tpu.memref_slice %arg12[%dma_wait3A_252, %dma_wait3A_253] : memref<10240x64xf32, #tpu.memory_space<vmem_shared>> -> memref<10240x64xf32, #tpu.memory_space<vmem_shared>>
      %dma_wait3A_255 = tpu.memref_slice %arg14[%dma_wait3A_248] : memref<3x!tpu.dma_semaphore, #tpu.memory_space<semaphore_mem>> -> memref<1x!tpu.dma_semaphore, #tpu.memory_space<semaphore_mem>>
      %dma_wait3A_256 = tpu.memref_squeeze %dma_wait3A_255 : memref<1x!tpu.dma_semaphore, #tpu.memory_space<semaphore_mem>> -> memref<!tpu.dma_semaphore, #tpu.memory_space<semaphore_mem>>
      tpu.wait_indirect_dma semaphore(%dma_wait3A_256 : memref<!tpu.dma_semaphore, #tpu.memory_space<semaphore_mem>>) src(%arg11 : memref<128x64xf32, #tpu.memory_space<vmem>>) dst(%dma_wait3A_254 : memref<10240x64xf32, #tpu.memory_space<vmem_shared>>)
      %dma_wait3A_257 = arith.constant 0 : i32
      %dma_wait3A_258 = arith.constant 0 : i32
      %dma_wait3A_259 = tpu.memref_slice %arg7[%add3A_245, %dma_wait3A_258] : memref<255x128xi32, #tpu.memory_space<vmem>> -> memref<1x128xi32, #tpu.memory_space<vmem>>
      %dma_wait3A_260 = tpu.memref_squeeze %dma_wait3A_259 : memref<1x128xi32, #tpu.memory_space<vmem>> -> memref<128xi32, #tpu.memory_space<vmem>>
      %dma_wait3A_261 = arith.constant 0 : i32
      %dma_wait3A_262 = arith.constant 0 : i32
      %dma_wait3A_263 = tpu.memref_slice %arg4[%dma_wait3A_261, %dma_wait3A_262] : memref<10000x64xf32, #tpu.memory_space<hbm>> -> memref<10000x64xf32, #tpu.memory_space<hbm>>
      %dma_wait3A_264 = tpu.memref_slice %arg13[%dma_wait3A_257] : memref<3x!tpu.dma_semaphore, #tpu.memory_space<semaphore_mem>> -> memref<1x!tpu.dma_semaphore, #tpu.memory_space<semaphore_mem>>
      %dma_wait3A_265 = tpu.memref_squeeze %dma_wait3A_264 : memref<1x!tpu.dma_semaphore, #tpu.memory_space<semaphore_mem>> -> memref<!tpu.dma_semaphore, #tpu.memory_space<semaphore_mem>>
      tpu.wait_indirect_dma semaphore(%dma_wait3A_265 : memref<!tpu.dma_semaphore, #tpu.memory_space<semaphore_mem>>) src(%dma_wait3A_263 : memref<10000x64xf32, #tpu.memory_space<hbm>>) dst(%arg9 : memref<128x64xf32, #tpu.memory_space<vmem>>)
      %dma_start3A_266 = arith.constant 0 : i32
      %dma_start3A_267 = arith.constant 0 : i32
      %dma_start3A_268 = tpu.memref_slice %arg8[%add3A_245, %dma_start3A_267] : memref<255x128xi32, #tpu.memory_space<vmem>> -> memref<1x128xi32, #tpu.memory_space<vmem>>
      %dma_start3A_269 = tpu.memref_squeeze %dma_start3A_268 : memref<1x128xi32, #tpu.memory_space<vmem>> -> memref<128xi32, #tpu.memory_space<vmem>>
      %dma_start3A_270 = arith.constant 0 : i32
      %dma_start3A_271 = arith.constant 0 : i32
      %dma_start3A_272 = tpu.memref_slice %arg12[%dma_start3A_270, %dma_start3A_271] : memref<10240x64xf32, #tpu.memory_space<vmem_shared>> -> memref<10240x64xf32, #tpu.memory_space<vmem_shared>>
      %dma_start3A_273 = tpu.memref_slice %arg14[%dma_start3A_266] : memref<3x!tpu.dma_semaphore, #tpu.memory_space<semaphore_mem>> -> memref<1x!tpu.dma_semaphore, #tpu.memory_space<semaphore_mem>>
      %dma_start3A_274 = tpu.memref_squeeze %dma_start3A_273 : memref<1x!tpu.dma_semaphore, #tpu.memory_space<semaphore_mem>> -> memref<!tpu.dma_semaphore, #tpu.memory_space<semaphore_mem>>
      tpu.enqueue_indirect_dma source(%arg9 : memref<128x64xf32, #tpu.memory_space<vmem>>) target(%dma_start3A_272 : memref<10240x64xf32, #tpu.memory_space<vmem_shared>>) offsets(%dma_start3A_269 : memref<128xi32, #tpu.memory_space<vmem>>) semaphore(%dma_start3A_274 : memref<!tpu.dma_semaphore, #tpu.memory_space<semaphore_mem>>) {add = true}
      %add3A_275 = arith.constant 2 : i32
      %add3A_276 = arith.addi %add3A_245, %add3A_275 : i32
      %dma_start3A_277 = arith.constant 2 : i32
      %dma_start3A_278 = arith.constant 0 : i32
      %dma_start3A_279 = tpu.memref_slice %arg7[%add3A_276, %dma_start3A_278] : memref<255x128xi32, #tpu.memory_space<vmem>> -> memref<1x128xi32, #tpu.memory_space<vmem>>
      %dma_start3A_280 = tpu.memref_squeeze %dma_start3A_279 : memref<1x128xi32, #tpu.memory_space<vmem>> -> memref<128xi32, #tpu.memory_space<vmem>>
      %dma_start3A_281 = arith.constant 0 : i32
      %dma_start3A_282 = arith.constant 0 : i32
      %dma_start3A_283 = tpu.memref_slice %arg4[%dma_start3A_281, %dma_start3A_282] : memref<10000x64xf32, #tpu.memory_space<hbm>> -> memref<10000x64xf32, #tpu.memory_space<hbm>>
      %dma_start3A_284 = tpu.memref_slice %arg13[%dma_start3A_277] : memref<3x!tpu.dma_semaphore, #tpu.memory_space<semaphore_mem>> -> memref<1x!tpu.dma_semaphore, #tpu.memory_space<semaphore_mem>>
      %dma_start3A_285 = tpu.memref_squeeze %dma_start3A_284 : memref<1x!tpu.dma_semaphore, #tpu.memory_space<semaphore_mem>> -> memref<!tpu.dma_semaphore, #tpu.memory_space<semaphore_mem>>
      tpu.enqueue_indirect_dma source(%dma_start3A_283 : memref<10000x64xf32, #tpu.memory_space<hbm>>) target(%arg11 : memref<128x64xf32, #tpu.memory_space<vmem>>) offsets(%dma_start3A_280 : memref<128xi32, #tpu.memory_space<vmem>>) semaphore(%dma_start3A_285 : memref<!tpu.dma_semaphore, #tpu.memory_space<semaphore_mem>>)
    }
    %sub3A_73 = arith.constant 2 : i32
    %sub3A_74 = arith.subi %select_n3A, %sub3A_73 : i32
    %add3A_75 = arith.constant 0 : i32
    %add3A_76 = arith.addi %sub3A_74, %add3A_75 : i32
    %sub3A_77 = arith.constant 1 : i32
    %sub3A_78 = arith.subi %add3A_76, %sub3A_77 : i32
    %dma_wait3A_79 = arith.constant 0 : i32
    %dma_wait3A_80 = arith.constant 0 : i32
    %dma_wait3A_81 = tpu.memref_slice %arg8[%sub3A_78, %dma_wait3A_80] : memref<255x128xi32, #tpu.memory_space<vmem>> -> memref<1x128xi32, #tpu.memory_space<vmem>>
    %dma_wait3A_82 = tpu.memref_squeeze %dma_wait3A_81 : memref<1x128xi32, #tpu.memory_space<vmem>> -> memref<128xi32, #tpu.memory_space<vmem>>
    %dma_wait3A_83 = arith.constant 0 : i32
    %dma_wait3A_84 = arith.constant 0 : i32
    %dma_wait3A_85 = tpu.memref_slice %arg12[%dma_wait3A_83, %dma_wait3A_84] : memref<10240x64xf32, #tpu.memory_space<vmem_shared>> -> memref<10240x64xf32, #tpu.memory_space<vmem_shared>>
    %dma_wait3A_86 = tpu.memref_slice %arg14[%dma_wait3A_79] : memref<3x!tpu.dma_semaphore, #tpu.memory_space<semaphore_mem>> -> memref<1x!tpu.dma_semaphore, #tpu.memory_space<semaphore_mem>>
    %dma_wait3A_87 = tpu.memref_squeeze %dma_wait3A_86 : memref<1x!tpu.dma_semaphore, #tpu.memory_space<semaphore_mem>> -> memref<!tpu.dma_semaphore, #tpu.memory_space<semaphore_mem>>
    tpu.wait_indirect_dma semaphore(%dma_wait3A_87 : memref<!tpu.dma_semaphore, #tpu.memory_space<semaphore_mem>>) src(%arg9 : memref<128x64xf32, #tpu.memory_space<vmem>>) dst(%dma_wait3A_85 : memref<10240x64xf32, #tpu.memory_space<vmem_shared>>)
    %dma_wait3A_88 = arith.constant 1 : i32
    %dma_wait3A_89 = arith.constant 0 : i32
    %dma_wait3A_90 = tpu.memref_slice %arg7[%add3A_76, %dma_wait3A_89] : memref<255x128xi32, #tpu.memory_space<vmem>> -> memref<1x128xi32, #tpu.memory_space<vmem>>
    %dma_wait3A_91 = tpu.memref_squeeze %dma_wait3A_90 : memref<1x128xi32, #tpu.memory_space<vmem>> -> memref<128xi32, #tpu.memory_space<vmem>>
    %dma_wait3A_92 = arith.constant 0 : i32
    %dma_wait3A_93 = arith.constant 0 : i32
    %dma_wait3A_94 = tpu.memref_slice %arg4[%dma_wait3A_92, %dma_wait3A_93] : memref<10000x64xf32, #tpu.memory_space<hbm>> -> memref<10000x64xf32, #tpu.memory_space<hbm>>
    %dma_wait3A_95 = tpu.memref_slice %arg13[%dma_wait3A_88] : memref<3x!tpu.dma_semaphore, #tpu.memory_space<semaphore_mem>> -> memref<1x!tpu.dma_semaphore, #tpu.memory_space<semaphore_mem>>
    %dma_wait3A_96 = tpu.memref_squeeze %dma_wait3A_95 : memref<1x!tpu.dma_semaphore, #tpu.memory_space<semaphore_mem>> -> memref<!tpu.dma_semaphore, #tpu.memory_space<semaphore_mem>>
    tpu.wait_indirect_dma semaphore(%dma_wait3A_96 : memref<!tpu.dma_semaphore, #tpu.memory_space<semaphore_mem>>) src(%dma_wait3A_94 : memref<10000x64xf32, #tpu.memory_space<hbm>>) dst(%arg10 : memref<128x64xf32, #tpu.memory_space<vmem>>)
    %dma_start3A_97 = arith.constant 1 : i32
    %dma_start3A_98 = arith.constant 0 : i32
    %dma_start3A_99 = tpu.memref_slice %arg8[%add3A_76, %dma_start3A_98] : memref<255x128xi32, #tpu.memory_space<vmem>> -> memref<1x128xi32, #tpu.memory_space<vmem>>
    %dma_start3A_100 = tpu.memref_squeeze %dma_start3A_99 : memref<1x128xi32, #tpu.memory_space<vmem>> -> memref<128xi32, #tpu.memory_space<vmem>>
    %dma_start3A_101 = arith.constant 0 : i32
    %dma_start3A_102 = arith.constant 0 : i32
    %dma_start3A_103 = tpu.memref_slice %arg12[%dma_start3A_101, %dma_start3A_102] : memref<10240x64xf32, #tpu.memory_space<vmem_shared>> -> memref<10240x64xf32, #tpu.memory_space<vmem_shared>>
    %dma_start3A_104 = tpu.memref_slice %arg14[%dma_start3A_97] : memref<3x!tpu.dma_semaphore, #tpu.memory_space<semaphore_mem>> -> memref<1x!tpu.dma_semaphore, #tpu.memory_space<semaphore_mem>>
    %dma_start3A_105 = tpu.memref_squeeze %dma_start3A_104 : memref<1x!tpu.dma_semaphore, #tpu.memory_space<semaphore_mem>> -> memref<!tpu.dma_semaphore, #tpu.memory_space<semaphore_mem>>
    tpu.enqueue_indirect_dma source(%arg10 : memref<128x64xf32, #tpu.memory_space<vmem>>) target(%dma_start3A_103 : memref<10240x64xf32, #tpu.memory_space<vmem_shared>>) offsets(%dma_start3A_100 : memref<128xi32, #tpu.memory_space<vmem>>) semaphore(%dma_start3A_105 : memref<!tpu.dma_semaphore, #tpu.memory_space<semaphore_mem>>) {add = true}
    %sub3A_106 = arith.constant 2 : i32
    %sub3A_107 = arith.subi %select_n3A, %sub3A_106 : i32
    %add3A_108 = arith.constant 1 : i32
    %add3A_109 = arith.addi %sub3A_107, %add3A_108 : i32
    %sub3A_110 = arith.constant 1 : i32
    %sub3A_111 = arith.subi %add3A_109, %sub3A_110 : i32
    %dma_wait3A_112 = arith.constant 1 : i32
    %dma_wait3A_113 = arith.constant 0 : i32
    %dma_wait3A_114 = tpu.memref_slice %arg8[%sub3A_111, %dma_wait3A_113] : memref<255x128xi32, #tpu.memory_space<vmem>> -> memref<1x128xi32, #tpu.memory_space<vmem>>
    %dma_wait3A_115 = tpu.memref_squeeze %dma_wait3A_114 : memref<1x128xi32, #tpu.memory_space<vmem>> -> memref<128xi32, #tpu.memory_space<vmem>>
    %dma_wait3A_116 = arith.constant 0 : i32
    %dma_wait3A_117 = arith.constant 0 : i32
    %dma_wait3A_118 = tpu.memref_slice %arg12[%dma_wait3A_116, %dma_wait3A_117] : memref<10240x64xf32, #tpu.memory_space<vmem_shared>> -> memref<10240x64xf32, #tpu.memory_space<vmem_shared>>
    %dma_wait3A_119 = tpu.memref_slice %arg14[%dma_wait3A_112] : memref<3x!tpu.dma_semaphore, #tpu.memory_space<semaphore_mem>> -> memref<1x!tpu.dma_semaphore, #tpu.memory_space<semaphore_mem>>
    %dma_wait3A_120 = tpu.memref_squeeze %dma_wait3A_119 : memref<1x!tpu.dma_semaphore, #tpu.memory_space<semaphore_mem>> -> memref<!tpu.dma_semaphore, #tpu.memory_space<semaphore_mem>>
    tpu.wait_indirect_dma semaphore(%dma_wait3A_120 : memref<!tpu.dma_semaphore, #tpu.memory_space<semaphore_mem>>) src(%arg10 : memref<128x64xf32, #tpu.memory_space<vmem>>) dst(%dma_wait3A_118 : memref<10240x64xf32, #tpu.memory_space<vmem_shared>>)
    %dma_wait3A_121 = arith.constant 2 : i32
    %dma_wait3A_122 = arith.constant 0 : i32
    %dma_wait3A_123 = tpu.memref_slice %arg7[%add3A_109, %dma_wait3A_122] : memref<255x128xi32, #tpu.memory_space<vmem>> -> memref<1x128xi32, #tpu.memory_space<vmem>>
    %dma_wait3A_124 = tpu.memref_squeeze %dma_wait3A_123 : memref<1x128xi32, #tpu.memory_space<vmem>> -> memref<128xi32, #tpu.memory_space<vmem>>
    %dma_wait3A_125 = arith.constant 0 : i32
    %dma_wait3A_126 = arith.constant 0 : i32
    %dma_wait3A_127 = tpu.memref_slice %arg4[%dma_wait3A_125, %dma_wait3A_126] : memref<10000x64xf32, #tpu.memory_space<hbm>> -> memref<10000x64xf32, #tpu.memory_space<hbm>>
    %dma_wait3A_128 = tpu.memref_slice %arg13[%dma_wait3A_121] : memref<3x!tpu.dma_semaphore, #tpu.memory_space<semaphore_mem>> -> memref<1x!tpu.dma_semaphore, #tpu.memory_space<semaphore_mem>>
    %dma_wait3A_129 = tpu.memref_squeeze %dma_wait3A_128 : memref<1x!tpu.dma_semaphore, #tpu.memory_space<semaphore_mem>> -> memref<!tpu.dma_semaphore, #tpu.memory_space<semaphore_mem>>
    tpu.wait_indirect_dma semaphore(%dma_wait3A_129 : memref<!tpu.dma_semaphore, #tpu.memory_space<semaphore_mem>>) src(%dma_wait3A_127 : memref<10000x64xf32, #tpu.memory_space<hbm>>) dst(%arg11 : memref<128x64xf32, #tpu.memory_space<vmem>>)
    %dma_start3A_130 = arith.constant 2 : i32
    %dma_start3A_131 = arith.constant 0 : i32
    %dma_start3A_132 = tpu.memref_slice %arg8[%add3A_109, %dma_start3A_131] : memref<255x128xi32, #tpu.memory_space<vmem>> -> memref<1x128xi32, #tpu.memory_space<vmem>>
    %dma_start3A_133 = tpu.memref_squeeze %dma_start3A_132 : memref<1x128xi32, #tpu.memory_space<vmem>> -> memref<128xi32, #tpu.memory_space<vmem>>
    %dma_start3A_134 = arith.constant 0 : i32
    %dma_start3A_135 = arith.constant 0 : i32
    %dma_start3A_136 = tpu.memref_slice %arg12[%dma_start3A_134, %dma_start3A_135] : memref<10240x64xf32, #tpu.memory_space<vmem_shared>> -> memref<10240x64xf32, #tpu.memory_space<vmem_shared>>
    %dma_start3A_137 = tpu.memref_slice %arg14[%dma_start3A_130] : memref<3x!tpu.dma_semaphore, #tpu.memory_space<semaphore_mem>> -> memref<1x!tpu.dma_semaphore, #tpu.memory_space<semaphore_mem>>
    %dma_start3A_138 = tpu.memref_squeeze %dma_start3A_137 : memref<1x!tpu.dma_semaphore, #tpu.memory_space<semaphore_mem>> -> memref<!tpu.dma_semaphore, #tpu.memory_space<semaphore_mem>>
    tpu.enqueue_indirect_dma source(%arg11 : memref<128x64xf32, #tpu.memory_space<vmem>>) target(%dma_start3A_136 : memref<10240x64xf32, #tpu.memory_space<vmem_shared>>) offsets(%dma_start3A_133 : memref<128xi32, #tpu.memory_space<vmem>>) semaphore(%dma_start3A_138 : memref<!tpu.dma_semaphore, #tpu.memory_space<semaphore_mem>>) {add = true}
    %sub3A_139 = arith.constant 1 : i32
    %sub3A_140 = arith.subi %select_n3A, %sub3A_139 : i32
    %add3A_141 = arith.constant 0 : i32
    %add3A_142 = arith.addi %sub3A_140, %add3A_141 : i32
    %dma_wait3A_143 = arith.constant 2 : i32
    %dma_wait3A_144 = arith.constant 0 : i32
    %dma_wait3A_145 = tpu.memref_slice %arg8[%add3A_142, %dma_wait3A_144] : memref<255x128xi32, #tpu.memory_space<vmem>> -> memref<1x128xi32, #tpu.memory_space<vmem>>
    %dma_wait3A_146 = tpu.memref_squeeze %dma_wait3A_145 : memref<1x128xi32, #tpu.memory_space<vmem>> -> memref<128xi32, #tpu.memory_space<vmem>>
    %dma_wait3A_147 = arith.constant 0 : i32
    %dma_wait3A_148 = arith.constant 0 : i32
    %dma_wait3A_149 = tpu.memref_slice %arg12[%dma_wait3A_147, %dma_wait3A_148] : memref<10240x64xf32, #tpu.memory_space<vmem_shared>> -> memref<10240x64xf32, #tpu.memory_space<vmem_shared>>
    %dma_wait3A_150 = tpu.memref_slice %arg14[%dma_wait3A_143] : memref<3x!tpu.dma_semaphore, #tpu.memory_space<semaphore_mem>> -> memref<1x!tpu.dma_semaphore, #tpu.memory_space<semaphore_mem>>
    %dma_wait3A_151 = tpu.memref_squeeze %dma_wait3A_150 : memref<1x!tpu.dma_semaphore, #tpu.memory_space<semaphore_mem>> -> memref<!tpu.dma_semaphore, #tpu.memory_space<semaphore_mem>>
    tpu.wait_indirect_dma semaphore(%dma_wait3A_151 : memref<!tpu.dma_semaphore, #tpu.memory_space<semaphore_mem>>) src(%arg11 : memref<128x64xf32, #tpu.memory_space<vmem>>) dst(%dma_wait3A_149 : memref<10240x64xf32, #tpu.memory_space<vmem_shared>>)
    %barrier3A_152 = arith.constant 0 : index
    tpu.barrier barrier_id(%barrier3A_152)
    %mul3A_153 = arith.constant 640 : i32
    %mul3A_154 = arith.muli %arg1, %mul3A_153 : i32
    %mul3A_155 = arith.constant 640 : i32
    %mul3A_156 = arith.muli %arg1, %mul3A_155 : i32
    "tpu.region"() ({
      %run_scoped3A = tpu.sem_alloc : memref<!tpu.dma_semaphore, #tpu.memory_space<semaphore_mem>>
      %dma_start3A_157 = arith.constant 0 : i32
      %dma_start3A_158 = tpu.memref_slice %arg6[%arg0, %mul3A_156, %dma_start3A_157] : memref<2x10240x64xf32, #tpu.memory_space<hbm>> -> memref<1x640x64xf32, #tpu.memory_space<hbm>>
      %dma_start3A_159 = tpu.memref_squeeze %dma_start3A_158 : memref<1x640x64xf32, #tpu.memory_space<hbm>> -> memref<640x64xf32, #tpu.memory_space<hbm>>
      %dma_start3A_160 = arith.constant 0 : i32
      %dma_start3A_161 = tpu.memref_slice %arg12[%mul3A_154, %dma_start3A_160] : memref<10240x64xf32, #tpu.memory_space<vmem_shared>> -> memref<640x64xf32, #tpu.memory_space<vmem_shared>>
      tpu.enqueue_dma source(%dma_start3A_161 : memref<640x64xf32, #tpu.memory_space<vmem_shared>>) target(%dma_start3A_159 : memref<640x64xf32, #tpu.memory_space<hbm>>) target_semaphore(%run_scoped3A : memref<!tpu.dma_semaphore, #tpu.memory_space<semaphore_mem>>)
      %dma_wait3A_162 = arith.constant 0 : i32
      %dma_wait3A_163 = tpu.memref_slice %arg6[%arg0, %mul3A_156, %dma_wait3A_162] : memref<2x10240x64xf32, #tpu.memory_space<hbm>> -> memref<1x640x64xf32, #tpu.memory_space<hbm>>
      %dma_wait3A_164 = tpu.memref_squeeze %dma_wait3A_163 : memref<1x640x64xf32, #tpu.memory_space<hbm>> -> memref<640x64xf32, #tpu.memory_space<hbm>>
      %dma_wait3A_165 = arith.constant 0 : i32
      %dma_wait3A_166 = tpu.memref_slice %arg12[%mul3A_154, %dma_wait3A_165] : memref<10240x64xf32, #tpu.memory_space<vmem_shared>> -> memref<640x64xf32, #tpu.memory_space<vmem_shared>>
      tpu.wait_dma2 semaphore(%run_scoped3A : memref<!tpu.dma_semaphore, #tpu.memory_space<semaphore_mem>>) src(%dma_wait3A_166 : memref<640x64xf32, #tpu.memory_space<vmem_shared>>) dst(%dma_wait3A_164 : memref<640x64xf32, #tpu.memory_space<hbm>>)
      tpu.yield
    }) : () -> ()
    return
  }
}

#map = affine_map<(d0, d1) -> (0, 0, 0)>
#map1 = affine_map<(d0, d1) -> (0, 0)>
module attributes {stable_mosaic.version = 14 : i64} {
  func.func @agg(%arg0: i32, %arg1: i32, %arg2: memref<32x255x128xi32, #tpu.memory_space<hbm>>, %arg3: memref<32x255x128xi32, #tpu.memory_space<hbm>>, %arg4: memref<10000x64xf32, #tpu.memory_space<hbm>>, %arg5: memref<10240x64xf32, #tpu.memory_space<hbm>>, %arg6: memref<2x10240x64xf32, #tpu.memory_space<hbm>>, %arg7: memref<255x128xi32, #tpu.memory_space<vmem>>, %arg8: memref<255x128xi32, #tpu.memory_space<vmem>>, %arg9: memref<128x64xf32, #tpu.memory_space<vmem>>, %arg10: memref<128x64xf32, #tpu.memory_space<vmem>>, %arg11: memref<128x64xf32, #tpu.memory_space<vmem>>, %arg12: memref<10240x64xf32, #tpu.memory_space<vmem_shared>>, %arg13: memref<3x!tpu.dma_semaphore, #tpu.memory_space<semaphore_mem>>, %arg14: memref<3x!tpu.dma_semaphore, #tpu.memory_space<semaphore_mem>>) attributes {dimension_semantics = [#tpu.dimension_semantics<core_parallel>, #tpu.dimension_semantics<subcore_parallel>], iteration_bounds = array<i64: 2, 16>, scalar_prefetch = 0 : i64, scratch_operands = 8 : i64, tpu.core_type = #tpu.core_type<sc_vector_subcore>, window_params = [{transform_indices = #map}, {transform_indices = #map}, {transform_indices = #map1}, {transform_indices = #map1}, {transform_indices = #map}]} {
    %mul3A = arith.constant 16 : i32
    %mul3A_0 = arith.muli %arg0, %mul3A : i32
    %add3A = arith.addi %mul3A_0, %arg1 : i32
    %eq3A = arith.constant 0 : i32
    %eq3A_1 = arith.cmpi eq, %arg0, %eq3A : i32
    %jit3A = arith.constant 255 : i32
    %jit3A_2 = arith.constant 60 : i32
    %select_n3A = arith.select %eq3A_1, %jit3A, %jit3A_2 : i32
    "tpu.region"() ({
      %run_scoped3A = tpu.sem_alloc : memref<!tpu.dma_semaphore, #tpu.memory_space<semaphore_mem>>
      %dma_start3A_157 = arith.constant 0 : i32
      %dma_start3A_158 = arith.constant 0 : i32
      %dma_start3A_159 = tpu.memref_slice %arg2[%add3A, %dma_start3A_157, %dma_start3A_158] : memref<32x255x128xi32, #tpu.memory_space<hbm>> -> memref<1x255x128xi32, #tpu.memory_space<hbm>>
      %dma_start3A_160 = tpu.memref_squeeze %dma_start3A_159 : memref<1x255x128xi32, #tpu.memory_space<hbm>> -> memref<255x128xi32, #tpu.memory_space<hbm>>
      %dma_start3A_161 = arith.constant 0 : i32
      %dma_start3A_162 = arith.constant 0 : i32
      %dma_start3A_163 = tpu.memref_slice %arg2[%add3A, %dma_start3A_161, %dma_start3A_162] : memref<32x255x128xi32, #tpu.memory_space<hbm>> -> memref<1x255x128xi32, #tpu.memory_space<hbm>>
      %dma_start3A_164 = tpu.memref_squeeze %dma_start3A_163 : memref<1x255x128xi32, #tpu.memory_space<hbm>> -> memref<255x128xi32, #tpu.memory_space<hbm>>
      tpu.enqueue_dma source(%dma_start3A_164 : memref<255x128xi32, #tpu.memory_space<hbm>>) target(%arg7 : memref<255x128xi32, #tpu.memory_space<vmem>>) target_semaphore(%run_scoped3A : memref<!tpu.dma_semaphore, #tpu.memory_space<semaphore_mem>>)
      %dma_wait3A_165 = arith.constant 0 : i32
      %dma_wait3A_166 = arith.constant 0 : i32
      %dma_wait3A_167 = tpu.memref_slice %arg2[%add3A, %dma_wait3A_165, %dma_wait3A_166] : memref<32x255x128xi32, #tpu.memory_space<hbm>> -> memref<1x255x128xi32, #tpu.memory_space<hbm>>
      %dma_wait3A_168 = tpu.memref_squeeze %dma_wait3A_167 : memref<1x255x128xi32, #tpu.memory_space<hbm>> -> memref<255x128xi32, #tpu.memory_space<hbm>>
      %dma_wait3A_169 = arith.constant 0 : i32
      %dma_wait3A_170 = arith.constant 0 : i32
      %dma_wait3A_171 = tpu.memref_slice %arg2[%add3A, %dma_wait3A_169, %dma_wait3A_170] : memref<32x255x128xi32, #tpu.memory_space<hbm>> -> memref<1x255x128xi32, #tpu.memory_space<hbm>>
      %dma_wait3A_172 = tpu.memref_squeeze %dma_wait3A_171 : memref<1x255x128xi32, #tpu.memory_space<hbm>> -> memref<255x128xi32, #tpu.memory_space<hbm>>
      tpu.wait_dma2 semaphore(%run_scoped3A : memref<!tpu.dma_semaphore, #tpu.memory_space<semaphore_mem>>) src(%dma_wait3A_172 : memref<255x128xi32, #tpu.memory_space<hbm>>) dst(%arg7 : memref<255x128xi32, #tpu.memory_space<vmem>>)
      tpu.yield
    }) : () -> ()
    "tpu.region"() ({
      %run_scoped3A = tpu.sem_alloc : memref<!tpu.dma_semaphore, #tpu.memory_space<semaphore_mem>>
      %dma_start3A_157 = arith.constant 0 : i32
      %dma_start3A_158 = arith.constant 0 : i32
      %dma_start3A_159 = tpu.memref_slice %arg3[%add3A, %dma_start3A_157, %dma_start3A_158] : memref<32x255x128xi32, #tpu.memory_space<hbm>> -> memref<1x255x128xi32, #tpu.memory_space<hbm>>
      %dma_start3A_160 = tpu.memref_squeeze %dma_start3A_159 : memref<1x255x128xi32, #tpu.memory_space<hbm>> -> memref<255x128xi32, #tpu.memory_space<hbm>>
      %dma_start3A_161 = arith.constant 0 : i32
      %dma_start3A_162 = arith.constant 0 : i32
      %dma_start3A_163 = tpu.memref_slice %arg3[%add3A, %dma_start3A_161, %dma_start3A_162] : memref<32x255x128xi32, #tpu.memory_space<hbm>> -> memref<1x255x128xi32, #tpu.memory_space<hbm>>
      %dma_start3A_164 = tpu.memref_squeeze %dma_start3A_163 : memref<1x255x128xi32, #tpu.memory_space<hbm>> -> memref<255x128xi32, #tpu.memory_space<hbm>>
      tpu.enqueue_dma source(%dma_start3A_164 : memref<255x128xi32, #tpu.memory_space<hbm>>) target(%arg8 : memref<255x128xi32, #tpu.memory_space<vmem>>) target_semaphore(%run_scoped3A : memref<!tpu.dma_semaphore, #tpu.memory_space<semaphore_mem>>)
      %dma_wait3A_165 = arith.constant 0 : i32
      %dma_wait3A_166 = arith.constant 0 : i32
      %dma_wait3A_167 = tpu.memref_slice %arg3[%add3A, %dma_wait3A_165, %dma_wait3A_166] : memref<32x255x128xi32, #tpu.memory_space<hbm>> -> memref<1x255x128xi32, #tpu.memory_space<hbm>>
      %dma_wait3A_168 = tpu.memref_squeeze %dma_wait3A_167 : memref<1x255x128xi32, #tpu.memory_space<hbm>> -> memref<255x128xi32, #tpu.memory_space<hbm>>
      %dma_wait3A_169 = arith.constant 0 : i32
      %dma_wait3A_170 = arith.constant 0 : i32
      %dma_wait3A_171 = tpu.memref_slice %arg3[%add3A, %dma_wait3A_169, %dma_wait3A_170] : memref<32x255x128xi32, #tpu.memory_space<hbm>> -> memref<1x255x128xi32, #tpu.memory_space<hbm>>
      %dma_wait3A_172 = tpu.memref_squeeze %dma_wait3A_171 : memref<1x255x128xi32, #tpu.memory_space<hbm>> -> memref<255x128xi32, #tpu.memory_space<hbm>>
      tpu.wait_dma2 semaphore(%run_scoped3A : memref<!tpu.dma_semaphore, #tpu.memory_space<semaphore_mem>>) src(%dma_wait3A_172 : memref<255x128xi32, #tpu.memory_space<hbm>>) dst(%arg8 : memref<255x128xi32, #tpu.memory_space<vmem>>)
      tpu.yield
    }) : () -> ()
    %mul3A_3 = arith.constant 640 : i32
    %mul3A_4 = arith.muli %arg1, %mul3A_3 : i32
    %mul3A_5 = arith.constant 640 : i32
    %mul3A_6 = arith.muli %arg1, %mul3A_5 : i32
    "tpu.region"() ({
      %run_scoped3A = tpu.sem_alloc : memref<!tpu.dma_semaphore, #tpu.memory_space<semaphore_mem>>
      %dma_start3A_157 = arith.constant 0 : i32
      %dma_start3A_158 = tpu.memref_slice %arg12[%mul3A_6, %dma_start3A_157] : memref<10240x64xf32, #tpu.memory_space<vmem_shared>> -> memref<640x64xf32, #tpu.memory_space<vmem_shared>>
      %dma_start3A_159 = arith.constant 0 : i32
      %dma_start3A_160 = tpu.memref_slice %arg5[%mul3A_4, %dma_start3A_159] : memref<10240x64xf32, #tpu.memory_space<hbm>> -> memref<640x64xf32, #tpu.memory_space<hbm>>
      tpu.enqueue_dma source(%dma_start3A_160 : memref<640x64xf32, #tpu.memory_space<hbm>>) target(%dma_start3A_158 : memref<640x64xf32, #tpu.memory_space<vmem_shared>>) target_semaphore(%run_scoped3A : memref<!tpu.dma_semaphore, #tpu.memory_space<semaphore_mem>>)
      %dma_wait3A_161 = arith.constant 0 : i32
      %dma_wait3A_162 = tpu.memref_slice %arg12[%mul3A_6, %dma_wait3A_161] : memref<10240x64xf32, #tpu.memory_space<vmem_shared>> -> memref<640x64xf32, #tpu.memory_space<vmem_shared>>
      %dma_wait3A_163 = arith.constant 0 : i32
      %dma_wait3A_164 = tpu.memref_slice %arg5[%mul3A_4, %dma_wait3A_163] : memref<10240x64xf32, #tpu.memory_space<hbm>> -> memref<640x64xf32, #tpu.memory_space<hbm>>
      tpu.wait_dma2 semaphore(%run_scoped3A : memref<!tpu.dma_semaphore, #tpu.memory_space<semaphore_mem>>) src(%dma_wait3A_164 : memref<640x64xf32, #tpu.memory_space<hbm>>) dst(%dma_wait3A_162 : memref<640x64xf32, #tpu.memory_space<vmem_shared>>)
      tpu.yield
    }) : () -> ()
    %barrier3A = arith.constant 0 : index
    tpu.barrier barrier_id(%barrier3A)
    %dma_start3A = arith.constant 0 : i32
    %dma_start3A_7 = arith.constant 0 : i32
    %dma_start3A_8 = arith.constant 0 : i32
    %dma_start3A_9 = tpu.memref_slice %arg7[%dma_start3A, %dma_start3A_8] : memref<255x128xi32, #tpu.memory_space<vmem>> -> memref<1x128xi32, #tpu.memory_space<vmem>>
    %dma_start3A_10 = tpu.memref_squeeze %dma_start3A_9 : memref<1x128xi32, #tpu.memory_space<vmem>> -> memref<128xi32, #tpu.memory_space<vmem>>
    %dma_start3A_11 = arith.constant 0 : i32
    %dma_start3A_12 = arith.constant 0 : i32
    %dma_start3A_13 = tpu.memref_slice %arg4[%dma_start3A_11, %dma_start3A_12] : memref<10000x64xf32, #tpu.memory_space<hbm>> -> memref<10000x64xf32, #tpu.memory_space<hbm>>
    %dma_start3A_14 = tpu.memref_slice %arg13[%dma_start3A_7] : memref<3x!tpu.dma_semaphore, #tpu.memory_space<semaphore_mem>> -> memref<1x!tpu.dma_semaphore, #tpu.memory_space<semaphore_mem>>
    %dma_start3A_15 = tpu.memref_squeeze %dma_start3A_14 : memref<1x!tpu.dma_semaphore, #tpu.memory_space<semaphore_mem>> -> memref<!tpu.dma_semaphore, #tpu.memory_space<semaphore_mem>>
    tpu.enqueue_indirect_dma source(%dma_start3A_13 : memref<10000x64xf32, #tpu.memory_space<hbm>>) target(%arg9 : memref<128x64xf32, #tpu.memory_space<vmem>>) offsets(%dma_start3A_10 : memref<128xi32, #tpu.memory_space<vmem>>) semaphore(%dma_start3A_15 : memref<!tpu.dma_semaphore, #tpu.memory_space<semaphore_mem>>)
    %dma_start3A_16 = arith.constant 1 : i32
    %dma_start3A_17 = arith.constant 1 : i32
    %dma_start3A_18 = arith.constant 0 : i32
    %dma_start3A_19 = tpu.memref_slice %arg7[%dma_start3A_16, %dma_start3A_18] : memref<255x128xi32, #tpu.memory_space<vmem>> -> memref<1x128xi32, #tpu.memory_space<vmem>>
    %dma_start3A_20 = tpu.memref_squeeze %dma_start3A_19 : memref<1x128xi32, #tpu.memory_space<vmem>> -> memref<128xi32, #tpu.memory_space<vmem>>
    %dma_start3A_21 = arith.constant 0 : i32
    %dma_start3A_22 = arith.constant 0 : i32
    %dma_start3A_23 = tpu.memref_slice %arg4[%dma_start3A_21, %dma_start3A_22] : memref<10000x64xf32, #tpu.memory_space<hbm>> -> memref<10000x64xf32, #tpu.memory_space<hbm>>
    %dma_start3A_24 = tpu.memref_slice %arg13[%dma_start3A_17] : memref<3x!tpu.dma_semaphore, #tpu.memory_space<semaphore_mem>> -> memref<1x!tpu.dma_semaphore, #tpu.memory_space<semaphore_mem>>
    %dma_start3A_25 = tpu.memref_squeeze %dma_start3A_24 : memref<1x!tpu.dma_semaphore, #tpu.memory_space<semaphore_mem>> -> memref<!tpu.dma_semaphore, #tpu.memory_space<semaphore_mem>>
    tpu.enqueue_indirect_dma source(%dma_start3A_23 : memref<10000x64xf32, #tpu.memory_space<hbm>>) target(%arg10 : memref<128x64xf32, #tpu.memory_space<vmem>>) offsets(%dma_start3A_20 : memref<128xi32, #tpu.memory_space<vmem>>) semaphore(%dma_start3A_25 : memref<!tpu.dma_semaphore, #tpu.memory_space<semaphore_mem>>)
    %dma_wait3A = arith.constant 0 : i32
    %dma_wait3A_26 = arith.constant 0 : i32
    %dma_wait3A_27 = arith.constant 0 : i32
    %dma_wait3A_28 = tpu.memref_slice %arg7[%dma_wait3A, %dma_wait3A_27] : memref<255x128xi32, #tpu.memory_space<vmem>> -> memref<1x128xi32, #tpu.memory_space<vmem>>
    %dma_wait3A_29 = tpu.memref_squeeze %dma_wait3A_28 : memref<1x128xi32, #tpu.memory_space<vmem>> -> memref<128xi32, #tpu.memory_space<vmem>>
    %dma_wait3A_30 = arith.constant 0 : i32
    %dma_wait3A_31 = arith.constant 0 : i32
    %dma_wait3A_32 = tpu.memref_slice %arg4[%dma_wait3A_30, %dma_wait3A_31] : memref<10000x64xf32, #tpu.memory_space<hbm>> -> memref<10000x64xf32, #tpu.memory_space<hbm>>
    %dma_wait3A_33 = tpu.memref_slice %arg13[%dma_wait3A_26] : memref<3x!tpu.dma_semaphore, #tpu.memory_space<semaphore_mem>> -> memref<1x!tpu.dma_semaphore, #tpu.memory_space<semaphore_mem>>
    %dma_wait3A_34 = tpu.memref_squeeze %dma_wait3A_33 : memref<1x!tpu.dma_semaphore, #tpu.memory_space<semaphore_mem>> -> memref<!tpu.dma_semaphore, #tpu.memory_space<semaphore_mem>>
    tpu.wait_indirect_dma semaphore(%dma_wait3A_34 : memref<!tpu.dma_semaphore, #tpu.memory_space<semaphore_mem>>) src(%dma_wait3A_32 : memref<10000x64xf32, #tpu.memory_space<hbm>>) dst(%arg9 : memref<128x64xf32, #tpu.memory_space<vmem>>)
    %dma_start3A_35 = arith.constant 0 : i32
    %dma_start3A_36 = arith.constant 0 : i32
    %dma_start3A_37 = arith.constant 0 : i32
    %dma_start3A_38 = tpu.memref_slice %arg8[%dma_start3A_35, %dma_start3A_37] : memref<255x128xi32, #tpu.memory_space<vmem>> -> memref<1x128xi32, #tpu.memory_space<vmem>>
    %dma_start3A_39 = tpu.memref_squeeze %dma_start3A_38 : memref<1x128xi32, #tpu.memory_space<vmem>> -> memref<128xi32, #tpu.memory_space<vmem>>
    %dma_start3A_40 = arith.constant 0 : i32
    %dma_start3A_41 = arith.constant 0 : i32
    %dma_start3A_42 = tpu.memref_slice %arg12[%dma_start3A_40, %dma_start3A_41] : memref<10240x64xf32, #tpu.memory_space<vmem_shared>> -> memref<10240x64xf32, #tpu.memory_space<vmem_shared>>
    %dma_start3A_43 = tpu.memref_slice %arg14[%dma_start3A_36] : memref<3x!tpu.dma_semaphore, #tpu.memory_space<semaphore_mem>> -> memref<1x!tpu.dma_semaphore, #tpu.memory_space<semaphore_mem>>
    %dma_start3A_44 = tpu.memref_squeeze %dma_start3A_43 : memref<1x!tpu.dma_semaphore, #tpu.memory_space<semaphore_mem>> -> memref<!tpu.dma_semaphore, #tpu.memory_space<semaphore_mem>>
    tpu.enqueue_indirect_dma source(%arg9 : memref<128x64xf32, #tpu.memory_space<vmem>>) target(%dma_start3A_42 : memref<10240x64xf32, #tpu.memory_space<vmem_shared>>) offsets(%dma_start3A_39 : memref<128xi32, #tpu.memory_space<vmem>>) semaphore(%dma_start3A_44 : memref<!tpu.dma_semaphore, #tpu.memory_space<semaphore_mem>>) {add = true}
    %dma_start3A_45 = arith.constant 2 : i32
    %dma_start3A_46 = arith.constant 2 : i32
    %dma_start3A_47 = arith.constant 0 : i32
    %dma_start3A_48 = tpu.memref_slice %arg7[%dma_start3A_45, %dma_start3A_47] : memref<255x128xi32, #tpu.memory_space<vmem>> -> memref<1x128xi32, #tpu.memory_space<vmem>>
    %dma_start3A_49 = tpu.memref_squeeze %dma_start3A_48 : memref<1x128xi32, #tpu.memory_space<vmem>> -> memref<128xi32, #tpu.memory_space<vmem>>
    %dma_start3A_50 = arith.constant 0 : i32
    %dma_start3A_51 = arith.constant 0 : i32
    %dma_start3A_52 = tpu.memref_slice %arg4[%dma_start3A_50, %dma_start3A_51] : memref<10000x64xf32, #tpu.memory_space<hbm>> -> memref<10000x64xf32, #tpu.memory_space<hbm>>
    %dma_start3A_53 = tpu.memref_slice %arg13[%dma_start3A_46] : memref<3x!tpu.dma_semaphore, #tpu.memory_space<semaphore_mem>> -> memref<1x!tpu.dma_semaphore, #tpu.memory_space<semaphore_mem>>
    %dma_start3A_54 = tpu.memref_squeeze %dma_start3A_53 : memref<1x!tpu.dma_semaphore, #tpu.memory_space<semaphore_mem>> -> memref<!tpu.dma_semaphore, #tpu.memory_space<semaphore_mem>>
    tpu.enqueue_indirect_dma source(%dma_start3A_52 : memref<10000x64xf32, #tpu.memory_space<hbm>>) target(%arg11 : memref<128x64xf32, #tpu.memory_space<vmem>>) offsets(%dma_start3A_49 : memref<128xi32, #tpu.memory_space<vmem>>) semaphore(%dma_start3A_54 : memref<!tpu.dma_semaphore, #tpu.memory_space<semaphore_mem>>)
    %sub3A = arith.constant 2 : i32
    %sub3A_55 = arith.subi %select_n3A, %sub3A : i32
    %sub3A_56 = arith.constant 1 : i32
    %sub3A_57 = arith.subi %sub3A_55, %sub3A_56 : i32
    %sub3A_58 = arith.constant 3 : i32
    %sub3A_59 = arith.constant 1 : i32
    %sub3A_60 = arith.subi %sub3A_58, %sub3A_59 : i32
    %add3A_61 = arith.addi %sub3A_57, %sub3A_60 : i32
    %div3A = arith.constant 3 : i32
    %div3A_62 = arith.divsi %add3A_61, %div3A : i32
    %while3A = arith.constant 3 : i32
    %while3A_63 = arith.constant 1 : i32
    %while3A_64 = arith.constant 0 : i32
    %while3A_65 = arith.subi %div3A_62, %while3A_64 : i32
    %while3A_66 = arith.addi %while3A_64, %while3A_65 : i32
    %while3A_67 = arith.constant 1 : i32
    %while3A_68 = arith.divsi %while3A_65, %while3A_67 : i32
    %while3A_69 = arith.muli %while3A_68, %while3A_67 : i32
    %while3A_70 = arith.addi %while3A_64, %while3A_69 : i32
    %while3A_71 = arith.constant 1 : i32
    scf.for %while3A_157 = %while3A_64 to %while3A_70 step %while3A_71  : i32 {
      %mul3A_158 = arith.muli %while3A_157, %while3A : i32
      %add3A_159 = arith.addi %while3A_63, %mul3A_158 : i32
      %add3A_160 = arith.constant 0 : i32
      %add3A_161 = arith.addi %add3A_159, %add3A_160 : i32
      %sub3A_162 = arith.constant 1 : i32
      %sub3A_163 = arith.subi %add3A_161, %sub3A_162 : i32
      %dma_wait3A_164 = arith.constant 0 : i32
      %dma_wait3A_165 = arith.constant 0 : i32
      %dma_wait3A_166 = tpu.memref_slice %arg8[%sub3A_163, %dma_wait3A_165] : memref<255x128xi32, #tpu.memory_space<vmem>> -> memref<1x128xi32, #tpu.memory_space<vmem>>
      %dma_wait3A_167 = tpu.memref_squeeze %dma_wait3A_166 : memref<1x128xi32, #tpu.memory_space<vmem>> -> memref<128xi32, #tpu.memory_space<vmem>>
      %dma_wait3A_168 = arith.constant 0 : i32
      %dma_wait3A_169 = arith.constant 0 : i32
      %dma_wait3A_170 = tpu.memref_slice %arg12[%dma_wait3A_168, %dma_wait3A_169] : memref<10240x64xf32, #tpu.memory_space<vmem_shared>> -> memref<10240x64xf32, #tpu.memory_space<vmem_shared>>
      %dma_wait3A_171 = tpu.memref_slice %arg14[%dma_wait3A_164] : memref<3x!tpu.dma_semaphore, #tpu.memory_space<semaphore_mem>> -> memref<1x!tpu.dma_semaphore, #tpu.memory_space<semaphore_mem>>
      %dma_wait3A_172 = tpu.memref_squeeze %dma_wait3A_171 : memref<1x!tpu.dma_semaphore, #tpu.memory_space<semaphore_mem>> -> memref<!tpu.dma_semaphore, #tpu.memory_space<semaphore_mem>>
      tpu.wait_indirect_dma semaphore(%dma_wait3A_172 : memref<!tpu.dma_semaphore, #tpu.memory_space<semaphore_mem>>) src(%arg9 : memref<128x64xf32, #tpu.memory_space<vmem>>) dst(%dma_wait3A_170 : memref<10240x64xf32, #tpu.memory_space<vmem_shared>>)
      %dma_wait3A_173 = arith.constant 1 : i32
      %dma_wait3A_174 = arith.constant 0 : i32
      %dma_wait3A_175 = tpu.memref_slice %arg7[%add3A_161, %dma_wait3A_174] : memref<255x128xi32, #tpu.memory_space<vmem>> -> memref<1x128xi32, #tpu.memory_space<vmem>>
      %dma_wait3A_176 = tpu.memref_squeeze %dma_wait3A_175 : memref<1x128xi32, #tpu.memory_space<vmem>> -> memref<128xi32, #tpu.memory_space<vmem>>
      %dma_wait3A_177 = arith.constant 0 : i32
      %dma_wait3A_178 = arith.constant 0 : i32
      %dma_wait3A_179 = tpu.memref_slice %arg4[%dma_wait3A_177, %dma_wait3A_178] : memref<10000x64xf32, #tpu.memory_space<hbm>> -> memref<10000x64xf32, #tpu.memory_space<hbm>>
      %dma_wait3A_180 = tpu.memref_slice %arg13[%dma_wait3A_173] : memref<3x!tpu.dma_semaphore, #tpu.memory_space<semaphore_mem>> -> memref<1x!tpu.dma_semaphore, #tpu.memory_space<semaphore_mem>>
      %dma_wait3A_181 = tpu.memref_squeeze %dma_wait3A_180 : memref<1x!tpu.dma_semaphore, #tpu.memory_space<semaphore_mem>> -> memref<!tpu.dma_semaphore, #tpu.memory_space<semaphore_mem>>
      tpu.wait_indirect_dma semaphore(%dma_wait3A_181 : memref<!tpu.dma_semaphore, #tpu.memory_space<semaphore_mem>>) src(%dma_wait3A_179 : memref<10000x64xf32, #tpu.memory_space<hbm>>) dst(%arg10 : memref<128x64xf32, #tpu.memory_space<vmem>>)
      %dma_start3A_182 = arith.constant 1 : i32
      %dma_start3A_183 = arith.constant 0 : i32
      %dma_start3A_184 = tpu.memref_slice %arg8[%add3A_161, %dma_start3A_183] : memref<255x128xi32, #tpu.memory_space<vmem>> -> memref<1x128xi32, #tpu.memory_space<vmem>>
      %dma_start3A_185 = tpu.memref_squeeze %dma_start3A_184 : memref<1x128xi32, #tpu.memory_space<vmem>> -> memref<128xi32, #tpu.memory_space<vmem>>
      %dma_start3A_186 = arith.constant 0 : i32
      %dma_start3A_187 = arith.constant 0 : i32
      %dma_start3A_188 = tpu.memref_slice %arg12[%dma_start3A_186, %dma_start3A_187] : memref<10240x64xf32, #tpu.memory_space<vmem_shared>> -> memref<10240x64xf32, #tpu.memory_space<vmem_shared>>
      %dma_start3A_189 = tpu.memref_slice %arg14[%dma_start3A_182] : memref<3x!tpu.dma_semaphore, #tpu.memory_space<semaphore_mem>> -> memref<1x!tpu.dma_semaphore, #tpu.memory_space<semaphore_mem>>
      %dma_start3A_190 = tpu.memref_squeeze %dma_start3A_189 : memref<1x!tpu.dma_semaphore, #tpu.memory_space<semaphore_mem>> -> memref<!tpu.dma_semaphore, #tpu.memory_space<semaphore_mem>>
      tpu.enqueue_indirect_dma source(%arg10 : memref<128x64xf32, #tpu.memory_space<vmem>>) target(%dma_start3A_188 : memref<10240x64xf32, #tpu.memory_space<vmem_shared>>) offsets(%dma_start3A_185 : memref<128xi32, #tpu.memory_space<vmem>>) semaphore(%dma_start3A_190 : memref<!tpu.dma_semaphore, #tpu.memory_space<semaphore_mem>>) {add = true}
      %add3A_191 = arith.constant 2 : i32
      %add3A_192 = arith.addi %add3A_161, %add3A_191 : i32
      %dma_start3A_193 = arith.constant 0 : i32
      %dma_start3A_194 = arith.constant 0 : i32
      %dma_start3A_195 = tpu.memref_slice %arg7[%add3A_192, %dma_start3A_194] : memref<255x128xi32, #tpu.memory_space<vmem>> -> memref<1x128xi32, #tpu.memory_space<vmem>>
      %dma_start3A_196 = tpu.memref_squeeze %dma_start3A_195 : memref<1x128xi32, #tpu.memory_space<vmem>> -> memref<128xi32, #tpu.memory_space<vmem>>
      %dma_start3A_197 = arith.constant 0 : i32
      %dma_start3A_198 = arith.constant 0 : i32
      %dma_start3A_199 = tpu.memref_slice %arg4[%dma_start3A_197, %dma_start3A_198] : memref<10000x64xf32, #tpu.memory_space<hbm>> -> memref<10000x64xf32, #tpu.memory_space<hbm>>
      %dma_start3A_200 = tpu.memref_slice %arg13[%dma_start3A_193] : memref<3x!tpu.dma_semaphore, #tpu.memory_space<semaphore_mem>> -> memref<1x!tpu.dma_semaphore, #tpu.memory_space<semaphore_mem>>
      %dma_start3A_201 = tpu.memref_squeeze %dma_start3A_200 : memref<1x!tpu.dma_semaphore, #tpu.memory_space<semaphore_mem>> -> memref<!tpu.dma_semaphore, #tpu.memory_space<semaphore_mem>>
      tpu.enqueue_indirect_dma source(%dma_start3A_199 : memref<10000x64xf32, #tpu.memory_space<hbm>>) target(%arg9 : memref<128x64xf32, #tpu.memory_space<vmem>>) offsets(%dma_start3A_196 : memref<128xi32, #tpu.memory_space<vmem>>) semaphore(%dma_start3A_201 : memref<!tpu.dma_semaphore, #tpu.memory_space<semaphore_mem>>)
      %add3A_202 = arith.constant 1 : i32
      %add3A_203 = arith.addi %add3A_159, %add3A_202 : i32
      %sub3A_204 = arith.constant 1 : i32
      %sub3A_205 = arith.subi %add3A_203, %sub3A_204 : i32
      %dma_wait3A_206 = arith.constant 1 : i32
      %dma_wait3A_207 = arith.constant 0 : i32
      %dma_wait3A_208 = tpu.memref_slice %arg8[%sub3A_205, %dma_wait3A_207] : memref<255x128xi32, #tpu.memory_space<vmem>> -> memref<1x128xi32, #tpu.memory_space<vmem>>
      %dma_wait3A_209 = tpu.memref_squeeze %dma_wait3A_208 : memref<1x128xi32, #tpu.memory_space<vmem>> -> memref<128xi32, #tpu.memory_space<vmem>>
      %dma_wait3A_210 = arith.constant 0 : i32
      %dma_wait3A_211 = arith.constant 0 : i32
      %dma_wait3A_212 = tpu.memref_slice %arg12[%dma_wait3A_210, %dma_wait3A_211] : memref<10240x64xf32, #tpu.memory_space<vmem_shared>> -> memref<10240x64xf32, #tpu.memory_space<vmem_shared>>
      %dma_wait3A_213 = tpu.memref_slice %arg14[%dma_wait3A_206] : memref<3x!tpu.dma_semaphore, #tpu.memory_space<semaphore_mem>> -> memref<1x!tpu.dma_semaphore, #tpu.memory_space<semaphore_mem>>
      %dma_wait3A_214 = tpu.memref_squeeze %dma_wait3A_213 : memref<1x!tpu.dma_semaphore, #tpu.memory_space<semaphore_mem>> -> memref<!tpu.dma_semaphore, #tpu.memory_space<semaphore_mem>>
      tpu.wait_indirect_dma semaphore(%dma_wait3A_214 : memref<!tpu.dma_semaphore, #tpu.memory_space<semaphore_mem>>) src(%arg10 : memref<128x64xf32, #tpu.memory_space<vmem>>) dst(%dma_wait3A_212 : memref<10240x64xf32, #tpu.memory_space<vmem_shared>>)
      %dma_wait3A_215 = arith.constant 2 : i32
      %dma_wait3A_216 = arith.constant 0 : i32
      %dma_wait3A_217 = tpu.memref_slice %arg7[%add3A_203, %dma_wait3A_216] : memref<255x128xi32, #tpu.memory_space<vmem>> -> memref<1x128xi32, #tpu.memory_space<vmem>>
      %dma_wait3A_218 = tpu.memref_squeeze %dma_wait3A_217 : memref<1x128xi32, #tpu.memory_space<vmem>> -> memref<128xi32, #tpu.memory_space<vmem>>
      %dma_wait3A_219 = arith.constant 0 : i32
      %dma_wait3A_220 = arith.constant 0 : i32
      %dma_wait3A_221 = tpu.memref_slice %arg4[%dma_wait3A_219, %dma_wait3A_220] : memref<10000x64xf32, #tpu.memory_space<hbm>> -> memref<10000x64xf32, #tpu.memory_space<hbm>>
      %dma_wait3A_222 = tpu.memref_slice %arg13[%dma_wait3A_215] : memref<3x!tpu.dma_semaphore, #tpu.memory_space<semaphore_mem>> -> memref<1x!tpu.dma_semaphore, #tpu.memory_space<semaphore_mem>>
      %dma_wait3A_223 = tpu.memref_squeeze %dma_wait3A_222 : memref<1x!tpu.dma_semaphore, #tpu.memory_space<semaphore_mem>> -> memref<!tpu.dma_semaphore, #tpu.memory_space<semaphore_mem>>
      tpu.wait_indirect_dma semaphore(%dma_wait3A_223 : memref<!tpu.dma_semaphore, #tpu.memory_space<semaphore_mem>>) src(%dma_wait3A_221 : memref<10000x64xf32, #tpu.memory_space<hbm>>) dst(%arg11 : memref<128x64xf32, #tpu.memory_space<vmem>>)
      %dma_start3A_224 = arith.constant 2 : i32
      %dma_start3A_225 = arith.constant 0 : i32
      %dma_start3A_226 = tpu.memref_slice %arg8[%add3A_203, %dma_start3A_225] : memref<255x128xi32, #tpu.memory_space<vmem>> -> memref<1x128xi32, #tpu.memory_space<vmem>>
      %dma_start3A_227 = tpu.memref_squeeze %dma_start3A_226 : memref<1x128xi32, #tpu.memory_space<vmem>> -> memref<128xi32, #tpu.memory_space<vmem>>
      %dma_start3A_228 = arith.constant 0 : i32
      %dma_start3A_229 = arith.constant 0 : i32
      %dma_start3A_230 = tpu.memref_slice %arg12[%dma_start3A_228, %dma_start3A_229] : memref<10240x64xf32, #tpu.memory_space<vmem_shared>> -> memref<10240x64xf32, #tpu.memory_space<vmem_shared>>
      %dma_start3A_231 = tpu.memref_slice %arg14[%dma_start3A_224] : memref<3x!tpu.dma_semaphore, #tpu.memory_space<semaphore_mem>> -> memref<1x!tpu.dma_semaphore, #tpu.memory_space<semaphore_mem>>
      %dma_start3A_232 = tpu.memref_squeeze %dma_start3A_231 : memref<1x!tpu.dma_semaphore, #tpu.memory_space<semaphore_mem>> -> memref<!tpu.dma_semaphore, #tpu.memory_space<semaphore_mem>>
      tpu.enqueue_indirect_dma source(%arg11 : memref<128x64xf32, #tpu.memory_space<vmem>>) target(%dma_start3A_230 : memref<10240x64xf32, #tpu.memory_space<vmem_shared>>) offsets(%dma_start3A_227 : memref<128xi32, #tpu.memory_space<vmem>>) semaphore(%dma_start3A_232 : memref<!tpu.dma_semaphore, #tpu.memory_space<semaphore_mem>>) {add = true}
      %add3A_233 = arith.constant 2 : i32
      %add3A_234 = arith.addi %add3A_203, %add3A_233 : i32
      %dma_start3A_235 = arith.constant 1 : i32
      %dma_start3A_236 = arith.constant 0 : i32
      %dma_start3A_237 = tpu.memref_slice %arg7[%add3A_234, %dma_start3A_236] : memref<255x128xi32, #tpu.memory_space<vmem>> -> memref<1x128xi32, #tpu.memory_space<vmem>>
      %dma_start3A_238 = tpu.memref_squeeze %dma_start3A_237 : memref<1x128xi32, #tpu.memory_space<vmem>> -> memref<128xi32, #tpu.memory_space<vmem>>
      %dma_start3A_239 = arith.constant 0 : i32
      %dma_start3A_240 = arith.constant 0 : i32
      %dma_start3A_241 = tpu.memref_slice %arg4[%dma_start3A_239, %dma_start3A_240] : memref<10000x64xf32, #tpu.memory_space<hbm>> -> memref<10000x64xf32, #tpu.memory_space<hbm>>
      %dma_start3A_242 = tpu.memref_slice %arg13[%dma_start3A_235] : memref<3x!tpu.dma_semaphore, #tpu.memory_space<semaphore_mem>> -> memref<1x!tpu.dma_semaphore, #tpu.memory_space<semaphore_mem>>
      %dma_start3A_243 = tpu.memref_squeeze %dma_start3A_242 : memref<1x!tpu.dma_semaphore, #tpu.memory_space<semaphore_mem>> -> memref<!tpu.dma_semaphore, #tpu.memory_space<semaphore_mem>>
      tpu.enqueue_indirect_dma source(%dma_start3A_241 : memref<10000x64xf32, #tpu.memory_space<hbm>>) target(%arg10 : memref<128x64xf32, #tpu.memory_space<vmem>>) offsets(%dma_start3A_238 : memref<128xi32, #tpu.memory_space<vmem>>) semaphore(%dma_start3A_243 : memref<!tpu.dma_semaphore, #tpu.memory_space<semaphore_mem>>)
      %add3A_244 = arith.constant 2 : i32
      %add3A_245 = arith.addi %add3A_159, %add3A_244 : i32
      %sub3A_246 = arith.constant 1 : i32
      %sub3A_247 = arith.subi %add3A_245, %sub3A_246 : i32
      %dma_wait3A_248 = arith.constant 2 : i32
      %dma_wait3A_249 = arith.constant 0 : i32
      %dma_wait3A_250 = tpu.memref_slice %arg8[%sub3A_247, %dma_wait3A_249] : memref<255x128xi32, #tpu.memory_space<vmem>> -> memref<1x128xi32, #tpu.memory_space<vmem>>
      %dma_wait3A_251 = tpu.memref_squeeze %dma_wait3A_250 : memref<1x128xi32, #tpu.memory_space<vmem>> -> memref<128xi32, #tpu.memory_space<vmem>>
      %dma_wait3A_252 = arith.constant 0 : i32
      %dma_wait3A_253 = arith.constant 0 : i32
      %dma_wait3A_254 = tpu.memref_slice %arg12[%dma_wait3A_252, %dma_wait3A_253] : memref<10240x64xf32, #tpu.memory_space<vmem_shared>> -> memref<10240x64xf32, #tpu.memory_space<vmem_shared>>
      %dma_wait3A_255 = tpu.memref_slice %arg14[%dma_wait3A_248] : memref<3x!tpu.dma_semaphore, #tpu.memory_space<semaphore_mem>> -> memref<1x!tpu.dma_semaphore, #tpu.memory_space<semaphore_mem>>
      %dma_wait3A_256 = tpu.memref_squeeze %dma_wait3A_255 : memref<1x!tpu.dma_semaphore, #tpu.memory_space<semaphore_mem>> -> memref<!tpu.dma_semaphore, #tpu.memory_space<semaphore_mem>>
      tpu.wait_indirect_dma semaphore(%dma_wait3A_256 : memref<!tpu.dma_semaphore, #tpu.memory_space<semaphore_mem>>) src(%arg11 : memref<128x64xf32, #tpu.memory_space<vmem>>) dst(%dma_wait3A_254 : memref<10240x64xf32, #tpu.memory_space<vmem_shared>>)
      %dma_wait3A_257 = arith.constant 0 : i32
      %dma_wait3A_258 = arith.constant 0 : i32
      %dma_wait3A_259 = tpu.memref_slice %arg7[%add3A_245, %dma_wait3A_258] : memref<255x128xi32, #tpu.memory_space<vmem>> -> memref<1x128xi32, #tpu.memory_space<vmem>>
      %dma_wait3A_260 = tpu.memref_squeeze %dma_wait3A_259 : memref<1x128xi32, #tpu.memory_space<vmem>> -> memref<128xi32, #tpu.memory_space<vmem>>
      %dma_wait3A_261 = arith.constant 0 : i32
      %dma_wait3A_262 = arith.constant 0 : i32
      %dma_wait3A_263 = tpu.memref_slice %arg4[%dma_wait3A_261, %dma_wait3A_262] : memref<10000x64xf32, #tpu.memory_space<hbm>> -> memref<10000x64xf32, #tpu.memory_space<hbm>>
      %dma_wait3A_264 = tpu.memref_slice %arg13[%dma_wait3A_257] : memref<3x!tpu.dma_semaphore, #tpu.memory_space<semaphore_mem>> -> memref<1x!tpu.dma_semaphore, #tpu.memory_space<semaphore_mem>>
      %dma_wait3A_265 = tpu.memref_squeeze %dma_wait3A_264 : memref<1x!tpu.dma_semaphore, #tpu.memory_space<semaphore_mem>> -> memref<!tpu.dma_semaphore, #tpu.memory_space<semaphore_mem>>
      tpu.wait_indirect_dma semaphore(%dma_wait3A_265 : memref<!tpu.dma_semaphore, #tpu.memory_space<semaphore_mem>>) src(%dma_wait3A_263 : memref<10000x64xf32, #tpu.memory_space<hbm>>) dst(%arg9 : memref<128x64xf32, #tpu.memory_space<vmem>>)
      %dma_start3A_266 = arith.constant 0 : i32
      %dma_start3A_267 = arith.constant 0 : i32
      %dma_start3A_268 = tpu.memref_slice %arg8[%add3A_245, %dma_start3A_267] : memref<255x128xi32, #tpu.memory_space<vmem>> -> memref<1x128xi32, #tpu.memory_space<vmem>>
      %dma_start3A_269 = tpu.memref_squeeze %dma_start3A_268 : memref<1x128xi32, #tpu.memory_space<vmem>> -> memref<128xi32, #tpu.memory_space<vmem>>
      %dma_start3A_270 = arith.constant 0 : i32
      %dma_start3A_271 = arith.constant 0 : i32
      %dma_start3A_272 = tpu.memref_slice %arg12[%dma_start3A_270, %dma_start3A_271] : memref<10240x64xf32, #tpu.memory_space<vmem_shared>> -> memref<10240x64xf32, #tpu.memory_space<vmem_shared>>
      %dma_start3A_273 = tpu.memref_slice %arg14[%dma_start3A_266] : memref<3x!tpu.dma_semaphore, #tpu.memory_space<semaphore_mem>> -> memref<1x!tpu.dma_semaphore, #tpu.memory_space<semaphore_mem>>
      %dma_start3A_274 = tpu.memref_squeeze %dma_start3A_273 : memref<1x!tpu.dma_semaphore, #tpu.memory_space<semaphore_mem>> -> memref<!tpu.dma_semaphore, #tpu.memory_space<semaphore_mem>>
      tpu.enqueue_indirect_dma source(%arg9 : memref<128x64xf32, #tpu.memory_space<vmem>>) target(%dma_start3A_272 : memref<10240x64xf32, #tpu.memory_space<vmem_shared>>) offsets(%dma_start3A_269 : memref<128xi32, #tpu.memory_space<vmem>>) semaphore(%dma_start3A_274 : memref<!tpu.dma_semaphore, #tpu.memory_space<semaphore_mem>>) {add = true}
      %add3A_275 = arith.constant 2 : i32
      %add3A_276 = arith.addi %add3A_245, %add3A_275 : i32
      %dma_start3A_277 = arith.constant 2 : i32
      %dma_start3A_278 = arith.constant 0 : i32
      %dma_start3A_279 = tpu.memref_slice %arg7[%add3A_276, %dma_start3A_278] : memref<255x128xi32, #tpu.memory_space<vmem>> -> memref<1x128xi32, #tpu.memory_space<vmem>>
      %dma_start3A_280 = tpu.memref_squeeze %dma_start3A_279 : memref<1x128xi32, #tpu.memory_space<vmem>> -> memref<128xi32, #tpu.memory_space<vmem>>
      %dma_start3A_281 = arith.constant 0 : i32
      %dma_start3A_282 = arith.constant 0 : i32
      %dma_start3A_283 = tpu.memref_slice %arg4[%dma_start3A_281, %dma_start3A_282] : memref<10000x64xf32, #tpu.memory_space<hbm>> -> memref<10000x64xf32, #tpu.memory_space<hbm>>
      %dma_start3A_284 = tpu.memref_slice %arg13[%dma_start3A_277] : memref<3x!tpu.dma_semaphore, #tpu.memory_space<semaphore_mem>> -> memref<1x!tpu.dma_semaphore, #tpu.memory_space<semaphore_mem>>
      %dma_start3A_285 = tpu.memref_squeeze %dma_start3A_284 : memref<1x!tpu.dma_semaphore, #tpu.memory_space<semaphore_mem>> -> memref<!tpu.dma_semaphore, #tpu.memory_space<semaphore_mem>>
      tpu.enqueue_indirect_dma source(%dma_start3A_283 : memref<10000x64xf32, #tpu.memory_space<hbm>>) target(%arg11 : memref<128x64xf32, #tpu.memory_space<vmem>>) offsets(%dma_start3A_280 : memref<128xi32, #tpu.memory_space<vmem>>) semaphore(%dma_start3A_285 : memref<!tpu.dma_semaphore, #tpu.memory_space<semaphore_mem>>)
    }
    %while3A_72 = arith.constant 1 : i32
    scf.for %while3A_157 = %while3A_70 to %while3A_66 step %while3A_72  : i32 {
      %mul3A_158 = arith.muli %while3A_157, %while3A : i32
      %add3A_159 = arith.addi %while3A_63, %mul3A_158 : i32
      %add3A_160 = arith.constant 0 : i32
      %add3A_161 = arith.addi %add3A_159, %add3A_160 : i32
      %sub3A_162 = arith.constant 1 : i32
      %sub3A_163 = arith.subi %add3A_161, %sub3A_162 : i32
      %dma_wait3A_164 = arith.constant 0 : i32
      %dma_wait3A_165 = arith.constant 0 : i32
      %dma_wait3A_166 = tpu.memref_slice %arg8[%sub3A_163, %dma_wait3A_165] : memref<255x128xi32, #tpu.memory_space<vmem>> -> memref<1x128xi32, #tpu.memory_space<vmem>>
      %dma_wait3A_167 = tpu.memref_squeeze %dma_wait3A_166 : memref<1x128xi32, #tpu.memory_space<vmem>> -> memref<128xi32, #tpu.memory_space<vmem>>
      %dma_wait3A_168 = arith.constant 0 : i32
      %dma_wait3A_169 = arith.constant 0 : i32
      %dma_wait3A_170 = tpu.memref_slice %arg12[%dma_wait3A_168, %dma_wait3A_169] : memref<10240x64xf32, #tpu.memory_space<vmem_shared>> -> memref<10240x64xf32, #tpu.memory_space<vmem_shared>>
      %dma_wait3A_171 = tpu.memref_slice %arg14[%dma_wait3A_164] : memref<3x!tpu.dma_semaphore, #tpu.memory_space<semaphore_mem>> -> memref<1x!tpu.dma_semaphore, #tpu.memory_space<semaphore_mem>>
      %dma_wait3A_172 = tpu.memref_squeeze %dma_wait3A_171 : memref<1x!tpu.dma_semaphore, #tpu.memory_space<semaphore_mem>> -> memref<!tpu.dma_semaphore, #tpu.memory_space<semaphore_mem>>
      tpu.wait_indirect_dma semaphore(%dma_wait3A_172 : memref<!tpu.dma_semaphore, #tpu.memory_space<semaphore_mem>>) src(%arg9 : memref<128x64xf32, #tpu.memory_space<vmem>>) dst(%dma_wait3A_170 : memref<10240x64xf32, #tpu.memory_space<vmem_shared>>)
      %dma_wait3A_173 = arith.constant 1 : i32
      %dma_wait3A_174 = arith.constant 0 : i32
      %dma_wait3A_175 = tpu.memref_slice %arg7[%add3A_161, %dma_wait3A_174] : memref<255x128xi32, #tpu.memory_space<vmem>> -> memref<1x128xi32, #tpu.memory_space<vmem>>
      %dma_wait3A_176 = tpu.memref_squeeze %dma_wait3A_175 : memref<1x128xi32, #tpu.memory_space<vmem>> -> memref<128xi32, #tpu.memory_space<vmem>>
      %dma_wait3A_177 = arith.constant 0 : i32
      %dma_wait3A_178 = arith.constant 0 : i32
      %dma_wait3A_179 = tpu.memref_slice %arg4[%dma_wait3A_177, %dma_wait3A_178] : memref<10000x64xf32, #tpu.memory_space<hbm>> -> memref<10000x64xf32, #tpu.memory_space<hbm>>
      %dma_wait3A_180 = tpu.memref_slice %arg13[%dma_wait3A_173] : memref<3x!tpu.dma_semaphore, #tpu.memory_space<semaphore_mem>> -> memref<1x!tpu.dma_semaphore, #tpu.memory_space<semaphore_mem>>
      %dma_wait3A_181 = tpu.memref_squeeze %dma_wait3A_180 : memref<1x!tpu.dma_semaphore, #tpu.memory_space<semaphore_mem>> -> memref<!tpu.dma_semaphore, #tpu.memory_space<semaphore_mem>>
      tpu.wait_indirect_dma semaphore(%dma_wait3A_181 : memref<!tpu.dma_semaphore, #tpu.memory_space<semaphore_mem>>) src(%dma_wait3A_179 : memref<10000x64xf32, #tpu.memory_space<hbm>>) dst(%arg10 : memref<128x64xf32, #tpu.memory_space<vmem>>)
      %dma_start3A_182 = arith.constant 1 : i32
      %dma_start3A_183 = arith.constant 0 : i32
      %dma_start3A_184 = tpu.memref_slice %arg8[%add3A_161, %dma_start3A_183] : memref<255x128xi32, #tpu.memory_space<vmem>> -> memref<1x128xi32, #tpu.memory_space<vmem>>
      %dma_start3A_185 = tpu.memref_squeeze %dma_start3A_184 : memref<1x128xi32, #tpu.memory_space<vmem>> -> memref<128xi32, #tpu.memory_space<vmem>>
      %dma_start3A_186 = arith.constant 0 : i32
      %dma_start3A_187 = arith.constant 0 : i32
      %dma_start3A_188 = tpu.memref_slice %arg12[%dma_start3A_186, %dma_start3A_187] : memref<10240x64xf32, #tpu.memory_space<vmem_shared>> -> memref<10240x64xf32, #tpu.memory_space<vmem_shared>>
      %dma_start3A_189 = tpu.memref_slice %arg14[%dma_start3A_182] : memref<3x!tpu.dma_semaphore, #tpu.memory_space<semaphore_mem>> -> memref<1x!tpu.dma_semaphore, #tpu.memory_space<semaphore_mem>>
      %dma_start3A_190 = tpu.memref_squeeze %dma_start3A_189 : memref<1x!tpu.dma_semaphore, #tpu.memory_space<semaphore_mem>> -> memref<!tpu.dma_semaphore, #tpu.memory_space<semaphore_mem>>
      tpu.enqueue_indirect_dma source(%arg10 : memref<128x64xf32, #tpu.memory_space<vmem>>) target(%dma_start3A_188 : memref<10240x64xf32, #tpu.memory_space<vmem_shared>>) offsets(%dma_start3A_185 : memref<128xi32, #tpu.memory_space<vmem>>) semaphore(%dma_start3A_190 : memref<!tpu.dma_semaphore, #tpu.memory_space<semaphore_mem>>) {add = true}
      %add3A_191 = arith.constant 2 : i32
      %add3A_192 = arith.addi %add3A_161, %add3A_191 : i32
      %dma_start3A_193 = arith.constant 0 : i32
      %dma_start3A_194 = arith.constant 0 : i32
      %dma_start3A_195 = tpu.memref_slice %arg7[%add3A_192, %dma_start3A_194] : memref<255x128xi32, #tpu.memory_space<vmem>> -> memref<1x128xi32, #tpu.memory_space<vmem>>
      %dma_start3A_196 = tpu.memref_squeeze %dma_start3A_195 : memref<1x128xi32, #tpu.memory_space<vmem>> -> memref<128xi32, #tpu.memory_space<vmem>>
      %dma_start3A_197 = arith.constant 0 : i32
      %dma_start3A_198 = arith.constant 0 : i32
      %dma_start3A_199 = tpu.memref_slice %arg4[%dma_start3A_197, %dma_start3A_198] : memref<10000x64xf32, #tpu.memory_space<hbm>> -> memref<10000x64xf32, #tpu.memory_space<hbm>>
      %dma_start3A_200 = tpu.memref_slice %arg13[%dma_start3A_193] : memref<3x!tpu.dma_semaphore, #tpu.memory_space<semaphore_mem>> -> memref<1x!tpu.dma_semaphore, #tpu.memory_space<semaphore_mem>>
      %dma_start3A_201 = tpu.memref_squeeze %dma_start3A_200 : memref<1x!tpu.dma_semaphore, #tpu.memory_space<semaphore_mem>> -> memref<!tpu.dma_semaphore, #tpu.memory_space<semaphore_mem>>
      tpu.enqueue_indirect_dma source(%dma_start3A_199 : memref<10000x64xf32, #tpu.memory_space<hbm>>) target(%arg9 : memref<128x64xf32, #tpu.memory_space<vmem>>) offsets(%dma_start3A_196 : memref<128xi32, #tpu.memory_space<vmem>>) semaphore(%dma_start3A_201 : memref<!tpu.dma_semaphore, #tpu.memory_space<semaphore_mem>>)
      %add3A_202 = arith.constant 1 : i32
      %add3A_203 = arith.addi %add3A_159, %add3A_202 : i32
      %sub3A_204 = arith.constant 1 : i32
      %sub3A_205 = arith.subi %add3A_203, %sub3A_204 : i32
      %dma_wait3A_206 = arith.constant 1 : i32
      %dma_wait3A_207 = arith.constant 0 : i32
      %dma_wait3A_208 = tpu.memref_slice %arg8[%sub3A_205, %dma_wait3A_207] : memref<255x128xi32, #tpu.memory_space<vmem>> -> memref<1x128xi32, #tpu.memory_space<vmem>>
      %dma_wait3A_209 = tpu.memref_squeeze %dma_wait3A_208 : memref<1x128xi32, #tpu.memory_space<vmem>> -> memref<128xi32, #tpu.memory_space<vmem>>
      %dma_wait3A_210 = arith.constant 0 : i32
      %dma_wait3A_211 = arith.constant 0 : i32
      %dma_wait3A_212 = tpu.memref_slice %arg12[%dma_wait3A_210, %dma_wait3A_211] : memref<10240x64xf32, #tpu.memory_space<vmem_shared>> -> memref<10240x64xf32, #tpu.memory_space<vmem_shared>>
      %dma_wait3A_213 = tpu.memref_slice %arg14[%dma_wait3A_206] : memref<3x!tpu.dma_semaphore, #tpu.memory_space<semaphore_mem>> -> memref<1x!tpu.dma_semaphore, #tpu.memory_space<semaphore_mem>>
      %dma_wait3A_214 = tpu.memref_squeeze %dma_wait3A_213 : memref<1x!tpu.dma_semaphore, #tpu.memory_space<semaphore_mem>> -> memref<!tpu.dma_semaphore, #tpu.memory_space<semaphore_mem>>
      tpu.wait_indirect_dma semaphore(%dma_wait3A_214 : memref<!tpu.dma_semaphore, #tpu.memory_space<semaphore_mem>>) src(%arg10 : memref<128x64xf32, #tpu.memory_space<vmem>>) dst(%dma_wait3A_212 : memref<10240x64xf32, #tpu.memory_space<vmem_shared>>)
      %dma_wait3A_215 = arith.constant 2 : i32
      %dma_wait3A_216 = arith.constant 0 : i32
      %dma_wait3A_217 = tpu.memref_slice %arg7[%add3A_203, %dma_wait3A_216] : memref<255x128xi32, #tpu.memory_space<vmem>> -> memref<1x128xi32, #tpu.memory_space<vmem>>
      %dma_wait3A_218 = tpu.memref_squeeze %dma_wait3A_217 : memref<1x128xi32, #tpu.memory_space<vmem>> -> memref<128xi32, #tpu.memory_space<vmem>>
      %dma_wait3A_219 = arith.constant 0 : i32
      %dma_wait3A_220 = arith.constant 0 : i32
      %dma_wait3A_221 = tpu.memref_slice %arg4[%dma_wait3A_219, %dma_wait3A_220] : memref<10000x64xf32, #tpu.memory_space<hbm>> -> memref<10000x64xf32, #tpu.memory_space<hbm>>
      %dma_wait3A_222 = tpu.memref_slice %arg13[%dma_wait3A_215] : memref<3x!tpu.dma_semaphore, #tpu.memory_space<semaphore_mem>> -> memref<1x!tpu.dma_semaphore, #tpu.memory_space<semaphore_mem>>
      %dma_wait3A_223 = tpu.memref_squeeze %dma_wait3A_222 : memref<1x!tpu.dma_semaphore, #tpu.memory_space<semaphore_mem>> -> memref<!tpu.dma_semaphore, #tpu.memory_space<semaphore_mem>>
      tpu.wait_indirect_dma semaphore(%dma_wait3A_223 : memref<!tpu.dma_semaphore, #tpu.memory_space<semaphore_mem>>) src(%dma_wait3A_221 : memref<10000x64xf32, #tpu.memory_space<hbm>>) dst(%arg11 : memref<128x64xf32, #tpu.memory_space<vmem>>)
      %dma_start3A_224 = arith.constant 2 : i32
      %dma_start3A_225 = arith.constant 0 : i32
      %dma_start3A_226 = tpu.memref_slice %arg8[%add3A_203, %dma_start3A_225] : memref<255x128xi32, #tpu.memory_space<vmem>> -> memref<1x128xi32, #tpu.memory_space<vmem>>
      %dma_start3A_227 = tpu.memref_squeeze %dma_start3A_226 : memref<1x128xi32, #tpu.memory_space<vmem>> -> memref<128xi32, #tpu.memory_space<vmem>>
      %dma_start3A_228 = arith.constant 0 : i32
      %dma_start3A_229 = arith.constant 0 : i32
      %dma_start3A_230 = tpu.memref_slice %arg12[%dma_start3A_228, %dma_start3A_229] : memref<10240x64xf32, #tpu.memory_space<vmem_shared>> -> memref<10240x64xf32, #tpu.memory_space<vmem_shared>>
      %dma_start3A_231 = tpu.memref_slice %arg14[%dma_start3A_224] : memref<3x!tpu.dma_semaphore, #tpu.memory_space<semaphore_mem>> -> memref<1x!tpu.dma_semaphore, #tpu.memory_space<semaphore_mem>>
      %dma_start3A_232 = tpu.memref_squeeze %dma_start3A_231 : memref<1x!tpu.dma_semaphore, #tpu.memory_space<semaphore_mem>> -> memref<!tpu.dma_semaphore, #tpu.memory_space<semaphore_mem>>
      tpu.enqueue_indirect_dma source(%arg11 : memref<128x64xf32, #tpu.memory_space<vmem>>) target(%dma_start3A_230 : memref<10240x64xf32, #tpu.memory_space<vmem_shared>>) offsets(%dma_start3A_227 : memref<128xi32, #tpu.memory_space<vmem>>) semaphore(%dma_start3A_232 : memref<!tpu.dma_semaphore, #tpu.memory_space<semaphore_mem>>) {add = true}
      %add3A_233 = arith.constant 2 : i32
      %add3A_234 = arith.addi %add3A_203, %add3A_233 : i32
      %dma_start3A_235 = arith.constant 1 : i32
      %dma_start3A_236 = arith.constant 0 : i32
      %dma_start3A_237 = tpu.memref_slice %arg7[%add3A_234, %dma_start3A_236] : memref<255x128xi32, #tpu.memory_space<vmem>> -> memref<1x128xi32, #tpu.memory_space<vmem>>
      %dma_start3A_238 = tpu.memref_squeeze %dma_start3A_237 : memref<1x128xi32, #tpu.memory_space<vmem>> -> memref<128xi32, #tpu.memory_space<vmem>>
      %dma_start3A_239 = arith.constant 0 : i32
      %dma_start3A_240 = arith.constant 0 : i32
      %dma_start3A_241 = tpu.memref_slice %arg4[%dma_start3A_239, %dma_start3A_240] : memref<10000x64xf32, #tpu.memory_space<hbm>> -> memref<10000x64xf32, #tpu.memory_space<hbm>>
      %dma_start3A_242 = tpu.memref_slice %arg13[%dma_start3A_235] : memref<3x!tpu.dma_semaphore, #tpu.memory_space<semaphore_mem>> -> memref<1x!tpu.dma_semaphore, #tpu.memory_space<semaphore_mem>>
      %dma_start3A_243 = tpu.memref_squeeze %dma_start3A_242 : memref<1x!tpu.dma_semaphore, #tpu.memory_space<semaphore_mem>> -> memref<!tpu.dma_semaphore, #tpu.memory_space<semaphore_mem>>
      tpu.enqueue_indirect_dma source(%dma_start3A_241 : memref<10000x64xf32, #tpu.memory_space<hbm>>) target(%arg10 : memref<128x64xf32, #tpu.memory_space<vmem>>) offsets(%dma_start3A_238 : memref<128xi32, #tpu.memory_space<vmem>>) semaphore(%dma_start3A_243 : memref<!tpu.dma_semaphore, #tpu.memory_space<semaphore_mem>>)
      %add3A_244 = arith.constant 2 : i32
      %add3A_245 = arith.addi %add3A_159, %add3A_244 : i32
      %sub3A_246 = arith.constant 1 : i32
      %sub3A_247 = arith.subi %add3A_245, %sub3A_246 : i32
      %dma_wait3A_248 = arith.constant 2 : i32
      %dma_wait3A_249 = arith.constant 0 : i32
      %dma_wait3A_250 = tpu.memref_slice %arg8[%sub3A_247, %dma_wait3A_249] : memref<255x128xi32, #tpu.memory_space<vmem>> -> memref<1x128xi32, #tpu.memory_space<vmem>>
      %dma_wait3A_251 = tpu.memref_squeeze %dma_wait3A_250 : memref<1x128xi32, #tpu.memory_space<vmem>> -> memref<128xi32, #tpu.memory_space<vmem>>
      %dma_wait3A_252 = arith.constant 0 : i32
      %dma_wait3A_253 = arith.constant 0 : i32
      %dma_wait3A_254 = tpu.memref_slice %arg12[%dma_wait3A_252, %dma_wait3A_253] : memref<10240x64xf32, #tpu.memory_space<vmem_shared>> -> memref<10240x64xf32, #tpu.memory_space<vmem_shared>>
      %dma_wait3A_255 = tpu.memref_slice %arg14[%dma_wait3A_248] : memref<3x!tpu.dma_semaphore, #tpu.memory_space<semaphore_mem>> -> memref<1x!tpu.dma_semaphore, #tpu.memory_space<semaphore_mem>>
      %dma_wait3A_256 = tpu.memref_squeeze %dma_wait3A_255 : memref<1x!tpu.dma_semaphore, #tpu.memory_space<semaphore_mem>> -> memref<!tpu.dma_semaphore, #tpu.memory_space<semaphore_mem>>
      tpu.wait_indirect_dma semaphore(%dma_wait3A_256 : memref<!tpu.dma_semaphore, #tpu.memory_space<semaphore_mem>>) src(%arg11 : memref<128x64xf32, #tpu.memory_space<vmem>>) dst(%dma_wait3A_254 : memref<10240x64xf32, #tpu.memory_space<vmem_shared>>)
      %dma_wait3A_257 = arith.constant 0 : i32
      %dma_wait3A_258 = arith.constant 0 : i32
      %dma_wait3A_259 = tpu.memref_slice %arg7[%add3A_245, %dma_wait3A_258] : memref<255x128xi32, #tpu.memory_space<vmem>> -> memref<1x128xi32, #tpu.memory_space<vmem>>
      %dma_wait3A_260 = tpu.memref_squeeze %dma_wait3A_259 : memref<1x128xi32, #tpu.memory_space<vmem>> -> memref<128xi32, #tpu.memory_space<vmem>>
      %dma_wait3A_261 = arith.constant 0 : i32
      %dma_wait3A_262 = arith.constant 0 : i32
      %dma_wait3A_263 = tpu.memref_slice %arg4[%dma_wait3A_261, %dma_wait3A_262] : memref<10000x64xf32, #tpu.memory_space<hbm>> -> memref<10000x64xf32, #tpu.memory_space<hbm>>
      %dma_wait3A_264 = tpu.memref_slice %arg13[%dma_wait3A_257] : memref<3x!tpu.dma_semaphore, #tpu.memory_space<semaphore_mem>> -> memref<1x!tpu.dma_semaphore, #tpu.memory_space<semaphore_mem>>
      %dma_wait3A_265 = tpu.memref_squeeze %dma_wait3A_264 : memref<1x!tpu.dma_semaphore, #tpu.memory_space<semaphore_mem>> -> memref<!tpu.dma_semaphore, #tpu.memory_space<semaphore_mem>>
      tpu.wait_indirect_dma semaphore(%dma_wait3A_265 : memref<!tpu.dma_semaphore, #tpu.memory_space<semaphore_mem>>) src(%dma_wait3A_263 : memref<10000x64xf32, #tpu.memory_space<hbm>>) dst(%arg9 : memref<128x64xf32, #tpu.memory_space<vmem>>)
      %dma_start3A_266 = arith.constant 0 : i32
      %dma_start3A_267 = arith.constant 0 : i32
      %dma_start3A_268 = tpu.memref_slice %arg8[%add3A_245, %dma_start3A_267] : memref<255x128xi32, #tpu.memory_space<vmem>> -> memref<1x128xi32, #tpu.memory_space<vmem>>
      %dma_start3A_269 = tpu.memref_squeeze %dma_start3A_268 : memref<1x128xi32, #tpu.memory_space<vmem>> -> memref<128xi32, #tpu.memory_space<vmem>>
      %dma_start3A_270 = arith.constant 0 : i32
      %dma_start3A_271 = arith.constant 0 : i32
      %dma_start3A_272 = tpu.memref_slice %arg12[%dma_start3A_270, %dma_start3A_271] : memref<10240x64xf32, #tpu.memory_space<vmem_shared>> -> memref<10240x64xf32, #tpu.memory_space<vmem_shared>>
      %dma_start3A_273 = tpu.memref_slice %arg14[%dma_start3A_266] : memref<3x!tpu.dma_semaphore, #tpu.memory_space<semaphore_mem>> -> memref<1x!tpu.dma_semaphore, #tpu.memory_space<semaphore_mem>>
      %dma_start3A_274 = tpu.memref_squeeze %dma_start3A_273 : memref<1x!tpu.dma_semaphore, #tpu.memory_space<semaphore_mem>> -> memref<!tpu.dma_semaphore, #tpu.memory_space<semaphore_mem>>
      tpu.enqueue_indirect_dma source(%arg9 : memref<128x64xf32, #tpu.memory_space<vmem>>) target(%dma_start3A_272 : memref<10240x64xf32, #tpu.memory_space<vmem_shared>>) offsets(%dma_start3A_269 : memref<128xi32, #tpu.memory_space<vmem>>) semaphore(%dma_start3A_274 : memref<!tpu.dma_semaphore, #tpu.memory_space<semaphore_mem>>) {add = true}
      %add3A_275 = arith.constant 2 : i32
      %add3A_276 = arith.addi %add3A_245, %add3A_275 : i32
      %dma_start3A_277 = arith.constant 2 : i32
      %dma_start3A_278 = arith.constant 0 : i32
      %dma_start3A_279 = tpu.memref_slice %arg7[%add3A_276, %dma_start3A_278] : memref<255x128xi32, #tpu.memory_space<vmem>> -> memref<1x128xi32, #tpu.memory_space<vmem>>
      %dma_start3A_280 = tpu.memref_squeeze %dma_start3A_279 : memref<1x128xi32, #tpu.memory_space<vmem>> -> memref<128xi32, #tpu.memory_space<vmem>>
      %dma_start3A_281 = arith.constant 0 : i32
      %dma_start3A_282 = arith.constant 0 : i32
      %dma_start3A_283 = tpu.memref_slice %arg4[%dma_start3A_281, %dma_start3A_282] : memref<10000x64xf32, #tpu.memory_space<hbm>> -> memref<10000x64xf32, #tpu.memory_space<hbm>>
      %dma_start3A_284 = tpu.memref_slice %arg13[%dma_start3A_277] : memref<3x!tpu.dma_semaphore, #tpu.memory_space<semaphore_mem>> -> memref<1x!tpu.dma_semaphore, #tpu.memory_space<semaphore_mem>>
      %dma_start3A_285 = tpu.memref_squeeze %dma_start3A_284 : memref<1x!tpu.dma_semaphore, #tpu.memory_space<semaphore_mem>> -> memref<!tpu.dma_semaphore, #tpu.memory_space<semaphore_mem>>
      tpu.enqueue_indirect_dma source(%dma_start3A_283 : memref<10000x64xf32, #tpu.memory_space<hbm>>) target(%arg11 : memref<128x64xf32, #tpu.memory_space<vmem>>) offsets(%dma_start3A_280 : memref<128xi32, #tpu.memory_space<vmem>>) semaphore(%dma_start3A_285 : memref<!tpu.dma_semaphore, #tpu.memory_space<semaphore_mem>>)
    }
    %sub3A_73 = arith.constant 2 : i32
    %sub3A_74 = arith.subi %select_n3A, %sub3A_73 : i32
    %add3A_75 = arith.constant 0 : i32
    %add3A_76 = arith.addi %sub3A_74, %add3A_75 : i32
    %sub3A_77 = arith.constant 1 : i32
    %sub3A_78 = arith.subi %add3A_76, %sub3A_77 : i32
    %dma_wait3A_79 = arith.constant 0 : i32
    %dma_wait3A_80 = arith.constant 0 : i32
    %dma_wait3A_81 = tpu.memref_slice %arg8[%sub3A_78, %dma_wait3A_80] : memref<255x128xi32, #tpu.memory_space<vmem>> -> memref<1x128xi32, #tpu.memory_space<vmem>>
    %dma_wait3A_82 = tpu.memref_squeeze %dma_wait3A_81 : memref<1x128xi32, #tpu.memory_space<vmem>> -> memref<128xi32, #tpu.memory_space<vmem>>
    %dma_wait3A_83 = arith.constant 0 : i32
    %dma_wait3A_84 = arith.constant 0 : i32
    %dma_wait3A_85 = tpu.memref_slice %arg12[%dma_wait3A_83, %dma_wait3A_84] : memref<10240x64xf32, #tpu.memory_space<vmem_shared>> -> memref<10240x64xf32, #tpu.memory_space<vmem_shared>>
    %dma_wait3A_86 = tpu.memref_slice %arg14[%dma_wait3A_79] : memref<3x!tpu.dma_semaphore, #tpu.memory_space<semaphore_mem>> -> memref<1x!tpu.dma_semaphore, #tpu.memory_space<semaphore_mem>>
    %dma_wait3A_87 = tpu.memref_squeeze %dma_wait3A_86 : memref<1x!tpu.dma_semaphore, #tpu.memory_space<semaphore_mem>> -> memref<!tpu.dma_semaphore, #tpu.memory_space<semaphore_mem>>
    tpu.wait_indirect_dma semaphore(%dma_wait3A_87 : memref<!tpu.dma_semaphore, #tpu.memory_space<semaphore_mem>>) src(%arg9 : memref<128x64xf32, #tpu.memory_space<vmem>>) dst(%dma_wait3A_85 : memref<10240x64xf32, #tpu.memory_space<vmem_shared>>)
    %dma_wait3A_88 = arith.constant 1 : i32
    %dma_wait3A_89 = arith.constant 0 : i32
    %dma_wait3A_90 = tpu.memref_slice %arg7[%add3A_76, %dma_wait3A_89] : memref<255x128xi32, #tpu.memory_space<vmem>> -> memref<1x128xi32, #tpu.memory_space<vmem>>
    %dma_wait3A_91 = tpu.memref_squeeze %dma_wait3A_90 : memref<1x128xi32, #tpu.memory_space<vmem>> -> memref<128xi32, #tpu.memory_space<vmem>>
    %dma_wait3A_92 = arith.constant 0 : i32
    %dma_wait3A_93 = arith.constant 0 : i32
    %dma_wait3A_94 = tpu.memref_slice %arg4[%dma_wait3A_92, %dma_wait3A_93] : memref<10000x64xf32, #tpu.memory_space<hbm>> -> memref<10000x64xf32, #tpu.memory_space<hbm>>
    %dma_wait3A_95 = tpu.memref_slice %arg13[%dma_wait3A_88] : memref<3x!tpu.dma_semaphore, #tpu.memory_space<semaphore_mem>> -> memref<1x!tpu.dma_semaphore, #tpu.memory_space<semaphore_mem>>
    %dma_wait3A_96 = tpu.memref_squeeze %dma_wait3A_95 : memref<1x!tpu.dma_semaphore, #tpu.memory_space<semaphore_mem>> -> memref<!tpu.dma_semaphore, #tpu.memory_space<semaphore_mem>>
    tpu.wait_indirect_dma semaphore(%dma_wait3A_96 : memref<!tpu.dma_semaphore, #tpu.memory_space<semaphore_mem>>) src(%dma_wait3A_94 : memref<10000x64xf32, #tpu.memory_space<hbm>>) dst(%arg10 : memref<128x64xf32, #tpu.memory_space<vmem>>)
    %dma_start3A_97 = arith.constant 1 : i32
    %dma_start3A_98 = arith.constant 0 : i32
    %dma_start3A_99 = tpu.memref_slice %arg8[%add3A_76, %dma_start3A_98] : memref<255x128xi32, #tpu.memory_space<vmem>> -> memref<1x128xi32, #tpu.memory_space<vmem>>
    %dma_start3A_100 = tpu.memref_squeeze %dma_start3A_99 : memref<1x128xi32, #tpu.memory_space<vmem>> -> memref<128xi32, #tpu.memory_space<vmem>>
    %dma_start3A_101 = arith.constant 0 : i32
    %dma_start3A_102 = arith.constant 0 : i32
    %dma_start3A_103 = tpu.memref_slice %arg12[%dma_start3A_101, %dma_start3A_102] : memref<10240x64xf32, #tpu.memory_space<vmem_shared>> -> memref<10240x64xf32, #tpu.memory_space<vmem_shared>>
    %dma_start3A_104 = tpu.memref_slice %arg14[%dma_start3A_97] : memref<3x!tpu.dma_semaphore, #tpu.memory_space<semaphore_mem>> -> memref<1x!tpu.dma_semaphore, #tpu.memory_space<semaphore_mem>>
    %dma_start3A_105 = tpu.memref_squeeze %dma_start3A_104 : memref<1x!tpu.dma_semaphore, #tpu.memory_space<semaphore_mem>> -> memref<!tpu.dma_semaphore, #tpu.memory_space<semaphore_mem>>
    tpu.enqueue_indirect_dma source(%arg10 : memref<128x64xf32, #tpu.memory_space<vmem>>) target(%dma_start3A_103 : memref<10240x64xf32, #tpu.memory_space<vmem_shared>>) offsets(%dma_start3A_100 : memref<128xi32, #tpu.memory_space<vmem>>) semaphore(%dma_start3A_105 : memref<!tpu.dma_semaphore, #tpu.memory_space<semaphore_mem>>) {add = true}
    %sub3A_106 = arith.constant 2 : i32
    %sub3A_107 = arith.subi %select_n3A, %sub3A_106 : i32
    %add3A_108 = arith.constant 1 : i32
    %add3A_109 = arith.addi %sub3A_107, %add3A_108 : i32
    %sub3A_110 = arith.constant 1 : i32
    %sub3A_111 = arith.subi %add3A_109, %sub3A_110 : i32
    %dma_wait3A_112 = arith.constant 1 : i32
    %dma_wait3A_113 = arith.constant 0 : i32
    %dma_wait3A_114 = tpu.memref_slice %arg8[%sub3A_111, %dma_wait3A_113] : memref<255x128xi32, #tpu.memory_space<vmem>> -> memref<1x128xi32, #tpu.memory_space<vmem>>
    %dma_wait3A_115 = tpu.memref_squeeze %dma_wait3A_114 : memref<1x128xi32, #tpu.memory_space<vmem>> -> memref<128xi32, #tpu.memory_space<vmem>>
    %dma_wait3A_116 = arith.constant 0 : i32
    %dma_wait3A_117 = arith.constant 0 : i32
    %dma_wait3A_118 = tpu.memref_slice %arg12[%dma_wait3A_116, %dma_wait3A_117] : memref<10240x64xf32, #tpu.memory_space<vmem_shared>> -> memref<10240x64xf32, #tpu.memory_space<vmem_shared>>
    %dma_wait3A_119 = tpu.memref_slice %arg14[%dma_wait3A_112] : memref<3x!tpu.dma_semaphore, #tpu.memory_space<semaphore_mem>> -> memref<1x!tpu.dma_semaphore, #tpu.memory_space<semaphore_mem>>
    %dma_wait3A_120 = tpu.memref_squeeze %dma_wait3A_119 : memref<1x!tpu.dma_semaphore, #tpu.memory_space<semaphore_mem>> -> memref<!tpu.dma_semaphore, #tpu.memory_space<semaphore_mem>>
    tpu.wait_indirect_dma semaphore(%dma_wait3A_120 : memref<!tpu.dma_semaphore, #tpu.memory_space<semaphore_mem>>) src(%arg10 : memref<128x64xf32, #tpu.memory_space<vmem>>) dst(%dma_wait3A_118 : memref<10240x64xf32, #tpu.memory_space<vmem_shared>>)
    %dma_wait3A_121 = arith.constant 2 : i32
    %dma_wait3A_122 = arith.constant 0 : i32
    %dma_wait3A_123 = tpu.memref_slice %arg7[%add3A_109, %dma_wait3A_122] : memref<255x128xi32, #tpu.memory_space<vmem>> -> memref<1x128xi32, #tpu.memory_space<vmem>>
    %dma_wait3A_124 = tpu.memref_squeeze %dma_wait3A_123 : memref<1x128xi32, #tpu.memory_space<vmem>> -> memref<128xi32, #tpu.memory_space<vmem>>
    %dma_wait3A_125 = arith.constant 0 : i32
    %dma_wait3A_126 = arith.constant 0 : i32
    %dma_wait3A_127 = tpu.memref_slice %arg4[%dma_wait3A_125, %dma_wait3A_126] : memref<10000x64xf32, #tpu.memory_space<hbm>> -> memref<10000x64xf32, #tpu.memory_space<hbm>>
    %dma_wait3A_128 = tpu.memref_slice %arg13[%dma_wait3A_121] : memref<3x!tpu.dma_semaphore, #tpu.memory_space<semaphore_mem>> -> memref<1x!tpu.dma_semaphore, #tpu.memory_space<semaphore_mem>>
    %dma_wait3A_129 = tpu.memref_squeeze %dma_wait3A_128 : memref<1x!tpu.dma_semaphore, #tpu.memory_space<semaphore_mem>> -> memref<!tpu.dma_semaphore, #tpu.memory_space<semaphore_mem>>
    tpu.wait_indirect_dma semaphore(%dma_wait3A_129 : memref<!tpu.dma_semaphore, #tpu.memory_space<semaphore_mem>>) src(%dma_wait3A_127 : memref<10000x64xf32, #tpu.memory_space<hbm>>) dst(%arg11 : memref<128x64xf32, #tpu.memory_space<vmem>>)
    %dma_start3A_130 = arith.constant 2 : i32
    %dma_start3A_131 = arith.constant 0 : i32
    %dma_start3A_132 = tpu.memref_slice %arg8[%add3A_109, %dma_start3A_131] : memref<255x128xi32, #tpu.memory_space<vmem>> -> memref<1x128xi32, #tpu.memory_space<vmem>>
    %dma_start3A_133 = tpu.memref_squeeze %dma_start3A_132 : memref<1x128xi32, #tpu.memory_space<vmem>> -> memref<128xi32, #tpu.memory_space<vmem>>
    %dma_start3A_134 = arith.constant 0 : i32
    %dma_start3A_135 = arith.constant 0 : i32
    %dma_start3A_136 = tpu.memref_slice %arg12[%dma_start3A_134, %dma_start3A_135] : memref<10240x64xf32, #tpu.memory_space<vmem_shared>> -> memref<10240x64xf32, #tpu.memory_space<vmem_shared>>
    %dma_start3A_137 = tpu.memref_slice %arg14[%dma_start3A_130] : memref<3x!tpu.dma_semaphore, #tpu.memory_space<semaphore_mem>> -> memref<1x!tpu.dma_semaphore, #tpu.memory_space<semaphore_mem>>
    %dma_start3A_138 = tpu.memref_squeeze %dma_start3A_137 : memref<1x!tpu.dma_semaphore, #tpu.memory_space<semaphore_mem>> -> memref<!tpu.dma_semaphore, #tpu.memory_space<semaphore_mem>>
    tpu.enqueue_indirect_dma source(%arg11 : memref<128x64xf32, #tpu.memory_space<vmem>>) target(%dma_start3A_136 : memref<10240x64xf32, #tpu.memory_space<vmem_shared>>) offsets(%dma_start3A_133 : memref<128xi32, #tpu.memory_space<vmem>>) semaphore(%dma_start3A_138 : memref<!tpu.dma_semaphore, #tpu.memory_space<semaphore_mem>>) {add = true}
    %sub3A_139 = arith.constant 1 : i32
    %sub3A_140 = arith.subi %select_n3A, %sub3A_139 : i32
    %add3A_141 = arith.constant 0 : i32
    %add3A_142 = arith.addi %sub3A_140, %add3A_141 : i32
    %dma_wait3A_143 = arith.constant 2 : i32
    %dma_wait3A_144 = arith.constant 0 : i32
    %dma_wait3A_145 = tpu.memref_slice %arg8[%add3A_142, %dma_wait3A_144] : memref<255x128xi32, #tpu.memory_space<vmem>> -> memref<1x128xi32, #tpu.memory_space<vmem>>
    %dma_wait3A_146 = tpu.memref_squeeze %dma_wait3A_145 : memref<1x128xi32, #tpu.memory_space<vmem>> -> memref<128xi32, #tpu.memory_space<vmem>>
    %dma_wait3A_147 = arith.constant 0 : i32
    %dma_wait3A_148 = arith.constant 0 : i32
    %dma_wait3A_149 = tpu.memref_slice %arg12[%dma_wait3A_147, %dma_wait3A_148] : memref<10240x64xf32, #tpu.memory_space<vmem_shared>> -> memref<10240x64xf32, #tpu.memory_space<vmem_shared>>
    %dma_wait3A_150 = tpu.memref_slice %arg14[%dma_wait3A_143] : memref<3x!tpu.dma_semaphore, #tpu.memory_space<semaphore_mem>> -> memref<1x!tpu.dma_semaphore, #tpu.memory_space<semaphore_mem>>
    %dma_wait3A_151 = tpu.memref_squeeze %dma_wait3A_150 : memref<1x!tpu.dma_semaphore, #tpu.memory_space<semaphore_mem>> -> memref<!tpu.dma_semaphore, #tpu.memory_space<semaphore_mem>>
    tpu.wait_indirect_dma semaphore(%dma_wait3A_151 : memref<!tpu.dma_semaphore, #tpu.memory_space<semaphore_mem>>) src(%arg11 : memref<128x64xf32, #tpu.memory_space<vmem>>) dst(%dma_wait3A_149 : memref<10240x64xf32, #tpu.memory_space<vmem_shared>>)
    %barrier3A_152 = arith.constant 0 : index
    tpu.barrier barrier_id(%barrier3A_152)
    %mul3A_153 = arith.constant 640 : i32
    %mul3A_154 = arith.muli %arg1, %mul3A_153 : i32
    %mul3A_155 = arith.constant 640 : i32
    %mul3A_156 = arith.muli %arg1, %mul3A_155 : i32
    "tpu.region"() ({
      %run_scoped3A = tpu.sem_alloc : memref<!tpu.dma_semaphore, #tpu.memory_space<semaphore_mem>>
      %dma_start3A_157 = arith.constant 0 : i32
      %dma_start3A_158 = tpu.memref_slice %arg6[%arg0, %mul3A_156, %dma_start3A_157] : memref<2x10240x64xf32, #tpu.memory_space<hbm>> -> memref<1x640x64xf32, #tpu.memory_space<hbm>>
      %dma_start3A_159 = tpu.memref_squeeze %dma_start3A_158 : memref<1x640x64xf32, #tpu.memory_space<hbm>> -> memref<640x64xf32, #tpu.memory_space<hbm>>
      %dma_start3A_160 = arith.constant 0 : i32
      %dma_start3A_161 = tpu.memref_slice %arg12[%mul3A_154, %dma_start3A_160] : memref<10240x64xf32, #tpu.memory_space<vmem_shared>> -> memref<640x64xf32, #tpu.memory_space<vmem_shared>>
      tpu.enqueue_dma source(%dma_start3A_161 : memref<640x64xf32, #tpu.memory_space<vmem_shared>>) target(%dma_start3A_159 : memref<640x64xf32, #tpu.memory_space<hbm>>) target_semaphore(%run_scoped3A : memref<!tpu.dma_semaphore, #tpu.memory_space<semaphore_mem>>)
      %dma_wait3A_162 = arith.constant 0 : i32
      %dma_wait3A_163 = tpu.memref_slice %arg6[%arg0, %mul3A_156, %dma_wait3A_162] : memref<2x10240x64xf32, #tpu.memory_space<hbm>> -> memref<1x640x64xf32, #tpu.memory_space<hbm>>
      %dma_wait3A_164 = tpu.memref_squeeze %dma_wait3A_163 : memref<1x640x64xf32, #tpu.memory_space<hbm>> -> memref<640x64xf32, #tpu.memory_space<hbm>>
      %dma_wait3A_165 = arith.constant 0 : i32
      %dma_wait3A_166 = tpu.memref_slice %arg12[%mul3A_154, %dma_wait3A_165] : memref<10240x64xf32, #tpu.memory_space<vmem_shared>> -> memref<640x64xf32, #tpu.memory_space<vmem_shared>>
      tpu.wait_dma2 semaphore(%run_scoped3A : memref<!tpu.dma_semaphore, #tpu.memory_space<semaphore_mem>>) src(%dma_wait3A_166 : memref<640x64xf32, #tpu.memory_space<vmem_shared>>) dst(%dma_wait3A_164 : memref<640x64xf32, #tpu.memory_space<hbm>>)
      tpu.yield
    }) : () -> ()
    return
  }
}

module attributes {stable_mosaic.version = 14 : i64} {
  func.func @_normscale_body(%arg0: i32, %arg1: memref<200x128xf32, #tpu.memory_space<vmem>>, %arg2: memref<200x16xf32, #tpu.memory_space<vmem>>, %arg3: memref<200x16xf32, #tpu.memory_space<vmem>>, %arg4: memref<200x64xf32, #tpu.memory_space<vmem>>, %arg5: memref<200x64xf32, #tpu.memory_space<vmem>>, %arg6: memref<200x128xf32, #tpu.memory_space<vmem>>) attributes {dimension_semantics = [#tpu.dimension_semantics<arbitrary>], iteration_bounds = array<i64: 50>, scalar_prefetch = 0 : i64, scratch_operands = 0 : i64, tpu.core_type = #tpu.core_type<tc>, window_params = [{transform_indices = @transform_0, window_bounds = array<i64: 200, 128>}, {transform_indices = @transform_1, window_bounds = array<i64: 200, 16>}, {transform_indices = @transform_2, window_bounds = array<i64: 200, 16>}, {transform_indices = @transform_3, window_bounds = array<i64: 200, 64>}, {transform_indices = @transform_4, window_bounds = array<i64: 200, 64>}, {transform_indices = @transform_5, window_bounds = array<i64: 200, 128>}]} {
    %get3A = arith.constant 0 : index
    %get3A_0 = arith.constant 0 : index
    %get3A_1 = vector.load %arg2[%get3A, %get3A_0] : memref<200x16xf32, #tpu.memory_space<vmem>>, vector<200x1xf32>
    %get3A_2 = arith.constant 0 : index
    %get3A_3 = arith.constant 0 : index
    %get3A_4 = vector.load %arg3[%get3A_2, %get3A_3] : memref<200x16xf32, #tpu.memory_space<vmem>>, vector<200x1xf32>
    %add3A = arith.addf %get3A_1, %get3A_4 : vector<200x1xf32>
    %add3A_5 = arith.constant 1.000000e+00 : f32
    %add3A_6 = vector.broadcast %add3A_5 : f32 to vector<200x1xf32>
    %add3A_7 = arith.addf %add3A, %add3A_6 : vector<200x1xf32>
    %rsqrt3A = math.rsqrt %add3A_7 : vector<200x1xf32>
    %broadcast_in_dim3A = vector.shape_cast %rsqrt3A : vector<200x1xf32> to vector<200x1xf32>
    %broadcast_in_dim3A_8 = vector.broadcast %broadcast_in_dim3A : vector<200x1xf32> to vector<200x128xf32>
    %swap3A = arith.constant 0 : index
    %swap3A_9 = arith.constant 0 : index
    %swap3A_10 = vector.load %arg6[%swap3A, %swap3A_9] : memref<200x128xf32, #tpu.memory_space<vmem>>, vector<200x128xf32>
    tpu.vector_store %arg6[%swap3A, %swap3A_9], %broadcast_in_dim3A_8 {strides = array<i32>} : memref<200x128xf32, #tpu.memory_space<vmem>>, vector<200x128xf32>,
    %get3A_11 = arith.constant 0 : index
    %get3A_12 = arith.constant 0 : index
    %get3A_13 = vector.load %arg1[%get3A_11, %get3A_12] : memref<200x128xf32, #tpu.memory_space<vmem>>, vector<200x128xf32>
    %mul3A = arith.mulf %get3A_13, %broadcast_in_dim3A_8 : vector<200x128xf32>
    %slice3A = vector.extract_strided_slice %mul3A {offsets = [0, 0], sizes = [200, 64], strides = [1, 1]} : vector<200x128xf32> to vector<200x64xf32>
    %swap3A_14 = arith.constant 0 : index
    %swap3A_15 = arith.constant 0 : index
    %swap3A_16 = vector.load %arg4[%swap3A_14, %swap3A_15] : memref<200x64xf32, #tpu.memory_space<vmem>>, vector<200x64xf32>
    tpu.vector_store %arg4[%swap3A_14, %swap3A_15], %slice3A {strides = array<i32>} : memref<200x64xf32, #tpu.memory_space<vmem>>, vector<200x64xf32>,
    %slice3A_17 = vector.extract_strided_slice %mul3A {offsets = [0, 64], sizes = [200, 64], strides = [1, 1]} : vector<200x128xf32> to vector<200x64xf32>
    %swap3A_18 = arith.constant 0 : index
    %swap3A_19 = arith.constant 0 : index
    %swap3A_20 = vector.load %arg5[%swap3A_18, %swap3A_19] : memref<200x64xf32, #tpu.memory_space<vmem>>, vector<200x64xf32>
    tpu.vector_store %arg5[%swap3A_18, %swap3A_19], %slice3A_17 {strides = array<i32>} : memref<200x64xf32, #tpu.memory_space<vmem>>, vector<200x64xf32>,
    return
  }
  func.func @transform_0(%arg0: i32) -> (i32, i32) {
    %c0_i32 = arith.constant 0 : i32
    %c0_i32_0 = arith.constant 0 : i32
    return %arg0, %c0_i32 : i32, i32
  }
  func.func @transform_1(%arg0: i32) -> (i32, i32) {
    %c0_i32 = arith.constant 0 : i32
    %c0_i32_0 = arith.constant 0 : i32
    return %arg0, %c0_i32 : i32, i32
  }
  func.func @transform_2(%arg0: i32) -> (i32, i32) {
    %c0_i32 = arith.constant 0 : i32
    %c0_i32_0 = arith.constant 0 : i32
    return %arg0, %c0_i32 : i32, i32
  }
  func.func @transform_3(%arg0: i32) -> (i32, i32) {
    %c0_i32 = arith.constant 0 : i32
    %c0_i32_0 = arith.constant 0 : i32
    return %arg0, %c0_i32 : i32, i32
  }
  func.func @transform_4(%arg0: i32) -> (i32, i32) {
    %c0_i32 = arith.constant 0 : i32
    %c0_i32_0 = arith.constant 0 : i32
    return %arg0, %c0_i32 : i32, i32
  }
  func.func @transform_5(%arg0: i32) -> (i32, i32) {
    %c0_i32 = arith.constant 0 : i32
    %c0_i32_0 = arith.constant 0 : i32
    return %arg0, %c0_i32 : i32, i32
  }
}

module attributes {stable_mosaic.version = 14 : i64} {
  func.func @_layer1_body(%arg0: i32, %arg1: memref<200x64xf32, #tpu.memory_space<vmem>>, %arg2: memref<200x64xf32, #tpu.memory_space<vmem>>, %arg3: memref<200x64xf32, #tpu.memory_space<vmem>>, %arg4: memref<200x64xf32, #tpu.memory_space<vmem>>, %arg5: memref<200x64xf32, #tpu.memory_space<vmem>>, %arg6: memref<200x64xf32, #tpu.memory_space<vmem>>, %arg7: memref<200x128xf32, #tpu.memory_space<vmem>>, %arg8: memref<64x128xf32, #tpu.memory_space<vmem>>, %arg9: memref<64x128xf32, #tpu.memory_space<vmem>>, %arg10: memref<1x128xf32, #tpu.memory_space<vmem>>, %arg11: memref<128x64xf32, #tpu.memory_space<vmem>>, %arg12: memref<200x64xf32, #tpu.memory_space<vmem>>) attributes {dimension_semantics = [#tpu.dimension_semantics<arbitrary>], iteration_bounds = array<i64: 50>, scalar_prefetch = 0 : i64, scratch_operands = 0 : i64, tpu.core_type = #tpu.core_type<tc>, window_params = [{transform_indices = @transform_0, window_bounds = array<i64: 200, 64>}, {transform_indices = @transform_1, window_bounds = array<i64: 200, 64>}, {transform_indices = @transform_2, window_bounds = array<i64: 200, 64>}, {transform_indices = @transform_3, window_bounds = array<i64: 200, 64>}, {transform_indices = @transform_4, window_bounds = array<i64: 200, 64>}, {transform_indices = @transform_5, window_bounds = array<i64: 200, 64>}, {transform_indices = @transform_6, window_bounds = array<i64: 200, 128>}, {pipeline_mode = #tpu.pipeline_mode<synchronous>, transform_indices = @transform_7, window_bounds = array<i64: 64, 128>}, {pipeline_mode = #tpu.pipeline_mode<synchronous>, transform_indices = @transform_8, window_bounds = array<i64: 64, 128>}, {pipeline_mode = #tpu.pipeline_mode<synchronous>, transform_indices = @transform_9, window_bounds = array<i64: 1, 128>}, {pipeline_mode = #tpu.pipeline_mode<synchronous>, transform_indices = @transform_10, window_bounds = array<i64: 128, 64>}, {transform_indices = @transform_11, window_bounds = array<i64: 200, 64>}]} {
    %get3A = arith.constant 0 : index
    %get3A_0 = arith.constant 0 : index
    %get3A_1 = vector.load %arg7[%get3A, %get3A_0] : memref<200x128xf32, #tpu.memory_space<vmem>>, vector<200x128xf32>
    %get3A_2 = arith.constant 0 : index
    %get3A_3 = arith.constant 0 : index
    %get3A_4 = vector.load %arg1[%get3A_2, %get3A_3] : memref<200x64xf32, #tpu.memory_space<vmem>>, vector<200x64xf32>
    %get3A_5 = arith.constant 0 : index
    %get3A_6 = arith.constant 0 : index
    %get3A_7 = vector.load %arg2[%get3A_5, %get3A_6] : memref<200x64xf32, #tpu.memory_space<vmem>>, vector<200x64xf32>
    %add3A = arith.addf %get3A_4, %get3A_7 : vector<200x64xf32>
    %get3A_8 = arith.constant 0 : index
    %get3A_9 = arith.constant 0 : index
    %get3A_10 = vector.load %arg5[%get3A_8, %get3A_9] : memref<200x64xf32, #tpu.memory_space<vmem>>, vector<200x64xf32>
    %add3A_11 = arith.addf %add3A, %get3A_10 : vector<200x64xf32>
    %get3A_12 = arith.constant 0 : index
    %get3A_13 = arith.constant 0 : index
    %get3A_14 = vector.load %arg3[%get3A_12, %get3A_13] : memref<200x64xf32, #tpu.memory_space<vmem>>, vector<200x64xf32>
    %get3A_15 = arith.constant 0 : index
    %get3A_16 = arith.constant 0 : index
    %get3A_17 = vector.load %arg4[%get3A_15, %get3A_16] : memref<200x64xf32, #tpu.memory_space<vmem>>, vector<200x64xf32>
    %add3A_18 = arith.addf %get3A_14, %get3A_17 : vector<200x64xf32>
    %get3A_19 = arith.constant 0 : index
    %get3A_20 = arith.constant 0 : index
    %get3A_21 = vector.load %arg6[%get3A_19, %get3A_20] : memref<200x64xf32, #tpu.memory_space<vmem>>, vector<200x64xf32>
    %add3A_22 = arith.addf %add3A_18, %get3A_21 : vector<200x64xf32>
    %get3A_23 = arith.constant 0 : index
    %get3A_24 = arith.constant 0 : index
    %get3A_25 = vector.load %arg8[%get3A_23, %get3A_24] : memref<64x128xf32, #tpu.memory_space<vmem>>, vector<64x128xf32>
    %dot_general3A = arith.constant dense<0.000000e+00> : vector<200x128xf32>
    %dot_general3A_26 = tpu.matmul %add3A_11, %get3A_25, %dot_general3A {dimension_numbers = #tpu.dot_dimension_numbers<[1], [0], [0], [1], [0, 0, 1, 1], [], []>, transpose_lhs_hint = false} : vector<200x64xf32>, vector<64x128xf32>, vector<200x128xf32> -> vector<200x128xf32>
    %get3A_27 = arith.constant 0 : index
    %get3A_28 = arith.constant 0 : index
    %get3A_29 = vector.load %arg9[%get3A_27, %get3A_28] : memref<64x128xf32, #tpu.memory_space<vmem>>, vector<64x128xf32>
    %dot_general3A_30 = arith.constant dense<0.000000e+00> : vector<200x128xf32>
    %dot_general3A_31 = tpu.matmul %add3A_22, %get3A_29, %dot_general3A_30 {dimension_numbers = #tpu.dot_dimension_numbers<[1], [0], [0], [1], [0, 0, 1, 1], [], []>, transpose_lhs_hint = false} : vector<200x64xf32>, vector<64x128xf32>, vector<200x128xf32> -> vector<200x128xf32>
    %add3A_32 = arith.addf %dot_general3A_26, %dot_general3A_31 : vector<200x128xf32>
    %mul3A = arith.mulf %add3A_32, %get3A_1 : vector<200x128xf32>
    %get3A_33 = arith.constant 0 : index
    %get3A_34 = arith.constant 0 : index
    %get3A_35 = vector.load %arg10[%get3A_33, %get3A_34] : memref<1x128xf32, #tpu.memory_space<vmem>>, vector<1x128xf32>
    %add3A_36 = vector.broadcast %get3A_35 : vector<1x128xf32> to vector<200x128xf32>
    %add3A_37 = arith.addf %mul3A, %add3A_36 : vector<200x128xf32>
    %max3A = arith.constant 0.000000e+00 : f32
    %max3A_38 = vector.broadcast %max3A : f32 to vector<200x128xf32>
    %max3A_39 = arith.maximumf %add3A_37, %max3A_38 : vector<200x128xf32>
    %mul3A_40 = arith.mulf %max3A_39, %get3A_1 : vector<200x128xf32>
    %get3A_41 = arith.constant 0 : index
    %get3A_42 = arith.constant 0 : index
    %get3A_43 = vector.load %arg11[%get3A_41, %get3A_42] : memref<128x64xf32, #tpu.memory_space<vmem>>, vector<128x64xf32>
    %dot_general3A_44 = arith.constant dense<0.000000e+00> : vector<200x64xf32>
    %dot_general3A_45 = tpu.matmul %mul3A_40, %get3A_43, %dot_general3A_44 {dimension_numbers = #tpu.dot_dimension_numbers<[1], [0], [0], [1], [0, 0, 1, 1], [], []>, transpose_lhs_hint = false} : vector<200x128xf32>, vector<128x64xf32>, vector<200x64xf32> -> vector<200x64xf32>
    %swap3A = arith.constant 0 : index
    %swap3A_46 = arith.constant 0 : index
    %swap3A_47 = vector.load %arg12[%swap3A, %swap3A_46] : memref<200x64xf32, #tpu.memory_space<vmem>>, vector<200x64xf32>
    tpu.vector_store %arg12[%swap3A, %swap3A_46], %dot_general3A_45 {strides = array<i32>} : memref<200x64xf32, #tpu.memory_space<vmem>>, vector<200x64xf32>,
    return
  }
  func.func @transform_0(%arg0: i32) -> (i32, i32) {
    %c0_i32 = arith.constant 0 : i32
    %c0_i32_0 = arith.constant 0 : i32
    return %arg0, %c0_i32 : i32, i32
  }
  func.func @transform_1(%arg0: i32) -> (i32, i32) {
    %c0_i32 = arith.constant 0 : i32
    %c0_i32_0 = arith.constant 0 : i32
    return %arg0, %c0_i32 : i32, i32
  }
  func.func @transform_2(%arg0: i32) -> (i32, i32) {
    %c0_i32 = arith.constant 0 : i32
    %c0_i32_0 = arith.constant 0 : i32
    return %arg0, %c0_i32 : i32, i32
  }
  func.func @transform_3(%arg0: i32) -> (i32, i32) {
    %c0_i32 = arith.constant 0 : i32
    %c0_i32_0 = arith.constant 0 : i32
    return %arg0, %c0_i32 : i32, i32
  }
  func.func @transform_4(%arg0: i32) -> (i32, i32) {
    %c0_i32 = arith.constant 0 : i32
    %c0_i32_0 = arith.constant 0 : i32
    return %arg0, %c0_i32 : i32, i32
  }
  func.func @transform_5(%arg0: i32) -> (i32, i32) {
    %c0_i32 = arith.constant 0 : i32
    %c0_i32_0 = arith.constant 0 : i32
    return %arg0, %c0_i32 : i32, i32
  }
  func.func @transform_6(%arg0: i32) -> (i32, i32) {
    %c0_i32 = arith.constant 0 : i32
    %c0_i32_0 = arith.constant 0 : i32
    return %arg0, %c0_i32 : i32, i32
  }
  func.func @transform_7(%arg0: i32) -> (i32, i32) {
    %c0_i32 = arith.constant 0 : i32
    %c0_i32_0 = arith.constant 0 : i32
    %c0_i32_1 = arith.constant 0 : i32
    return %c0_i32, %c0_i32_0 : i32, i32
  }
  func.func @transform_8(%arg0: i32) -> (i32, i32) {
    %c0_i32 = arith.constant 0 : i32
    %c0_i32_0 = arith.constant 0 : i32
    %c0_i32_1 = arith.constant 0 : i32
    return %c0_i32, %c0_i32_0 : i32, i32
  }
  func.func @transform_9(%arg0: i32) -> (i32, i32) {
    %c0_i32 = arith.constant 0 : i32
    %c0_i32_0 = arith.constant 0 : i32
    %c0_i32_1 = arith.constant 0 : i32
    return %c0_i32, %c0_i32_0 : i32, i32
  }
  func.func @transform_10(%arg0: i32) -> (i32, i32) {
    %c0_i32 = arith.constant 0 : i32
    %c0_i32_0 = arith.constant 0 : i32
    %c0_i32_1 = arith.constant 0 : i32
    return %c0_i32, %c0_i32_0 : i32, i32
  }
  func.func @transform_11(%arg0: i32) -> (i32, i32) {
    %c0_i32 = arith.constant 0 : i32
    %c0_i32_0 = arith.constant 0 : i32
    return %arg0, %c0_i32 : i32, i32
  }
}

module attributes {stable_mosaic.version = 14 : i64} {
  func.func @_out_body(%arg0: i32, %arg1: memref<200x64xf32, #tpu.memory_space<vmem>>, %arg2: memref<200x64xf32, #tpu.memory_space<vmem>>, %arg3: memref<200x64xf32, #tpu.memory_space<vmem>>, %arg4: memref<200x64xf32, #tpu.memory_space<vmem>>, %arg5: memref<1x64xf32, #tpu.memory_space<vmem>>, %arg6: memref<200x64xf32, #tpu.memory_space<vmem>>) attributes {dimension_semantics = [#tpu.dimension_semantics<arbitrary>], iteration_bounds = array<i64: 50>, scalar_prefetch = 0 : i64, scratch_operands = 0 : i64, tpu.core_type = #tpu.core_type<tc>, window_params = [{transform_indices = @transform_0, window_bounds = array<i64: 200, 64>}, {transform_indices = @transform_1, window_bounds = array<i64: 200, 64>}, {transform_indices = @transform_2, window_bounds = array<i64: 200, 64>}, {transform_indices = @transform_3, window_bounds = array<i64: 200, 64>}, {pipeline_mode = #tpu.pipeline_mode<synchronous>, transform_indices = @transform_4, window_bounds = array<i64: 1, 64>}, {transform_indices = @transform_5, window_bounds = array<i64: 200, 64>}]} {
    %get3A = arith.constant 0 : index
    %get3A_0 = arith.constant 0 : index
    %get3A_1 = vector.load %arg1[%get3A, %get3A_0] : memref<200x64xf32, #tpu.memory_space<vmem>>, vector<200x64xf32>
    %get3A_2 = arith.constant 0 : index
    %get3A_3 = arith.constant 0 : index
    %get3A_4 = vector.load %arg2[%get3A_2, %get3A_3] : memref<200x64xf32, #tpu.memory_space<vmem>>, vector<200x64xf32>
    %add3A = arith.addf %get3A_1, %get3A_4 : vector<200x64xf32>
    %get3A_5 = arith.constant 0 : index
    %get3A_6 = arith.constant 0 : index
    %get3A_7 = vector.load %arg3[%get3A_5, %get3A_6] : memref<200x64xf32, #tpu.memory_space<vmem>>, vector<200x64xf32>
    %add3A_8 = arith.addf %add3A, %get3A_7 : vector<200x64xf32>
    %get3A_9 = arith.constant 0 : index
    %get3A_10 = arith.constant 0 : index
    %get3A_11 = vector.load %arg4[%get3A_9, %get3A_10] : memref<200x64xf32, #tpu.memory_space<vmem>>, vector<200x64xf32>
    %mul3A = arith.mulf %add3A_8, %get3A_11 : vector<200x64xf32>
    %get3A_12 = arith.constant 0 : index
    %get3A_13 = arith.constant 0 : index
    %get3A_14 = vector.load %arg5[%get3A_12, %get3A_13] : memref<1x64xf32, #tpu.memory_space<vmem>>, vector<1x64xf32>
    %add3A_15 = vector.broadcast %get3A_14 : vector<1x64xf32> to vector<200x64xf32>
    %add3A_16 = arith.addf %mul3A, %add3A_15 : vector<200x64xf32>
    %iota3A = tpu.iota {dimensions = array<i32: 1>} : vector<200x64xi32>
    %lt3A = arith.constant 40 : i32
    %lt3A_17 = vector.broadcast %lt3A : i32 to vector<200x64xi32>
    %lt3A_18 = arith.cmpi slt, %iota3A, %lt3A_17 : vector<200x64xi32>
    %jit3A = arith.constant 0xFF800000 : f32
    %broadcast_in_dim3A = vector.broadcast %jit3A : f32 to vector<200x64xf32>
    %select_n3A = arith.select %lt3A_18, %add3A_16, %broadcast_in_dim3A : vector<200x64xi1>, vector<200x64xf32>
    %reduce_max3A = arith.constant dense<0xFF800000> : vector<200xf32>
    %reduce_max3A_19 = vector.multi_reduction <maximumf>, %select_n3A, %reduce_max3A [1] : vector<200x64xf32> to vector<200xf32>
    %broadcast_in_dim3A_20 = vector.shape_cast %reduce_max3A_19 : vector<200xf32> to vector<200x1xf32>
    %sub3A = vector.broadcast %broadcast_in_dim3A_20 : vector<200x1xf32> to vector<200x64xf32>
    %sub3A_21 = arith.subf %add3A_16, %sub3A : vector<200x64xf32>
    %exp3A = math.exp %sub3A_21 : vector<200x64xf32>
    %jit3A_22 = arith.constant 0.000000e+00 : f32
    %broadcast_in_dim3A_23 = vector.broadcast %jit3A_22 : f32 to vector<200x64xf32>
    %select_n3A_24 = arith.select %lt3A_18, %exp3A, %broadcast_in_dim3A_23 : vector<200x64xi1>, vector<200x64xf32>
    %reduce_sum3A = arith.constant dense<0.000000e+00> : vector<200xf32>
    %reduce_sum3A_25 = vector.multi_reduction <add>, %select_n3A_24, %reduce_sum3A [1] : vector<200x64xf32> to vector<200xf32>
    %broadcast_in_dim3A_26 = vector.shape_cast %reduce_sum3A_25 : vector<200xf32> to vector<200x1xf32>
    %sub3A_27 = vector.broadcast %broadcast_in_dim3A_20 : vector<200x1xf32> to vector<200x64xf32>
    %sub3A_28 = arith.subf %add3A_16, %sub3A_27 : vector<200x64xf32>
    %log3A = math.log %broadcast_in_dim3A_26 : vector<200x1xf32>
    %sub3A_29 = vector.broadcast %log3A : vector<200x1xf32> to vector<200x64xf32>
    %sub3A_30 = arith.subf %sub3A_28, %sub3A_29 : vector<200x64xf32>
    %swap3A = arith.constant 0 : index
    %swap3A_31 = arith.constant 0 : index
    %swap3A_32 = vector.load %arg6[%swap3A, %swap3A_31] : memref<200x64xf32, #tpu.memory_space<vmem>>, vector<200x64xf32>
    tpu.vector_store %arg6[%swap3A, %swap3A_31], %sub3A_30 {strides = array<i32>} : memref<200x64xf32, #tpu.memory_space<vmem>>, vector<200x64xf32>,
    return
  }
  func.func @transform_0(%arg0: i32) -> (i32, i32) {
    %c0_i32 = arith.constant 0 : i32
    %c0_i32_0 = arith.constant 0 : i32
    return %arg0, %c0_i32 : i32, i32
  }
  func.func @transform_1(%arg0: i32) -> (i32, i32) {
    %c0_i32 = arith.constant 0 : i32
    %c0_i32_0 = arith.constant 0 : i32
    return %arg0, %c0_i32 : i32, i32
  }
  func.func @transform_2(%arg0: i32) -> (i32, i32) {
    %c0_i32 = arith.constant 0 : i32
    %c0_i32_0 = arith.constant 0 : i32
    return %arg0, %c0_i32 : i32, i32
  }
  func.func @transform_3(%arg0: i32) -> (i32, i32) {
    %c0_i32 = arith.constant 0 : i32
    %c0_i32_0 = arith.constant 0 : i32
    return %arg0, %c0_i32 : i32, i32
  }
  func.func @transform_4(%arg0: i32) -> (i32, i32) {
    %c0_i32 = arith.constant 0 : i32
    %c0_i32_0 = arith.constant 0 : i32
    %c0_i32_1 = arith.constant 0 : i32
    return %c0_i32, %c0_i32_0 : i32, i32
  }
  func.func @transform_5(%arg0: i32) -> (i32, i32) {
    %c0_i32 = arith.constant 0 : i32
    %c0_i32_0 = arith.constant 0 : i32
    return %arg0, %c0_i32 : i32, i32
  }
}

</mosaic_0001>

<sc_bundles>
// kernel: kernel.12.cloned.1.call-start
scs
__scs_entry_jumppad:
0x0: {  	(pc) =	sbr.rel $0x88, $3  }
0x1: {  	(tag) =	ssettag $0x0;
	lr =	simm.s32 $0x1  }
0x2: {  	[smem:$0x3F9B] =	sst lr;
	_ =	strace $0xD0000000  }
0x3: {  	_ = 	snop  }
0x4: {  	_ = 	snop  }
0x5: {  	_ = 	snop  }
0x6: {  	_ = 	snop  }
0x7: {  	_ = 	snop  }
__scs_overlays_trampoline_lowered:
0x8: {  	[smem:$0x3FAA] =	sst s0  }
0x9: {  	[smem:$0x3FAB] =	sst s1  }
0xa: {  	[smem:$0x3FAC] =	sst s2  }
0xb: {  	[smem:$0x3FAD] =	sst s3  }
0xc: {  	[smem:$0x3FAE] =	sst s4  }
0xd: {  	[smem:$0x3FAF] =	sst s5  }
0xe: {  	[smem:$0x3FB0] =	sst s6  }
0xf: {  	[smem:$0x3FB1] =	sst s7  }
0x10: {  	[smem:$0x3FB2] =	sst s8  }
0x11: {  	[smem:$0x3FB3] =	sst s9;
	s0 =	simm.s32 @!p0 $0x0  }
0x12: {  	s1 =	sld [smem:$0x3F99];
	s0 =	simm.s32 @p0 $0x1  }
0x13: {  	[smem:$0x3FB4] =	sst s0;
	s0 =	simm.s32 @!p1 $0x0  }
0x14: {  	s2 =	sld [smem:$0x3F98];
	s0 =	simm.s32 @p1 $0x1  }
0x15: {  	[smem:$0x3FB5] =	sst s0;
	s0 =	simm.s32 @!p2 $0x0  }
0x16: {  	s3 =	sld [smem:$0x3FDB];
	s0 =	simm.s32 @p2 $0x1  }
0x17: {  	s4 =	simm.s32 $0x1BF5;
	[smem:$0x3FB7] =	sst s0  }
0x18: {  	s0 =	sld [smem:$0x3F9A];
	_ =	swait.ge [sflag:s4], $0x0  }
0x19: {  	s7 =	sld [smem:$0x3F9B]  }
0x1a: {  	s8 =	sadd.s32 $0xFFFFE003, lr  }
0x1b: {  	s9 =	sadd.s32 $0xFFFFFEF7, lr;
	s5 =	simm.s32 $0xFFFFFFFF;
	p2 =	slt.u32 s8, $0xFFFFF086  }
0x1c: {  	p1 =	slt.u32 s9, $0xF7A;
	s5 =	simm.s32 @!p2 $0x0  }
0x1d: {  	s5 =	simm.s32 @p1 $0x1;
	p0 =	seq.s32 s7, s2  }
0x1e: {  	s7 =	smul.u32 @!p0 $0xF7A, s2;
	p2 =	seq.s32 @!p0 s5, $0x0  }
0x1f: {  	s9 =	smul.u32 $0xF7A, s1;
	s8 =	simm.s32 @!p0 $0x1BF5;
	p2 =	por !p2, p0  }
0x20: {  	[sflag:s8] =	ssyncset.s32 @!p0 $0xFFFFF086;
	s6 =	sadd.s32 @!p0 s3, s7;
	s7 =	simm.s32 @!p0 $0x108  }
0x21: {  	s3 =	sadd.s32 s3, s9;
	s6 =	sadd.s32 @!p0 $0x88, s6;
	s7 =	simm.s32 @p2 $0x1082  }
0x22: {  	[simem:s7], [sflag:s8] =	dma.local @!p0 [hbm:s6], $0xF7A  }
0x23: {  	s9 =	sor.u32 $0xD0000000, s2;
	s6 =	simm.s32 $0x108;
	_ =	swait.ge @!p0 [sflag:s8], $0x0  }
0x24: {  	s3 =	sadd.s32 $0x88, s3;
	s6 =	simm.s32 @!p1 $0x1082;
	[sflag:s4] =	ssyncset.s32 $0xFFFFF086  }
0x25: {  	[simem:s6], [sflag:s4] =	dma.local [hbm:s3], $0xF7A  }
0x26: {  	[smem:$0x3F9B] =	sst s1;
	(tag) =	ssettag s2;
	_ =	strace s9  }
0x27: {  	s1 =	sld [smem:$0x3FAB]  }
0x28: {  	s2 =	sld [smem:$0x3FAC]  }
0x29: {  	s4 =	sld [smem:$0x3FAE]  }
0x2a: {  	p0 =	seq.s32 s5, $0x0;
	s5 =	sld [smem:$0x3FAF]  }
0x2b: {  	s6 =	sld [smem:$0x3FB0]  }
0x2c: {  	s7 =	sld [smem:$0x3FB1]  }
0x2d: {  	s3 =	simm.s32 $0x108;
	s8 =	sld [smem:$0x3FB2]  }
0x2e: {  	s3 =	simm.s32 @!p0 $0x1082;
	s9 =	sld [smem:$0x3FB3]  }
0x2f: {  	lr =	sadd.s32 s0, s3;
	s0 =	sld [smem:$0x3FAA]  }
0x30: {  	s3 =	sld [smem:$0x3FAD]  }
0x31: {  	[smem:$0x3FB6] =	sst s10  }
0x32: {  	s10 =	sld [smem:$0x3FB4];
	_ =	sdelay $0x3  }
0x33: {  	p0 =	seq.s32 s10, $0x1;
	s10 =	sld [smem:$0x3FB6];
	_ =	sdelay $0x3  }
0x34: {  	[smem:$0x3FB6] =	sst s10  }
0x35: {  	s10 =	sld [smem:$0x3FB5];
	_ =	sdelay $0x3  }
0x36: {  	p1 =	seq.s32 s10, $0x1;
	s10 =	sld [smem:$0x3FB6];
	_ =	sdelay $0x3  }
0x37: {  	[smem:$0x3FB6] =	sst s10  }
0x38: {  	s10 =	sld [smem:$0x3FB7]  }
0x39: {  	_ = 	snop;
	(pc) =	sbr.ind lr, $3  }
0x3a: {  	_ = 	snop  }
0x3b: {  	_ = 	snop  }
0x3c: {  	p2 =	seq.s32 s10, $0x1;
	s10 =	sld [smem:$0x3FB6]  }
0x3d: {  	_ =	shalt  }
0x3e: {  	_ =	shalt  }
0x3f: {  	_ =	shalt  }
0x40: {  	_ =	shalt  }
0x41: {  	_ =	shalt  }
0x42: {  	_ =	shalt  }
0x43: {  	_ =	shalt  }
0x44: {  	_ =	shalt  }
0x45: {  	_ =	shalt  }
0x46: {  	_ =	shalt  }
0x47: {  	_ =	shalt  }
0x48: {  	_ =	shalt  }
0x49: {  	_ =	shalt  }
0x4a: {  	_ =	shalt  }
0x4b: {  	_ =	shalt  }
0x4c: {  	_ =	shalt  }
0x4d: {  	_ =	shalt  }
0x4e: {  	_ =	shalt  }
0x4f: {  	_ =	shalt  }
0x50: {  	_ =	shalt  }
0x51: {  	_ =	shalt  }
0x52: {  	_ =	shalt  }
0x53: {  	_ =	shalt  }
0x54: {  	_ =	shalt  }
0x55: {  	_ =	shalt  }
0x56: {  	_ =	shalt  }
0x57: {  	_ =	shalt  }
0x58: {  	_ =	shalt  }
0x59: {  	_ =	shalt  }
0x5a: {  	_ =	shalt  }
0x5b: {  	_ =	shalt  }
0x5c: {  	_ =	shalt  }
0x5d: {  	_ =	shalt  }
0x5e: {  	_ =	shalt  }
0x5f: {  	_ =	shalt  }
0x60: {  	_ =	shalt  }
0x61: {  	_ =	shalt  }
0x62: {  	_ =	shalt  }
0x63: {  	_ =	shalt  }
0x64: {  	_ =	shalt  }
0x65: {  	_ =	shalt  }
0x66: {  	_ =	shalt  }
0x67: {  	_ =	shalt  }
0x68: {  	_ =	shalt  }
0x69: {  	_ =	shalt  }
0x6a: {  	_ =	shalt  }
0x6b: {  	_ =	shalt  }
0x6c: {  	_ =	shalt  }
0x6d: {  	_ =	shalt  }
0x6e: {  	_ =	shalt  }
0x6f: {  	_ =	shalt  }
0x70: {  	_ =	shalt  }
0x71: {  	_ =	shalt  }
0x72: {  	_ =	shalt  }
0x73: {  	_ =	shalt  }
0x74: {  	_ =	shalt  }
0x75: {  	_ =	shalt  }
0x76: {  	_ =	shalt  }
0x77: {  	_ =	shalt  }
0x78: {  	_ =	shalt  }
0x79: {  	_ =	shalt  }
0x7a: {  	_ =	shalt  }
0x7b: {  	_ =	shalt  }
0x7c: {  	_ =	shalt  }
0x7d: {  	_ =	shalt  }
0x7e: {  	_ =	shalt  }
0x7f: {  	_ =	shalt  }
0x80: {  	_ =	shalt  }
0x81: {  	_ =	shalt  }
0x82: {  	_ =	shalt  }
0x83: {  	_ =	shalt  }
0x84: {  	_ =	shalt  }
0x85: {  	_ =	shalt  }
0x86: {  	_ =	shalt  }
0x87: {  	_ =	shalt  }
.Lfunc_end0:
.L_simem_size_0:
called_computation.1_lowered:
.L_overlay_start_0:
0x88: {  	s2 =	sld [smem:$0x3FD9]  }
0x89: {  	s3 =	sld [smem:$0x3FFE];
	_ =	sdelay $0x1  }
0x8a: {  	s1 =	srdreg.scid  }
0x8b: {  	s0 =	sand.u32 $0x1, s1  }
0x8c: {  	s16 =	sshll.u32 s0, $0xA;
	s2 =	sadd.s32 s3, s2  }
0x8d: {  	s2 =	sadd.s32 s2, s16  }
0x8e: {  	[smem:$0x3FC2] =	sst s2  }
0x8f: {  	_ = 	snop  }
0x90: {  	(tm) =	ssettm $0x1  }
0x91: {  	s17 =	sld [smem:$0x3FFB];
	_ =	sdelay $0x3  }
0x92: {  	_ =	strace s17  }
0x93: {  	s2 =	sld [smem:$0x3FFC];
	_ =	sdelay $0x3  }
0x94: {  	_ =	strace s2  }
0x95: {  	s2 =	sld [smem:$0x3FFD];
	_ =	sdelay $0x3  }
0x96: {  	_ =	strace s2  }
0x97: {  	_ =	strace $0x8FFFFFFF  }
0x98: {  	s18 =	sld [smem:$0x3FDB];
	_ =	sdelay $0x1  }
0x99: {  	s19 =	simm.s32 $_scs_section_size  }
0x9a: {  	s4 =	simm.s32 $_size__tile_overlayer_lowered;
	s5 =	simm.s32 $_tile_overlayer_lowered  }
0x9b: {  	s22 =	simm.s32 $0x1BFF;
	s21 =	sshll.u32 s5, $0x1;
	s2 =	sadd.s32 s19, s18  }
0x9c: {  	s6 =	simm.s32 $0x0;
	s20 =	sshll.u32 s4, $0x1;
	s4 =	sadd.s32 s21, s2  }
0x9d: {  	[timem:s6], [sflag:s22] =	dma.local [hbm:s4], s20  }
0x9e: {  	_ =	swait.ge [sflag:s22], s20  }
0x9f: {  	s3 =	ssub.s32 $0x0, s20;
	[sflag:s22] =	ssyncset.done $0x0  }
0xa0: {  	[sflag:s22] =	ssyncadd.s32 s3;
	_ =	sdelay $0x1  }
0xa1: {  	s23 =	simm.s32 $0x1B8B  }
0xa2: {  	_ =	swait.ge [sflag:s23], $0x1  }
0xa3: {  	[sflag:s23] =	ssyncset.done $0x0  }
0xa4: {  	s25 =	simm.s32 $0x1B8E;
	s24 =	sld [smem:$0x3FFE];
	[sflag:s23] =	ssyncadd.s32 $0xFFFFFFFF  }
0xa5: {  	s26 =	simm.s32 $execute0_lowered;
	[smem:$0x3FD2] =	sst s25  }
0xa6: {  	s4 =	sshll.u32 s26, $0x1;
	_ =	strace $0x80000049;
	[dreg:$0x1] =	wrdreg $0xFFFFFFFF  }
0xa7: {  	s28 =	simm.s32 $_size_execute0_lowered;
	s2 =	sadd.s32 s2, s4;
	[dreg:$0x0] =	wrdreg $0x0  }
0xa8: {  	s4 =	sshll.u32 s28, $0x1;
	[dreg:$0x2] =	wrdreg s2  }
0xa9: {  	[dreg:$0x3] =	wrdreg s4  }
0xaa: {  	[dreg:$0x4] =	wrdreg $0xC0  }
0xab: {  	_ =	task [dreg:s6], $0x5FFFF  }
0xac: {  	[dreg:$0x1] =	wrdreg $0xFFFFFFFF  }
0xad: {  	[dreg:$0x0] =	wrdreg $0x60  }
0xae: {  	[dreg:$0x2] =	wrdreg s24  }
0xaf: {  	[dreg:$0x3] =	wrdreg $0x15F000  }
0xb0: {  	[dreg:$0x4] =	wrdreg $0x9  }
0xb1: {  	_ =	task.clear_ibuf [dreg:s6], $0x5FFFF;
	_ =	strace $0x90000049  }
0xb2: {  	s29 =	simm.s32 $0x9;
	_ =	strace $0x8000004B  }
0xb3: {  	_ =	swait.ge [sflag:s29], $0x1  }
0xb4: {  	[sflag:s29] =	ssyncadd.s32 $0xFFFFFFFF  }
0xb5: {  	_ =	strace $0x9000004B  }
0xb6: {  	_ =	sfence  }
0xb7: {  	s30 =	sld [smem:$0x0];
	_ =	sdelay $0x2  }
0xb8: {  	s31 =	sshll.u32 s1, $0xD;
	s1 =	sshrl.u32 s1, $0x2  }
0xb9: {  	s3 =	sand.u32 $0x4000, s31;
	s1 =	sadd.s32 s1, s30  }
0xba: {  	s0 =	sor.u32 s3, s0;
	s1 =	sshll.u32 s1, $0x11  }
0xbb: {  	s0 =	sor.u32 s1, s0  }
0xbc: {  	s0 =	sadd.s32 $0x8F2B, s0  }
0xbd: {  	[sflag:s0] =	ssyncadd.remote.s32 $0x1  }
0xbe: {  	_ =	sfence.sel $0xFFFF  }
0xbf: {  	[dreg:$0x0] =	wrdreg $0xFFFFFFFF;
	(pc) =	sbr.abs _section_cstart, $3  }
0xc0: {  	[dreg:$0x1] =	wrdreg $0xFFFFFFFF  }
0xc1: {  	_ =	task.clear_ibuf [dreg:s6], $0x2FFFF;
	_ =	strace $0x9FFFFFFF  }
0xc2: {  	(tm) =	ssettm $0x7FFFFFFF  }
0xc3: {  	_ =	shalt  }
tec
execute0_lowered:
.L_overlay_start_1:
0x0: {  	(tag) =	ssettag $0x1  }
0x1: {  	s6 =	rddreg [dreg:$0x0]  }
0x2: {  	s0 =	srdreg.scid;
	s2 =	rddreg [dreg:$0x1]  }
0x3: {  	s3 =	simm.s32 $0x0;
	s12 =	simm.s32 $0xFF;
	s17 =	simm.s32 $0x80  }
0x4: {  	s18 =	simm.s32 $0xFF00;
	s19 =	simm.s32 $0x11F00;
	s20 =	simm.s32 $0x1  }
0x5: {  	s21 =	simm.s32 $0x100;
	s22 =	simm.s32 $0x13F00;
	s28 =	simm.s32 $0x6  }
0x6: {  	s29 =	simm.s32 $0x0;
	s5 =	sand.u32 $0x1, s0;
	s0 =	stileid.u32  }
0x7: {  	[smem:$0x7FF] =	sst s3;
	s1 =	sshll.u32 s5, $0x4;
	s7 =	smul.u32 $0xA000, s0  }
0x8: {  	s8 =	smul.u32 $0xA0000, s5;
	_ =	strace $0x8000004A;
	s11 =	ssub.s32 $0x2, s5  }
0x9: {  	p0 =	seq.s32 s5, $0x0;
	s15 =	sshll.u32 s0, $0x6;
	s1 =	sor.u32 s0, s1  }
0xa: {  	s24 =	sshrl.u32 s11, $0x1;
	s12 =	simm.s32 @!p0 $0x3C;
	s15 =	sor.u32 $0x1C07, s15  }
0xb: {  	s4 =	smul.u32 $0xFF0, s1;
	s10 =	sshrl.u32 s7, $0x3;
	s8 =	sadd.s32 s7, s8  }
0xc: {  	s11 =	ssub.s32 s11, s24;
	s14 =	sadd.s32 $0xFFFFFFFF, s12;
	s16 =	sadd.s32 s7, s2  }
0xd: {  	s26 =	sshll.u32 s12, $0x7;
	s24 =	simm.s32 $0x2;
	s10 =	sadd.s32 s10, s6  }
0xe: {  	s23 =	sshrl.u32 s8, $0x3;
	s25 =	smul.u32 $0xAB, s14;
	s8 =	sadd.s32 $0x7E80, s26  }
0xf: {  	s31 =	sshll.u32 s14, $0x7;
	s11 =	smax.u32 s11, $0x1;
	s14 =	simm.s32 $0x7F80  }
0x10: {  	s16 =	sshrl.u32 s16, $0x3;
	s26 =	simm.s32 $0x3;
	s9 =	sadd.s32 s4, s6  }
0x11: {  	s4 =	sadd.s32 $0xBCE00, s6;
	s13 =	sadd.s32 s23, s6;
	s7 =	sadd.s32 $0xD0800, s10  }
0x12: {  	s23 =	simm.s32 $0x4;
	s5 =	sadd.s32 $0x27A00, s9;
	s6 =	sadd.s32 $0x2A00, s9  }
0x13: {  	s30 =	sshrl.u32 s25, $0x9;
	s9 =	sadd.s32 $0x7F80, s31;
	s10 =	sadd.s32 $0xE4800, s13  }
0x14: {  	s13 =	simm.s32 $0x7;
	s25 =	simm.s32 $0x5;
	s12 =	smul.u32 $0x600, s30  }
.LBB2_1:
0x15: {  	[tilespmem:s3], [sflag:$0x7] =	stream.linear.gather [hbm4b:s5+s3], $0x7F80, $0x38;
	[tilespmem:$0x1FF00] =	vst v63  }
0x16: {  	_ =	swait.ge [sflag:s13], $0x7F80  }
0x17: {  	[sflag:s13] =	ssyncset.done $0x0  }
0x18: {  	[sflag:s13] =	ssyncadd.s32 $0xFFFF8080  }
0x19: {  	[tilespmem:s14], [sflag:$0x7] =	stream.linear.gather [hbm4b:s6+s3], $0x7F80, $0x38;
	[tilespmem:$0x1FF00] =	vst v63  }
0x1a: {  	_ =	swait.ge [sflag:s13], $0x7F80  }
0x1b: {  	[sflag:s13] =	ssyncset.done $0x0  }
0x1c: {  	[sflag:s13] =	ssyncadd.s32 $0xFFFF8080  }
0x1d: {  	[spmem:s16], [sflag:s15] =	dma.local [hbm:s7], $0x1400  }
0x1e: {  	_ =	swait.ge [sflag:s13], $0x1400  }
0x1f: {  	[sflag:s13] =	ssyncset.done $0x0  }
0x20: {  	[sflag:s13] =	ssyncadd.s32 $0xFFFFEC00  }
0x21: {  	[bflag:$0x0] =	sbarrier.arrive $0xFFFF  }
0x22: {  	[tilespmem:s18], [sflag:$0x1] =	stream.indirect.gather [hbm4b:s4+s17], $0x40, s3, s17, $0xb8;
	[tilespmem:$0x1FF00] =	vst v63  }
0x23: {  	_ = 	snop  }
0x24: {  	[tilespmem:s19], [sflag:$0x2] =	stream.indirect.gather [hbm4b:s4+s17], $0x40, s17, s17, $0xb8;
	[tilespmem:$0x1FF00] =	vst v63  }
0x25: {  	_ =	swait.ge [sflag:s20], $0x2000  }
0x26: {  	[sflag:s20] =	ssyncset.done $0x0  }
0x27: {  	[sflag:s20] =	ssyncadd.s32 $0xFFFFE000  }
0x28: {  	[spmem:s2] =	stream.indirect.scatter.add.f32 [tilespmem:s18], [sflag:$0x4], $0x40, s14, s17, $0xb8;
	[tilespmem:$0x1FF00] =	vst v63  }
0x29: {  	_ = 	snop  }
0x2a: {  	[tilespmem:s22], [sflag:$0x3] =	stream.indirect.gather [hbm4b:s4+s17], $0x40, s21, s17, $0xb8;
	[tilespmem:$0x1FF00] =	vst v63  }
0x2b: {  	_ =	swait.ge [sflag:s23], $0x2000  }
0x2c: {  	[sflag:s23] =	ssyncset.done $0x0  }
0x2d: {  	[sflag:s23] =	ssyncadd.s32 $0xFFFFE000  }
0x2e: {  	_ =	swait.ge [sflag:s24], $0x2000  }
0x2f: {  	[sflag:s24] =	ssyncset.done $0x0  }
0x30: {  	s30 =	simm.s32 $0x8000;
	[sflag:s24] =	ssyncadd.s32 $0xFFFFE000  }
0x31: {  	[spmem:s2] =	stream.indirect.scatter.add.f32 [tilespmem:s19], [sflag:$0x5], $0x40, s30, s17, $0xb8;
	[tilespmem:$0x1FF00] =	vst v63  }
0x32: {  	s30 =	simm.s32 $0x180  }
0x33: {  	[tilespmem:s18], [sflag:$0x1] =	stream.indirect.gather [hbm4b:s4+s17], $0x40, s30, s17, $0xb8;
	[tilespmem:$0x1FF00] =	vst v63  }
0x34: {  	_ =	swait.ge [sflag:s25], $0x2000  }
0x35: {  	[sflag:s25] =	ssyncset.done $0x0  }
0x36: {  	[sflag:s25] =	ssyncadd.s32 $0xFFFFE000  }
0x37: {  	_ =	swait.ge [sflag:s26], $0x2000  }
0x38: {  	[sflag:s26] =	ssyncset.done $0x0  }
0x39: {  	s30 =	simm.s32 $0x8080;
	[sflag:s26] =	ssyncadd.s32 $0xFFFFE000  }
0x3a: {  	[spmem:s2] =	stream.indirect.scatter.add.f32 [tilespmem:s22], [sflag:$0x6], $0x40, s30, s17, $0xb8;
	[tilespmem:$0x1FF00] =	vst v63  }
0x3b: {  	s30 =	simm.s32 $0x200  }
0x3c: {  	[tilespmem:s19], [sflag:$0x2] =	stream.indirect.gather [hbm4b:s4+s17], $0x40, s30, s17, $0xb8;
	[tilespmem:$0x1FF00] =	vst v63  }
0x3d: {  	_ =	swait.ge [sflag:s28], $0x2000  }
0x3e: {  	[sflag:s28] =	ssyncset.done $0x0  }
0x3f: {  	p0 =	sne.s32 s12, $0x600;
	[sflag:s28] =	ssyncadd.s32 $0xFFFFE000  }
.Ltmp0:
0x40: {  	_ =	swait.ge [sflag:s20], $0x2000;
	(pc) =	sbr.rel @!p0 .LBB2_3-.Ltmp0, $4  }
0x41: {  	[sflag:s20] =	ssyncset.done $0x0  }
0x42: {  	s30 =	simm.s32 $0x8100;
	[sflag:s20] =	ssyncadd.s32 $0xFFFFE000  }
0x43: {  	[spmem:s2] =	stream.indirect.scatter.add.f32 [tilespmem:s18], [sflag:$0x4], $0x40, s30, s17, $0xb8;
	[tilespmem:$0x1FF00] =	vst v63  }
0x44: {  	s31 =	simm.s32 $0x280;
	s30 =	simm.s32 $0x600  }
.LBB2_2:
0x45: {  	[tilespmem:s22], [sflag:$0x3] =	stream.indirect.gather [hbm4b:s4+s17], $0x40, s31, s17, $0xb8;
	[tilespmem:$0x1FF00] =	vst v63  }
0x46: {  	s31 =	smov.u32 s30;
	s30 =	sadd.s32 $0x600, s30;
	_ =	swait.ge [sflag:s23], $0x2000  }
0x47: {  	p0 =	sne.s32 s12, s30;
	[sflag:s23] =	ssyncset.done $0x0  }
0x48: {  	[sflag:s23] =	ssyncadd.s32 $0xFFFFE000  }
0x49: {  	_ =	swait.ge [sflag:s24], $0x2000  }
0x4a: {  	s31 =	sshra.s32 s31, $0x2;
	[sflag:s24] =	ssyncset.done $0x0  }
0x4b: {  	s1 =	sadd.s32 $0x8000, s31;
	[sflag:s24] =	ssyncadd.s32 $0xFFFFE000  }
0x4c: {  	[spmem:s2] =	stream.indirect.scatter.add.f32 [tilespmem:s19], [sflag:$0x5], $0x40, s1, s17, $0xb8;
	[tilespmem:$0x1FF00] =	vst v63  }
0x4d: {  	s1 =	sadd.s32 $0x180, s31  }
0x4e: {  	[tilespmem:s18], [sflag:$0x1] =	stream.indirect.gather [hbm4b:s4+s17], $0x40, s1, s17, $0xb8;
	[tilespmem:$0x1FF00] =	vst v63  }
0x4f: {  	_ =	swait.ge [sflag:s25], $0x2000  }
0x50: {  	[sflag:s25] =	ssyncset.done $0x0  }
0x51: {  	[sflag:s25] =	ssyncadd.s32 $0xFFFFE000  }
0x52: {  	_ =	swait.ge [sflag:s26], $0x2000  }
0x53: {  	[sflag:s26] =	ssyncset.done $0x0  }
0x54: {  	s1 =	sadd.s32 $0x8080, s31;
	[sflag:s26] =	ssyncadd.s32 $0xFFFFE000  }
0x55: {  	[spmem:s2] =	stream.indirect.scatter.add.f32 [tilespmem:s22], [sflag:$0x6], $0x40, s1, s17, $0xb8;
	[tilespmem:$0x1FF00] =	vst v63  }
0x56: {  	s1 =	sadd.s32 $0x200, s31  }
0x57: {  	[tilespmem:s19], [sflag:$0x2] =	stream.indirect.gather [hbm4b:s4+s17], $0x40, s1, s17, $0xb8;
	[tilespmem:$0x1FF00] =	vst v63  }
0x58: {  	_ =	swait.ge [sflag:s28], $0x2000  }
0x59: {  	[sflag:s28] =	ssyncset.done $0x0  }
0x5a: {  	[sflag:s28] =	ssyncadd.s32 $0xFFFFE000  }
.Ltmp1:
0x5b: {  	_ =	swait.ge [sflag:s20], $0x2000;
	(pc) =	sbr.rel @p0 .LBB2_2-.Ltmp1, $4  }
0x5c: {  	[sflag:s20] =	ssyncset.done $0x0  }
0x5d: {  	s1 =	sadd.s32 $0x8100, s31;
	[sflag:s20] =	ssyncadd.s32 $0xFFFFE000  }
0x5e: {  	[spmem:s2] =	stream.indirect.scatter.add.f32 [tilespmem:s18], [sflag:$0x4], $0x40, s1, s17, $0xb8;
	[tilespmem:$0x1FF00] =	vst v63  }
0x5f: {  	s31 =	sadd.s32 $0x280, s31  }
.LBB2_3:
0x60: {  	[tilespmem:s22], [sflag:$0x3] =	stream.indirect.gather [hbm4b:s4+s17], $0x40, s31, s17, $0xb8;
	[tilespmem:$0x1FF00] =	vst v63  }
0x61: {  	_ =	swait.ge [sflag:s23], $0x2000  }
0x62: {  	[sflag:s23] =	ssyncset.done $0x0  }
0x63: {  	[sflag:s23] =	ssyncadd.s32 $0xFFFFE000  }
0x64: {  	_ =	swait.ge [sflag:s24], $0x2000  }
0x65: {  	[sflag:s24] =	ssyncset.done $0x0  }
0x66: {  	[sflag:s24] =	ssyncadd.s32 $0xFFFFE000  }
0x67: {  	[spmem:s2] =	stream.indirect.scatter.add.f32 [tilespmem:s19], [sflag:$0x5], $0x40, s8, s17, $0xb8;
	[tilespmem:$0x1FF00] =	vst v63  }
0x68: {  	_ =	swait.ge [sflag:s25], $0x2000  }
0x69: {  	[sflag:s25] =	ssyncset.done $0x0  }
0x6a: {  	[sflag:s25] =	ssyncadd.s32 $0xFFFFE000  }
0x6b: {  	_ =	swait.ge [sflag:s26], $0x2000  }
0x6c: {  	[sflag:s26] =	ssyncset.done $0x0  }
0x6d: {  	[sflag:s26] =	ssyncadd.s32 $0xFFFFE000  }
0x6e: {  	[spmem:s2] =	stream.indirect.scatter.add.f32 [tilespmem:s22], [sflag:$0x6], $0x40, s9, s17, $0xb8;
	[tilespmem:$0x1FF00] =	vst v63  }
0x6f: {  	_ =	swait.ge [sflag:s28], $0x2000  }
0x70: {  	s29 =	sadd.s32 $0x1, s29;
	[sflag:s28] =	ssyncset.done $0x0  }
0x71: {  	p0 =	sne.s32 s29, s11;
	[sflag:s28] =	ssyncadd.s32 $0xFFFFE000  }
.Ltmp2:
0x72: {  	[bflag:$0x0] =	sbarrier.arrive $0xFFFF;
	(pc) =	sbr.rel @p0 .LBB2_1-.Ltmp2, $4  }
0x73: {  	[hbm:s10], [sflag:s15] =	dma.local [spmem:s16], $0x1400  }
0x74: {  	_ =	swait.ge [sflag:s13], $0x1400  }
0x75: {  	[sflag:s13] =	ssyncset.done $0x0  }
0x76: {  	[sflag:s13] =	ssyncadd.s32 $0xFFFFEC00  }
0x77: {  	_ =	sfence.sel $0x180000  }
0x78: {  	[bflag:$0x0] =	sbarrier.arrive $0xFFFF  }
0x79: {  	_ =	strace $0x9000004A  }
0x7a: {  	[bflag:$0x2] =	sbarrier.arrive $0xFFFF  }
0x7b: {  	p0 =	sne.s32 s0, $0x0;
	s0 =	rddreg [dreg:$0x2]  }
0x7c: {  	s0 =	sadd.s32 @!p0 $0x100000, s0  }
0x7d: {  	[sflag:s0] =	ssyncadd.tile.s32 @!p0 $0x1;
	_ =	shalt  }
.Lfunc_end2:
_tile_overlayer_lowered:
.L_overlay_start_2:
0x7e: {  	(tag) =	ssettag $0x2  }
0x7f: {  	s0 =	rddreg [dreg:$0x0];
	s2 =	stileid.u32  }
0x80: {  	s1 =	rddreg [dreg:$0x1];
	p0 =	sne.s32 s2, $0x0  }
0x81: {  	s3 =	rddreg [dreg:$0x2];
	[bflag:$0x3] =	sbarrier.arrive $0xFFFF;
	s2 =	simm.s32 @!p0 $0x1C07  }
0x82: {  	[timem:s3], [sflag:s2] =	dma.local @!p0 [hbm:s0], s1  }
0x83: {  	s0 =	simm.s32 @!p0 $0x7  }
0x84: {  	_ =	swait.ge @!p0 [sflag:s0], s1  }
0x85: {  	s1 =	ssub.s32 @!p0 $0x0, s1;
	[sflag:s0] =	ssyncset.done @!p0 $0x0  }
0x86: {  	[sflag:s0] =	ssyncadd.s32 @!p0 s1  }
0x87: {  	[bflag:$0x3] =	sbarrier.arrive $0xFFFF  }
0x88: {  	_ =	shalt  }

// kernel: kernel.15.cloned.1.call-start
scs
__scs_entry_jumppad:
0x0: {  	(pc) =	sbr.rel $0x88, $3  }
0x1: {  	(tag) =	ssettag $0x0;
	lr =	simm.s32 $0x1  }
0x2: {  	[smem:$0x3F9B] =	sst lr;
	_ =	strace $0xD0000000  }
0x3: {  	_ = 	snop  }
0x4: {  	_ = 	snop  }
0x5: {  	_ = 	snop  }
0x6: {  	_ = 	snop  }
0x7: {  	_ = 	snop  }
__scs_overlays_trampoline_lowered:
0x8: {  	[smem:$0x3FAA] =	sst s0  }
0x9: {  	[smem:$0x3FAB] =	sst s1  }
0xa: {  	[smem:$0x3FAC] =	sst s2  }
0xb: {  	[smem:$0x3FAD] =	sst s3  }
0xc: {  	[smem:$0x3FAE] =	sst s4  }
0xd: {  	[smem:$0x3FAF] =	sst s5  }
0xe: {  	[smem:$0x3FB0] =	sst s6  }
0xf: {  	[smem:$0x3FB1] =	sst s7  }
0x10: {  	[smem:$0x3FB2] =	sst s8  }
0x11: {  	[smem:$0x3FB3] =	sst s9;
	s0 =	simm.s32 @!p0 $0x0  }
0x12: {  	s1 =	sld [smem:$0x3F99];
	s0 =	simm.s32 @p0 $0x1  }
0x13: {  	[smem:$0x3FB4] =	sst s0;
	s0 =	simm.s32 @!p1 $0x0  }
0x14: {  	s2 =	sld [smem:$0x3F98];
	s0 =	simm.s32 @p1 $0x1  }
0x15: {  	[smem:$0x3FB5] =	sst s0;
	s0 =	simm.s32 @!p2 $0x0  }
0x16: {  	s3 =	sld [smem:$0x3FDB];
	s0 =	simm.s32 @p2 $0x1  }
0x17: {  	s4 =	simm.s32 $0x1BF5;
	[smem:$0x3FB7] =	sst s0  }
0x18: {  	s0 =	sld [smem:$0x3F9A];
	_ =	swait.ge [sflag:s4], $0x0  }
0x19: {  	s7 =	sld [smem:$0x3F9B]  }
0x1a: {  	s8 =	sadd.s32 $0xFFFFE003, lr  }
0x1b: {  	s9 =	sadd.s32 $0xFFFFFEF7, lr;
	s5 =	simm.s32 $0xFFFFFFFF;
	p2 =	slt.u32 s8, $0xFFFFF086  }
0x1c: {  	p1 =	slt.u32 s9, $0xF7A;
	s5 =	simm.s32 @!p2 $0x0  }
0x1d: {  	s5 =	simm.s32 @p1 $0x1;
	p0 =	seq.s32 s7, s2  }
0x1e: {  	s7 =	smul.u32 @!p0 $0xF7A, s2;
	p2 =	seq.s32 @!p0 s5, $0x0  }
0x1f: {  	s9 =	smul.u32 $0xF7A, s1;
	s8 =	simm.s32 @!p0 $0x1BF5;
	p2 =	por !p2, p0  }
0x20: {  	[sflag:s8] =	ssyncset.s32 @!p0 $0xFFFFF086;
	s6 =	sadd.s32 @!p0 s3, s7;
	s7 =	simm.s32 @!p0 $0x108  }
0x21: {  	s3 =	sadd.s32 s3, s9;
	s6 =	sadd.s32 @!p0 $0x88, s6;
	s7 =	simm.s32 @p2 $0x1082  }
0x22: {  	[simem:s7], [sflag:s8] =	dma.local @!p0 [hbm:s6], $0xF7A  }
0x23: {  	s9 =	sor.u32 $0xD0000000, s2;
	s6 =	simm.s32 $0x108;
	_ =	swait.ge @!p0 [sflag:s8], $0x0  }
0x24: {  	s3 =	sadd.s32 $0x88, s3;
	s6 =	simm.s32 @!p1 $0x1082;
	[sflag:s4] =	ssyncset.s32 $0xFFFFF086  }
0x25: {  	[simem:s6], [sflag:s4] =	dma.local [hbm:s3], $0xF7A  }
0x26: {  	[smem:$0x3F9B] =	sst s1;
	(tag) =	ssettag s2;
	_ =	strace s9  }
0x27: {  	s1 =	sld [smem:$0x3FAB]  }
0x28: {  	s2 =	sld [smem:$0x3FAC]  }
0x29: {  	s4 =	sld [smem:$0x3FAE]  }
0x2a: {  	p0 =	seq.s32 s5, $0x0;
	s5 =	sld [smem:$0x3FAF]  }
0x2b: {  	s6 =	sld [smem:$0x3FB0]  }
0x2c: {  	s7 =	sld [smem:$0x3FB1]  }
0x2d: {  	s3 =	simm.s32 $0x108;
	s8 =	sld [smem:$0x3FB2]  }
0x2e: {  	s3 =	simm.s32 @!p0 $0x1082;
	s9 =	sld [smem:$0x3FB3]  }
0x2f: {  	lr =	sadd.s32 s0, s3;
	s0 =	sld [smem:$0x3FAA]  }
0x30: {  	s3 =	sld [smem:$0x3FAD]  }
0x31: {  	[smem:$0x3FB6] =	sst s10  }
0x32: {  	s10 =	sld [smem:$0x3FB4];
	_ =	sdelay $0x3  }
0x33: {  	p0 =	seq.s32 s10, $0x1;
	s10 =	sld [smem:$0x3FB6];
	_ =	sdelay $0x3  }
0x34: {  	[smem:$0x3FB6] =	sst s10  }
0x35: {  	s10 =	sld [smem:$0x3FB5];
	_ =	sdelay $0x3  }
0x36: {  	p1 =	seq.s32 s10, $0x1;
	s10 =	sld [smem:$0x3FB6];
	_ =	sdelay $0x3  }
0x37: {  	[smem:$0x3FB6] =	sst s10  }
0x38: {  	s10 =	sld [smem:$0x3FB7]  }
0x39: {  	_ = 	snop;
	(pc) =	sbr.ind lr, $3  }
0x3a: {  	_ = 	snop  }
0x3b: {  	_ = 	snop  }
0x3c: {  	p2 =	seq.s32 s10, $0x1;
	s10 =	sld [smem:$0x3FB6]  }
0x3d: {  	_ =	shalt  }
0x3e: {  	_ =	shalt  }
0x3f: {  	_ =	shalt  }
0x40: {  	_ =	shalt  }
0x41: {  	_ =	shalt  }
0x42: {  	_ =	shalt  }
0x43: {  	_ =	shalt  }
0x44: {  	_ =	shalt  }
0x45: {  	_ =	shalt  }
0x46: {  	_ =	shalt  }
0x47: {  	_ =	shalt  }
0x48: {  	_ =	shalt  }
0x49: {  	_ =	shalt  }
0x4a: {  	_ =	shalt  }
0x4b: {  	_ =	shalt  }
0x4c: {  	_ =	shalt  }
0x4d: {  	_ =	shalt  }
0x4e: {  	_ =	shalt  }
0x4f: {  	_ =	shalt  }
0x50: {  	_ =	shalt  }
0x51: {  	_ =	shalt  }
0x52: {  	_ =	shalt  }
0x53: {  	_ =	shalt  }
0x54: {  	_ =	shalt  }
0x55: {  	_ =	shalt  }
0x56: {  	_ =	shalt  }
0x57: {  	_ =	shalt  }
0x58: {  	_ =	shalt  }
0x59: {  	_ =	shalt  }
0x5a: {  	_ =	shalt  }
0x5b: {  	_ =	shalt  }
0x5c: {  	_ =	shalt  }
0x5d: {  	_ =	shalt  }
0x5e: {  	_ =	shalt  }
0x5f: {  	_ =	shalt  }
0x60: {  	_ =	shalt  }
0x61: {  	_ =	shalt  }
0x62: {  	_ =	shalt  }
0x63: {  	_ =	shalt  }
0x64: {  	_ =	shalt  }
0x65: {  	_ =	shalt  }
0x66: {  	_ =	shalt  }
0x67: {  	_ =	shalt  }
0x68: {  	_ =	shalt  }
0x69: {  	_ =	shalt  }
0x6a: {  	_ =	shalt  }
0x6b: {  	_ =	shalt  }
0x6c: {  	_ =	shalt  }
0x6d: {  	_ =	shalt  }
0x6e: {  	_ =	shalt  }
0x6f: {  	_ =	shalt  }
0x70: {  	_ =	shalt  }
0x71: {  	_ =	shalt  }
0x72: {  	_ =	shalt  }
0x73: {  	_ =	shalt  }
0x74: {  	_ =	shalt  }
0x75: {  	_ =	shalt  }
0x76: {  	_ =	shalt  }
0x77: {  	_ =	shalt  }
0x78: {  	_ =	shalt  }
0x79: {  	_ =	shalt  }
0x7a: {  	_ =	shalt  }
0x7b: {  	_ =	shalt  }
0x7c: {  	_ =	shalt  }
0x7d: {  	_ =	shalt  }
0x7e: {  	_ =	shalt  }
0x7f: {  	_ =	shalt  }
0x80: {  	_ =	shalt  }
0x81: {  	_ =	shalt  }
0x82: {  	_ =	shalt  }
0x83: {  	_ =	shalt  }
0x84: {  	_ =	shalt  }
0x85: {  	_ =	shalt  }
0x86: {  	_ =	shalt  }
0x87: {  	_ =	shalt  }
.Lfunc_end0:
.L_simem_size_0:
called_computation.2_lowered:
.L_overlay_start_0:
0x88: {  	s2 =	sld [smem:$0x3FD9]  }
0x89: {  	s3 =	sld [smem:$0x3FFE];
	_ =	sdelay $0x1  }
0x8a: {  	s1 =	srdreg.scid  }
0x8b: {  	s0 =	sand.u32 $0x1, s1  }
0x8c: {  	s17 =	sshll.u32 s0, $0xA;
	s2 =	sadd.s32 s3, s2  }
0x8d: {  	s2 =	sadd.s32 s2, s17  }
0x8e: {  	[smem:$0x3FC2] =	sst s2  }
0x8f: {  	_ = 	snop  }
0x90: {  	(tm) =	ssettm $0x1  }
0x91: {  	s18 =	sld [smem:$0x3FFB];
	_ =	sdelay $0x3  }
0x92: {  	_ =	strace s18  }
0x93: {  	s2 =	sld [smem:$0x3FFC];
	_ =	sdelay $0x3  }
0x94: {  	_ =	strace s2  }
0x95: {  	s2 =	sld [smem:$0x3FFD];
	_ =	sdelay $0x3  }
0x96: {  	_ =	strace s2  }
0x97: {  	_ =	strace $0x8FFFFFFF  }
0x98: {  	s19 =	sld [smem:$0x3FDB];
	_ =	sdelay $0x1  }
0x99: {  	s20 =	simm.s32 $_scs_section_size  }
0x9a: {  	s4 =	simm.s32 $_size__tile_overlayer_lowered;
	s5 =	simm.s32 $_tile_overlayer_lowered  }
0x9b: {  	s6 =	simm.s32 $0x1BFF;
	s21 =	sshll.u32 s5, $0x1;
	s3 =	sadd.s32 s20, s19  }
0x9c: {  	s22 =	simm.s32 $0x0;
	s4 =	sshll.u32 s4, $0x1;
	s5 =	sadd.s32 s21, s3  }
0x9d: {  	[timem:s22], [sflag:s6] =	dma.local [hbm:s5], s4  }
0x9e: {  	_ =	swait.ge [sflag:s6], s4  }
0x9f: {  	s4 =	ssub.s32 $0x0, s4;
	[sflag:s6] =	ssyncset.done $0x0  }
0xa0: {  	[sflag:s6] =	ssyncadd.s32 s4;
	_ =	sdelay $0x1  }
0xa1: {  	s23 =	simm.s32 $0x1B8B  }
0xa2: {  	_ =	swait.ge [sflag:s23], $0x1  }
0xa3: {  	[sflag:s23] =	ssyncset.done $0x0  }
0xa4: {  	[sflag:s23] =	ssyncadd.s32 $0xFFFFFFFF  }
0xa5: {  	s4 =	sld [smem:$0x0]  }
0xa6: {  	s5 =	sand.u32 $0xFFFFFFFE, s1  }
0xa7: {  	p0 =	sne.s32 s1, s5  }
0xa8: {  	s5 =	sshll.u32 @p0 s5, $0xE  }
0xa9: {  	s5 =	sadd.s32 @p0 $0x11B8D, s5;
	s6 =	sshll.u32 @p0 s4, $0x11  }
0xaa: {  	s5 =	sor.u32 @p0 s6, s5  }
0xab: {  	[sflag:s5] =	ssyncadd.remote.s32 @p0 $0x1;
	_ =	sdelay $0x1  }
0xac: {  	s5 =	simm.s32 @p0 $0x1B8D  }
0xad: {  	_ =	swait.eq @p0 [sflag:s5], $0x1  }
0xae: {  	[sflag:s5] =	ssyncadd.s32 @p0 $0xFFFFFFFF  }
0xaf: {  	s6 =	sshll.u32 @!p0 s1, $0xE  }
0xb0: {  	s6 =	sor.u32 @!p0 $0x4000, s6;
	s5 =	simm.s32 @!p0 $0x1B8D  }
0xb1: {  	s4 =	sshll.u32 @!p0 s4, $0x11;
	s6 =	sadd.s32 @!p0 $0x11B8D, s6;
	_ =	swait.eq @!p0 [sflag:s5], $0x1  }
0xb2: {  	s4 =	sor.u32 @!p0 s4, s6;
	[sflag:s5] =	ssyncadd.s32 @!p0 $0xFFFFFFFF  }
0xb3: {  	s25 =	simm.s32 $0x1B8E;
	s24 =	sld [smem:$0x3FFE];
	[sflag:s4] =	ssyncadd.remote.s32 @!p0 $0x1  }
0xb4: {  	s26 =	simm.s32 $execute0_lowered;
	[smem:$0x3FD2] =	sst s25  }
0xb5: {  	s5 =	sshll.u32 s26, $0x1;
	_ =	strace $0x8000004C;
	[dreg:$0x1] =	wrdreg $0xFFFFFFFF  }
0xb6: {  	s28 =	simm.s32 $_size_execute0_lowered;
	s3 =	sadd.s32 s3, s5;
	[dreg:$0x0] =	wrdreg $0x0  }
0xb7: {  	s5 =	sshll.u32 s28, $0x1;
	[dreg:$0x2] =	wrdreg s3  }
0xb8: {  	[dreg:$0x3] =	wrdreg s5  }
0xb9: {  	[dreg:$0x4] =	wrdreg $0xC0  }
0xba: {  	_ =	task [dreg:s22], $0x5FFFF  }
0xbb: {  	[dreg:$0x1] =	wrdreg $0xFFFFFFFF  }
0xbc: {  	[dreg:$0x0] =	wrdreg $0x60  }
0xbd: {  	[dreg:$0x2] =	wrdreg s24  }
0xbe: {  	[dreg:$0x3] =	wrdreg $0x15F000  }
0xbf: {  	[dreg:$0x4] =	wrdreg $0xA  }
0xc0: {  	_ =	task.clear_ibuf [dreg:s22], $0x5FFFF;
	_ =	strace $0x9000004C  }
0xc1: {  	s29 =	simm.s32 $0xA;
	_ =	strace $0x8000004E  }
0xc2: {  	_ =	swait.ge [sflag:s29], $0x1  }
0xc3: {  	[sflag:s29] =	ssyncadd.s32 $0xFFFFFFFF  }
0xc4: {  	_ =	strace $0x9000004E  }
0xc5: {  	_ =	sfence  }
0xc6: {  	s30 =	sld [smem:$0x0];
	_ =	sdelay $0x2  }
0xc7: {  	s31 =	sshll.u32 s1, $0xD;
	s1 =	sshrl.u32 s1, $0x2  }
0xc8: {  	s4 =	sand.u32 $0x4000, s31;
	s1 =	sadd.s32 s1, s30  }
0xc9: {  	s0 =	sor.u32 s4, s0;
	s1 =	sshll.u32 s1, $0x11  }
0xca: {  	s0 =	sor.u32 s1, s0  }
0xcb: {  	s0 =	sadd.s32 $0x8F2B, s0  }
0xcc: {  	[sflag:s0] =	ssyncadd.remote.s32 $0x1  }
0xcd: {  	_ =	sfence.sel $0xFFFF  }
0xce: {  	[dreg:$0x0] =	wrdreg $0xFFFFFFFF;
	(pc) =	sbr.abs _section_cstart, $3  }
0xcf: {  	[dreg:$0x1] =	wrdreg $0xFFFFFFFF  }
0xd0: {  	_ =	task.clear_ibuf [dreg:s22], $0x2FFFF;
	_ =	strace $0x9FFFFFFF  }
0xd1: {  	(tm) =	ssettm $0x7FFFFFFF  }
tec
execute0_lowered:
.L_overlay_start_1:
0x0: {  	(tag) =	ssettag $0x1  }
0x1: {  	s6 =	rddreg [dreg:$0x0]  }
0x2: {  	s0 =	srdreg.scid;
	s2 =	rddreg [dreg:$0x1]  }
0x3: {  	s3 =	simm.s32 $0x0;
	s12 =	simm.s32 $0xFF;
	s17 =	simm.s32 $0x80  }
0x4: {  	s18 =	simm.s32 $0xFF00;
	s19 =	simm.s32 $0x11F00;
	s20 =	simm.s32 $0x1  }
0x5: {  	s21 =	simm.s32 $0x100;
	s22 =	simm.s32 $0x13F00;
	s28 =	simm.s32 $0x6  }
0x6: {  	s29 =	simm.s32 $0x0;
	s5 =	sand.u32 $0x1, s0;
	s0 =	stileid.u32  }
0x7: {  	[smem:$0x7FF] =	sst s3;
	s1 =	sshll.u32 s5, $0x4;
	s7 =	smul.u32 $0xA000, s0  }
0x8: {  	s8 =	smul.u32 $0xA0000, s5;
	_ =	strace $0x8000004D;
	s11 =	ssub.s32 $0x2, s5  }
0x9: {  	p0 =	seq.s32 s5, $0x0;
	s15 =	sshll.u32 s0, $0x6;
	s1 =	sor.u32 s0, s1  }
0xa: {  	s24 =	sshrl.u32 s11, $0x1;
	s12 =	simm.s32 @!p0 $0x3C;
	s15 =	sor.u32 $0x1C07, s15  }
0xb: {  	s4 =	smul.u32 $0xFF0, s1;
	s10 =	sshrl.u32 s7, $0x3;
	s8 =	sadd.s32 s7, s8  }
0xc: {  	s11 =	ssub.s32 s11, s24;
	s14 =	sadd.s32 $0xFFFFFFFF, s12;
	s16 =	sadd.s32 s7, s2  }
0xd: {  	s26 =	sshll.u32 s12, $0x7;
	s24 =	simm.s32 $0x2;
	s10 =	sadd.s32 s10, s6  }
0xe: {  	s23 =	sshrl.u32 s8, $0x3;
	s25 =	smul.u32 $0xAB, s14;
	s8 =	sadd.s32 $0x7E80, s26  }
0xf: {  	s31 =	sshll.u32 s14, $0x7;
	s11 =	smax.u32 s11, $0x1;
	s14 =	simm.s32 $0x7F80  }
0x10: {  	s16 =	sshrl.u32 s16, $0x3;
	s26 =	simm.s32 $0x3;
	s9 =	sadd.s32 s4, s6  }
0x11: {  	s4 =	sadd.s32 $0x10C800, s6;
	s13 =	sadd.s32 s23, s6;
	s7 =	sadd.s32 $0xD0800, s10  }
0x12: {  	s23 =	simm.s32 $0x4;
	s5 =	sadd.s32 $0x27A00, s9;
	s6 =	sadd.s32 $0x2A00, s9  }
0x13: {  	s30 =	sshrl.u32 s25, $0x9;
	s9 =	sadd.s32 $0x7F80, s31;
	s10 =	sadd.s32 $0x120200, s13  }
0x14: {  	s13 =	simm.s32 $0x7;
	s25 =	simm.s32 $0x5;
	s12 =	smul.u32 $0x600, s30  }
.LBB2_1:
0x15: {  	[tilespmem:s3], [sflag:$0x7] =	stream.linear.gather [hbm4b:s5+s3], $0x7F80, $0x38;
	[tilespmem:$0x1FF00] =	vst v63  }
0x16: {  	_ =	swait.ge [sflag:s13], $0x7F80  }
0x17: {  	[sflag:s13] =	ssyncset.done $0x0  }
0x18: {  	[sflag:s13] =	ssyncadd.s32 $0xFFFF8080  }
0x19: {  	[tilespmem:s14], [sflag:$0x7] =	stream.linear.gather [hbm4b:s6+s3], $0x7F80, $0x38;
	[tilespmem:$0x1FF00] =	vst v63  }
0x1a: {  	_ =	swait.ge [sflag:s13], $0x7F80  }
0x1b: {  	[sflag:s13] =	ssyncset.done $0x0  }
0x1c: {  	[sflag:s13] =	ssyncadd.s32 $0xFFFF8080  }
0x1d: {  	[spmem:s16], [sflag:s15] =	dma.local [hbm:s7], $0x1400  }
0x1e: {  	_ =	swait.ge [sflag:s13], $0x1400  }
0x1f: {  	[sflag:s13] =	ssyncset.done $0x0  }
0x20: {  	[sflag:s13] =	ssyncadd.s32 $0xFFFFEC00  }
0x21: {  	[bflag:$0x0] =	sbarrier.arrive $0xFFFF  }
0x22: {  	[tilespmem:s18], [sflag:$0x1] =	stream.indirect.gather [hbm4b:s4+s17], $0x40, s3, s17, $0xb8;
	[tilespmem:$0x1FF00] =	vst v63  }
0x23: {  	_ = 	snop  }
0x24: {  	[tilespmem:s19], [sflag:$0x2] =	stream.indirect.gather [hbm4b:s4+s17], $0x40, s17, s17, $0xb8;
	[tilespmem:$0x1FF00] =	vst v63  }
0x25: {  	_ =	swait.ge [sflag:s20], $0x2000  }
0x26: {  	[sflag:s20] =	ssyncset.done $0x0  }
0x27: {  	[sflag:s20] =	ssyncadd.s32 $0xFFFFE000  }
0x28: {  	[spmem:s2] =	stream.indirect.scatter.add.f32 [tilespmem:s18], [sflag:$0x4], $0x40, s14, s17, $0xb8;
	[tilespmem:$0x1FF00] =	vst v63  }
0x29: {  	_ = 	snop  }
0x2a: {  	[tilespmem:s22], [sflag:$0x3] =	stream.indirect.gather [hbm4b:s4+s17], $0x40, s21, s17, $0xb8;
	[tilespmem:$0x1FF00] =	vst v63  }
0x2b: {  	_ =	swait.ge [sflag:s23], $0x2000  }
0x2c: {  	[sflag:s23] =	ssyncset.done $0x0  }
0x2d: {  	[sflag:s23] =	ssyncadd.s32 $0xFFFFE000  }
0x2e: {  	_ =	swait.ge [sflag:s24], $0x2000  }
0x2f: {  	[sflag:s24] =	ssyncset.done $0x0  }
0x30: {  	s30 =	simm.s32 $0x8000;
	[sflag:s24] =	ssyncadd.s32 $0xFFFFE000  }
0x31: {  	[spmem:s2] =	stream.indirect.scatter.add.f32 [tilespmem:s19], [sflag:$0x5], $0x40, s30, s17, $0xb8;
	[tilespmem:$0x1FF00] =	vst v63  }
0x32: {  	s30 =	simm.s32 $0x180  }
0x33: {  	[tilespmem:s18], [sflag:$0x1] =	stream.indirect.gather [hbm4b:s4+s17], $0x40, s30, s17, $0xb8;
	[tilespmem:$0x1FF00] =	vst v63  }
0x34: {  	_ =	swait.ge [sflag:s25], $0x2000  }
0x35: {  	[sflag:s25] =	ssyncset.done $0x0  }
0x36: {  	[sflag:s25] =	ssyncadd.s32 $0xFFFFE000  }
0x37: {  	_ =	swait.ge [sflag:s26], $0x2000  }
0x38: {  	[sflag:s26] =	ssyncset.done $0x0  }
0x39: {  	s30 =	simm.s32 $0x8080;
	[sflag:s26] =	ssyncadd.s32 $0xFFFFE000  }
0x3a: {  	[spmem:s2] =	stream.indirect.scatter.add.f32 [tilespmem:s22], [sflag:$0x6], $0x40, s30, s17, $0xb8;
	[tilespmem:$0x1FF00] =	vst v63  }
0x3b: {  	s30 =	simm.s32 $0x200  }
0x3c: {  	[tilespmem:s19], [sflag:$0x2] =	stream.indirect.gather [hbm4b:s4+s17], $0x40, s30, s17, $0xb8;
	[tilespmem:$0x1FF00] =	vst v63  }
0x3d: {  	_ =	swait.ge [sflag:s28], $0x2000  }
0x3e: {  	[sflag:s28] =	ssyncset.done $0x0  }
0x3f: {  	p0 =	sne.s32 s12, $0x600;
	[sflag:s28] =	ssyncadd.s32 $0xFFFFE000  }
.Ltmp0:
0x40: {  	_ =	swait.ge [sflag:s20], $0x2000;
	(pc) =	sbr.rel @!p0 .LBB2_3-.Ltmp0, $4  }
0x41: {  	[sflag:s20] =	ssyncset.done $0x0  }
0x42: {  	s30 =	simm.s32 $0x8100;
	[sflag:s20] =	ssyncadd.s32 $0xFFFFE000  }
0x43: {  	[spmem:s2] =	stream.indirect.scatter.add.f32 [tilespmem:s18], [sflag:$0x4], $0x40, s30, s17, $0xb8;
	[tilespmem:$0x1FF00] =	vst v63  }
0x44: {  	s31 =	simm.s32 $0x280;
	s30 =	simm.s32 $0x600  }
.LBB2_2:
0x45: {  	[tilespmem:s22], [sflag:$0x3] =	stream.indirect.gather [hbm4b:s4+s17], $0x40, s31, s17, $0xb8;
	[tilespmem:$0x1FF00] =	vst v63  }
0x46: {  	s31 =	smov.u32 s30;
	s30 =	sadd.s32 $0x600, s30;
	_ =	swait.ge [sflag:s23], $0x2000  }
0x47: {  	p0 =	sne.s32 s12, s30;
	[sflag:s23] =	ssyncset.done $0x0  }
0x48: {  	[sflag:s23] =	ssyncadd.s32 $0xFFFFE000  }
0x49: {  	_ =	swait.ge [sflag:s24], $0x2000  }
0x4a: {  	s31 =	sshra.s32 s31, $0x2;
	[sflag:s24] =	ssyncset.done $0x0  }
0x4b: {  	s1 =	sadd.s32 $0x8000, s31;
	[sflag:s24] =	ssyncadd.s32 $0xFFFFE000  }
0x4c: {  	[spmem:s2] =	stream.indirect.scatter.add.f32 [tilespmem:s19], [sflag:$0x5], $0x40, s1, s17, $0xb8;
	[tilespmem:$0x1FF00] =	vst v63  }
0x4d: {  	s1 =	sadd.s32 $0x180, s31  }
0x4e: {  	[tilespmem:s18], [sflag:$0x1] =	stream.indirect.gather [hbm4b:s4+s17], $0x40, s1, s17, $0xb8;
	[tilespmem:$0x1FF00] =	vst v63  }
0x4f: {  	_ =	swait.ge [sflag:s25], $0x2000  }
0x50: {  	[sflag:s25] =	ssyncset.done $0x0  }
0x51: {  	[sflag:s25] =	ssyncadd.s32 $0xFFFFE000  }
0x52: {  	_ =	swait.ge [sflag:s26], $0x2000  }
0x53: {  	[sflag:s26] =	ssyncset.done $0x0  }
0x54: {  	s1 =	sadd.s32 $0x8080, s31;
	[sflag:s26] =	ssyncadd.s32 $0xFFFFE000  }
0x55: {  	[spmem:s2] =	stream.indirect.scatter.add.f32 [tilespmem:s22], [sflag:$0x6], $0x40, s1, s17, $0xb8;
	[tilespmem:$0x1FF00] =	vst v63  }
0x56: {  	s1 =	sadd.s32 $0x200, s31  }
0x57: {  	[tilespmem:s19], [sflag:$0x2] =	stream.indirect.gather [hbm4b:s4+s17], $0x40, s1, s17, $0xb8;
	[tilespmem:$0x1FF00] =	vst v63  }
0x58: {  	_ =	swait.ge [sflag:s28], $0x2000  }
0x59: {  	[sflag:s28] =	ssyncset.done $0x0  }
0x5a: {  	[sflag:s28] =	ssyncadd.s32 $0xFFFFE000  }
.Ltmp1:
0x5b: {  	_ =	swait.ge [sflag:s20], $0x2000;
	(pc) =	sbr.rel @p0 .LBB2_2-.Ltmp1, $4  }
0x5c: {  	[sflag:s20] =	ssyncset.done $0x0  }
0x5d: {  	s1 =	sadd.s32 $0x8100, s31;
	[sflag:s20] =	ssyncadd.s32 $0xFFFFE000  }
0x5e: {  	[spmem:s2] =	stream.indirect.scatter.add.f32 [tilespmem:s18], [sflag:$0x4], $0x40, s1, s17, $0xb8;
	[tilespmem:$0x1FF00] =	vst v63  }
0x5f: {  	s31 =	sadd.s32 $0x280, s31  }
.LBB2_3:
0x60: {  	[tilespmem:s22], [sflag:$0x3] =	stream.indirect.gather [hbm4b:s4+s17], $0x40, s31, s17, $0xb8;
	[tilespmem:$0x1FF00] =	vst v63  }
0x61: {  	_ =	swait.ge [sflag:s23], $0x2000  }
0x62: {  	[sflag:s23] =	ssyncset.done $0x0  }
0x63: {  	[sflag:s23] =	ssyncadd.s32 $0xFFFFE000  }
0x64: {  	_ =	swait.ge [sflag:s24], $0x2000  }
0x65: {  	[sflag:s24] =	ssyncset.done $0x0  }
0x66: {  	[sflag:s24] =	ssyncadd.s32 $0xFFFFE000  }
0x67: {  	[spmem:s2] =	stream.indirect.scatter.add.f32 [tilespmem:s19], [sflag:$0x5], $0x40, s8, s17, $0xb8;
	[tilespmem:$0x1FF00] =	vst v63  }
0x68: {  	_ =	swait.ge [sflag:s25], $0x2000  }
0x69: {  	[sflag:s25] =	ssyncset.done $0x0  }
0x6a: {  	[sflag:s25] =	ssyncadd.s32 $0xFFFFE000  }
0x6b: {  	_ =	swait.ge [sflag:s26], $0x2000  }
0x6c: {  	[sflag:s26] =	ssyncset.done $0x0  }
0x6d: {  	[sflag:s26] =	ssyncadd.s32 $0xFFFFE000  }
0x6e: {  	[spmem:s2] =	stream.indirect.scatter.add.f32 [tilespmem:s22], [sflag:$0x6], $0x40, s9, s17, $0xb8;
	[tilespmem:$0x1FF00] =	vst v63  }
0x6f: {  	_ =	swait.ge [sflag:s28], $0x2000  }
0x70: {  	s29 =	sadd.s32 $0x1, s29;
	[sflag:s28] =	ssyncset.done $0x0  }
0x71: {  	p0 =	sne.s32 s29, s11;
	[sflag:s28] =	ssyncadd.s32 $0xFFFFE000  }
.Ltmp2:
0x72: {  	[bflag:$0x0] =	sbarrier.arrive $0xFFFF;
	(pc) =	sbr.rel @p0 .LBB2_1-.Ltmp2, $4  }
0x73: {  	[hbm:s10], [sflag:s15] =	dma.local [spmem:s16], $0x1400  }
0x74: {  	_ =	swait.ge [sflag:s13], $0x1400  }
0x75: {  	[sflag:s13] =	ssyncset.done $0x0  }
0x76: {  	[sflag:s13] =	ssyncadd.s32 $0xFFFFEC00  }
0x77: {  	_ =	sfence.sel $0x180000  }
0x78: {  	[bflag:$0x0] =	sbarrier.arrive $0xFFFF  }
0x79: {  	_ =	strace $0x9000004D  }
0x7a: {  	[bflag:$0x2] =	sbarrier.arrive $0xFFFF  }
0x7b: {  	p0 =	sne.s32 s0, $0x0;
	s0 =	rddreg [dreg:$0x2]  }
0x7c: {  	s0 =	sadd.s32 @!p0 $0x100000, s0  }
0x7d: {  	[sflag:s0] =	ssyncadd.tile.s32 @!p0 $0x1;
	_ =	shalt  }
.Lfunc_end2:
_tile_overlayer_lowered:
.L_overlay_start_2:
0x7e: {  	(tag) =	ssettag $0x2  }
0x7f: {  	s0 =	rddreg [dreg:$0x0];
	s2 =	stileid.u32  }
0x80: {  	s1 =	rddreg [dreg:$0x1];
	p0 =	sne.s32 s2, $0x0  }
0x81: {  	s3 =	rddreg [dreg:$0x2];
	[bflag:$0x3] =	sbarrier.arrive $0xFFFF;
	s2 =	simm.s32 @!p0 $0x1C07  }
0x82: {  	[timem:s3], [sflag:s2] =	dma.local @!p0 [hbm:s0], s1  }
0x83: {  	s0 =	simm.s32 @!p0 $0x7  }
0x84: {  	_ =	swait.ge @!p0 [sflag:s0], s1  }
0x85: {  	s1 =	ssub.s32 @!p0 $0x0, s1;
	[sflag:s0] =	ssyncset.done @!p0 $0x0  }
0x86: {  	[sflag:s0] =	ssyncadd.s32 @!p0 s1  }
0x87: {  	[bflag:$0x3] =	sbarrier.arrive $0xFFFF  }
0x88: {  	_ =	shalt  }

// kernel: kernel.18.cloned.1.call-start
scs
__scs_entry_jumppad:
0x0: {  	(pc) =	sbr.rel $0x88, $3  }
0x1: {  	(tag) =	ssettag $0x0;
	lr =	simm.s32 $0x1  }
0x2: {  	[smem:$0x3F9B] =	sst lr;
	_ =	strace $0xD0000000  }
0x3: {  	_ = 	snop  }
0x4: {  	_ = 	snop  }
0x5: {  	_ = 	snop  }
0x6: {  	_ = 	snop  }
0x7: {  	_ = 	snop  }
__scs_overlays_trampoline_lowered:
0x8: {  	[smem:$0x3FAA] =	sst s0  }
0x9: {  	[smem:$0x3FAB] =	sst s1  }
0xa: {  	[smem:$0x3FAC] =	sst s2  }
0xb: {  	[smem:$0x3FAD] =	sst s3  }
0xc: {  	[smem:$0x3FAE] =	sst s4  }
0xd: {  	[smem:$0x3FAF] =	sst s5  }
0xe: {  	[smem:$0x3FB0] =	sst s6  }
0xf: {  	[smem:$0x3FB1] =	sst s7  }
0x10: {  	[smem:$0x3FB2] =	sst s8  }
0x11: {  	[smem:$0x3FB3] =	sst s9;
	s0 =	simm.s32 @!p0 $0x0  }
0x12: {  	s1 =	sld [smem:$0x3F99];
	s0 =	simm.s32 @p0 $0x1  }
0x13: {  	[smem:$0x3FB4] =	sst s0;
	s0 =	simm.s32 @!p1 $0x0  }
0x14: {  	s2 =	sld [smem:$0x3F98];
	s0 =	simm.s32 @p1 $0x1  }
0x15: {  	[smem:$0x3FB5] =	sst s0;
	s0 =	simm.s32 @!p2 $0x0  }
0x16: {  	s3 =	sld [smem:$0x3FDB];
	s0 =	simm.s32 @p2 $0x1  }
0x17: {  	s4 =	simm.s32 $0x1BF5;
	[smem:$0x3FB7] =	sst s0  }
0x18: {  	s0 =	sld [smem:$0x3F9A];
	_ =	swait.ge [sflag:s4], $0x0  }
0x19: {  	s7 =	sld [smem:$0x3F9B]  }
0x1a: {  	s8 =	sadd.s32 $0xFFFFE003, lr  }
0x1b: {  	s9 =	sadd.s32 $0xFFFFFEF7, lr;
	s5 =	simm.s32 $0xFFFFFFFF;
	p2 =	slt.u32 s8, $0xFFFFF086  }
0x1c: {  	p1 =	slt.u32 s9, $0xF7A;
	s5 =	simm.s32 @!p2 $0x0  }
0x1d: {  	s5 =	simm.s32 @p1 $0x1;
	p0 =	seq.s32 s7, s2  }
0x1e: {  	s7 =	smul.u32 @!p0 $0xF7A, s2;
	p2 =	seq.s32 @!p0 s5, $0x0  }
0x1f: {  	s9 =	smul.u32 $0xF7A, s1;
	s8 =	simm.s32 @!p0 $0x1BF5;
	p2 =	por !p2, p0  }
0x20: {  	[sflag:s8] =	ssyncset.s32 @!p0 $0xFFFFF086;
	s6 =	sadd.s32 @!p0 s3, s7;
	s7 =	simm.s32 @!p0 $0x108  }
0x21: {  	s3 =	sadd.s32 s3, s9;
	s6 =	sadd.s32 @!p0 $0x88, s6;
	s7 =	simm.s32 @p2 $0x1082  }
0x22: {  	[simem:s7], [sflag:s8] =	dma.local @!p0 [hbm:s6], $0xF7A  }
0x23: {  	s9 =	sor.u32 $0xD0000000, s2;
	s6 =	simm.s32 $0x108;
	_ =	swait.ge @!p0 [sflag:s8], $0x0  }
0x24: {  	s3 =	sadd.s32 $0x88, s3;
	s6 =	simm.s32 @!p1 $0x1082;
	[sflag:s4] =	ssyncset.s32 $0xFFFFF086  }
0x25: {  	[simem:s6], [sflag:s4] =	dma.local [hbm:s3], $0xF7A  }
0x26: {  	[smem:$0x3F9B] =	sst s1;
	(tag) =	ssettag s2;
	_ =	strace s9  }
0x27: {  	s1 =	sld [smem:$0x3FAB]  }
0x28: {  	s2 =	sld [smem:$0x3FAC]  }
0x29: {  	s4 =	sld [smem:$0x3FAE]  }
0x2a: {  	p0 =	seq.s32 s5, $0x0;
	s5 =	sld [smem:$0x3FAF]  }
0x2b: {  	s6 =	sld [smem:$0x3FB0]  }
0x2c: {  	s7 =	sld [smem:$0x3FB1]  }
0x2d: {  	s3 =	simm.s32 $0x108;
	s8 =	sld [smem:$0x3FB2]  }
0x2e: {  	s3 =	simm.s32 @!p0 $0x1082;
	s9 =	sld [smem:$0x3FB3]  }
0x2f: {  	lr =	sadd.s32 s0, s3;
	s0 =	sld [smem:$0x3FAA]  }
0x30: {  	s3 =	sld [smem:$0x3FAD]  }
0x31: {  	[smem:$0x3FB6] =	sst s10  }
0x32: {  	s10 =	sld [smem:$0x3FB4];
	_ =	sdelay $0x3  }
0x33: {  	p0 =	seq.s32 s10, $0x1;
	s10 =	sld [smem:$0x3FB6];
	_ =	sdelay $0x3  }
0x34: {  	[smem:$0x3FB6] =	sst s10  }
0x35: {  	s10 =	sld [smem:$0x3FB5];
	_ =	sdelay $0x3  }
0x36: {  	p1 =	seq.s32 s10, $0x1;
	s10 =	sld [smem:$0x3FB6];
	_ =	sdelay $0x3  }
0x37: {  	[smem:$0x3FB6] =	sst s10  }
0x38: {  	s10 =	sld [smem:$0x3FB7]  }
0x39: {  	_ = 	snop;
	(pc) =	sbr.ind lr, $3  }
0x3a: {  	_ = 	snop  }
0x3b: {  	_ = 	snop  }
0x3c: {  	p2 =	seq.s32 s10, $0x1;
	s10 =	sld [smem:$0x3FB6]  }
0x3d: {  	_ =	shalt  }
0x3e: {  	_ =	shalt  }
0x3f: {  	_ =	shalt  }
0x40: {  	_ =	shalt  }
0x41: {  	_ =	shalt  }
0x42: {  	_ =	shalt  }
0x43: {  	_ =	shalt  }
0x44: {  	_ =	shalt  }
0x45: {  	_ =	shalt  }
0x46: {  	_ =	shalt  }
0x47: {  	_ =	shalt  }
0x48: {  	_ =	shalt  }
0x49: {  	_ =	shalt  }
0x4a: {  	_ =	shalt  }
0x4b: {  	_ =	shalt  }
0x4c: {  	_ =	shalt  }
0x4d: {  	_ =	shalt  }
0x4e: {  	_ =	shalt  }
0x4f: {  	_ =	shalt  }
0x50: {  	_ =	shalt  }
0x51: {  	_ =	shalt  }
0x52: {  	_ =	shalt  }
0x53: {  	_ =	shalt  }
0x54: {  	_ =	shalt  }
0x55: {  	_ =	shalt  }
0x56: {  	_ =	shalt  }
0x57: {  	_ =	shalt  }
0x58: {  	_ =	shalt  }
0x59: {  	_ =	shalt  }
0x5a: {  	_ =	shalt  }
0x5b: {  	_ =	shalt  }
0x5c: {  	_ =	shalt  }
0x5d: {  	_ =	shalt  }
0x5e: {  	_ =	shalt  }
0x5f: {  	_ =	shalt  }
0x60: {  	_ =	shalt  }
0x61: {  	_ =	shalt  }
0x62: {  	_ =	shalt  }
0x63: {  	_ =	shalt  }
0x64: {  	_ =	shalt  }
0x65: {  	_ =	shalt  }
0x66: {  	_ =	shalt  }
0x67: {  	_ =	shalt  }
0x68: {  	_ =	shalt  }
0x69: {  	_ =	shalt  }
0x6a: {  	_ =	shalt  }
0x6b: {  	_ =	shalt  }
0x6c: {  	_ =	shalt  }
0x6d: {  	_ =	shalt  }
0x6e: {  	_ =	shalt  }
0x6f: {  	_ =	shalt  }
0x70: {  	_ =	shalt  }
0x71: {  	_ =	shalt  }
0x72: {  	_ =	shalt  }
0x73: {  	_ =	shalt  }
0x74: {  	_ =	shalt  }
0x75: {  	_ =	shalt  }
0x76: {  	_ =	shalt  }
0x77: {  	_ =	shalt  }
0x78: {  	_ =	shalt  }
0x79: {  	_ =	shalt  }
0x7a: {  	_ =	shalt  }
0x7b: {  	_ =	shalt  }
0x7c: {  	_ =	shalt  }
0x7d: {  	_ =	shalt  }
0x7e: {  	_ =	shalt  }
0x7f: {  	_ =	shalt  }
0x80: {  	_ =	shalt  }
0x81: {  	_ =	shalt  }
0x82: {  	_ =	shalt  }
0x83: {  	_ =	shalt  }
0x84: {  	_ =	shalt  }
0x85: {  	_ =	shalt  }
0x86: {  	_ =	shalt  }
0x87: {  	_ =	shalt  }
.Lfunc_end0:
.L_simem_size_0:
called_computation.3_lowered:
.L_overlay_start_0:
0x88: {  	s2 =	sld [smem:$0x3FD9]  }
0x89: {  	s3 =	sld [smem:$0x3FFE];
	_ =	sdelay $0x1  }
0x8a: {  	s1 =	srdreg.scid  }
0x8b: {  	s0 =	sand.u32 $0x1, s1  }
0x8c: {  	s16 =	sshll.u32 s0, $0xA;
	s2 =	sadd.s32 s3, s2  }
0x8d: {  	s2 =	sadd.s32 s2, s16  }
0x8e: {  	[smem:$0x3FC2] =	sst s2  }
0x8f: {  	_ = 	snop  }
0x90: {  	(tm) =	ssettm $0x1  }
0x91: {  	s17 =	sld [smem:$0x3FFB];
	_ =	sdelay $0x3  }
0x92: {  	_ =	strace s17  }
0x93: {  	s2 =	sld [smem:$0x3FFC];
	_ =	sdelay $0x3  }
0x94: {  	_ =	strace s2  }
0x95: {  	s2 =	sld [smem:$0x3FFD];
	_ =	sdelay $0x3  }
0x96: {  	_ =	strace s2  }
0x97: {  	_ =	strace $0x8FFFFFFF  }
0x98: {  	s18 =	sld [smem:$0x3FDB];
	_ =	sdelay $0x1  }
0x99: {  	s19 =	simm.s32 $_scs_section_size  }
0x9a: {  	s4 =	simm.s32 $_size__tile_overlayer_lowered;
	s5 =	simm.s32 $_tile_overlayer_lowered  }
0x9b: {  	s22 =	simm.s32 $0x1BFF;
	s21 =	sshll.u32 s5, $0x1;
	s2 =	sadd.s32 s19, s18  }
0x9c: {  	s6 =	simm.s32 $0x0;
	s20 =	sshll.u32 s4, $0x1;
	s4 =	sadd.s32 s21, s2  }
0x9d: {  	[timem:s6], [sflag:s22] =	dma.local [hbm:s4], s20  }
0x9e: {  	_ =	swait.ge [sflag:s22], s20  }
0x9f: {  	s3 =	ssub.s32 $0x0, s20;
	[sflag:s22] =	ssyncset.done $0x0  }
0xa0: {  	[sflag:s22] =	ssyncadd.s32 s3;
	_ =	sdelay $0x1  }
0xa1: {  	s23 =	simm.s32 $0x1B8B  }
0xa2: {  	_ =	swait.ge [sflag:s23], $0x1  }
0xa3: {  	[sflag:s23] =	ssyncset.done $0x0  }
0xa4: {  	s25 =	simm.s32 $0x1B8E;
	s24 =	sld [smem:$0x3FFE];
	[sflag:s23] =	ssyncadd.s32 $0xFFFFFFFF  }
0xa5: {  	s26 =	simm.s32 $execute0_lowered;
	[smem:$0x3FD2] =	sst s25  }
0xa6: {  	s4 =	sshll.u32 s26, $0x1;
	_ =	strace $0x8000004F;
	[dreg:$0x1] =	wrdreg $0xFFFFFFFF  }
0xa7: {  	s28 =	simm.s32 $_size_execute0_lowered;
	s2 =	sadd.s32 s2, s4;
	[dreg:$0x0] =	wrdreg $0x0  }
0xa8: {  	s4 =	sshll.u32 s28, $0x1;
	[dreg:$0x2] =	wrdreg s2  }
0xa9: {  	[dreg:$0x3] =	wrdreg s4  }
0xaa: {  	[dreg:$0x4] =	wrdreg $0xC0  }
0xab: {  	_ =	task [dreg:s6], $0x5FFFF  }
0xac: {  	[dreg:$0x1] =	wrdreg $0xFFFFFFFF  }
0xad: {  	[dreg:$0x0] =	wrdreg $0x60  }
0xae: {  	[dreg:$0x2] =	wrdreg s24  }
0xaf: {  	[dreg:$0x3] =	wrdreg $0x15F000  }
0xb0: {  	[dreg:$0x4] =	wrdreg $0x9  }
0xb1: {  	_ =	task.clear_ibuf [dreg:s6], $0x5FFFF;
	_ =	strace $0x9000004F  }
0xb2: {  	s29 =	simm.s32 $0x9;
	_ =	strace $0x80000051  }
0xb3: {  	_ =	swait.ge [sflag:s29], $0x1  }
0xb4: {  	[sflag:s29] =	ssyncadd.s32 $0xFFFFFFFF  }
0xb5: {  	_ =	strace $0x90000051  }
0xb6: {  	_ =	sfence  }
0xb7: {  	s30 =	sld [smem:$0x0];
	_ =	sdelay $0x2  }
0xb8: {  	s31 =	sshll.u32 s1, $0xD;
	s1 =	sshrl.u32 s1, $0x2  }
0xb9: {  	s3 =	sand.u32 $0x4000, s31;
	s1 =	sadd.s32 s1, s30  }
0xba: {  	s0 =	sor.u32 s3, s0;
	s1 =	sshll.u32 s1, $0x11  }
0xbb: {  	s0 =	sor.u32 s1, s0  }
0xbc: {  	s0 =	sadd.s32 $0x8F2B, s0  }
0xbd: {  	[sflag:s0] =	ssyncadd.remote.s32 $0x1  }
0xbe: {  	_ =	sfence.sel $0xFFFF  }
0xbf: {  	[dreg:$0x0] =	wrdreg $0xFFFFFFFF;
	(pc) =	sbr.abs _section_cstart, $3  }
0xc0: {  	[dreg:$0x1] =	wrdreg $0xFFFFFFFF  }
0xc1: {  	_ =	task.clear_ibuf [dreg:s6], $0x2FFFF;
	_ =	strace $0x9FFFFFFF  }
0xc2: {  	(tm) =	ssettm $0x7FFFFFFF  }
0xc3: {  	_ =	shalt  }
tec
execute0_lowered:
.L_overlay_start_1:
0x0: {  	(tag) =	ssettag $0x1  }
0x1: {  	s6 =	rddreg [dreg:$0x0]  }
0x2: {  	s0 =	srdreg.scid;
	s2 =	rddreg [dreg:$0x1]  }
0x3: {  	s3 =	simm.s32 $0x0;
	s12 =	simm.s32 $0xFF;
	s17 =	simm.s32 $0x80  }
0x4: {  	s18 =	simm.s32 $0xFF00;
	s19 =	simm.s32 $0x11F00;
	s20 =	simm.s32 $0x1  }
0x5: {  	s21 =	simm.s32 $0x100;
	s22 =	simm.s32 $0x13F00;
	s28 =	simm.s32 $0x6  }
0x6: {  	s29 =	simm.s32 $0x0;
	s5 =	sand.u32 $0x1, s0;
	s0 =	stileid.u32  }
0x7: {  	[smem:$0x7FF] =	sst s3;
	s1 =	sshll.u32 s5, $0x4;
	s7 =	smul.u32 $0xA000, s0  }
0x8: {  	s8 =	smul.u32 $0xA0000, s5;
	_ =	strace $0x80000050;
	s11 =	ssub.s32 $0x2, s5  }
0x9: {  	p0 =	seq.s32 s5, $0x0;
	s15 =	sshll.u32 s0, $0x6;
	s1 =	sor.u32 s0, s1  }
0xa: {  	s24 =	sshrl.u32 s11, $0x1;
	s12 =	simm.s32 @!p0 $0x3C;
	s15 =	sor.u32 $0x1C07, s15  }
0xb: {  	s4 =	smul.u32 $0xFF0, s1;
	s10 =	sshrl.u32 s7, $0x3;
	s8 =	sadd.s32 s7, s8  }
0xc: {  	s11 =	ssub.s32 s11, s24;
	s14 =	sadd.s32 $0xFFFFFFFF, s12;
	s16 =	sadd.s32 s7, s2  }
0xd: {  	s26 =	sshll.u32 s12, $0x7;
	s24 =	simm.s32 $0x2;
	s10 =	sadd.s32 s10, s6  }
0xe: {  	s23 =	sshrl.u32 s8, $0x3;
	s25 =	smul.u32 $0xAB, s14;
	s8 =	sadd.s32 $0x7E80, s26  }
0xf: {  	s31 =	sshll.u32 s14, $0x7;
	s11 =	smax.u32 s11, $0x1;
	s14 =	simm.s32 $0x7F80  }
0x10: {  	s16 =	sshrl.u32 s16, $0x3;
	s26 =	simm.s32 $0x3;
	s9 =	sadd.s32 s4, s6  }
0x11: {  	s4 =	sadd.s32 $0x6EA00, s6;
	s13 =	sadd.s32 s23, s6;
	s7 =	sadd.s32 $0xD0800, s10  }
0x12: {  	s23 =	simm.s32 $0x4;
	s5 =	sadd.s32 $0x27A00, s9;
	s6 =	sadd.s32 $0x2A00, s9  }
0x13: {  	s30 =	sshrl.u32 s25, $0x9;
	s9 =	sadd.s32 $0x7F80, s31;
	s10 =	sadd.s32 $0x82400, s13  }
0x14: {  	s13 =	simm.s32 $0x7;
	s25 =	simm.s32 $0x5;
	s12 =	smul.u32 $0x600, s30  }
.LBB2_1:
0x15: {  	[tilespmem:s3], [sflag:$0x7] =	stream.linear.gather [hbm4b:s5+s3], $0x7F80, $0x38;
	[tilespmem:$0x1FF00] =	vst v63  }
0x16: {  	_ =	swait.ge [sflag:s13], $0x7F80  }
0x17: {  	[sflag:s13] =	ssyncset.done $0x0  }
0x18: {  	[sflag:s13] =	ssyncadd.s32 $0xFFFF8080  }
0x19: {  	[tilespmem:s14], [sflag:$0x7] =	stream.linear.gather [hbm4b:s6+s3], $0x7F80, $0x38;
	[tilespmem:$0x1FF00] =	vst v63  }
0x1a: {  	_ =	swait.ge [sflag:s13], $0x7F80  }
0x1b: {  	[sflag:s13] =	ssyncset.done $0x0  }
0x1c: {  	[sflag:s13] =	ssyncadd.s32 $0xFFFF8080  }
0x1d: {  	[spmem:s16], [sflag:s15] =	dma.local [hbm:s7], $0x1400  }
0x1e: {  	_ =	swait.ge [sflag:s13], $0x1400  }
0x1f: {  	[sflag:s13] =	ssyncset.done $0x0  }
0x20: {  	[sflag:s13] =	ssyncadd.s32 $0xFFFFEC00  }
0x21: {  	[bflag:$0x0] =	sbarrier.arrive $0xFFFF  }
0x22: {  	[tilespmem:s18], [sflag:$0x1] =	stream.indirect.gather [hbm4b:s4+s17], $0x40, s3, s17, $0xb8;
	[tilespmem:$0x1FF00] =	vst v63  }
0x23: {  	_ = 	snop  }
0x24: {  	[tilespmem:s19], [sflag:$0x2] =	stream.indirect.gather [hbm4b:s4+s17], $0x40, s17, s17, $0xb8;
	[tilespmem:$0x1FF00] =	vst v63  }
0x25: {  	_ =	swait.ge [sflag:s20], $0x2000  }
0x26: {  	[sflag:s20] =	ssyncset.done $0x0  }
0x27: {  	[sflag:s20] =	ssyncadd.s32 $0xFFFFE000  }
0x28: {  	[spmem:s2] =	stream.indirect.scatter.add.f32 [tilespmem:s18], [sflag:$0x4], $0x40, s14, s17, $0xb8;
	[tilespmem:$0x1FF00] =	vst v63  }
0x29: {  	_ = 	snop  }
0x2a: {  	[tilespmem:s22], [sflag:$0x3] =	stream.indirect.gather [hbm4b:s4+s17], $0x40, s21, s17, $0xb8;
	[tilespmem:$0x1FF00] =	vst v63  }
0x2b: {  	_ =	swait.ge [sflag:s23], $0x2000  }
0x2c: {  	[sflag:s23] =	ssyncset.done $0x0  }
0x2d: {  	[sflag:s23] =	ssyncadd.s32 $0xFFFFE000  }
0x2e: {  	_ =	swait.ge [sflag:s24], $0x2000  }
0x2f: {  	[sflag:s24] =	ssyncset.done $0x0  }
0x30: {  	s30 =	simm.s32 $0x8000;
	[sflag:s24] =	ssyncadd.s32 $0xFFFFE000  }
0x31: {  	[spmem:s2] =	stream.indirect.scatter.add.f32 [tilespmem:s19], [sflag:$0x5], $0x40, s30, s17, $0xb8;
	[tilespmem:$0x1FF00] =	vst v63  }
0x32: {  	s30 =	simm.s32 $0x180  }
0x33: {  	[tilespmem:s18], [sflag:$0x1] =	stream.indirect.gather [hbm4b:s4+s17], $0x40, s30, s17, $0xb8;
	[tilespmem:$0x1FF00] =	vst v63  }
0x34: {  	_ =	swait.ge [sflag:s25], $0x2000  }
0x35: {  	[sflag:s25] =	ssyncset.done $0x0  }
0x36: {  	[sflag:s25] =	ssyncadd.s32 $0xFFFFE000  }
0x37: {  	_ =	swait.ge [sflag:s26], $0x2000  }
0x38: {  	[sflag:s26] =	ssyncset.done $0x0  }
0x39: {  	s30 =	simm.s32 $0x8080;
	[sflag:s26] =	ssyncadd.s32 $0xFFFFE000  }
0x3a: {  	[spmem:s2] =	stream.indirect.scatter.add.f32 [tilespmem:s22], [sflag:$0x6], $0x40, s30, s17, $0xb8;
	[tilespmem:$0x1FF00] =	vst v63  }
0x3b: {  	s30 =	simm.s32 $0x200  }
0x3c: {  	[tilespmem:s19], [sflag:$0x2] =	stream.indirect.gather [hbm4b:s4+s17], $0x40, s30, s17, $0xb8;
	[tilespmem:$0x1FF00] =	vst v63  }
0x3d: {  	_ =	swait.ge [sflag:s28], $0x2000  }
0x3e: {  	[sflag:s28] =	ssyncset.done $0x0  }
0x3f: {  	p0 =	sne.s32 s12, $0x600;
	[sflag:s28] =	ssyncadd.s32 $0xFFFFE000  }
.Ltmp0:
0x40: {  	_ =	swait.ge [sflag:s20], $0x2000;
	(pc) =	sbr.rel @!p0 .LBB2_3-.Ltmp0, $4  }
0x41: {  	[sflag:s20] =	ssyncset.done $0x0  }
0x42: {  	s30 =	simm.s32 $0x8100;
	[sflag:s20] =	ssyncadd.s32 $0xFFFFE000  }
0x43: {  	[spmem:s2] =	stream.indirect.scatter.add.f32 [tilespmem:s18], [sflag:$0x4], $0x40, s30, s17, $0xb8;
	[tilespmem:$0x1FF00] =	vst v63  }
0x44: {  	s31 =	simm.s32 $0x280;
	s30 =	simm.s32 $0x600  }
.LBB2_2:
0x45: {  	[tilespmem:s22], [sflag:$0x3] =	stream.indirect.gather [hbm4b:s4+s17], $0x40, s31, s17, $0xb8;
	[tilespmem:$0x1FF00] =	vst v63  }
0x46: {  	s31 =	smov.u32 s30;
	s30 =	sadd.s32 $0x600, s30;
	_ =	swait.ge [sflag:s23], $0x2000  }
0x47: {  	p0 =	sne.s32 s12, s30;
	[sflag:s23] =	ssyncset.done $0x0  }
0x48: {  	[sflag:s23] =	ssyncadd.s32 $0xFFFFE000  }
0x49: {  	_ =	swait.ge [sflag:s24], $0x2000  }
0x4a: {  	s31 =	sshra.s32 s31, $0x2;
	[sflag:s24] =	ssyncset.done $0x0  }
0x4b: {  	s1 =	sadd.s32 $0x8000, s31;
	[sflag:s24] =	ssyncadd.s32 $0xFFFFE000  }
0x4c: {  	[spmem:s2] =	stream.indirect.scatter.add.f32 [tilespmem:s19], [sflag:$0x5], $0x40, s1, s17, $0xb8;
	[tilespmem:$0x1FF00] =	vst v63  }
0x4d: {  	s1 =	sadd.s32 $0x180, s31  }
0x4e: {  	[tilespmem:s18], [sflag:$0x1] =	stream.indirect.gather [hbm4b:s4+s17], $0x40, s1, s17, $0xb8;
	[tilespmem:$0x1FF00] =	vst v63  }
0x4f: {  	_ =	swait.ge [sflag:s25], $0x2000  }
0x50: {  	[sflag:s25] =	ssyncset.done $0x0  }
0x51: {  	[sflag:s25] =	ssyncadd.s32 $0xFFFFE000  }
0x52: {  	_ =	swait.ge [sflag:s26], $0x2000  }
0x53: {  	[sflag:s26] =	ssyncset.done $0x0  }
0x54: {  	s1 =	sadd.s32 $0x8080, s31;
	[sflag:s26] =	ssyncadd.s32 $0xFFFFE000  }
0x55: {  	[spmem:s2] =	stream.indirect.scatter.add.f32 [tilespmem:s22], [sflag:$0x6], $0x40, s1, s17, $0xb8;
	[tilespmem:$0x1FF00] =	vst v63  }
0x56: {  	s1 =	sadd.s32 $0x200, s31  }
0x57: {  	[tilespmem:s19], [sflag:$0x2] =	stream.indirect.gather [hbm4b:s4+s17], $0x40, s1, s17, $0xb8;
	[tilespmem:$0x1FF00] =	vst v63  }
0x58: {  	_ =	swait.ge [sflag:s28], $0x2000  }
0x59: {  	[sflag:s28] =	ssyncset.done $0x0  }
0x5a: {  	[sflag:s28] =	ssyncadd.s32 $0xFFFFE000  }
.Ltmp1:
0x5b: {  	_ =	swait.ge [sflag:s20], $0x2000;
	(pc) =	sbr.rel @p0 .LBB2_2-.Ltmp1, $4  }
0x5c: {  	[sflag:s20] =	ssyncset.done $0x0  }
0x5d: {  	s1 =	sadd.s32 $0x8100, s31;
	[sflag:s20] =	ssyncadd.s32 $0xFFFFE000  }
0x5e: {  	[spmem:s2] =	stream.indirect.scatter.add.f32 [tilespmem:s18], [sflag:$0x4], $0x40, s1, s17, $0xb8;
	[tilespmem:$0x1FF00] =	vst v63  }
0x5f: {  	s31 =	sadd.s32 $0x280, s31  }
.LBB2_3:
0x60: {  	[tilespmem:s22], [sflag:$0x3] =	stream.indirect.gather [hbm4b:s4+s17], $0x40, s31, s17, $0xb8;
	[tilespmem:$0x1FF00] =	vst v63  }
0x61: {  	_ =	swait.ge [sflag:s23], $0x2000  }
0x62: {  	[sflag:s23] =	ssyncset.done $0x0  }
0x63: {  	[sflag:s23] =	ssyncadd.s32 $0xFFFFE000  }
0x64: {  	_ =	swait.ge [sflag:s24], $0x2000  }
0x65: {  	[sflag:s24] =	ssyncset.done $0x0  }
0x66: {  	[sflag:s24] =	ssyncadd.s32 $0xFFFFE000  }
0x67: {  	[spmem:s2] =	stream.indirect.scatter.add.f32 [tilespmem:s19], [sflag:$0x5], $0x40, s8, s17, $0xb8;
	[tilespmem:$0x1FF00] =	vst v63  }
0x68: {  	_ =	swait.ge [sflag:s25], $0x2000  }
0x69: {  	[sflag:s25] =	ssyncset.done $0x0  }
0x6a: {  	[sflag:s25] =	ssyncadd.s32 $0xFFFFE000  }
0x6b: {  	_ =	swait.ge [sflag:s26], $0x2000  }
0x6c: {  	[sflag:s26] =	ssyncset.done $0x0  }
0x6d: {  	[sflag:s26] =	ssyncadd.s32 $0xFFFFE000  }
0x6e: {  	[spmem:s2] =	stream.indirect.scatter.add.f32 [tilespmem:s22], [sflag:$0x6], $0x40, s9, s17, $0xb8;
	[tilespmem:$0x1FF00] =	vst v63  }
0x6f: {  	_ =	swait.ge [sflag:s28], $0x2000  }
0x70: {  	s29 =	sadd.s32 $0x1, s29;
	[sflag:s28] =	ssyncset.done $0x0  }
0x71: {  	p0 =	sne.s32 s29, s11;
	[sflag:s28] =	ssyncadd.s32 $0xFFFFE000  }
.Ltmp2:
0x72: {  	[bflag:$0x0] =	sbarrier.arrive $0xFFFF;
	(pc) =	sbr.rel @p0 .LBB2_1-.Ltmp2, $4  }
0x73: {  	[hbm:s10], [sflag:s15] =	dma.local [spmem:s16], $0x1400  }
0x74: {  	_ =	swait.ge [sflag:s13], $0x1400  }
0x75: {  	[sflag:s13] =	ssyncset.done $0x0  }
0x76: {  	[sflag:s13] =	ssyncadd.s32 $0xFFFFEC00  }
0x77: {  	_ =	sfence.sel $0x180000  }
0x78: {  	[bflag:$0x0] =	sbarrier.arrive $0xFFFF  }
0x79: {  	_ =	strace $0x90000050  }
0x7a: {  	[bflag:$0x2] =	sbarrier.arrive $0xFFFF  }
0x7b: {  	p0 =	sne.s32 s0, $0x0;
	s0 =	rddreg [dreg:$0x2]  }
0x7c: {  	s0 =	sadd.s32 @!p0 $0x100000, s0  }
0x7d: {  	[sflag:s0] =	ssyncadd.tile.s32 @!p0 $0x1;
	_ =	shalt  }
.Lfunc_end2:
_tile_overlayer_lowered:
.L_overlay_start_2:
0x7e: {  	(tag) =	ssettag $0x2  }
0x7f: {  	s0 =	rddreg [dreg:$0x0];
	s2 =	stileid.u32  }
0x80: {  	s1 =	rddreg [dreg:$0x1];
	p0 =	sne.s32 s2, $0x0  }
0x81: {  	s3 =	rddreg [dreg:$0x2];
	[bflag:$0x3] =	sbarrier.arrive $0xFFFF;
	s2 =	simm.s32 @!p0 $0x1C07  }
0x82: {  	[timem:s3], [sflag:s2] =	dma.local @!p0 [hbm:s0], s1  }
0x83: {  	s0 =	simm.s32 @!p0 $0x7  }
0x84: {  	_ =	swait.ge @!p0 [sflag:s0], s1  }
0x85: {  	s1 =	ssub.s32 @!p0 $0x0, s1;
	[sflag:s0] =	ssyncset.done @!p0 $0x0  }
0x86: {  	[sflag:s0] =	ssyncadd.s32 @!p0 s1  }
0x87: {  	[bflag:$0x3] =	sbarrier.arrive $0xFFFF  }
0x88: {  	_ =	shalt  }

// kernel: kernel.9.cloned.1.call-start
scs
__scs_entry_jumppad:
0x0: {  	(pc) =	sbr.rel $0x88, $3  }
0x1: {  	(tag) =	ssettag $0x0;
	lr =	simm.s32 $0x1  }
0x2: {  	[smem:$0x3F9B] =	sst lr;
	_ =	strace $0xD0000000  }
0x3: {  	_ = 	snop  }
0x4: {  	_ = 	snop  }
0x5: {  	_ = 	snop  }
0x6: {  	_ = 	snop  }
0x7: {  	_ = 	snop  }
__scs_overlays_trampoline_lowered:
0x8: {  	[smem:$0x3FAA] =	sst s0  }
0x9: {  	[smem:$0x3FAB] =	sst s1  }
0xa: {  	[smem:$0x3FAC] =	sst s2  }
0xb: {  	[smem:$0x3FAD] =	sst s3  }
0xc: {  	[smem:$0x3FAE] =	sst s4  }
0xd: {  	[smem:$0x3FAF] =	sst s5  }
0xe: {  	[smem:$0x3FB0] =	sst s6  }
0xf: {  	[smem:$0x3FB1] =	sst s7  }
0x10: {  	[smem:$0x3FB2] =	sst s8  }
0x11: {  	[smem:$0x3FB3] =	sst s9;
	s0 =	simm.s32 @!p0 $0x0  }
0x12: {  	s1 =	sld [smem:$0x3F99];
	s0 =	simm.s32 @p0 $0x1  }
0x13: {  	[smem:$0x3FB4] =	sst s0;
	s0 =	simm.s32 @!p1 $0x0  }
0x14: {  	s2 =	sld [smem:$0x3F98];
	s0 =	simm.s32 @p1 $0x1  }
0x15: {  	[smem:$0x3FB5] =	sst s0;
	s0 =	simm.s32 @!p2 $0x0  }
0x16: {  	s3 =	sld [smem:$0x3FDB];
	s0 =	simm.s32 @p2 $0x1  }
0x17: {  	s4 =	simm.s32 $0x1BF5;
	[smem:$0x3FB7] =	sst s0  }
0x18: {  	s0 =	sld [smem:$0x3F9A];
	_ =	swait.ge [sflag:s4], $0x0  }
0x19: {  	s7 =	sld [smem:$0x3F9B]  }
0x1a: {  	s8 =	sadd.s32 $0xFFFFE003, lr  }
0x1b: {  	s9 =	sadd.s32 $0xFFFFFEF7, lr;
	s5 =	simm.s32 $0xFFFFFFFF;
	p2 =	slt.u32 s8, $0xFFFFF086  }
0x1c: {  	p1 =	slt.u32 s9, $0xF7A;
	s5 =	simm.s32 @!p2 $0x0  }
0x1d: {  	s5 =	simm.s32 @p1 $0x1;
	p0 =	seq.s32 s7, s2  }
0x1e: {  	s7 =	smul.u32 @!p0 $0xF7A, s2;
	p2 =	seq.s32 @!p0 s5, $0x0  }
0x1f: {  	s9 =	smul.u32 $0xF7A, s1;
	s8 =	simm.s32 @!p0 $0x1BF5;
	p2 =	por !p2, p0  }
0x20: {  	[sflag:s8] =	ssyncset.s32 @!p0 $0xFFFFF086;
	s6 =	sadd.s32 @!p0 s3, s7;
	s7 =	simm.s32 @!p0 $0x108  }
0x21: {  	s3 =	sadd.s32 s3, s9;
	s6 =	sadd.s32 @!p0 $0x88, s6;
	s7 =	simm.s32 @p2 $0x1082  }
0x22: {  	[simem:s7], [sflag:s8] =	dma.local @!p0 [hbm:s6], $0xF7A  }
0x23: {  	s9 =	sor.u32 $0xD0000000, s2;
	s6 =	simm.s32 $0x108;
	_ =	swait.ge @!p0 [sflag:s8], $0x0  }
0x24: {  	s3 =	sadd.s32 $0x88, s3;
	s6 =	simm.s32 @!p1 $0x1082;
	[sflag:s4] =	ssyncset.s32 $0xFFFFF086  }
0x25: {  	[simem:s6], [sflag:s4] =	dma.local [hbm:s3], $0xF7A  }
0x26: {  	[smem:$0x3F9B] =	sst s1;
	(tag) =	ssettag s2;
	_ =	strace s9  }
0x27: {  	s1 =	sld [smem:$0x3FAB]  }
0x28: {  	s2 =	sld [smem:$0x3FAC]  }
0x29: {  	s4 =	sld [smem:$0x3FAE]  }
0x2a: {  	p0 =	seq.s32 s5, $0x0;
	s5 =	sld [smem:$0x3FAF]  }
0x2b: {  	s6 =	sld [smem:$0x3FB0]  }
0x2c: {  	s7 =	sld [smem:$0x3FB1]  }
0x2d: {  	s3 =	simm.s32 $0x108;
	s8 =	sld [smem:$0x3FB2]  }
0x2e: {  	s3 =	simm.s32 @!p0 $0x1082;
	s9 =	sld [smem:$0x3FB3]  }
0x2f: {  	lr =	sadd.s32 s0, s3;
	s0 =	sld [smem:$0x3FAA]  }
0x30: {  	s3 =	sld [smem:$0x3FAD]  }
0x31: {  	[smem:$0x3FB6] =	sst s10  }
0x32: {  	s10 =	sld [smem:$0x3FB4];
	_ =	sdelay $0x3  }
0x33: {  	p0 =	seq.s32 s10, $0x1;
	s10 =	sld [smem:$0x3FB6];
	_ =	sdelay $0x3  }
0x34: {  	[smem:$0x3FB6] =	sst s10  }
0x35: {  	s10 =	sld [smem:$0x3FB5];
	_ =	sdelay $0x3  }
0x36: {  	p1 =	seq.s32 s10, $0x1;
	s10 =	sld [smem:$0x3FB6];
	_ =	sdelay $0x3  }
0x37: {  	[smem:$0x3FB6] =	sst s10  }
0x38: {  	s10 =	sld [smem:$0x3FB7]  }
0x39: {  	_ = 	snop;
	(pc) =	sbr.ind lr, $3  }
0x3a: {  	_ = 	snop  }
0x3b: {  	_ = 	snop  }
0x3c: {  	p2 =	seq.s32 s10, $0x1;
	s10 =	sld [smem:$0x3FB6]  }
0x3d: {  	_ =	shalt  }
0x3e: {  	_ =	shalt  }
0x3f: {  	_ =	shalt  }
0x40: {  	_ =	shalt  }
0x41: {  	_ =	shalt  }
0x42: {  	_ =	shalt  }
0x43: {  	_ =	shalt  }
0x44: {  	_ =	shalt  }
0x45: {  	_ =	shalt  }
0x46: {  	_ =	shalt  }
0x47: {  	_ =	shalt  }
0x48: {  	_ =	shalt  }
0x49: {  	_ =	shalt  }
0x4a: {  	_ =	shalt  }
0x4b: {  	_ =	shalt  }
0x4c: {  	_ =	shalt  }
0x4d: {  	_ =	shalt  }
0x4e: {  	_ =	shalt  }
0x4f: {  	_ =	shalt  }
0x50: {  	_ =	shalt  }
0x51: {  	_ =	shalt  }
0x52: {  	_ =	shalt  }
0x53: {  	_ =	shalt  }
0x54: {  	_ =	shalt  }
0x55: {  	_ =	shalt  }
0x56: {  	_ =	shalt  }
0x57: {  	_ =	shalt  }
0x58: {  	_ =	shalt  }
0x59: {  	_ =	shalt  }
0x5a: {  	_ =	shalt  }
0x5b: {  	_ =	shalt  }
0x5c: {  	_ =	shalt  }
0x5d: {  	_ =	shalt  }
0x5e: {  	_ =	shalt  }
0x5f: {  	_ =	shalt  }
0x60: {  	_ =	shalt  }
0x61: {  	_ =	shalt  }
0x62: {  	_ =	shalt  }
0x63: {  	_ =	shalt  }
0x64: {  	_ =	shalt  }
0x65: {  	_ =	shalt  }
0x66: {  	_ =	shalt  }
0x67: {  	_ =	shalt  }
0x68: {  	_ =	shalt  }
0x69: {  	_ =	shalt  }
0x6a: {  	_ =	shalt  }
0x6b: {  	_ =	shalt  }
0x6c: {  	_ =	shalt  }
0x6d: {  	_ =	shalt  }
0x6e: {  	_ =	shalt  }
0x6f: {  	_ =	shalt  }
0x70: {  	_ =	shalt  }
0x71: {  	_ =	shalt  }
0x72: {  	_ =	shalt  }
0x73: {  	_ =	shalt  }
0x74: {  	_ =	shalt  }
0x75: {  	_ =	shalt  }
0x76: {  	_ =	shalt  }
0x77: {  	_ =	shalt  }
0x78: {  	_ =	shalt  }
0x79: {  	_ =	shalt  }
0x7a: {  	_ =	shalt  }
0x7b: {  	_ =	shalt  }
0x7c: {  	_ =	shalt  }
0x7d: {  	_ =	shalt  }
0x7e: {  	_ =	shalt  }
0x7f: {  	_ =	shalt  }
0x80: {  	_ =	shalt  }
0x81: {  	_ =	shalt  }
0x82: {  	_ =	shalt  }
0x83: {  	_ =	shalt  }
0x84: {  	_ =	shalt  }
0x85: {  	_ =	shalt  }
0x86: {  	_ =	shalt  }
0x87: {  	_ =	shalt  }
.Lfunc_end0:
.L_simem_size_0:
called_computation_lowered:
.L_overlay_start_0:
0x88: {  	s2 =	sld [smem:$0x3FD9]  }
0x89: {  	s3 =	sld [smem:$0x3FFE];
	_ =	sdelay $0x1  }
0x8a: {  	s1 =	srdreg.scid  }
0x8b: {  	s0 =	sand.u32 $0x1, s1  }
0x8c: {  	s17 =	sshll.u32 s0, $0xA;
	s2 =	sadd.s32 s3, s2  }
0x8d: {  	s2 =	sadd.s32 s2, s17  }
0x8e: {  	[smem:$0x3FC2] =	sst s2  }
0x8f: {  	_ = 	snop  }
0x90: {  	s2 =	sld [smem:$0x3FD0];
	(tm) =	ssettm $0x1  }
0x91: {  	s18 =	sld [smem:$0x3FFB];
	_ =	sdelay $0x3  }
0x92: {  	_ =	strace s18  }
0x93: {  	s3 =	sld [smem:$0x3FFC];
	_ =	sdelay $0x3  }
0x94: {  	_ =	strace s3  }
0x95: {  	s3 =	sld [smem:$0x3FFD];
	_ =	sdelay $0x3  }
0x96: {  	_ =	strace s3  }
0x97: {  	_ =	strace $0x8FFFFFFF  }
0x98: {  	s19 =	sld [smem:$0x3FDB];
	_ =	sdelay $0x1  }
0x99: {  	s4 =	simm.s32 $_scs_section_size  }
0x9a: {  	s5 =	simm.s32 $_size__tile_overlayer_lowered;
	s6 =	simm.s32 $_tile_overlayer_lowered  }
0x9b: {  	s22 =	simm.s32 $0x1BFF;
	s21 =	sshll.u32 s6, $0x1;
	s3 =	sadd.s32 s4, s19  }
0x9c: {  	s7 =	simm.s32 $0x0;
	s20 =	sshll.u32 s5, $0x1;
	s5 =	sadd.s32 s21, s3  }
0x9d: {  	[timem:s7], [sflag:s22] =	dma.local [hbm:s5], s20  }
0x9e: {  	_ =	swait.ge [sflag:s22], s20  }
0x9f: {  	s4 =	ssub.s32 $0x0, s20;
	[sflag:s22] =	ssyncset.done $0x0  }
0xa0: {  	[sflag:s22] =	ssyncadd.s32 s4;
	_ =	sdelay $0x1  }
0xa1: {  	s23 =	simm.s32 $0x1B8B  }
0xa2: {  	_ =	swait.ge [sflag:s23], $0x1  }
0xa3: {  	[sflag:s23] =	ssyncset.done $0x0  }
0xa4: {  	s25 =	simm.s32 $0x1B8E;
	s24 =	sld [smem:$0x3FFE];
	[sflag:s23] =	ssyncadd.s32 $0xFFFFFFFF  }
0xa5: {  	s26 =	simm.s32 $execute0_lowered;
	[smem:$0x3FD2] =	sst s25  }
0xa6: {  	s5 =	sshll.u32 s26, $0x1;
	_ =	strace $0x80000046;
	[dreg:$0x1] =	wrdreg $0xFFFFFFFF  }
0xa7: {  	s28 =	simm.s32 $_size_execute0_lowered;
	s3 =	sadd.s32 s3, s5;
	[dreg:$0x0] =	wrdreg $0x0  }
0xa8: {  	s5 =	sshll.u32 s28, $0x1;
	[dreg:$0x2] =	wrdreg s3  }
0xa9: {  	[dreg:$0x3] =	wrdreg s5  }
0xaa: {  	[dreg:$0x4] =	wrdreg $0xC0  }
0xab: {  	_ =	task [dreg:s7], $0x5FFFF  }
0xac: {  	[dreg:$0x1] =	wrdreg $0xFFFFFFFF  }
0xad: {  	[dreg:$0x0] =	wrdreg $0x60  }
0xae: {  	[dreg:$0x2] =	wrdreg s24  }
0xaf: {  	[dreg:$0x3] =	wrdreg s2  }
0xb0: {  	[dreg:$0x4] =	wrdreg $0x87800  }
0xb1: {  	[dreg:$0x5] =	wrdreg $0x9  }
0xb2: {  	_ =	task.clear_ibuf [dreg:s7], $0x6FFFF;
	_ =	strace $0x90000046  }
0xb3: {  	s29 =	simm.s32 $0x9;
	_ =	strace $0x80000048  }
0xb4: {  	_ =	swait.ge [sflag:s29], $0x1  }
0xb5: {  	[sflag:s29] =	ssyncadd.s32 $0xFFFFFFFF  }
0xb6: {  	_ =	strace $0x90000048  }
0xb7: {  	_ =	sfence  }
0xb8: {  	s30 =	sld [smem:$0x0];
	_ =	sdelay $0x2  }
0xb9: {  	s31 =	sshll.u32 s1, $0xD;
	s1 =	sshrl.u32 s1, $0x2  }
0xba: {  	s3 =	sand.u32 $0x4000, s31;
	s1 =	sadd.s32 s1, s30  }
0xbb: {  	s0 =	sor.u32 s3, s0;
	s1 =	sshll.u32 s1, $0x11  }
0xbc: {  	s0 =	sor.u32 s1, s0  }
0xbd: {  	s0 =	sadd.s32 $0x8F2B, s0  }
0xbe: {  	[sflag:s0] =	ssyncadd.remote.s32 $0x1  }
0xbf: {  	_ =	sfence.sel $0xFFFF  }
0xc0: {  	[dreg:$0x0] =	wrdreg $0xFFFFFFFF;
	(pc) =	sbr.abs _section_cstart, $3  }
0xc1: {  	[dreg:$0x1] =	wrdreg $0xFFFFFFFF  }
0xc2: {  	_ =	task.clear_ibuf [dreg:s7], $0x2FFFF;
	_ =	strace $0x9FFFFFFF  }
0xc3: {  	(tm) =	ssettm $0x7FFFFFFF  }
tec
execute0_lowered:
.L_overlay_start_1:
0x0: {  	(tag) =	ssettag $0x1  }
0x1: {  	s5 =	rddreg [dreg:$0x0]  }
0x2: {  	s8 =	rddreg [dreg:$0x1]  }
0x3: {  	s0 =	srdreg.scid;
	s2 =	rddreg [dreg:$0x2]  }
0x4: {  	s3 =	simm.s32 $0x0;
	s14 =	simm.s32 $0x80;
	s15 =	simm.s32 $0x100  }
0x5: {  	s16 =	simm.s32 $0x1;
	s17 =	simm.s32 $0x2;
	s18 =	simm.s32 $0x3  }
0x6: {  	s19 =	simm.s32 $0x0;
	s6 =	sand.u32 $0x1, s0;
	s0 =	stileid.u32  }
0x7: {  	[smem:$0x7FF] =	sst s3;
	s1 =	sshll.u32 s6, $0x4;
	s7 =	smul.u32 $0x2800, s0  }
0x8: {  	s10 =	ssub.s32 $0x2, s6;
	s13 =	smul.u32 $0x28000, s6;
	p0 =	seq.s32 s6, $0x0  }
0x9: {  	s6 =	simm.s32 $0x54;
	s31 =	sshll.u32 s0, $0x6;
	s4 =	sor.u32 s0, s1  }
0xa: {  	s1 =	rddreg [dreg:$0x3];
	_ =	strace $0x80000047;
	s12 =	sshrl.u32 s10, $0x1  }
0xb: {  	s6 =	simm.s32 @!p0 $0x13;
	s4 =	smul.u32 $0xFF0, s4;
	s11 =	sshrl.u32 s7, $0x3  }
0xc: {  	s10 =	ssub.s32 s10, s12;
	s29 =	sadd.s32 s7, s13;
	s30 =	sadd.s32 s7, s2  }
0xd: {  	s12 =	sor.u32 $0x1C04, s31;
	s11 =	sadd.s32 s11, s5;
	s13 =	sshrl.u32 s30, $0x3  }
0xe: {  	s9 =	sadd.s32 s4, s5;
	s4 =	sadd.s32 $0x27800, s5;
	s7 =	sadd.s32 $0x22800, s11  }
0xf: {  	s11 =	simm.s32 $0x7F80;
	s5 =	sadd.s32 $0x2A00, s9;
	s9 =	sshrl.u32 s29, $0x3  }
0x10: {  	s8 =	sadd.s32 s8, s9;
	s9 =	smax.u32 s10, $0x1;
	s10 =	simm.s32 $0x4  }
.LBB2_1:
0x11: {  	[tilespmem:s3], [sflag:$0x4] =	stream.linear.gather [hbm4b:s5+s3], $0x7F80, $0x38;
	[tilespmem:$0xAF80] =	vst v63  }
0x12: {  	_ =	swait.ge [sflag:s10], $0x7F80  }
0x13: {  	[sflag:s10] =	ssyncset.done $0x0  }
0x14: {  	[sflag:s10] =	ssyncadd.s32 $0xFFFF8080  }
0x15: {  	[tilespmem:s11], [sflag:$0x4] =	stream.linear.gather [hbm4b:s4+s3], $0x800, $0x38;
	[tilespmem:$0xAF80] =	vst v63  }
0x16: {  	_ =	swait.ge [sflag:s10], $0x800  }
0x17: {  	[sflag:s10] =	ssyncset.done $0x0  }
0x18: {  	[sflag:s10] =	ssyncadd.s32 $0xFFFFF800  }
0x19: {  	[spmem:s13], [sflag:s12] =	dma.local [hbm:s7], $0x500  }
0x1a: {  	_ =	swait.ge [sflag:s10], $0x500  }
0x1b: {  	[sflag:s10] =	ssyncset.done $0x0  }
0x1c: {  	[sflag:s10] =	ssyncadd.s32 $0xFFFFFB00  }
0x1d: {  	[bflag:$0x0] =	sbarrier.arrive $0xFFFF  }
0x1e: {  	[spmem:s2] =	stream.indirect.scatter.add.f32 [tilespmem:s11], [sflag:$0x1], $0x10, s3, s14, $0xb8;
	[tilespmem:$0xAF80] =	vst v63  }
0x1f: {  	_ = 	snop  }
0x20: {  	[spmem:s2] =	stream.indirect.scatter.add.f32 [tilespmem:s11], [sflag:$0x2], $0x10, s14, s14, $0xb8;
	[tilespmem:$0xAF80] =	vst v63  }
0x21: {  	_ = 	snop  }
0x22: {  	[spmem:s2] =	stream.indirect.scatter.add.f32 [tilespmem:s11], [sflag:$0x3], $0x10, s15, s14, $0xb8;
	[tilespmem:$0xAF80] =	vst v63  }
0x23: {  	_ =	swait.ge [sflag:s16], $0x800  }
0x24: {  	[sflag:s16] =	ssyncset.done $0x0  }
0x25: {  	s20 =	simm.s32 $0x180;
	[sflag:s16] =	ssyncadd.s32 $0xFFFFF800  }
0x26: {  	[spmem:s2] =	stream.indirect.scatter.add.f32 [tilespmem:s11], [sflag:$0x1], $0x10, s20, s14, $0xb8;
	[tilespmem:$0xAF80] =	vst v63  }
0x27: {  	_ =	swait.ge [sflag:s17], $0x800  }
0x28: {  	p0 =	sne.s32 s6, $0x1;
	[sflag:s17] =	ssyncset.done $0x0  }
.Ltmp0:
0x29: {  	s31 =	simm.s32 $0x200;
	[sflag:s17] =	ssyncadd.s32 $0xFFFFF800;
	(pc) =	sbr.rel @!p0 .LBB2_3-.Ltmp0, $4  }
0x2a: {  	[spmem:s2] =	stream.indirect.scatter.add.f32 [tilespmem:s11], [sflag:$0x2], $0x10, s31, s14, $0xb8;
	[tilespmem:$0xAF80] =	vst v63  }
0x2b: {  	_ =	swait.ge [sflag:s18], $0x800  }
0x2c: {  	s22 =	simm.s32 $0x280;
	[sflag:s18] =	ssyncset.done $0x0  }
0x2d: {  	s21 =	simm.s32 $0x400;
	s20 =	sadd.s32 $0xFFFFFFFF, s6;
	[sflag:s18] =	ssyncadd.s32 $0xFFFFF800  }
.LBB2_2:
0x2e: {  	[spmem:s2] =	stream.indirect.scatter.add.f32 [tilespmem:s11], [sflag:$0x3], $0x10, s22, s14, $0xb8;
	[tilespmem:$0xAF80] =	vst v63  }
0x2f: {  	p0 =	sne.s32 s20, $0x1;
	s20 =	sadd.s32 $0xFFFFFFFF, s20;
	_ =	swait.ge [sflag:s16], $0x800  }
0x30: {  	s22 =	smov.u32 s21;
	[sflag:s16] =	ssyncset.done $0x0  }
0x31: {  	s23 =	sadd.s32 $0xFFFFFF00, s21;
	[sflag:s16] =	ssyncadd.s32 $0xFFFFF800  }
0x32: {  	[spmem:s2] =	stream.indirect.scatter.add.f32 [tilespmem:s11], [sflag:$0x1], $0x10, s23, s14, $0xb8;
	[tilespmem:$0xAF80] =	vst v63  }
0x33: {  	_ =	swait.ge [sflag:s17], $0x800  }
0x34: {  	[sflag:s17] =	ssyncset.done $0x0  }
.Ltmp1:
0x35: {  	s23 =	sadd.s32 $0xFFFFFF80, s21;
	[sflag:s17] =	ssyncadd.s32 $0xFFFFF800;
	(pc) =	sbr.rel @p0 .LBB2_2-.Ltmp1, $4  }
0x36: {  	[spmem:s2] =	stream.indirect.scatter.add.f32 [tilespmem:s11], [sflag:$0x2], $0x10, s23, s14, $0xb8;
	[tilespmem:$0xAF80] =	vst v63  }
0x37: {  	_ =	swait.ge [sflag:s18], $0x800  }
0x38: {  	[sflag:s18] =	ssyncset.done $0x0  }
0x39: {  	s21 =	sadd.s32 $0x180, s21;
	[sflag:s18] =	ssyncadd.s32 $0xFFFFF800  }
.LBB2_3:
0x3a: {  	[spmem:s2] =	stream.indirect.scatter.add.f32 [tilespmem:s11], [sflag:$0x3], $0x10, s22, s14, $0xb8;
	[tilespmem:$0xAF80] =	vst v63  }
0x3b: {  	_ =	swait.ge [sflag:s16], $0x800  }
0x3c: {  	[sflag:s16] =	ssyncset.done $0x0  }
0x3d: {  	[sflag:s16] =	ssyncadd.s32 $0xFFFFF800  }
0x3e: {  	_ =	swait.ge [sflag:s17], $0x800  }
0x3f: {  	[sflag:s17] =	ssyncset.done $0x0  }
0x40: {  	[sflag:s17] =	ssyncadd.s32 $0xFFFFF800  }
0x41: {  	_ =	swait.ge [sflag:s18], $0x800  }
0x42: {  	s19 =	sadd.s32 $0x1, s19;
	[sflag:s18] =	ssyncset.done $0x0  }
0x43: {  	p0 =	sne.s32 s19, s9;
	[sflag:s18] =	ssyncadd.s32 $0xFFFFF800  }
.Ltmp2:
0x44: {  	[bflag:$0x0] =	sbarrier.arrive $0xFFFF;
	(pc) =	sbr.rel @p0 .LBB2_1-.Ltmp2, $4  }
0x45: {  	[hbm:s8], [sflag:s12] =	dma.local [spmem:s13], $0x500  }
0x46: {  	_ =	swait.ge [sflag:s10], $0x500  }
0x47: {  	[sflag:s10] =	ssyncset.done $0x0  }
0x48: {  	[sflag:s10] =	ssyncadd.s32 $0xFFFFFB00  }
0x49: {  	_ =	sfence.sel $0x180000  }
0x4a: {  	[bflag:$0x0] =	sbarrier.arrive $0xFFFF  }
0x4b: {  	p0 =	sne.s32 s0, $0x0;
	_ =	strace $0x90000047  }
0x4c: {  	s0 =	sadd.s32 @!p0 $0x100000, s1;
	[bflag:$0x2] =	sbarrier.arrive $0xFFFF  }
0x4d: {  	[sflag:s0] =	ssyncadd.tile.s32 @!p0 $0x1;
	_ =	shalt  }
.Lfunc_end2:
_tile_overlayer_lowered:
.L_overlay_start_2:
0x4e: {  	(tag) =	ssettag $0x2  }
0x4f: {  	s0 =	rddreg [dreg:$0x0];
	s2 =	stileid.u32  }
0x50: {  	s1 =	rddreg [dreg:$0x1];
	p0 =	sne.s32 s2, $0x0  }
0x51: {  	s3 =	rddreg [dreg:$0x2];
	[bflag:$0x3] =	sbarrier.arrive $0xFFFF;
	s2 =	simm.s32 @!p0 $0x1C04  }
0x52: {  	[timem:s3], [sflag:s2] =	dma.local @!p0 [hbm:s0], s1  }
0x53: {  	s0 =	simm.s32 @!p0 $0x4  }
0x54: {  	_ =	swait.ge @!p0 [sflag:s0], s1  }
0x55: {  	s1 =	ssub.s32 @!p0 $0x0, s1;
	[sflag:s0] =	ssyncset.done @!p0 $0x0  }
0x56: {  	[sflag:s0] =	ssyncadd.s32 @!p0 s1  }
0x57: {  	[bflag:$0x3] =	sbarrier.arrive $0xFFFF  }
0x58: {  	_ =	shalt  }

</sc_bundles>
